<compile_context>
chip_gen: v7x
topology: tpu7x:2x2x1
jax: 0.10.2.dev20260603
libtpu: 0.0.44.dev20260713+nightly
codegen_flags: <defaults>
</compile_context>

<pallas_src>
import functools

import jax
import jax.numpy as jnp
from jax import lax
from jax.experimental import pallas as pl
from jax.experimental.pallas import tpu as pltpu
from jax.experimental.pallas import tpu_sc as plsc

NUM_EMBEDDINGS = 1000000
EMBEDDING_DIM = 32

NC = 2
NS = 16
NW = NC * NS

TOTAL = 4096 * 26
RPW = TOTAL // NW
CHUNK = 128
NCHUNK = RPW // CHUNK
NBLK = 262144

CPT = 62720
CPAD = CPT * NS
CPT_LAST = NUM_EMBEDDINGS - (NS - 1) * CPT
ZBUF = 3136


def _body(idx_hbm, table_hbm, out_emb, out_counts,
          idx_v, idxq_v, big_v, comp_v, ones_v, zbuf_v, counts_sh,
          gsem, osem, csem, zsem):
    c = lax.axis_index("c")
    s = lax.axis_index("s")
    wid = s * NC + c
    cbase = wid * NCHUNK

    pltpu.sync_copy(idx_hbm.at[wid], idx_v.at[0])

    def qfill(t, _):
        jj = t // 8
        g = t - jj * 8
        v = idx_v[0, jj, pl.ds(g * 16, 16)]
        idxq_v[jj, pl.ds(g * 16, 16)] = v - (v // NBLK) * NBLK
        return _
    lax.fori_loop(0, NCHUNK * 8, qfill, 0)

    def gfire(j, b):
        pltpu.async_copy(table_hbm.at[idxq_v.at[j]], big_v.at[b], gsem)

    gfire(0, 0)

    @pl.when(c == 0)
    def _counts():
        def fill(i, _):
            zbuf_v[pl.ds(i * 16, 16)] = jnp.zeros((16,), jnp.int32)
            return _
        lax.fori_loop(0, ZBUF // 16, fill, 0)

        def zfire(k, _):
            pltpu.sync_copy(zbuf_v,
                            counts_sh.at[pl.ds(s * CPT + k * ZBUF, ZBUF)])
            return _
        lax.fori_loop(0, CPT // ZBUF, zfire, 0)

        def ofill(i, _):
            ones_v[pl.ds(i * 16, 16)] = jnp.ones((16,), jnp.int32)
            return _
        lax.fori_loop(0, CHUNK // 16, ofill, 0)

        pltpu.sync_copy(idx_hbm.at[wid + 1], idx_v.at[1])

        plsc.subcore_barrier()

        def scat(t, _):
            p = t // NCHUNK
            j = t - p * NCHUNK
            pltpu.sync_copy(ones_v.at[pl.ds(0, CHUNK)],
                            counts_sh.at[idx_v.at[p, j]], add=True)
            return _
        lax.fori_loop(0, 2 * NCHUNK, scat, 0)

        plsc.subcore_barrier()

        @pl.when(s < NS - 1)
        def _full():
            pltpu.sync_copy(counts_sh.at[pl.ds(s * CPT, CPT)],
                            out_counts.at[pl.ds(s * CPT, CPT)])

        @pl.when(s == NS - 1)
        def _last():
            pltpu.sync_copy(counts_sh.at[pl.ds(s * CPT, CPT_LAST)],
                            out_counts.at[pl.ds(s * CPT, CPT_LAST)])

    lane = jax.lax.iota(jnp.int32, 16)
    for j in range(NCHUNK):
        b = j % 2
        if j + 1 < NCHUNK:
            gfire(j + 1, 1 - b)
        pltpu.make_async_copy(table_hbm.at[idxq_v.at[j]], big_v.at[b],
                              gsem).wait()
        if j >= 2:
            pltpu.make_async_copy(comp_v.at[b],
                                  out_emb.at[cbase + j - 2],
                                  osem if b == 0 else zsem).wait()

        bb = jnp.full((16,), b, jnp.int32)
        def extract(g, _, j=j, b=b, bb=bb):
            idxv = idx_v[0, j, pl.ds(g * 16, 16)]
            off = (idxv // NBLK) * 32
            rows = g * 16 + lane
            def inner(ci, _):
                v = plsc.load_gather(big_v, [bb, rows, off + ci])
                plsc.store_scatter(comp_v, [bb, rows,
                                            jnp.full((16,), 0, jnp.int32) + ci],
                                   v)
                return _
            lax.fori_loop(0, 32, inner, 0)
            return _
        lax.fori_loop(0, 8, extract, 0)
        pltpu.async_copy(comp_v.at[b], out_emb.at[cbase + j],
                         osem if b == 0 else zsem)
    for j in (NCHUNK - 2, NCHUNK - 1):
        b = j % 2
        pltpu.make_async_copy(comp_v.at[b], out_emb.at[cbase + j],
                              osem if b == 0 else zsem).wait()


@jax.jit
def _run(idx, weight):
    mesh = plsc.VectorSubcoreMesh(core_axis_name="c", subcore_axis_name="s")
    fn = pl.kernel(
        _body,
        out_type=(
            jax.ShapeDtypeStruct((TOTAL // CHUNK, CHUNK, EMBEDDING_DIM),
                                 jnp.float32),
            jax.ShapeDtypeStruct((NUM_EMBEDDINGS,), jnp.int32),
        ),
        mesh=mesh,
        compiler_params=pltpu.CompilerParams(use_tc_tiling_on_sc=False,
                                             needs_layout_passes=False),
        scratch_types=(
            pltpu.VMEM((2, NCHUNK, CHUNK), jnp.int32),
            pltpu.VMEM((NCHUNK, CHUNK), jnp.int32),
            pltpu.VMEM((2, CHUNK, 128), jnp.float32),
            pltpu.VMEM((2, CHUNK, EMBEDDING_DIM), jnp.float32),
            pltpu.VMEM((128,), jnp.int32),
            pltpu.VMEM((ZBUF,), jnp.int32),
            pltpu.VMEM_SHARED((CPAD,), jnp.int32),
            pltpu.SemaphoreType.DMA,
            pltpu.SemaphoreType.DMA,
            pltpu.SemaphoreType.DMA,
            pltpu.SemaphoreType.DMA,
        ),
    )
    return fn(idx, weight)


TW = 16384
TGRID = NBLK // TW


def _relayout_body(i0, i1, i2, i3, o_ref):
    o_ref[...] = jnp.concatenate(
        [i0[...], i1[...], i2[...], i3[...]], axis=0).T


def _relayout_tc(wt):
    last = NUM_EMBEDDINGS // TW
    specs = [
        pl.BlockSpec((EMBEDDING_DIM, TW),
                     lambda g, s=s: (0, jnp.minimum(g + s * TGRID, last)))
        for s in range(4)
    ]
    return pl.pallas_call(
        _relayout_body,
        grid=(TGRID,),
        in_specs=[specs[0], specs[1], specs[2], specs[3]],
        out_specs=pl.BlockSpec((TW, 4 * EMBEDDING_DIM), lambda g: (g, 0)),
        out_shape=jax.ShapeDtypeStruct(
            (NBLK, 4 * EMBEDDING_DIM), jnp.float32),
    )(wt, wt, wt, wt)


def kernel(input, weight):
    idx = input.reshape(NW, NCHUNK, CHUNK)
    w128 = _relayout_tc(weight.T)
    emb_flat, counts = _run(idx, w128)
    emb = emb_flat.reshape(input.shape + (EMBEDDING_DIM,))
    return emb, counts

# --- scband reference (transcript-rebuilt; emitter-appended) ---
"""Pipeline reference for scband-logging-embedding-78417512891171 (READ-ONLY COPY).

The authoritative reference and input builder live on the scoring server;
editing this copy changes nothing except your own understanding.
"""

import jax, jax.numpy as jnp
import numpy as np

NUM_EMBEDDINGS = 1000000
EMBEDDING_DIM = 32


def setup_inputs(seed: int = 0) -> dict:
    key = jax.random.key(seed)
    k_idx, k_w = jax.random.split(key)
    indices = jax.random.randint(k_idx, (4096, 26), 0, NUM_EMBEDDINGS, dtype=jnp.int32)
    weight = jax.random.normal(k_w, (NUM_EMBEDDINGS, EMBEDDING_DIM), dtype=jnp.float32)
    return {"input": indices, "weight": weight}


def reference(input, weight):
    # log_accesses: unique(return_counts=True) + scatter-add into access_counts.
    # Equivalent to a bincount over the flattened indices (SparseCore scatter-add).
    access_counts = jnp.bincount(input.reshape(-1), length=NUM_EMBEDDINGS)
    # embedding lookup (gather)
    emb = jnp.take(weight, input, axis=0)
    # forward returns the embedding; access_counts is the logged state update
    return emb, access_counts

if __name__ == "__main__":
    import jax
    _d = setup_inputs()
    print(jax.jit(kernel)(*tuple(_d.values())))

</pallas_src>

<mosaic_0001>
#map = affine_map<(d0, d1) -> (0, 0, 0)>
#map1 = affine_map<(d0, d1) -> (0, 0)>
#map2 = affine_map<(d0, d1) -> (0)>
module attributes {stable_mosaic.version = 14 : i64} {
  func.func @_body(%arg0: i32, %arg1: i32, %arg2: memref<32x26x128xi32, #tpu.memory_space<hbm>>, %arg3: memref<262144x128xf32, #tpu.memory_space<hbm>>, %arg4: memref<832x128x32xf32, #tpu.memory_space<hbm>>, %arg5: memref<1000000xi32, #tpu.memory_space<hbm>>, %arg6: memref<2x26x128xi32, #tpu.memory_space<vmem>>, %arg7: memref<26x128xi32, #tpu.memory_space<vmem>>, %arg8: memref<2x128x128xf32, #tpu.memory_space<vmem>>, %arg9: memref<2x128x32xf32, #tpu.memory_space<vmem>>, %arg10: memref<128xi32, #tpu.memory_space<vmem>>, %arg11: memref<3136xi32, #tpu.memory_space<vmem>>, %arg12: memref<1003520xi32, #tpu.memory_space<vmem_shared>>, %arg13: memref<!tpu.dma_semaphore, #tpu.memory_space<semaphore_mem>>, %arg14: memref<!tpu.dma_semaphore, #tpu.memory_space<semaphore_mem>>, %arg15: memref<!tpu.dma_semaphore, #tpu.memory_space<semaphore_mem>>, %arg16: memref<!tpu.dma_semaphore, #tpu.memory_space<semaphore_mem>>) attributes {dimension_semantics = [#tpu.dimension_semantics<core_parallel>, #tpu.dimension_semantics<subcore_parallel>], iteration_bounds = array<i64: 2, 16>, scalar_prefetch = 0 : i64, scratch_operands = 11 : i64, tpu.core_type = #tpu.core_type<sc_vector_subcore>, window_params = [{transform_indices = #map}, {transform_indices = #map1}, {transform_indices = #map}, {transform_indices = #map2}]} {
    %mul3A = arith.constant 2 : i32
    %mul3A_0 = arith.muli %arg1, %mul3A : i32
    %add3A = arith.addi %mul3A_0, %arg0 : i32
    %mul3A_1 = arith.constant 26 : i32
    %mul3A_2 = arith.muli %add3A, %mul3A_1 : i32
    %run_scoped3A = arith.constant 0 : i32
    "tpu.region"() ({
      %run_scoped3A_1874 = tpu.sem_alloc : memref<!tpu.dma_semaphore, #tpu.memory_space<semaphore_mem>>
      %dma_start3A_1875 = arith.constant 0 : i32
      %dma_start3A_1876 = arith.constant 0 : i32
      %dma_start3A_1877 = tpu.memref_slice %arg6[%run_scoped3A, %dma_start3A_1875, %dma_start3A_1876] : memref<2x26x128xi32, #tpu.memory_space<vmem>> -> memref<1x26x128xi32, #tpu.memory_space<vmem>>
      %dma_start3A_1878 = tpu.memref_squeeze %dma_start3A_1877 : memref<1x26x128xi32, #tpu.memory_space<vmem>> -> memref<26x128xi32, #tpu.memory_space<vmem>>
      %dma_start3A_1879 = arith.constant 0 : i32
      %dma_start3A_1880 = arith.constant 0 : i32
      %dma_start3A_1881 = tpu.memref_slice %arg2[%add3A, %dma_start3A_1879, %dma_start3A_1880] : memref<32x26x128xi32, #tpu.memory_space<hbm>> -> memref<1x26x128xi32, #tpu.memory_space<hbm>>
      %dma_start3A_1882 = tpu.memref_squeeze %dma_start3A_1881 : memref<1x26x128xi32, #tpu.memory_space<hbm>> -> memref<26x128xi32, #tpu.memory_space<hbm>>
      %dma_start3A_1883 = arith.constant 0 : i32
      %dma_start3A_1884 = arith.constant 0 : i32
      %dma_start3A_1885 = tpu.memref_slice %arg6[%run_scoped3A, %dma_start3A_1883, %dma_start3A_1884] : memref<2x26x128xi32, #tpu.memory_space<vmem>> -> memref<1x26x128xi32, #tpu.memory_space<vmem>>
      %dma_start3A_1886 = tpu.memref_squeeze %dma_start3A_1885 : memref<1x26x128xi32, #tpu.memory_space<vmem>> -> memref<26x128xi32, #tpu.memory_space<vmem>>
      %dma_start3A_1887 = arith.constant 0 : i32
      %dma_start3A_1888 = arith.constant 0 : i32
      %dma_start3A_1889 = tpu.memref_slice %arg2[%add3A, %dma_start3A_1887, %dma_start3A_1888] : memref<32x26x128xi32, #tpu.memory_space<hbm>> -> memref<1x26x128xi32, #tpu.memory_space<hbm>>
      %dma_start3A_1890 = tpu.memref_squeeze %dma_start3A_1889 : memref<1x26x128xi32, #tpu.memory_space<hbm>> -> memref<26x128xi32, #tpu.memory_space<hbm>>
      tpu.enqueue_dma source(%dma_start3A_1890 : memref<26x128xi32, #tpu.memory_space<hbm>>) target(%dma_start3A_1886 : memref<26x128xi32, #tpu.memory_space<vmem>>) target_semaphore(%run_scoped3A_1874 : memref<!tpu.dma_semaphore, #tpu.memory_space<semaphore_mem>>)
      %dma_wait3A_1891 = arith.constant 0 : i32
      %dma_wait3A_1892 = arith.constant 0 : i32
      %dma_wait3A_1893 = tpu.memref_slice %arg6[%run_scoped3A, %dma_wait3A_1891, %dma_wait3A_1892] : memref<2x26x128xi32, #tpu.memory_space<vmem>> -> memref<1x26x128xi32, #tpu.memory_space<vmem>>
      %dma_wait3A_1894 = tpu.memref_squeeze %dma_wait3A_1893 : memref<1x26x128xi32, #tpu.memory_space<vmem>> -> memref<26x128xi32, #tpu.memory_space<vmem>>
      %dma_wait3A_1895 = arith.constant 0 : i32
      %dma_wait3A_1896 = arith.constant 0 : i32
      %dma_wait3A_1897 = tpu.memref_slice %arg2[%add3A, %dma_wait3A_1895, %dma_wait3A_1896] : memref<32x26x128xi32, #tpu.memory_space<hbm>> -> memref<1x26x128xi32, #tpu.memory_space<hbm>>
      %dma_wait3A_1898 = tpu.memref_squeeze %dma_wait3A_1897 : memref<1x26x128xi32, #tpu.memory_space<hbm>> -> memref<26x128xi32, #tpu.memory_space<hbm>>
      %dma_wait3A_1899 = arith.constant 0 : i32
      %dma_wait3A_1900 = arith.constant 0 : i32
      %dma_wait3A_1901 = tpu.memref_slice %arg6[%run_scoped3A, %dma_wait3A_1899, %dma_wait3A_1900] : memref<2x26x128xi32, #tpu.memory_space<vmem>> -> memref<1x26x128xi32, #tpu.memory_space<vmem>>
      %dma_wait3A_1902 = tpu.memref_squeeze %dma_wait3A_1901 : memref<1x26x128xi32, #tpu.memory_space<vmem>> -> memref<26x128xi32, #tpu.memory_space<vmem>>
      %dma_wait3A_1903 = arith.constant 0 : i32
      %dma_wait3A_1904 = arith.constant 0 : i32
      %dma_wait3A_1905 = tpu.memref_slice %arg2[%add3A, %dma_wait3A_1903, %dma_wait3A_1904] : memref<32x26x128xi32, #tpu.memory_space<hbm>> -> memref<1x26x128xi32, #tpu.memory_space<hbm>>
      %dma_wait3A_1906 = tpu.memref_squeeze %dma_wait3A_1905 : memref<1x26x128xi32, #tpu.memory_space<hbm>> -> memref<26x128xi32, #tpu.memory_space<hbm>>
      tpu.wait_dma2 semaphore(%run_scoped3A_1874 : memref<!tpu.dma_semaphore, #tpu.memory_space<semaphore_mem>>) src(%dma_wait3A_1906 : memref<26x128xi32, #tpu.memory_space<hbm>>) dst(%dma_wait3A_1902 : memref<26x128xi32, #tpu.memory_space<vmem>>)
      tpu.yield
    }) : () -> ()
    %scan3A = arith.constant 0 : i32
    %scan3A_3 = arith.constant 0 : i32
    %scan3A_4 = arith.constant 208 : i32
    %scan3A_5 = arith.addi %scan3A_3, %scan3A_4 : i32
    %scan3A_6 = arith.constant 1 : i32
    scf.for %scan3A_1874 = %scan3A_3 to %scan3A_5 step %scan3A_6  : i32 {
      %jit3A = arith.constant 8 : i32
      %div3A = arith.divsi %scan3A_1874, %jit3A : i32
      %sign3A = arith.constant 0 : i32
      %sign3A_1875 = arith.cmpi sgt, %scan3A_1874, %sign3A : i32
      %sign3A_1876 = arith.extui %sign3A_1875 : i1 to i32
      %sign3A_1877 = arith.constant 0 : i32
      %sign3A_1878 = arith.cmpi slt, %scan3A_1874, %sign3A_1877 : i32
      %sign3A_1879 = arith.extui %sign3A_1878 : i1 to i32
      %sign3A_1880 = arith.subi %sign3A_1876, %sign3A_1879 : i32
      %sign3A_1881 = arith.constant 0 : i32
      %sign3A_1882 = arith.cmpi sgt, %jit3A, %sign3A_1881 : i32
      %sign3A_1883 = arith.extui %sign3A_1882 : i1 to i32
      %sign3A_1884 = arith.constant 0 : i32
      %sign3A_1885 = arith.cmpi slt, %jit3A, %sign3A_1884 : i32
      %sign3A_1886 = arith.extui %sign3A_1885 : i1 to i32
      %sign3A_1887 = arith.subi %sign3A_1883, %sign3A_1886 : i32
      %ne3A = arith.cmpi ne, %sign3A_1880, %sign3A_1887 : i32
      %rem3A = arith.remsi %scan3A_1874, %jit3A : i32
      %ne3A_1888 = arith.constant 0 : i32
      %ne3A_1889 = arith.cmpi ne, %rem3A, %ne3A_1888 : i32
      %and3A = arith.andi %ne3A, %ne3A_1889 : i1
      %sub3A_1890 = arith.constant 1 : i32
      %sub3A_1891 = arith.subi %div3A, %sub3A_1890 : i32
      %select_n3A = arith.select %and3A, %sub3A_1891, %div3A : i32
      %mul3A_1892 = arith.constant 8 : i32
      %mul3A_1893 = arith.muli %select_n3A, %mul3A_1892 : i32
      %sub3A_1894 = arith.subi %scan3A_1874, %mul3A_1893 : i32
      %mul3A_1895 = arith.constant 16 : i32
      %mul3A_1896 = arith.muli %sub3A_1894, %mul3A_1895 : i32
      %get3A = arith.constant 0 : i32
      %get3A_1897 = arith.index_cast %get3A : i32 to index
      %get3A_1898 = arith.index_cast %select_n3A : i32 to index
      %get3A_1899 = arith.index_cast %mul3A_1896 : i32 to index
      %get3A_1900 = tpu.vector_load %arg6[%get3A_1897, %get3A_1898, %get3A_1899] {strides = array<i32>} : memref<2x26x128xi32, #tpu.memory_space<vmem>>, vector<16xi32>,
      %jit3A_1901 = arith.constant 262144 : i32
      %div3A_1902 = vector.broadcast %jit3A_1901 : i32 to vector<16xi32>
      %div3A_1903 = arith.divsi %get3A_1900, %div3A_1902 : vector<16xi32>
      %sign3A_1904 = arith.constant 0 : i32
      %sign3A_1905 = vector.broadcast %sign3A_1904 : i32 to vector<16xi32>
      %sign3A_1906 = arith.cmpi sgt, %get3A_1900, %sign3A_1905 : vector<16xi32>
      %sign3A_1907 = arith.extui %sign3A_1906 : vector<16xi1> to vector<16xi32>
      %sign3A_1908 = arith.constant 0 : i32
      %sign3A_1909 = vector.broadcast %sign3A_1908 : i32 to vector<16xi32>
      %sign3A_1910 = arith.cmpi slt, %get3A_1900, %sign3A_1909 : vector<16xi32>
      %sign3A_1911 = arith.extui %sign3A_1910 : vector<16xi1> to vector<16xi32>
      %sign3A_1912 = arith.subi %sign3A_1907, %sign3A_1911 : vector<16xi32>
      %sign3A_1913 = arith.constant 0 : i32
      %sign3A_1914 = arith.cmpi sgt, %jit3A_1901, %sign3A_1913 : i32
      %sign3A_1915 = arith.extui %sign3A_1914 : i1 to i32
      %sign3A_1916 = arith.constant 0 : i32
      %sign3A_1917 = arith.cmpi slt, %jit3A_1901, %sign3A_1916 : i32
      %sign3A_1918 = arith.extui %sign3A_1917 : i1 to i32
      %sign3A_1919 = arith.subi %sign3A_1915, %sign3A_1918 : i32
      %ne3A_1920 = vector.broadcast %sign3A_1919 : i32 to vector<16xi32>
      %ne3A_1921 = arith.cmpi ne, %sign3A_1912, %ne3A_1920 : vector<16xi32>
      %rem3A_1922 = vector.broadcast %jit3A_1901 : i32 to vector<16xi32>
      %rem3A_1923 = arith.remsi %get3A_1900, %rem3A_1922 : vector<16xi32>
      %ne3A_1924 = arith.constant 0 : i32
      %ne3A_1925 = vector.broadcast %ne3A_1924 : i32 to vector<16xi32>
      %ne3A_1926 = arith.cmpi ne, %rem3A_1923, %ne3A_1925 : vector<16xi32>
      %and3A_1927 = arith.andi %ne3A_1921, %ne3A_1926 : vector<16xi1>
      %sub3A_1928 = arith.constant 1 : i32
      %sub3A_1929 = vector.broadcast %sub3A_1928 : i32 to vector<16xi32>
      %sub3A_1930 = arith.subi %div3A_1903, %sub3A_1929 : vector<16xi32>
      %select_n3A_1931 = arith.select %and3A_1927, %sub3A_1930, %div3A_1903 : vector<16xi1>, vector<16xi32>
      %mul3A_1932 = arith.constant 262144 : i32
      %mul3A_1933 = vector.broadcast %mul3A_1932 : i32 to vector<16xi32>
      %mul3A_1934 = arith.muli %select_n3A_1931, %mul3A_1933 : vector<16xi32>
      %sub3A_1935 = arith.subi %get3A_1900, %mul3A_1934 : vector<16xi32>
      %mul3A_1936 = arith.constant 16 : i32
      %mul3A_1937 = arith.muli %sub3A_1894, %mul3A_1936 : i32
      %swap3A = arith.index_cast %select_n3A : i32 to index
      %swap3A_1938 = arith.index_cast %mul3A_1937 : i32 to index
      %swap3A_1939 = tpu.vector_load %arg7[%swap3A, %swap3A_1938] {strides = array<i32>} : memref<26x128xi32, #tpu.memory_space<vmem>>, vector<16xi32>,
      tpu.vector_store %arg7[%swap3A, %swap3A_1938], %sub3A_1935 {strides = array<i32>} : memref<26x128xi32, #tpu.memory_space<vmem>>, vector<16xi32>,
    }
    %scan3A_7 = arith.constant 208 : i32
    %dma_start3A = arith.constant 0 : i32
    %dma_start3A_8 = arith.constant 0 : i32
    %dma_start3A_9 = arith.constant 0 : i32
    %dma_start3A_10 = arith.constant 0 : i32
    %dma_start3A_11 = tpu.memref_slice %arg8[%dma_start3A_8, %dma_start3A_9, %dma_start3A_10] : memref<2x128x128xf32, #tpu.memory_space<vmem>> -> memref<1x128x128xf32, #tpu.memory_space<vmem>>
    %dma_start3A_12 = tpu.memref_squeeze %dma_start3A_11 : memref<1x128x128xf32, #tpu.memory_space<vmem>> -> memref<128x128xf32, #tpu.memory_space<vmem>>
    %dma_start3A_13 = arith.constant 0 : i32
    %dma_start3A_14 = tpu.memref_slice %arg7[%dma_start3A, %dma_start3A_13] : memref<26x128xi32, #tpu.memory_space<vmem>> -> memref<1x128xi32, #tpu.memory_space<vmem>>
    %dma_start3A_15 = tpu.memref_squeeze %dma_start3A_14 : memref<1x128xi32, #tpu.memory_space<vmem>> -> memref<128xi32, #tpu.memory_space<vmem>>
    %dma_start3A_16 = arith.constant 0 : i32
    %dma_start3A_17 = arith.constant 0 : i32
    %dma_start3A_18 = tpu.memref_slice %arg3[%dma_start3A_16, %dma_start3A_17] : memref<262144x128xf32, #tpu.memory_space<hbm>> -> memref<262144x128xf32, #tpu.memory_space<hbm>>
    tpu.enqueue_indirect_dma source(%dma_start3A_18 : memref<262144x128xf32, #tpu.memory_space<hbm>>) target(%dma_start3A_12 : memref<128x128xf32, #tpu.memory_space<vmem>>) offsets(%dma_start3A_15 : memref<128xi32, #tpu.memory_space<vmem>>) semaphore(%arg13 : memref<!tpu.dma_semaphore, #tpu.memory_space<semaphore_mem>>)
    %eq3A = arith.constant 0 : i32
    %eq3A_19 = arith.cmpi eq, %arg0, %eq3A : i32
    %convert_element_type3A = arith.extui %eq3A_19 : i1 to i32
    %cond3A = arith.constant 0 : i32
    %cond3A_20 = arith.cmpi ne, %convert_element_type3A, %cond3A : i32
    scf.if %cond3A_20 {
      %scan3A_1874 = arith.constant 0 : i32
      %scan3A_1875 = arith.constant 0 : i32
      %scan3A_1876 = arith.constant 196 : i32
      %scan3A_1877 = arith.addi %scan3A_1875, %scan3A_1876 : i32
      %scan3A_1878 = arith.constant 1 : i32
      scf.for %scan3A_1911 = %scan3A_1875 to %scan3A_1877 step %scan3A_1878  : i32 {
        %broadcast_in_dim3A_1912 = arith.constant 0 : i32
        %broadcast_in_dim3A_1913 = vector.broadcast %broadcast_in_dim3A_1912 : i32 to vector<16xi32>
        %mul3A_1914 = arith.constant 16 : i32
        %mul3A_1915 = arith.muli %scan3A_1911, %mul3A_1914 : i32
        %swap3A = arith.index_cast %mul3A_1915 : i32 to index
        %swap3A_1916 = tpu.vector_load %arg11[%swap3A] {strides = array<i32>} : memref<3136xi32, #tpu.memory_space<vmem>>, vector<16xi32>,
        tpu.vector_store %arg11[%swap3A], %broadcast_in_dim3A_1913 {strides = array<i32>} : memref<3136xi32, #tpu.memory_space<vmem>>, vector<16xi32>,
      }
      %scan3A_1879 = arith.constant 196 : i32
      %scan3A_1880 = arith.constant 0 : i32
      %scan3A_1881 = arith.constant 0 : i32
      %scan3A_1882 = arith.constant 20 : i32
      %scan3A_1883 = arith.addi %scan3A_1881, %scan3A_1882 : i32
      %scan3A_1884 = arith.constant 1 : i32
      scf.for %scan3A_1911 = %scan3A_1881 to %scan3A_1883 step %scan3A_1884  : i32 {
        %mul3A_1912 = arith.constant 62720 : i32
        %mul3A_1913 = arith.muli %arg1, %mul3A_1912 : i32
        %mul3A_1914 = arith.constant 3136 : i32
        %mul3A_1915 = arith.muli %scan3A_1911, %mul3A_1914 : i32
        %add3A_1916 = arith.addi %mul3A_1913, %mul3A_1915 : i32
        "tpu.region"() ({
          %run_scoped3A_1917 = tpu.sem_alloc : memref<!tpu.dma_semaphore, #tpu.memory_space<semaphore_mem>>
          %dma_start3A_1918 = tpu.memref_slice %arg12[%add3A_1916] : memref<1003520xi32, #tpu.memory_space<vmem_shared>> -> memref<3136xi32, #tpu.memory_space<vmem_shared>>
          %dma_start3A_1919 = tpu.memref_slice %arg12[%add3A_1916] : memref<1003520xi32, #tpu.memory_space<vmem_shared>> -> memref<3136xi32, #tpu.memory_space<vmem_shared>>
          tpu.enqueue_dma source(%arg11 : memref<3136xi32, #tpu.memory_space<vmem>>) target(%dma_start3A_1919 : memref<3136xi32, #tpu.memory_space<vmem_shared>>) target_semaphore(%run_scoped3A_1917 : memref<!tpu.dma_semaphore, #tpu.memory_space<semaphore_mem>>)
          %dma_wait3A_1920 = tpu.memref_slice %arg12[%add3A_1916] : memref<1003520xi32, #tpu.memory_space<vmem_shared>> -> memref<3136xi32, #tpu.memory_space<vmem_shared>>
          %dma_wait3A_1921 = tpu.memref_slice %arg12[%add3A_1916] : memref<1003520xi32, #tpu.memory_space<vmem_shared>> -> memref<3136xi32, #tpu.memory_space<vmem_shared>>
          tpu.wait_dma2 semaphore(%run_scoped3A_1917 : memref<!tpu.dma_semaphore, #tpu.memory_space<semaphore_mem>>) src(%arg11 : memref<3136xi32, #tpu.memory_space<vmem>>) dst(%dma_wait3A_1921 : memref<3136xi32, #tpu.memory_space<vmem_shared>>)
          tpu.yield
        }) : () -> ()
      }
      %scan3A_1885 = arith.constant 20 : i32
      %scan3A_1886 = arith.constant 0 : i32
      %scan3A_1887 = arith.constant 0 : i32
      %scan3A_1888 = arith.constant 8 : i32
      %scan3A_1889 = arith.addi %scan3A_1887, %scan3A_1888 : i32
      %scan3A_1890 = arith.constant 1 : i32
      scf.for %scan3A_1911 = %scan3A_1887 to %scan3A_1889 step %scan3A_1890  : i32 {
        %broadcast_in_dim3A_1912 = arith.constant 1 : i32
        %broadcast_in_dim3A_1913 = vector.broadcast %broadcast_in_dim3A_1912 : i32 to vector<16xi32>
        %mul3A_1914 = arith.constant 16 : i32
        %mul3A_1915 = arith.muli %scan3A_1911, %mul3A_1914 : i32
        %swap3A = arith.index_cast %mul3A_1915 : i32 to index
        %swap3A_1916 = tpu.vector_load %arg10[%swap3A] {strides = array<i32>} : memref<128xi32, #tpu.memory_space<vmem>>, vector<16xi32>,
        tpu.vector_store %arg10[%swap3A], %broadcast_in_dim3A_1913 {strides = array<i32>} : memref<128xi32, #tpu.memory_space<vmem>>, vector<16xi32>,
      }
      %scan3A_1891 = arith.constant 8 : i32
      %add3A_1892 = arith.constant 1 : i32
      %add3A_1893 = arith.addi %add3A, %add3A_1892 : i32
      %run_scoped3A_1894 = arith.constant 1 : i32
      "tpu.region"() ({
        %run_scoped3A_1911 = tpu.sem_alloc : memref<!tpu.dma_semaphore, #tpu.memory_space<semaphore_mem>>
        %dma_start3A_1912 = arith.constant 0 : i32
        %dma_start3A_1913 = arith.constant 0 : i32
        %dma_start3A_1914 = tpu.memref_slice %arg6[%run_scoped3A_1894, %dma_start3A_1912, %dma_start3A_1913] : memref<2x26x128xi32, #tpu.memory_space<vmem>> -> memref<1x26x128xi32, #tpu.memory_space<vmem>>
        %dma_start3A_1915 = tpu.memref_squeeze %dma_start3A_1914 : memref<1x26x128xi32, #tpu.memory_space<vmem>> -> memref<26x128xi32, #tpu.memory_space<vmem>>
        %dma_start3A_1916 = arith.constant 0 : i32
        %dma_start3A_1917 = arith.constant 0 : i32
        %dma_start3A_1918 = tpu.memref_slice %arg2[%add3A_1893, %dma_start3A_1916, %dma_start3A_1917] : memref<32x26x128xi32, #tpu.memory_space<hbm>> -> memref<1x26x128xi32, #tpu.memory_space<hbm>>
        %dma_start3A_1919 = tpu.memref_squeeze %dma_start3A_1918 : memref<1x26x128xi32, #tpu.memory_space<hbm>> -> memref<26x128xi32, #tpu.memory_space<hbm>>
        %dma_start3A_1920 = arith.constant 0 : i32
        %dma_start3A_1921 = arith.constant 0 : i32
        %dma_start3A_1922 = tpu.memref_slice %arg6[%run_scoped3A_1894, %dma_start3A_1920, %dma_start3A_1921] : memref<2x26x128xi32, #tpu.memory_space<vmem>> -> memref<1x26x128xi32, #tpu.memory_space<vmem>>
        %dma_start3A_1923 = tpu.memref_squeeze %dma_start3A_1922 : memref<1x26x128xi32, #tpu.memory_space<vmem>> -> memref<26x128xi32, #tpu.memory_space<vmem>>
        %dma_start3A_1924 = arith.constant 0 : i32
        %dma_start3A_1925 = arith.constant 0 : i32
        %dma_start3A_1926 = tpu.memref_slice %arg2[%add3A_1893, %dma_start3A_1924, %dma_start3A_1925] : memref<32x26x128xi32, #tpu.memory_space<hbm>> -> memref<1x26x128xi32, #tpu.memory_space<hbm>>
        %dma_start3A_1927 = tpu.memref_squeeze %dma_start3A_1926 : memref<1x26x128xi32, #tpu.memory_space<hbm>> -> memref<26x128xi32, #tpu.memory_space<hbm>>
        tpu.enqueue_dma source(%dma_start3A_1927 : memref<26x128xi32, #tpu.memory_space<hbm>>) target(%dma_start3A_1923 : memref<26x128xi32, #tpu.memory_space<vmem>>) target_semaphore(%run_scoped3A_1911 : memref<!tpu.dma_semaphore, #tpu.memory_space<semaphore_mem>>)
        %dma_wait3A_1928 = arith.constant 0 : i32
        %dma_wait3A_1929 = arith.constant 0 : i32
        %dma_wait3A_1930 = tpu.memref_slice %arg6[%run_scoped3A_1894, %dma_wait3A_1928, %dma_wait3A_1929] : memref<2x26x128xi32, #tpu.memory_space<vmem>> -> memref<1x26x128xi32, #tpu.memory_space<vmem>>
        %dma_wait3A_1931 = tpu.memref_squeeze %dma_wait3A_1930 : memref<1x26x128xi32, #tpu.memory_space<vmem>> -> memref<26x128xi32, #tpu.memory_space<vmem>>
        %dma_wait3A_1932 = arith.constant 0 : i32
        %dma_wait3A_1933 = arith.constant 0 : i32
        %dma_wait3A_1934 = tpu.memref_slice %arg2[%add3A_1893, %dma_wait3A_1932, %dma_wait3A_1933] : memref<32x26x128xi32, #tpu.memory_space<hbm>> -> memref<1x26x128xi32, #tpu.memory_space<hbm>>
        %dma_wait3A_1935 = tpu.memref_squeeze %dma_wait3A_1934 : memref<1x26x128xi32, #tpu.memory_space<hbm>> -> memref<26x128xi32, #tpu.memory_space<hbm>>
        %dma_wait3A_1936 = arith.constant 0 : i32
        %dma_wait3A_1937 = arith.constant 0 : i32
        %dma_wait3A_1938 = tpu.memref_slice %arg6[%run_scoped3A_1894, %dma_wait3A_1936, %dma_wait3A_1937] : memref<2x26x128xi32, #tpu.memory_space<vmem>> -> memref<1x26x128xi32, #tpu.memory_space<vmem>>
        %dma_wait3A_1939 = tpu.memref_squeeze %dma_wait3A_1938 : memref<1x26x128xi32, #tpu.memory_space<vmem>> -> memref<26x128xi32, #tpu.memory_space<vmem>>
        %dma_wait3A_1940 = arith.constant 0 : i32
        %dma_wait3A_1941 = arith.constant 0 : i32
        %dma_wait3A_1942 = tpu.memref_slice %arg2[%add3A_1893, %dma_wait3A_1940, %dma_wait3A_1941] : memref<32x26x128xi32, #tpu.memory_space<hbm>> -> memref<1x26x128xi32, #tpu.memory_space<hbm>>
        %dma_wait3A_1943 = tpu.memref_squeeze %dma_wait3A_1942 : memref<1x26x128xi32, #tpu.memory_space<hbm>> -> memref<26x128xi32, #tpu.memory_space<hbm>>
        tpu.wait_dma2 semaphore(%run_scoped3A_1911 : memref<!tpu.dma_semaphore, #tpu.memory_space<semaphore_mem>>) src(%dma_wait3A_1943 : memref<26x128xi32, #tpu.memory_space<hbm>>) dst(%dma_wait3A_1939 : memref<26x128xi32, #tpu.memory_space<vmem>>)
        tpu.yield
      }) : () -> ()
      %barrier3A = arith.constant 0 : index
      tpu.barrier barrier_id(%barrier3A)
      %scan3A_1895 = arith.constant 0 : i32
      %scan3A_1896 = arith.constant 0 : i32
      %scan3A_1897 = arith.constant 52 : i32
      %scan3A_1898 = arith.addi %scan3A_1896, %scan3A_1897 : i32
      %scan3A_1899 = arith.constant 1 : i32
      scf.for %scan3A_1911 = %scan3A_1896 to %scan3A_1898 step %scan3A_1899  : i32 {
        %jit3A = arith.constant 26 : i32
        %div3A = arith.divsi %scan3A_1911, %jit3A : i32
        %sign3A = arith.constant 0 : i32
        %sign3A_1912 = arith.cmpi sgt, %scan3A_1911, %sign3A : i32
        %sign3A_1913 = arith.extui %sign3A_1912 : i1 to i32
        %sign3A_1914 = arith.constant 0 : i32
        %sign3A_1915 = arith.cmpi slt, %scan3A_1911, %sign3A_1914 : i32
        %sign3A_1916 = arith.extui %sign3A_1915 : i1 to i32
        %sign3A_1917 = arith.subi %sign3A_1913, %sign3A_1916 : i32
        %sign3A_1918 = arith.constant 0 : i32
        %sign3A_1919 = arith.cmpi sgt, %jit3A, %sign3A_1918 : i32
        %sign3A_1920 = arith.extui %sign3A_1919 : i1 to i32
        %sign3A_1921 = arith.constant 0 : i32
        %sign3A_1922 = arith.cmpi slt, %jit3A, %sign3A_1921 : i32
        %sign3A_1923 = arith.extui %sign3A_1922 : i1 to i32
        %sign3A_1924 = arith.subi %sign3A_1920, %sign3A_1923 : i32
        %ne3A = arith.cmpi ne, %sign3A_1917, %sign3A_1924 : i32
        %rem3A = arith.remsi %scan3A_1911, %jit3A : i32
        %ne3A_1925 = arith.constant 0 : i32
        %ne3A_1926 = arith.cmpi ne, %rem3A, %ne3A_1925 : i32
        %and3A = arith.andi %ne3A, %ne3A_1926 : i1
        %sub3A_1927 = arith.constant 1 : i32
        %sub3A_1928 = arith.subi %div3A, %sub3A_1927 : i32
        %select_n3A = arith.select %and3A, %sub3A_1928, %div3A : i32
        %mul3A_1929 = arith.constant 26 : i32
        %mul3A_1930 = arith.muli %select_n3A, %mul3A_1929 : i32
        %sub3A_1931 = arith.subi %scan3A_1911, %mul3A_1930 : i32
        "tpu.region"() ({
          %run_scoped3A_1932 = tpu.sem_alloc : memref<!tpu.dma_semaphore, #tpu.memory_space<semaphore_mem>>
          %dma_start3A_1933 = arith.constant 0 : i32
          %dma_start3A_1934 = tpu.memref_slice %arg10[%dma_start3A_1933] : memref<128xi32, #tpu.memory_space<vmem>> -> memref<128xi32, #tpu.memory_space<vmem>>
          %dma_start3A_1935 = arith.constant 0 : i32
          %dma_start3A_1936 = tpu.memref_slice %arg6[%select_n3A, %sub3A_1931, %dma_start3A_1935] : memref<2x26x128xi32, #tpu.memory_space<vmem>> -> memref<1x1x128xi32, #tpu.memory_space<vmem>>
          %dma_start3A_1937 = tpu.memref_squeeze %dma_start3A_1936 : memref<1x1x128xi32, #tpu.memory_space<vmem>> -> memref<128xi32, #tpu.memory_space<vmem>>
          %dma_start3A_1938 = arith.constant 0 : i32
          %dma_start3A_1939 = tpu.memref_slice %arg12[%dma_start3A_1938] : memref<1003520xi32, #tpu.memory_space<vmem_shared>> -> memref<1003520xi32, #tpu.memory_space<vmem_shared>>
          tpu.enqueue_indirect_dma source(%dma_start3A_1934 : memref<128xi32, #tpu.memory_space<vmem>>) target(%dma_start3A_1939 : memref<1003520xi32, #tpu.memory_space<vmem_shared>>) offsets(%dma_start3A_1937 : memref<128xi32, #tpu.memory_space<vmem>>) semaphore(%run_scoped3A_1932 : memref<!tpu.dma_semaphore, #tpu.memory_space<semaphore_mem>>) {add = true}
          %dma_wait3A_1940 = arith.constant 0 : i32
          %dma_wait3A_1941 = tpu.memref_slice %arg10[%dma_wait3A_1940] : memref<128xi32, #tpu.memory_space<vmem>> -> memref<128xi32, #tpu.memory_space<vmem>>
          %dma_wait3A_1942 = arith.constant 0 : i32
          %dma_wait3A_1943 = tpu.memref_slice %arg6[%select_n3A, %sub3A_1931, %dma_wait3A_1942] : memref<2x26x128xi32, #tpu.memory_space<vmem>> -> memref<1x1x128xi32, #tpu.memory_space<vmem>>
          %dma_wait3A_1944 = tpu.memref_squeeze %dma_wait3A_1943 : memref<1x1x128xi32, #tpu.memory_space<vmem>> -> memref<128xi32, #tpu.memory_space<vmem>>
          %dma_wait3A_1945 = arith.constant 0 : i32
          %dma_wait3A_1946 = tpu.memref_slice %arg12[%dma_wait3A_1945] : memref<1003520xi32, #tpu.memory_space<vmem_shared>> -> memref<1003520xi32, #tpu.memory_space<vmem_shared>>
          tpu.wait_indirect_dma semaphore(%run_scoped3A_1932 : memref<!tpu.dma_semaphore, #tpu.memory_space<semaphore_mem>>) src(%dma_wait3A_1941 : memref<128xi32, #tpu.memory_space<vmem>>) dst(%dma_wait3A_1946 : memref<1003520xi32, #tpu.memory_space<vmem_shared>>)
          tpu.yield
        }) : () -> ()
      }
      %scan3A_1900 = arith.constant 52 : i32
      %barrier3A_1901 = arith.constant 0 : index
      tpu.barrier barrier_id(%barrier3A_1901)
      %lt3A = arith.constant 15 : i32
      %lt3A_1902 = arith.cmpi slt, %arg1, %lt3A : i32
      %convert_element_type3A_1903 = arith.extui %lt3A_1902 : i1 to i32
      %cond3A_1904 = arith.constant 0 : i32
      %cond3A_1905 = arith.cmpi ne, %convert_element_type3A_1903, %cond3A_1904 : i32
      scf.if %cond3A_1905 {
        %mul3A_1911 = arith.constant 62720 : i32
        %mul3A_1912 = arith.muli %arg1, %mul3A_1911 : i32
        %mul3A_1913 = arith.constant 62720 : i32
        %mul3A_1914 = arith.muli %arg1, %mul3A_1913 : i32
        "tpu.region"() ({
          %run_scoped3A_1915 = tpu.sem_alloc : memref<!tpu.dma_semaphore, #tpu.memory_space<semaphore_mem>>
          %dma_start3A_1916 = tpu.memref_slice %arg5[%mul3A_1914] : memref<1000000xi32, #tpu.memory_space<hbm>> -> memref<62720xi32, #tpu.memory_space<hbm>>
          %dma_start3A_1917 = tpu.memref_slice %arg12[%mul3A_1912] : memref<1003520xi32, #tpu.memory_space<vmem_shared>> -> memref<62720xi32, #tpu.memory_space<vmem_shared>>
          tpu.enqueue_dma source(%dma_start3A_1917 : memref<62720xi32, #tpu.memory_space<vmem_shared>>) target(%dma_start3A_1916 : memref<62720xi32, #tpu.memory_space<hbm>>) target_semaphore(%run_scoped3A_1915 : memref<!tpu.dma_semaphore, #tpu.memory_space<semaphore_mem>>)
          %dma_wait3A_1918 = tpu.memref_slice %arg5[%mul3A_1914] : memref<1000000xi32, #tpu.memory_space<hbm>> -> memref<62720xi32, #tpu.memory_space<hbm>>
          %dma_wait3A_1919 = tpu.memref_slice %arg12[%mul3A_1912] : memref<1003520xi32, #tpu.memory_space<vmem_shared>> -> memref<62720xi32, #tpu.memory_space<vmem_shared>>
          tpu.wait_dma2 semaphore(%run_scoped3A_1915 : memref<!tpu.dma_semaphore, #tpu.memory_space<semaphore_mem>>) src(%dma_wait3A_1919 : memref<62720xi32, #tpu.memory_space<vmem_shared>>) dst(%dma_wait3A_1918 : memref<62720xi32, #tpu.memory_space<hbm>>)
          tpu.yield
        }) : () -> ()
      } else {
      }
      %eq3A_1906 = arith.constant 15 : i32
      %eq3A_1907 = arith.cmpi eq, %arg1, %eq3A_1906 : i32
      %convert_element_type3A_1908 = arith.extui %eq3A_1907 : i1 to i32
      %cond3A_1909 = arith.constant 0 : i32
      %cond3A_1910 = arith.cmpi ne, %convert_element_type3A_1908, %cond3A_1909 : i32
      scf.if %cond3A_1910 {
        %mul3A_1911 = arith.constant 62720 : i32
        %mul3A_1912 = arith.muli %arg1, %mul3A_1911 : i32
        %mul3A_1913 = arith.constant 62720 : i32
        %mul3A_1914 = arith.muli %arg1, %mul3A_1913 : i32
        "tpu.region"() ({
          %run_scoped3A_1915 = tpu.sem_alloc : memref<!tpu.dma_semaphore, #tpu.memory_space<semaphore_mem>>
          %dma_start3A_1916 = tpu.memref_slice %arg5[%mul3A_1914] : memref<1000000xi32, #tpu.memory_space<hbm>> -> memref<59200xi32, #tpu.memory_space<hbm>>
          %dma_start3A_1917 = tpu.memref_slice %arg12[%mul3A_1912] : memref<1003520xi32, #tpu.memory_space<vmem_shared>> -> memref<59200xi32, #tpu.memory_space<vmem_shared>>
          tpu.enqueue_dma source(%dma_start3A_1917 : memref<59200xi32, #tpu.memory_space<vmem_shared>>) target(%dma_start3A_1916 : memref<59200xi32, #tpu.memory_space<hbm>>) target_semaphore(%run_scoped3A_1915 : memref<!tpu.dma_semaphore, #tpu.memory_space<semaphore_mem>>)
          %dma_wait3A_1918 = tpu.memref_slice %arg5[%mul3A_1914] : memref<1000000xi32, #tpu.memory_space<hbm>> -> memref<59200xi32, #tpu.memory_space<hbm>>
          %dma_wait3A_1919 = tpu.memref_slice %arg12[%mul3A_1912] : memref<1003520xi32, #tpu.memory_space<vmem_shared>> -> memref<59200xi32, #tpu.memory_space<vmem_shared>>
          tpu.wait_dma2 semaphore(%run_scoped3A_1915 : memref<!tpu.dma_semaphore, #tpu.memory_space<semaphore_mem>>) src(%dma_wait3A_1919 : memref<59200xi32, #tpu.memory_space<vmem_shared>>) dst(%dma_wait3A_1918 : memref<59200xi32, #tpu.memory_space<hbm>>)
          tpu.yield
        }) : () -> ()
      } else {
      }
    } else {
    }
    %iota3A = tpu.iota {dimensions = array<i32: 0>} : vector<16xi32>
    %dma_start3A_21 = arith.constant 1 : i32
    %dma_start3A_22 = arith.constant 1 : i32
    %dma_start3A_23 = arith.constant 0 : i32
    %dma_start3A_24 = arith.constant 0 : i32
    %dma_start3A_25 = tpu.memref_slice %arg8[%dma_start3A_22, %dma_start3A_23, %dma_start3A_24] : memref<2x128x128xf32, #tpu.memory_space<vmem>> -> memref<1x128x128xf32, #tpu.memory_space<vmem>>
    %dma_start3A_26 = tpu.memref_squeeze %dma_start3A_25 : memref<1x128x128xf32, #tpu.memory_space<vmem>> -> memref<128x128xf32, #tpu.memory_space<vmem>>
    %dma_start3A_27 = arith.constant 0 : i32
    %dma_start3A_28 = tpu.memref_slice %arg7[%dma_start3A_21, %dma_start3A_27] : memref<26x128xi32, #tpu.memory_space<vmem>> -> memref<1x128xi32, #tpu.memory_space<vmem>>
    %dma_start3A_29 = tpu.memref_squeeze %dma_start3A_28 : memref<1x128xi32, #tpu.memory_space<vmem>> -> memref<128xi32, #tpu.memory_space<vmem>>
    %dma_start3A_30 = arith.constant 0 : i32
    %dma_start3A_31 = arith.constant 0 : i32
    %dma_start3A_32 = tpu.memref_slice %arg3[%dma_start3A_30, %dma_start3A_31] : memref<262144x128xf32, #tpu.memory_space<hbm>> -> memref<262144x128xf32, #tpu.memory_space<hbm>>
    tpu.enqueue_indirect_dma source(%dma_start3A_32 : memref<262144x128xf32, #tpu.memory_space<hbm>>) target(%dma_start3A_26 : memref<128x128xf32, #tpu.memory_space<vmem>>) offsets(%dma_start3A_29 : memref<128xi32, #tpu.memory_space<vmem>>) semaphore(%arg13 : memref<!tpu.dma_semaphore, #tpu.memory_space<semaphore_mem>>)
    %dma_wait3A = arith.constant 0 : i32
    %dma_wait3A_33 = arith.constant 0 : i32
    %dma_wait3A_34 = arith.constant 0 : i32
    %dma_wait3A_35 = arith.constant 0 : i32
    %dma_wait3A_36 = tpu.memref_slice %arg8[%dma_wait3A_33, %dma_wait3A_34, %dma_wait3A_35] : memref<2x128x128xf32, #tpu.memory_space<vmem>> -> memref<1x128x128xf32, #tpu.memory_space<vmem>>
    %dma_wait3A_37 = tpu.memref_squeeze %dma_wait3A_36 : memref<1x128x128xf32, #tpu.memory_space<vmem>> -> memref<128x128xf32, #tpu.memory_space<vmem>>
    %dma_wait3A_38 = arith.constant 0 : i32
    %dma_wait3A_39 = tpu.memref_slice %arg7[%dma_wait3A, %dma_wait3A_38] : memref<26x128xi32, #tpu.memory_space<vmem>> -> memref<1x128xi32, #tpu.memory_space<vmem>>
    %dma_wait3A_40 = tpu.memref_squeeze %dma_wait3A_39 : memref<1x128xi32, #tpu.memory_space<vmem>> -> memref<128xi32, #tpu.memory_space<vmem>>
    %dma_wait3A_41 = arith.constant 0 : i32
    %dma_wait3A_42 = arith.constant 0 : i32
    %dma_wait3A_43 = tpu.memref_slice %arg3[%dma_wait3A_41, %dma_wait3A_42] : memref<262144x128xf32, #tpu.memory_space<hbm>> -> memref<262144x128xf32, #tpu.memory_space<hbm>>
    tpu.wait_indirect_dma semaphore(%arg13 : memref<!tpu.dma_semaphore, #tpu.memory_space<semaphore_mem>>) src(%dma_wait3A_43 : memref<262144x128xf32, #tpu.memory_space<hbm>>) dst(%dma_wait3A_37 : memref<128x128xf32, #tpu.memory_space<vmem>>)
    %broadcast_in_dim3A = arith.constant 0 : i32
    %broadcast_in_dim3A_44 = vector.broadcast %broadcast_in_dim3A : i32 to vector<16xi32>
    %scan3A_45 = arith.constant 0 : i32
    %scan3A_46 = arith.constant 0 : i32
    %scan3A_47 = arith.constant 8 : i32
    %scan3A_48 = arith.addi %scan3A_46, %scan3A_47 : i32
    %scan3A_49 = arith.constant 1 : i32
    scf.for %scan3A_1874 = %scan3A_46 to %scan3A_48 step %scan3A_49  : i32 {
      %mul3A_1875 = arith.constant 16 : i32
      %mul3A_1876 = arith.muli %scan3A_1874, %mul3A_1875 : i32
      %get3A = arith.constant 0 : i32
      %get3A_1877 = arith.constant 0 : i32
      %get3A_1878 = arith.index_cast %get3A : i32 to index
      %get3A_1879 = arith.index_cast %get3A_1877 : i32 to index
      %get3A_1880 = arith.index_cast %mul3A_1876 : i32 to index
      %get3A_1881 = tpu.vector_load %arg6[%get3A_1878, %get3A_1879, %get3A_1880] {strides = array<i32>} : memref<2x26x128xi32, #tpu.memory_space<vmem>>, vector<16xi32>,
      %jit3A = arith.constant 262144 : i32
      %div3A = vector.broadcast %jit3A : i32 to vector<16xi32>
      %div3A_1882 = arith.divsi %get3A_1881, %div3A : vector<16xi32>
      %sign3A = arith.constant 0 : i32
      %sign3A_1883 = vector.broadcast %sign3A : i32 to vector<16xi32>
      %sign3A_1884 = arith.cmpi sgt, %get3A_1881, %sign3A_1883 : vector<16xi32>
      %sign3A_1885 = arith.extui %sign3A_1884 : vector<16xi1> to vector<16xi32>
      %sign3A_1886 = arith.constant 0 : i32
      %sign3A_1887 = vector.broadcast %sign3A_1886 : i32 to vector<16xi32>
      %sign3A_1888 = arith.cmpi slt, %get3A_1881, %sign3A_1887 : vector<16xi32>
      %sign3A_1889 = arith.extui %sign3A_1888 : vector<16xi1> to vector<16xi32>
      %sign3A_1890 = arith.subi %sign3A_1885, %sign3A_1889 : vector<16xi32>
      %sign3A_1891 = arith.constant 0 : i32
      %sign3A_1892 = arith.cmpi sgt, %jit3A, %sign3A_1891 : i32
      %sign3A_1893 = arith.extui %sign3A_1892 : i1 to i32
      %sign3A_1894 = arith.constant 0 : i32
      %sign3A_1895 = arith.cmpi slt, %jit3A, %sign3A_1894 : i32
      %sign3A_1896 = arith.extui %sign3A_1895 : i1 to i32
      %sign3A_1897 = arith.subi %sign3A_1893, %sign3A_1896 : i32
      %ne3A = vector.broadcast %sign3A_1897 : i32 to vector<16xi32>
      %ne3A_1898 = arith.cmpi ne, %sign3A_1890, %ne3A : vector<16xi32>
      %rem3A = vector.broadcast %jit3A : i32 to vector<16xi32>
      %rem3A_1899 = arith.remsi %get3A_1881, %rem3A : vector<16xi32>
      %ne3A_1900 = arith.constant 0 : i32
      %ne3A_1901 = vector.broadcast %ne3A_1900 : i32 to vector<16xi32>
      %ne3A_1902 = arith.cmpi ne, %rem3A_1899, %ne3A_1901 : vector<16xi32>
      %and3A = arith.andi %ne3A_1898, %ne3A_1902 : vector<16xi1>
      %sub3A_1903 = arith.constant 1 : i32
      %sub3A_1904 = vector.broadcast %sub3A_1903 : i32 to vector<16xi32>
      %sub3A_1905 = arith.subi %div3A_1882, %sub3A_1904 : vector<16xi32>
      %select_n3A = arith.select %and3A, %sub3A_1905, %div3A_1882 : vector<16xi1>, vector<16xi32>
      %mul3A_1906 = arith.constant 32 : i32
      %mul3A_1907 = vector.broadcast %mul3A_1906 : i32 to vector<16xi32>
      %mul3A_1908 = arith.muli %select_n3A, %mul3A_1907 : vector<16xi32>
      %mul3A_1909 = arith.constant 16 : i32
      %mul3A_1910 = arith.muli %scan3A_1874, %mul3A_1909 : i32
      %add3A_1911 = vector.broadcast %mul3A_1910 : i32 to vector<16xi32>
      %add3A_1912 = arith.addi %add3A_1911, %iota3A : vector<16xi32>
      %scan3A_1913 = arith.constant 0 : i32
      %scan3A_1914 = arith.constant 0 : i32
      %scan3A_1915 = arith.constant 32 : i32
      %scan3A_1916 = arith.addi %scan3A_1914, %scan3A_1915 : i32
      %scan3A_1917 = arith.constant 1 : i32
      scf.for %scan3A_1919 = %scan3A_1914 to %scan3A_1916 step %scan3A_1917  : i32 {
        %add3A_1920 = vector.broadcast %scan3A_1919 : i32 to vector<16xi32>
        %add3A_1921 = arith.addi %mul3A_1908, %add3A_1920 : vector<16xi32>
        %gather3A = tpu.vector_load_idx %arg8[%broadcast_in_dim3A_44, %add3A_1912, %add3A_1921] : memref<2x128x128xf32, #tpu.memory_space<vmem>>[vector<16xi32>, vector<16xi32>, vector<16xi32>], vector<16xf32>,
        %broadcast_in_dim3A_1922 = arith.constant 0 : i32
        %broadcast_in_dim3A_1923 = vector.broadcast %broadcast_in_dim3A_1922 : i32 to vector<16xi32>
        %add3A_1924 = vector.broadcast %scan3A_1919 : i32 to vector<16xi32>
        %add3A_1925 = arith.addi %broadcast_in_dim3A_1923, %add3A_1924 : vector<16xi32>
        tpu.vector_store_idx %arg9[%broadcast_in_dim3A_44, %add3A_1912, %add3A_1925], %gather3A : memref<2x128x32xf32, #tpu.memory_space<vmem>>[vector<16xi32>, vector<16xi32>, vector<16xi32>], vector<16xf32>,
      }
      %scan3A_1918 = arith.constant 32 : i32
    }
    %scan3A_50 = arith.constant 8 : i32
    %add3A_51 = arith.constant 0 : i32
    %add3A_52 = arith.addi %mul3A_2, %add3A_51 : i32
    %dma_start3A_53 = arith.constant 0 : i32
    %dma_start3A_54 = arith.constant 0 : i32
    %dma_start3A_55 = arith.constant 0 : i32
    %dma_start3A_56 = tpu.memref_slice %arg9[%dma_start3A_53, %dma_start3A_54, %dma_start3A_55] : memref<2x128x32xf32, #tpu.memory_space<vmem>> -> memref<1x128x32xf32, #tpu.memory_space<vmem>>
    %dma_start3A_57 = tpu.memref_squeeze %dma_start3A_56 : memref<1x128x32xf32, #tpu.memory_space<vmem>> -> memref<128x32xf32, #tpu.memory_space<vmem>>
    %dma_start3A_58 = arith.constant 0 : i32
    %dma_start3A_59 = arith.constant 0 : i32
    %dma_start3A_60 = tpu.memref_slice %arg4[%add3A_52, %dma_start3A_58, %dma_start3A_59] : memref<832x128x32xf32, #tpu.memory_space<hbm>> -> memref<1x128x32xf32, #tpu.memory_space<hbm>>
    %dma_start3A_61 = tpu.memref_squeeze %dma_start3A_60 : memref<1x128x32xf32, #tpu.memory_space<hbm>> -> memref<128x32xf32, #tpu.memory_space<hbm>>
    %dma_start3A_62 = arith.constant 0 : i32
    %dma_start3A_63 = arith.constant 0 : i32
    %dma_start3A_64 = tpu.memref_slice %arg4[%add3A_52, %dma_start3A_62, %dma_start3A_63] : memref<832x128x32xf32, #tpu.memory_space<hbm>> -> memref<1x128x32xf32, #tpu.memory_space<hbm>>
    %dma_start3A_65 = tpu.memref_squeeze %dma_start3A_64 : memref<1x128x32xf32, #tpu.memory_space<hbm>> -> memref<128x32xf32, #tpu.memory_space<hbm>>
    %dma_start3A_66 = arith.constant 0 : i32
    %dma_start3A_67 = arith.constant 0 : i32
    %dma_start3A_68 = tpu.memref_slice %arg9[%dma_start3A_53, %dma_start3A_66, %dma_start3A_67] : memref<2x128x32xf32, #tpu.memory_space<vmem>> -> memref<1x128x32xf32, #tpu.memory_space<vmem>>
    %dma_start3A_69 = tpu.memref_squeeze %dma_start3A_68 : memref<1x128x32xf32, #tpu.memory_space<vmem>> -> memref<128x32xf32, #tpu.memory_space<vmem>>
    tpu.enqueue_dma source(%dma_start3A_69 : memref<128x32xf32, #tpu.memory_space<vmem>>) target(%dma_start3A_65 : memref<128x32xf32, #tpu.memory_space<hbm>>) target_semaphore(%arg14 : memref<!tpu.dma_semaphore, #tpu.memory_space<semaphore_mem>>)
    %dma_start3A_70 = arith.constant 2 : i32
    %dma_start3A_71 = arith.constant 0 : i32
    %dma_start3A_72 = arith.constant 0 : i32
    %dma_start3A_73 = arith.constant 0 : i32
    %dma_start3A_74 = tpu.memref_slice %arg8[%dma_start3A_71, %dma_start3A_72, %dma_start3A_73] : memref<2x128x128xf32, #tpu.memory_space<vmem>> -> memref<1x128x128xf32, #tpu.memory_space<vmem>>
    %dma_start3A_75 = tpu.memref_squeeze %dma_start3A_74 : memref<1x128x128xf32, #tpu.memory_space<vmem>> -> memref<128x128xf32, #tpu.memory_space<vmem>>
    %dma_start3A_76 = arith.constant 0 : i32
    %dma_start3A_77 = tpu.memref_slice %arg7[%dma_start3A_70, %dma_start3A_76] : memref<26x128xi32, #tpu.memory_space<vmem>> -> memref<1x128xi32, #tpu.memory_space<vmem>>
    %dma_start3A_78 = tpu.memref_squeeze %dma_start3A_77 : memref<1x128xi32, #tpu.memory_space<vmem>> -> memref<128xi32, #tpu.memory_space<vmem>>
    %dma_start3A_79 = arith.constant 0 : i32
    %dma_start3A_80 = arith.constant 0 : i32
    %dma_start3A_81 = tpu.memref_slice %arg3[%dma_start3A_79, %dma_start3A_80] : memref<262144x128xf32, #tpu.memory_space<hbm>> -> memref<262144x128xf32, #tpu.memory_space<hbm>>
    tpu.enqueue_indirect_dma source(%dma_start3A_81 : memref<262144x128xf32, #tpu.memory_space<hbm>>) target(%dma_start3A_75 : memref<128x128xf32, #tpu.memory_space<vmem>>) offsets(%dma_start3A_78 : memref<128xi32, #tpu.memory_space<vmem>>) semaphore(%arg13 : memref<!tpu.dma_semaphore, #tpu.memory_space<semaphore_mem>>)
    %dma_wait3A_82 = arith.constant 1 : i32
    %dma_wait3A_83 = arith.constant 1 : i32
    %dma_wait3A_84 = arith.constant 0 : i32
    %dma_wait3A_85 = arith.constant 0 : i32
    %dma_wait3A_86 = tpu.memref_slice %arg8[%dma_wait3A_83, %dma_wait3A_84, %dma_wait3A_85] : memref<2x128x128xf32, #tpu.memory_space<vmem>> -> memref<1x128x128xf32, #tpu.memory_space<vmem>>
    %dma_wait3A_87 = tpu.memref_squeeze %dma_wait3A_86 : memref<1x128x128xf32, #tpu.memory_space<vmem>> -> memref<128x128xf32, #tpu.memory_space<vmem>>
    %dma_wait3A_88 = arith.constant 0 : i32
    %dma_wait3A_89 = tpu.memref_slice %arg7[%dma_wait3A_82, %dma_wait3A_88] : memref<26x128xi32, #tpu.memory_space<vmem>> -> memref<1x128xi32, #tpu.memory_space<vmem>>
    %dma_wait3A_90 = tpu.memref_squeeze %dma_wait3A_89 : memref<1x128xi32, #tpu.memory_space<vmem>> -> memref<128xi32, #tpu.memory_space<vmem>>
    %dma_wait3A_91 = arith.constant 0 : i32
    %dma_wait3A_92 = arith.constant 0 : i32
    %dma_wait3A_93 = tpu.memref_slice %arg3[%dma_wait3A_91, %dma_wait3A_92] : memref<262144x128xf32, #tpu.memory_space<hbm>> -> memref<262144x128xf32, #tpu.memory_space<hbm>>
    tpu.wait_indirect_dma semaphore(%arg13 : memref<!tpu.dma_semaphore, #tpu.memory_space<semaphore_mem>>) src(%dma_wait3A_93 : memref<262144x128xf32, #tpu.memory_space<hbm>>) dst(%dma_wait3A_87 : memref<128x128xf32, #tpu.memory_space<vmem>>)
    %broadcast_in_dim3A_94 = arith.constant 1 : i32
    %broadcast_in_dim3A_95 = vector.broadcast %broadcast_in_dim3A_94 : i32 to vector<16xi32>
    %scan3A_96 = arith.constant 0 : i32
    %scan3A_97 = arith.constant 0 : i32
    %scan3A_98 = arith.constant 8 : i32
    %scan3A_99 = arith.addi %scan3A_97, %scan3A_98 : i32
    %scan3A_100 = arith.constant 1 : i32
    scf.for %scan3A_1874 = %scan3A_97 to %scan3A_99 step %scan3A_100  : i32 {
      %mul3A_1875 = arith.constant 16 : i32
      %mul3A_1876 = arith.muli %scan3A_1874, %mul3A_1875 : i32
      %get3A = arith.constant 0 : i32
      %get3A_1877 = arith.constant 1 : i32
      %get3A_1878 = arith.index_cast %get3A : i32 to index
      %get3A_1879 = arith.index_cast %get3A_1877 : i32 to index
      %get3A_1880 = arith.index_cast %mul3A_1876 : i32 to index
      %get3A_1881 = tpu.vector_load %arg6[%get3A_1878, %get3A_1879, %get3A_1880] {strides = array<i32>} : memref<2x26x128xi32, #tpu.memory_space<vmem>>, vector<16xi32>,
      %jit3A = arith.constant 262144 : i32
      %div3A = vector.broadcast %jit3A : i32 to vector<16xi32>
      %div3A_1882 = arith.divsi %get3A_1881, %div3A : vector<16xi32>
      %sign3A = arith.constant 0 : i32
      %sign3A_1883 = vector.broadcast %sign3A : i32 to vector<16xi32>
      %sign3A_1884 = arith.cmpi sgt, %get3A_1881, %sign3A_1883 : vector<16xi32>
      %sign3A_1885 = arith.extui %sign3A_1884 : vector<16xi1> to vector<16xi32>
      %sign3A_1886 = arith.constant 0 : i32
      %sign3A_1887 = vector.broadcast %sign3A_1886 : i32 to vector<16xi32>
      %sign3A_1888 = arith.cmpi slt, %get3A_1881, %sign3A_1887 : vector<16xi32>
      %sign3A_1889 = arith.extui %sign3A_1888 : vector<16xi1> to vector<16xi32>
      %sign3A_1890 = arith.subi %sign3A_1885, %sign3A_1889 : vector<16xi32>
      %sign3A_1891 = arith.constant 0 : i32
      %sign3A_1892 = arith.cmpi sgt, %jit3A, %sign3A_1891 : i32
      %sign3A_1893 = arith.extui %sign3A_1892 : i1 to i32
      %sign3A_1894 = arith.constant 0 : i32
      %sign3A_1895 = arith.cmpi slt, %jit3A, %sign3A_1894 : i32
      %sign3A_1896 = arith.extui %sign3A_1895 : i1 to i32
      %sign3A_1897 = arith.subi %sign3A_1893, %sign3A_1896 : i32
      %ne3A = vector.broadcast %sign3A_1897 : i32 to vector<16xi32>
      %ne3A_1898 = arith.cmpi ne, %sign3A_1890, %ne3A : vector<16xi32>
      %rem3A = vector.broadcast %jit3A : i32 to vector<16xi32>
      %rem3A_1899 = arith.remsi %get3A_1881, %rem3A : vector<16xi32>
      %ne3A_1900 = arith.constant 0 : i32
      %ne3A_1901 = vector.broadcast %ne3A_1900 : i32 to vector<16xi32>
      %ne3A_1902 = arith.cmpi ne, %rem3A_1899, %ne3A_1901 : vector<16xi32>
      %and3A = arith.andi %ne3A_1898, %ne3A_1902 : vector<16xi1>
      %sub3A_1903 = arith.constant 1 : i32
      %sub3A_1904 = vector.broadcast %sub3A_1903 : i32 to vector<16xi32>
      %sub3A_1905 = arith.subi %div3A_1882, %sub3A_1904 : vector<16xi32>
      %select_n3A = arith.select %and3A, %sub3A_1905, %div3A_1882 : vector<16xi1>, vector<16xi32>
      %mul3A_1906 = arith.constant 32 : i32
      %mul3A_1907 = vector.broadcast %mul3A_1906 : i32 to vector<16xi32>
      %mul3A_1908 = arith.muli %select_n3A, %mul3A_1907 : vector<16xi32>
      %mul3A_1909 = arith.constant 16 : i32
      %mul3A_1910 = arith.muli %scan3A_1874, %mul3A_1909 : i32
      %add3A_1911 = vector.broadcast %mul3A_1910 : i32 to vector<16xi32>
      %add3A_1912 = arith.addi %add3A_1911, %iota3A : vector<16xi32>
      %scan3A_1913 = arith.constant 0 : i32
      %scan3A_1914 = arith.constant 0 : i32
      %scan3A_1915 = arith.constant 32 : i32
      %scan3A_1916 = arith.addi %scan3A_1914, %scan3A_1915 : i32
      %scan3A_1917 = arith.constant 1 : i32
      scf.for %scan3A_1919 = %scan3A_1914 to %scan3A_1916 step %scan3A_1917  : i32 {
        %add3A_1920 = vector.broadcast %scan3A_1919 : i32 to vector<16xi32>
        %add3A_1921 = arith.addi %mul3A_1908, %add3A_1920 : vector<16xi32>
        %gather3A = tpu.vector_load_idx %arg8[%broadcast_in_dim3A_95, %add3A_1912, %add3A_1921] : memref<2x128x128xf32, #tpu.memory_space<vmem>>[vector<16xi32>, vector<16xi32>, vector<16xi32>], vector<16xf32>,
        %broadcast_in_dim3A_1922 = arith.constant 0 : i32
        %broadcast_in_dim3A_1923 = vector.broadcast %broadcast_in_dim3A_1922 : i32 to vector<16xi32>
        %add3A_1924 = vector.broadcast %scan3A_1919 : i32 to vector<16xi32>
        %add3A_1925 = arith.addi %broadcast_in_dim3A_1923, %add3A_1924 : vector<16xi32>
        tpu.vector_store_idx %arg9[%broadcast_in_dim3A_95, %add3A_1912, %add3A_1925], %gather3A : memref<2x128x32xf32, #tpu.memory_space<vmem>>[vector<16xi32>, vector<16xi32>, vector<16xi32>], vector<16xf32>,
      }
      %scan3A_1918 = arith.constant 32 : i32
    }
    %scan3A_101 = arith.constant 8 : i32
    %add3A_102 = arith.constant 1 : i32
    %add3A_103 = arith.addi %mul3A_2, %add3A_102 : i32
    %dma_start3A_104 = arith.constant 1 : i32
    %dma_start3A_105 = arith.constant 0 : i32
    %dma_start3A_106 = arith.constant 0 : i32
    %dma_start3A_107 = tpu.memref_slice %arg9[%dma_start3A_104, %dma_start3A_105, %dma_start3A_106] : memref<2x128x32xf32, #tpu.memory_space<vmem>> -> memref<1x128x32xf32, #tpu.memory_space<vmem>>
    %dma_start3A_108 = tpu.memref_squeeze %dma_start3A_107 : memref<1x128x32xf32, #tpu.memory_space<vmem>> -> memref<128x32xf32, #tpu.memory_space<vmem>>
    %dma_start3A_109 = arith.constant 0 : i32
    %dma_start3A_110 = arith.constant 0 : i32
    %dma_start3A_111 = tpu.memref_slice %arg4[%add3A_103, %dma_start3A_109, %dma_start3A_110] : memref<832x128x32xf32, #tpu.memory_space<hbm>> -> memref<1x128x32xf32, #tpu.memory_space<hbm>>
    %dma_start3A_112 = tpu.memref_squeeze %dma_start3A_111 : memref<1x128x32xf32, #tpu.memory_space<hbm>> -> memref<128x32xf32, #tpu.memory_space<hbm>>
    %dma_start3A_113 = arith.constant 0 : i32
    %dma_start3A_114 = arith.constant 0 : i32
    %dma_start3A_115 = tpu.memref_slice %arg4[%add3A_103, %dma_start3A_113, %dma_start3A_114] : memref<832x128x32xf32, #tpu.memory_space<hbm>> -> memref<1x128x32xf32, #tpu.memory_space<hbm>>
    %dma_start3A_116 = tpu.memref_squeeze %dma_start3A_115 : memref<1x128x32xf32, #tpu.memory_space<hbm>> -> memref<128x32xf32, #tpu.memory_space<hbm>>
    %dma_start3A_117 = arith.constant 0 : i32
    %dma_start3A_118 = arith.constant 0 : i32
    %dma_start3A_119 = tpu.memref_slice %arg9[%dma_start3A_104, %dma_start3A_117, %dma_start3A_118] : memref<2x128x32xf32, #tpu.memory_space<vmem>> -> memref<1x128x32xf32, #tpu.memory_space<vmem>>
    %dma_start3A_120 = tpu.memref_squeeze %dma_start3A_119 : memref<1x128x32xf32, #tpu.memory_space<vmem>> -> memref<128x32xf32, #tpu.memory_space<vmem>>
    tpu.enqueue_dma source(%dma_start3A_120 : memref<128x32xf32, #tpu.memory_space<vmem>>) target(%dma_start3A_116 : memref<128x32xf32, #tpu.memory_space<hbm>>) target_semaphore(%arg16 : memref<!tpu.dma_semaphore, #tpu.memory_space<semaphore_mem>>)
    %dma_start3A_121 = arith.constant 3 : i32
    %dma_start3A_122 = arith.constant 1 : i32
    %dma_start3A_123 = arith.constant 0 : i32
    %dma_start3A_124 = arith.constant 0 : i32
    %dma_start3A_125 = tpu.memref_slice %arg8[%dma_start3A_122, %dma_start3A_123, %dma_start3A_124] : memref<2x128x128xf32, #tpu.memory_space<vmem>> -> memref<1x128x128xf32, #tpu.memory_space<vmem>>
    %dma_start3A_126 = tpu.memref_squeeze %dma_start3A_125 : memref<1x128x128xf32, #tpu.memory_space<vmem>> -> memref<128x128xf32, #tpu.memory_space<vmem>>
    %dma_start3A_127 = arith.constant 0 : i32
    %dma_start3A_128 = tpu.memref_slice %arg7[%dma_start3A_121, %dma_start3A_127] : memref<26x128xi32, #tpu.memory_space<vmem>> -> memref<1x128xi32, #tpu.memory_space<vmem>>
    %dma_start3A_129 = tpu.memref_squeeze %dma_start3A_128 : memref<1x128xi32, #tpu.memory_space<vmem>> -> memref<128xi32, #tpu.memory_space<vmem>>
    %dma_start3A_130 = arith.constant 0 : i32
    %dma_start3A_131 = arith.constant 0 : i32
    %dma_start3A_132 = tpu.memref_slice %arg3[%dma_start3A_130, %dma_start3A_131] : memref<262144x128xf32, #tpu.memory_space<hbm>> -> memref<262144x128xf32, #tpu.memory_space<hbm>>
    tpu.enqueue_indirect_dma source(%dma_start3A_132 : memref<262144x128xf32, #tpu.memory_space<hbm>>) target(%dma_start3A_126 : memref<128x128xf32, #tpu.memory_space<vmem>>) offsets(%dma_start3A_129 : memref<128xi32, #tpu.memory_space<vmem>>) semaphore(%arg13 : memref<!tpu.dma_semaphore, #tpu.memory_space<semaphore_mem>>)
    %dma_wait3A_133 = arith.constant 2 : i32
    %dma_wait3A_134 = arith.constant 0 : i32
    %dma_wait3A_135 = arith.constant 0 : i32
    %dma_wait3A_136 = arith.constant 0 : i32
    %dma_wait3A_137 = tpu.memref_slice %arg8[%dma_wait3A_134, %dma_wait3A_135, %dma_wait3A_136] : memref<2x128x128xf32, #tpu.memory_space<vmem>> -> memref<1x128x128xf32, #tpu.memory_space<vmem>>
    %dma_wait3A_138 = tpu.memref_squeeze %dma_wait3A_137 : memref<1x128x128xf32, #tpu.memory_space<vmem>> -> memref<128x128xf32, #tpu.memory_space<vmem>>
    %dma_wait3A_139 = arith.constant 0 : i32
    %dma_wait3A_140 = tpu.memref_slice %arg7[%dma_wait3A_133, %dma_wait3A_139] : memref<26x128xi32, #tpu.memory_space<vmem>> -> memref<1x128xi32, #tpu.memory_space<vmem>>
    %dma_wait3A_141 = tpu.memref_squeeze %dma_wait3A_140 : memref<1x128xi32, #tpu.memory_space<vmem>> -> memref<128xi32, #tpu.memory_space<vmem>>
    %dma_wait3A_142 = arith.constant 0 : i32
    %dma_wait3A_143 = arith.constant 0 : i32
    %dma_wait3A_144 = tpu.memref_slice %arg3[%dma_wait3A_142, %dma_wait3A_143] : memref<262144x128xf32, #tpu.memory_space<hbm>> -> memref<262144x128xf32, #tpu.memory_space<hbm>>
    tpu.wait_indirect_dma semaphore(%arg13 : memref<!tpu.dma_semaphore, #tpu.memory_space<semaphore_mem>>) src(%dma_wait3A_144 : memref<262144x128xf32, #tpu.memory_space<hbm>>) dst(%dma_wait3A_138 : memref<128x128xf32, #tpu.memory_space<vmem>>)
    %add3A_145 = arith.constant 2 : i32
    %add3A_146 = arith.addi %mul3A_2, %add3A_145 : i32
    %sub3A = arith.constant 2 : i32
    %sub3A_147 = arith.subi %add3A_146, %sub3A : i32
    %dma_wait3A_148 = arith.constant 0 : i32
    %dma_wait3A_149 = arith.constant 0 : i32
    %dma_wait3A_150 = arith.constant 0 : i32
    %dma_wait3A_151 = tpu.memref_slice %arg9[%dma_wait3A_148, %dma_wait3A_149, %dma_wait3A_150] : memref<2x128x32xf32, #tpu.memory_space<vmem>> -> memref<1x128x32xf32, #tpu.memory_space<vmem>>
    %dma_wait3A_152 = tpu.memref_squeeze %dma_wait3A_151 : memref<1x128x32xf32, #tpu.memory_space<vmem>> -> memref<128x32xf32, #tpu.memory_space<vmem>>
    %dma_wait3A_153 = arith.constant 0 : i32
    %dma_wait3A_154 = arith.constant 0 : i32
    %dma_wait3A_155 = tpu.memref_slice %arg4[%sub3A_147, %dma_wait3A_153, %dma_wait3A_154] : memref<832x128x32xf32, #tpu.memory_space<hbm>> -> memref<1x128x32xf32, #tpu.memory_space<hbm>>
    %dma_wait3A_156 = tpu.memref_squeeze %dma_wait3A_155 : memref<1x128x32xf32, #tpu.memory_space<hbm>> -> memref<128x32xf32, #tpu.memory_space<hbm>>
    %dma_wait3A_157 = arith.constant 0 : i32
    %dma_wait3A_158 = arith.constant 0 : i32
    %dma_wait3A_159 = tpu.memref_slice %arg4[%sub3A_147, %dma_wait3A_157, %dma_wait3A_158] : memref<832x128x32xf32, #tpu.memory_space<hbm>> -> memref<1x128x32xf32, #tpu.memory_space<hbm>>
    %dma_wait3A_160 = tpu.memref_squeeze %dma_wait3A_159 : memref<1x128x32xf32, #tpu.memory_space<hbm>> -> memref<128x32xf32, #tpu.memory_space<hbm>>
    %dma_wait3A_161 = arith.constant 0 : i32
    %dma_wait3A_162 = arith.constant 0 : i32
    %dma_wait3A_163 = tpu.memref_slice %arg9[%dma_wait3A_148, %dma_wait3A_161, %dma_wait3A_162] : memref<2x128x32xf32, #tpu.memory_space<vmem>> -> memref<1x128x32xf32, #tpu.memory_space<vmem>>
    %dma_wait3A_164 = tpu.memref_squeeze %dma_wait3A_163 : memref<1x128x32xf32, #tpu.memory_space<vmem>> -> memref<128x32xf32, #tpu.memory_space<vmem>>
    tpu.wait_dma2 semaphore(%arg14 : memref<!tpu.dma_semaphore, #tpu.memory_space<semaphore_mem>>) src(%dma_wait3A_164 : memref<128x32xf32, #tpu.memory_space<vmem>>) dst(%dma_wait3A_160 : memref<128x32xf32, #tpu.memory_space<hbm>>)
    %broadcast_in_dim3A_165 = arith.constant 0 : i32
    %broadcast_in_dim3A_166 = vector.broadcast %broadcast_in_dim3A_165 : i32 to vector<16xi32>
    %scan3A_167 = arith.constant 0 : i32
    %scan3A_168 = arith.constant 0 : i32
    %scan3A_169 = arith.constant 8 : i32
    %scan3A_170 = arith.addi %scan3A_168, %scan3A_169 : i32
    %scan3A_171 = arith.constant 1 : i32
    scf.for %scan3A_1874 = %scan3A_168 to %scan3A_170 step %scan3A_171  : i32 {
      %mul3A_1875 = arith.constant 16 : i32
      %mul3A_1876 = arith.muli %scan3A_1874, %mul3A_1875 : i32
      %get3A = arith.constant 0 : i32
      %get3A_1877 = arith.constant 2 : i32
      %get3A_1878 = arith.index_cast %get3A : i32 to index
      %get3A_1879 = arith.index_cast %get3A_1877 : i32 to index
      %get3A_1880 = arith.index_cast %mul3A_1876 : i32 to index
      %get3A_1881 = tpu.vector_load %arg6[%get3A_1878, %get3A_1879, %get3A_1880] {strides = array<i32>} : memref<2x26x128xi32, #tpu.memory_space<vmem>>, vector<16xi32>,
      %jit3A = arith.constant 262144 : i32
      %div3A = vector.broadcast %jit3A : i32 to vector<16xi32>
      %div3A_1882 = arith.divsi %get3A_1881, %div3A : vector<16xi32>
      %sign3A = arith.constant 0 : i32
      %sign3A_1883 = vector.broadcast %sign3A : i32 to vector<16xi32>
      %sign3A_1884 = arith.cmpi sgt, %get3A_1881, %sign3A_1883 : vector<16xi32>
      %sign3A_1885 = arith.extui %sign3A_1884 : vector<16xi1> to vector<16xi32>
      %sign3A_1886 = arith.constant 0 : i32
      %sign3A_1887 = vector.broadcast %sign3A_1886 : i32 to vector<16xi32>
      %sign3A_1888 = arith.cmpi slt, %get3A_1881, %sign3A_1887 : vector<16xi32>
      %sign3A_1889 = arith.extui %sign3A_1888 : vector<16xi1> to vector<16xi32>
      %sign3A_1890 = arith.subi %sign3A_1885, %sign3A_1889 : vector<16xi32>
      %sign3A_1891 = arith.constant 0 : i32
      %sign3A_1892 = arith.cmpi sgt, %jit3A, %sign3A_1891 : i32
      %sign3A_1893 = arith.extui %sign3A_1892 : i1 to i32
      %sign3A_1894 = arith.constant 0 : i32
      %sign3A_1895 = arith.cmpi slt, %jit3A, %sign3A_1894 : i32
      %sign3A_1896 = arith.extui %sign3A_1895 : i1 to i32
      %sign3A_1897 = arith.subi %sign3A_1893, %sign3A_1896 : i32
      %ne3A = vector.broadcast %sign3A_1897 : i32 to vector<16xi32>
      %ne3A_1898 = arith.cmpi ne, %sign3A_1890, %ne3A : vector<16xi32>
      %rem3A = vector.broadcast %jit3A : i32 to vector<16xi32>
      %rem3A_1899 = arith.remsi %get3A_1881, %rem3A : vector<16xi32>
      %ne3A_1900 = arith.constant 0 : i32
      %ne3A_1901 = vector.broadcast %ne3A_1900 : i32 to vector<16xi32>
      %ne3A_1902 = arith.cmpi ne, %rem3A_1899, %ne3A_1901 : vector<16xi32>
      %and3A = arith.andi %ne3A_1898, %ne3A_1902 : vector<16xi1>
      %sub3A_1903 = arith.constant 1 : i32
      %sub3A_1904 = vector.broadcast %sub3A_1903 : i32 to vector<16xi32>
      %sub3A_1905 = arith.subi %div3A_1882, %sub3A_1904 : vector<16xi32>
      %select_n3A = arith.select %and3A, %sub3A_1905, %div3A_1882 : vector<16xi1>, vector<16xi32>
      %mul3A_1906 = arith.constant 32 : i32
      %mul3A_1907 = vector.broadcast %mul3A_1906 : i32 to vector<16xi32>
      %mul3A_1908 = arith.muli %select_n3A, %mul3A_1907 : vector<16xi32>
      %mul3A_1909 = arith.constant 16 : i32
      %mul3A_1910 = arith.muli %scan3A_1874, %mul3A_1909 : i32
      %add3A_1911 = vector.broadcast %mul3A_1910 : i32 to vector<16xi32>
      %add3A_1912 = arith.addi %add3A_1911, %iota3A : vector<16xi32>
      %scan3A_1913 = arith.constant 0 : i32
      %scan3A_1914 = arith.constant 0 : i32
      %scan3A_1915 = arith.constant 32 : i32
      %scan3A_1916 = arith.addi %scan3A_1914, %scan3A_1915 : i32
      %scan3A_1917 = arith.constant 1 : i32
      scf.for %scan3A_1919 = %scan3A_1914 to %scan3A_1916 step %scan3A_1917  : i32 {
        %add3A_1920 = vector.broadcast %scan3A_1919 : i32 to vector<16xi32>
        %add3A_1921 = arith.addi %mul3A_1908, %add3A_1920 : vector<16xi32>
        %gather3A = tpu.vector_load_idx %arg8[%broadcast_in_dim3A_166, %add3A_1912, %add3A_1921] : memref<2x128x128xf32, #tpu.memory_space<vmem>>[vector<16xi32>, vector<16xi32>, vector<16xi32>], vector<16xf32>,
        %broadcast_in_dim3A_1922 = arith.constant 0 : i32
        %broadcast_in_dim3A_1923 = vector.broadcast %broadcast_in_dim3A_1922 : i32 to vector<16xi32>
        %add3A_1924 = vector.broadcast %scan3A_1919 : i32 to vector<16xi32>
        %add3A_1925 = arith.addi %broadcast_in_dim3A_1923, %add3A_1924 : vector<16xi32>
        tpu.vector_store_idx %arg9[%broadcast_in_dim3A_166, %add3A_1912, %add3A_1925], %gather3A : memref<2x128x32xf32, #tpu.memory_space<vmem>>[vector<16xi32>, vector<16xi32>, vector<16xi32>], vector<16xf32>,
      }
      %scan3A_1918 = arith.constant 32 : i32
    }
    %scan3A_172 = arith.constant 8 : i32
    %add3A_173 = arith.constant 2 : i32
    %add3A_174 = arith.addi %mul3A_2, %add3A_173 : i32
    %dma_start3A_175 = arith.constant 0 : i32
    %dma_start3A_176 = arith.constant 0 : i32
    %dma_start3A_177 = arith.constant 0 : i32
    %dma_start3A_178 = tpu.memref_slice %arg9[%dma_start3A_175, %dma_start3A_176, %dma_start3A_177] : memref<2x128x32xf32, #tpu.memory_space<vmem>> -> memref<1x128x32xf32, #tpu.memory_space<vmem>>
    %dma_start3A_179 = tpu.memref_squeeze %dma_start3A_178 : memref<1x128x32xf32, #tpu.memory_space<vmem>> -> memref<128x32xf32, #tpu.memory_space<vmem>>
    %dma_start3A_180 = arith.constant 0 : i32
    %dma_start3A_181 = arith.constant 0 : i32
    %dma_start3A_182 = tpu.memref_slice %arg4[%add3A_174, %dma_start3A_180, %dma_start3A_181] : memref<832x128x32xf32, #tpu.memory_space<hbm>> -> memref<1x128x32xf32, #tpu.memory_space<hbm>>
    %dma_start3A_183 = tpu.memref_squeeze %dma_start3A_182 : memref<1x128x32xf32, #tpu.memory_space<hbm>> -> memref<128x32xf32, #tpu.memory_space<hbm>>
    %dma_start3A_184 = arith.constant 0 : i32
    %dma_start3A_185 = arith.constant 0 : i32
    %dma_start3A_186 = tpu.memref_slice %arg4[%add3A_174, %dma_start3A_184, %dma_start3A_185] : memref<832x128x32xf32, #tpu.memory_space<hbm>> -> memref<1x128x32xf32, #tpu.memory_space<hbm>>
    %dma_start3A_187 = tpu.memref_squeeze %dma_start3A_186 : memref<1x128x32xf32, #tpu.memory_space<hbm>> -> memref<128x32xf32, #tpu.memory_space<hbm>>
    %dma_start3A_188 = arith.constant 0 : i32
    %dma_start3A_189 = arith.constant 0 : i32
    %dma_start3A_190 = tpu.memref_slice %arg9[%dma_start3A_175, %dma_start3A_188, %dma_start3A_189] : memref<2x128x32xf32, #tpu.memory_space<vmem>> -> memref<1x128x32xf32, #tpu.memory_space<vmem>>
    %dma_start3A_191 = tpu.memref_squeeze %dma_start3A_190 : memref<1x128x32xf32, #tpu.memory_space<vmem>> -> memref<128x32xf32, #tpu.memory_space<vmem>>
    tpu.enqueue_dma source(%dma_start3A_191 : memref<128x32xf32, #tpu.memory_space<vmem>>) target(%dma_start3A_187 : memref<128x32xf32, #tpu.memory_space<hbm>>) target_semaphore(%arg14 : memref<!tpu.dma_semaphore, #tpu.memory_space<semaphore_mem>>)
    %dma_start3A_192 = arith.constant 4 : i32
    %dma_start3A_193 = arith.constant 0 : i32
    %dma_start3A_194 = arith.constant 0 : i32
    %dma_start3A_195 = arith.constant 0 : i32
    %dma_start3A_196 = tpu.memref_slice %arg8[%dma_start3A_193, %dma_start3A_194, %dma_start3A_195] : memref<2x128x128xf32, #tpu.memory_space<vmem>> -> memref<1x128x128xf32, #tpu.memory_space<vmem>>
    %dma_start3A_197 = tpu.memref_squeeze %dma_start3A_196 : memref<1x128x128xf32, #tpu.memory_space<vmem>> -> memref<128x128xf32, #tpu.memory_space<vmem>>
    %dma_start3A_198 = arith.constant 0 : i32
    %dma_start3A_199 = tpu.memref_slice %arg7[%dma_start3A_192, %dma_start3A_198] : memref<26x128xi32, #tpu.memory_space<vmem>> -> memref<1x128xi32, #tpu.memory_space<vmem>>
    %dma_start3A_200 = tpu.memref_squeeze %dma_start3A_199 : memref<1x128xi32, #tpu.memory_space<vmem>> -> memref<128xi32, #tpu.memory_space<vmem>>
    %dma_start3A_201 = arith.constant 0 : i32
    %dma_start3A_202 = arith.constant 0 : i32
    %dma_start3A_203 = tpu.memref_slice %arg3[%dma_start3A_201, %dma_start3A_202] : memref<262144x128xf32, #tpu.memory_space<hbm>> -> memref<262144x128xf32, #tpu.memory_space<hbm>>
    tpu.enqueue_indirect_dma source(%dma_start3A_203 : memref<262144x128xf32, #tpu.memory_space<hbm>>) target(%dma_start3A_197 : memref<128x128xf32, #tpu.memory_space<vmem>>) offsets(%dma_start3A_200 : memref<128xi32, #tpu.memory_space<vmem>>) semaphore(%arg13 : memref<!tpu.dma_semaphore, #tpu.memory_space<semaphore_mem>>)
    %dma_wait3A_204 = arith.constant 3 : i32
    %dma_wait3A_205 = arith.constant 1 : i32
    %dma_wait3A_206 = arith.constant 0 : i32
    %dma_wait3A_207 = arith.constant 0 : i32
    %dma_wait3A_208 = tpu.memref_slice %arg8[%dma_wait3A_205, %dma_wait3A_206, %dma_wait3A_207] : memref<2x128x128xf32, #tpu.memory_space<vmem>> -> memref<1x128x128xf32, #tpu.memory_space<vmem>>
    %dma_wait3A_209 = tpu.memref_squeeze %dma_wait3A_208 : memref<1x128x128xf32, #tpu.memory_space<vmem>> -> memref<128x128xf32, #tpu.memory_space<vmem>>
    %dma_wait3A_210 = arith.constant 0 : i32
    %dma_wait3A_211 = tpu.memref_slice %arg7[%dma_wait3A_204, %dma_wait3A_210] : memref<26x128xi32, #tpu.memory_space<vmem>> -> memref<1x128xi32, #tpu.memory_space<vmem>>
    %dma_wait3A_212 = tpu.memref_squeeze %dma_wait3A_211 : memref<1x128xi32, #tpu.memory_space<vmem>> -> memref<128xi32, #tpu.memory_space<vmem>>
    %dma_wait3A_213 = arith.constant 0 : i32
    %dma_wait3A_214 = arith.constant 0 : i32
    %dma_wait3A_215 = tpu.memref_slice %arg3[%dma_wait3A_213, %dma_wait3A_214] : memref<262144x128xf32, #tpu.memory_space<hbm>> -> memref<262144x128xf32, #tpu.memory_space<hbm>>
    tpu.wait_indirect_dma semaphore(%arg13 : memref<!tpu.dma_semaphore, #tpu.memory_space<semaphore_mem>>) src(%dma_wait3A_215 : memref<262144x128xf32, #tpu.memory_space<hbm>>) dst(%dma_wait3A_209 : memref<128x128xf32, #tpu.memory_space<vmem>>)
    %add3A_216 = arith.constant 3 : i32
    %add3A_217 = arith.addi %mul3A_2, %add3A_216 : i32
    %sub3A_218 = arith.constant 2 : i32
    %sub3A_219 = arith.subi %add3A_217, %sub3A_218 : i32
    %dma_wait3A_220 = arith.constant 1 : i32
    %dma_wait3A_221 = arith.constant 0 : i32
    %dma_wait3A_222 = arith.constant 0 : i32
    %dma_wait3A_223 = tpu.memref_slice %arg9[%dma_wait3A_220, %dma_wait3A_221, %dma_wait3A_222] : memref<2x128x32xf32, #tpu.memory_space<vmem>> -> memref<1x128x32xf32, #tpu.memory_space<vmem>>
    %dma_wait3A_224 = tpu.memref_squeeze %dma_wait3A_223 : memref<1x128x32xf32, #tpu.memory_space<vmem>> -> memref<128x32xf32, #tpu.memory_space<vmem>>
    %dma_wait3A_225 = arith.constant 0 : i32
    %dma_wait3A_226 = arith.constant 0 : i32
    %dma_wait3A_227 = tpu.memref_slice %arg4[%sub3A_219, %dma_wait3A_225, %dma_wait3A_226] : memref<832x128x32xf32, #tpu.memory_space<hbm>> -> memref<1x128x32xf32, #tpu.memory_space<hbm>>
    %dma_wait3A_228 = tpu.memref_squeeze %dma_wait3A_227 : memref<1x128x32xf32, #tpu.memory_space<hbm>> -> memref<128x32xf32, #tpu.memory_space<hbm>>
    %dma_wait3A_229 = arith.constant 0 : i32
    %dma_wait3A_230 = arith.constant 0 : i32
    %dma_wait3A_231 = tpu.memref_slice %arg4[%sub3A_219, %dma_wait3A_229, %dma_wait3A_230] : memref<832x128x32xf32, #tpu.memory_space<hbm>> -> memref<1x128x32xf32, #tpu.memory_space<hbm>>
    %dma_wait3A_232 = tpu.memref_squeeze %dma_wait3A_231 : memref<1x128x32xf32, #tpu.memory_space<hbm>> -> memref<128x32xf32, #tpu.memory_space<hbm>>
    %dma_wait3A_233 = arith.constant 0 : i32
    %dma_wait3A_234 = arith.constant 0 : i32
    %dma_wait3A_235 = tpu.memref_slice %arg9[%dma_wait3A_220, %dma_wait3A_233, %dma_wait3A_234] : memref<2x128x32xf32, #tpu.memory_space<vmem>> -> memref<1x128x32xf32, #tpu.memory_space<vmem>>
    %dma_wait3A_236 = tpu.memref_squeeze %dma_wait3A_235 : memref<1x128x32xf32, #tpu.memory_space<vmem>> -> memref<128x32xf32, #tpu.memory_space<vmem>>
    tpu.wait_dma2 semaphore(%arg16 : memref<!tpu.dma_semaphore, #tpu.memory_space<semaphore_mem>>) src(%dma_wait3A_236 : memref<128x32xf32, #tpu.memory_space<vmem>>) dst(%dma_wait3A_232 : memref<128x32xf32, #tpu.memory_space<hbm>>)
    %broadcast_in_dim3A_237 = arith.constant 1 : i32
    %broadcast_in_dim3A_238 = vector.broadcast %broadcast_in_dim3A_237 : i32 to vector<16xi32>
    %scan3A_239 = arith.constant 0 : i32
    %scan3A_240 = arith.constant 0 : i32
    %scan3A_241 = arith.constant 8 : i32
    %scan3A_242 = arith.addi %scan3A_240, %scan3A_241 : i32
    %scan3A_243 = arith.constant 1 : i32
    scf.for %scan3A_1874 = %scan3A_240 to %scan3A_242 step %scan3A_243  : i32 {
      %mul3A_1875 = arith.constant 16 : i32
      %mul3A_1876 = arith.muli %scan3A_1874, %mul3A_1875 : i32
      %get3A = arith.constant 0 : i32
      %get3A_1877 = arith.constant 3 : i32
      %get3A_1878 = arith.index_cast %get3A : i32 to index
      %get3A_1879 = arith.index_cast %get3A_1877 : i32 to index
      %get3A_1880 = arith.index_cast %mul3A_1876 : i32 to index
      %get3A_1881 = tpu.vector_load %arg6[%get3A_1878, %get3A_1879, %get3A_1880] {strides = array<i32>} : memref<2x26x128xi32, #tpu.memory_space<vmem>>, vector<16xi32>,
      %jit3A = arith.constant 262144 : i32
      %div3A = vector.broadcast %jit3A : i32 to vector<16xi32>
      %div3A_1882 = arith.divsi %get3A_1881, %div3A : vector<16xi32>
      %sign3A = arith.constant 0 : i32
      %sign3A_1883 = vector.broadcast %sign3A : i32 to vector<16xi32>
      %sign3A_1884 = arith.cmpi sgt, %get3A_1881, %sign3A_1883 : vector<16xi32>
      %sign3A_1885 = arith.extui %sign3A_1884 : vector<16xi1> to vector<16xi32>
      %sign3A_1886 = arith.constant 0 : i32
      %sign3A_1887 = vector.broadcast %sign3A_1886 : i32 to vector<16xi32>
      %sign3A_1888 = arith.cmpi slt, %get3A_1881, %sign3A_1887 : vector<16xi32>
      %sign3A_1889 = arith.extui %sign3A_1888 : vector<16xi1> to vector<16xi32>
      %sign3A_1890 = arith.subi %sign3A_1885, %sign3A_1889 : vector<16xi32>
      %sign3A_1891 = arith.constant 0 : i32
      %sign3A_1892 = arith.cmpi sgt, %jit3A, %sign3A_1891 : i32
      %sign3A_1893 = arith.extui %sign3A_1892 : i1 to i32
      %sign3A_1894 = arith.constant 0 : i32
      %sign3A_1895 = arith.cmpi slt, %jit3A, %sign3A_1894 : i32
      %sign3A_1896 = arith.extui %sign3A_1895 : i1 to i32
      %sign3A_1897 = arith.subi %sign3A_1893, %sign3A_1896 : i32
      %ne3A = vector.broadcast %sign3A_1897 : i32 to vector<16xi32>
      %ne3A_1898 = arith.cmpi ne, %sign3A_1890, %ne3A : vector<16xi32>
      %rem3A = vector.broadcast %jit3A : i32 to vector<16xi32>
      %rem3A_1899 = arith.remsi %get3A_1881, %rem3A : vector<16xi32>
      %ne3A_1900 = arith.constant 0 : i32
      %ne3A_1901 = vector.broadcast %ne3A_1900 : i32 to vector<16xi32>
      %ne3A_1902 = arith.cmpi ne, %rem3A_1899, %ne3A_1901 : vector<16xi32>
      %and3A = arith.andi %ne3A_1898, %ne3A_1902 : vector<16xi1>
      %sub3A_1903 = arith.constant 1 : i32
      %sub3A_1904 = vector.broadcast %sub3A_1903 : i32 to vector<16xi32>
      %sub3A_1905 = arith.subi %div3A_1882, %sub3A_1904 : vector<16xi32>
      %select_n3A = arith.select %and3A, %sub3A_1905, %div3A_1882 : vector<16xi1>, vector<16xi32>
      %mul3A_1906 = arith.constant 32 : i32
      %mul3A_1907 = vector.broadcast %mul3A_1906 : i32 to vector<16xi32>
      %mul3A_1908 = arith.muli %select_n3A, %mul3A_1907 : vector<16xi32>
      %mul3A_1909 = arith.constant 16 : i32
      %mul3A_1910 = arith.muli %scan3A_1874, %mul3A_1909 : i32
      %add3A_1911 = vector.broadcast %mul3A_1910 : i32 to vector<16xi32>
      %add3A_1912 = arith.addi %add3A_1911, %iota3A : vector<16xi32>
      %scan3A_1913 = arith.constant 0 : i32
      %scan3A_1914 = arith.constant 0 : i32
      %scan3A_1915 = arith.constant 32 : i32
      %scan3A_1916 = arith.addi %scan3A_1914, %scan3A_1915 : i32
      %scan3A_1917 = arith.constant 1 : i32
      scf.for %scan3A_1919 = %scan3A_1914 to %scan3A_1916 step %scan3A_1917  : i32 {
        %add3A_1920 = vector.broadcast %scan3A_1919 : i32 to vector<16xi32>
        %add3A_1921 = arith.addi %mul3A_1908, %add3A_1920 : vector<16xi32>
        %gather3A = tpu.vector_load_idx %arg8[%broadcast_in_dim3A_238, %add3A_1912, %add3A_1921] : memref<2x128x128xf32, #tpu.memory_space<vmem>>[vector<16xi32>, vector<16xi32>, vector<16xi32>], vector<16xf32>,
        %broadcast_in_dim3A_1922 = arith.constant 0 : i32
        %broadcast_in_dim3A_1923 = vector.broadcast %broadcast_in_dim3A_1922 : i32 to vector<16xi32>
        %add3A_1924 = vector.broadcast %scan3A_1919 : i32 to vector<16xi32>
        %add3A_1925 = arith.addi %broadcast_in_dim3A_1923, %add3A_1924 : vector<16xi32>
        tpu.vector_store_idx %arg9[%broadcast_in_dim3A_238, %add3A_1912, %add3A_1925], %gather3A : memref<2x128x32xf32, #tpu.memory_space<vmem>>[vector<16xi32>, vector<16xi32>, vector<16xi32>], vector<16xf32>,
      }
      %scan3A_1918 = arith.constant 32 : i32
    }
    %scan3A_244 = arith.constant 8 : i32
    %add3A_245 = arith.constant 3 : i32
    %add3A_246 = arith.addi %mul3A_2, %add3A_245 : i32
    %dma_start3A_247 = arith.constant 1 : i32
    %dma_start3A_248 = arith.constant 0 : i32
    %dma_start3A_249 = arith.constant 0 : i32
    %dma_start3A_250 = tpu.memref_slice %arg9[%dma_start3A_247, %dma_start3A_248, %dma_start3A_249] : memref<2x128x32xf32, #tpu.memory_space<vmem>> -> memref<1x128x32xf32, #tpu.memory_space<vmem>>
    %dma_start3A_251 = tpu.memref_squeeze %dma_start3A_250 : memref<1x128x32xf32, #tpu.memory_space<vmem>> -> memref<128x32xf32, #tpu.memory_space<vmem>>
    %dma_start3A_252 = arith.constant 0 : i32
    %dma_start3A_253 = arith.constant 0 : i32
    %dma_start3A_254 = tpu.memref_slice %arg4[%add3A_246, %dma_start3A_252, %dma_start3A_253] : memref<832x128x32xf32, #tpu.memory_space<hbm>> -> memref<1x128x32xf32, #tpu.memory_space<hbm>>
    %dma_start3A_255 = tpu.memref_squeeze %dma_start3A_254 : memref<1x128x32xf32, #tpu.memory_space<hbm>> -> memref<128x32xf32, #tpu.memory_space<hbm>>
    %dma_start3A_256 = arith.constant 0 : i32
    %dma_start3A_257 = arith.constant 0 : i32
    %dma_start3A_258 = tpu.memref_slice %arg4[%add3A_246, %dma_start3A_256, %dma_start3A_257] : memref<832x128x32xf32, #tpu.memory_space<hbm>> -> memref<1x128x32xf32, #tpu.memory_space<hbm>>
    %dma_start3A_259 = tpu.memref_squeeze %dma_start3A_258 : memref<1x128x32xf32, #tpu.memory_space<hbm>> -> memref<128x32xf32, #tpu.memory_space<hbm>>
    %dma_start3A_260 = arith.constant 0 : i32
    %dma_start3A_261 = arith.constant 0 : i32
    %dma_start3A_262 = tpu.memref_slice %arg9[%dma_start3A_247, %dma_start3A_260, %dma_start3A_261] : memref<2x128x32xf32, #tpu.memory_space<vmem>> -> memref<1x128x32xf32, #tpu.memory_space<vmem>>
    %dma_start3A_263 = tpu.memref_squeeze %dma_start3A_262 : memref<1x128x32xf32, #tpu.memory_space<vmem>> -> memref<128x32xf32, #tpu.memory_space<vmem>>
    tpu.enqueue_dma source(%dma_start3A_263 : memref<128x32xf32, #tpu.memory_space<vmem>>) target(%dma_start3A_259 : memref<128x32xf32, #tpu.memory_space<hbm>>) target_semaphore(%arg16 : memref<!tpu.dma_semaphore, #tpu.memory_space<semaphore_mem>>)
    %dma_start3A_264 = arith.constant 5 : i32
    %dma_start3A_265 = arith.constant 1 : i32
    %dma_start3A_266 = arith.constant 0 : i32
    %dma_start3A_267 = arith.constant 0 : i32
    %dma_start3A_268 = tpu.memref_slice %arg8[%dma_start3A_265, %dma_start3A_266, %dma_start3A_267] : memref<2x128x128xf32, #tpu.memory_space<vmem>> -> memref<1x128x128xf32, #tpu.memory_space<vmem>>
    %dma_start3A_269 = tpu.memref_squeeze %dma_start3A_268 : memref<1x128x128xf32, #tpu.memory_space<vmem>> -> memref<128x128xf32, #tpu.memory_space<vmem>>
    %dma_start3A_270 = arith.constant 0 : i32
    %dma_start3A_271 = tpu.memref_slice %arg7[%dma_start3A_264, %dma_start3A_270] : memref<26x128xi32, #tpu.memory_space<vmem>> -> memref<1x128xi32, #tpu.memory_space<vmem>>
    %dma_start3A_272 = tpu.memref_squeeze %dma_start3A_271 : memref<1x128xi32, #tpu.memory_space<vmem>> -> memref<128xi32, #tpu.memory_space<vmem>>
    %dma_start3A_273 = arith.constant 0 : i32
    %dma_start3A_274 = arith.constant 0 : i32
    %dma_start3A_275 = tpu.memref_slice %arg3[%dma_start3A_273, %dma_start3A_274] : memref<262144x128xf32, #tpu.memory_space<hbm>> -> memref<262144x128xf32, #tpu.memory_space<hbm>>
    tpu.enqueue_indirect_dma source(%dma_start3A_275 : memref<262144x128xf32, #tpu.memory_space<hbm>>) target(%dma_start3A_269 : memref<128x128xf32, #tpu.memory_space<vmem>>) offsets(%dma_start3A_272 : memref<128xi32, #tpu.memory_space<vmem>>) semaphore(%arg13 : memref<!tpu.dma_semaphore, #tpu.memory_space<semaphore_mem>>)
    %dma_wait3A_276 = arith.constant 4 : i32
    %dma_wait3A_277 = arith.constant 0 : i32
    %dma_wait3A_278 = arith.constant 0 : i32
    %dma_wait3A_279 = arith.constant 0 : i32
    %dma_wait3A_280 = tpu.memref_slice %arg8[%dma_wait3A_277, %dma_wait3A_278, %dma_wait3A_279] : memref<2x128x128xf32, #tpu.memory_space<vmem>> -> memref<1x128x128xf32, #tpu.memory_space<vmem>>
    %dma_wait3A_281 = tpu.memref_squeeze %dma_wait3A_280 : memref<1x128x128xf32, #tpu.memory_space<vmem>> -> memref<128x128xf32, #tpu.memory_space<vmem>>
    %dma_wait3A_282 = arith.constant 0 : i32
    %dma_wait3A_283 = tpu.memref_slice %arg7[%dma_wait3A_276, %dma_wait3A_282] : memref<26x128xi32, #tpu.memory_space<vmem>> -> memref<1x128xi32, #tpu.memory_space<vmem>>
    %dma_wait3A_284 = tpu.memref_squeeze %dma_wait3A_283 : memref<1x128xi32, #tpu.memory_space<vmem>> -> memref<128xi32, #tpu.memory_space<vmem>>
    %dma_wait3A_285 = arith.constant 0 : i32
    %dma_wait3A_286 = arith.constant 0 : i32
    %dma_wait3A_287 = tpu.memref_slice %arg3[%dma_wait3A_285, %dma_wait3A_286] : memref<262144x128xf32, #tpu.memory_space<hbm>> -> memref<262144x128xf32, #tpu.memory_space<hbm>>
    tpu.wait_indirect_dma semaphore(%arg13 : memref<!tpu.dma_semaphore, #tpu.memory_space<semaphore_mem>>) src(%dma_wait3A_287 : memref<262144x128xf32, #tpu.memory_space<hbm>>) dst(%dma_wait3A_281 : memref<128x128xf32, #tpu.memory_space<vmem>>)
    %add3A_288 = arith.constant 4 : i32
    %add3A_289 = arith.addi %mul3A_2, %add3A_288 : i32
    %sub3A_290 = arith.constant 2 : i32
    %sub3A_291 = arith.subi %add3A_289, %sub3A_290 : i32
    %dma_wait3A_292 = arith.constant 0 : i32
    %dma_wait3A_293 = arith.constant 0 : i32
    %dma_wait3A_294 = arith.constant 0 : i32
    %dma_wait3A_295 = tpu.memref_slice %arg9[%dma_wait3A_292, %dma_wait3A_293, %dma_wait3A_294] : memref<2x128x32xf32, #tpu.memory_space<vmem>> -> memref<1x128x32xf32, #tpu.memory_space<vmem>>
    %dma_wait3A_296 = tpu.memref_squeeze %dma_wait3A_295 : memref<1x128x32xf32, #tpu.memory_space<vmem>> -> memref<128x32xf32, #tpu.memory_space<vmem>>
    %dma_wait3A_297 = arith.constant 0 : i32
    %dma_wait3A_298 = arith.constant 0 : i32
    %dma_wait3A_299 = tpu.memref_slice %arg4[%sub3A_291, %dma_wait3A_297, %dma_wait3A_298] : memref<832x128x32xf32, #tpu.memory_space<hbm>> -> memref<1x128x32xf32, #tpu.memory_space<hbm>>
    %dma_wait3A_300 = tpu.memref_squeeze %dma_wait3A_299 : memref<1x128x32xf32, #tpu.memory_space<hbm>> -> memref<128x32xf32, #tpu.memory_space<hbm>>
    %dma_wait3A_301 = arith.constant 0 : i32
    %dma_wait3A_302 = arith.constant 0 : i32
    %dma_wait3A_303 = tpu.memref_slice %arg4[%sub3A_291, %dma_wait3A_301, %dma_wait3A_302] : memref<832x128x32xf32, #tpu.memory_space<hbm>> -> memref<1x128x32xf32, #tpu.memory_space<hbm>>
    %dma_wait3A_304 = tpu.memref_squeeze %dma_wait3A_303 : memref<1x128x32xf32, #tpu.memory_space<hbm>> -> memref<128x32xf32, #tpu.memory_space<hbm>>
    %dma_wait3A_305 = arith.constant 0 : i32
    %dma_wait3A_306 = arith.constant 0 : i32
    %dma_wait3A_307 = tpu.memref_slice %arg9[%dma_wait3A_292, %dma_wait3A_305, %dma_wait3A_306] : memref<2x128x32xf32, #tpu.memory_space<vmem>> -> memref<1x128x32xf32, #tpu.memory_space<vmem>>
    %dma_wait3A_308 = tpu.memref_squeeze %dma_wait3A_307 : memref<1x128x32xf32, #tpu.memory_space<vmem>> -> memref<128x32xf32, #tpu.memory_space<vmem>>
    tpu.wait_dma2 semaphore(%arg14 : memref<!tpu.dma_semaphore, #tpu.memory_space<semaphore_mem>>) src(%dma_wait3A_308 : memref<128x32xf32, #tpu.memory_space<vmem>>) dst(%dma_wait3A_304 : memref<128x32xf32, #tpu.memory_space<hbm>>)
    %broadcast_in_dim3A_309 = arith.constant 0 : i32
    %broadcast_in_dim3A_310 = vector.broadcast %broadcast_in_dim3A_309 : i32 to vector<16xi32>
    %scan3A_311 = arith.constant 0 : i32
    %scan3A_312 = arith.constant 0 : i32
    %scan3A_313 = arith.constant 8 : i32
    %scan3A_314 = arith.addi %scan3A_312, %scan3A_313 : i32
    %scan3A_315 = arith.constant 1 : i32
    scf.for %scan3A_1874 = %scan3A_312 to %scan3A_314 step %scan3A_315  : i32 {
      %mul3A_1875 = arith.constant 16 : i32
      %mul3A_1876 = arith.muli %scan3A_1874, %mul3A_1875 : i32
      %get3A = arith.constant 0 : i32
      %get3A_1877 = arith.constant 4 : i32
      %get3A_1878 = arith.index_cast %get3A : i32 to index
      %get3A_1879 = arith.index_cast %get3A_1877 : i32 to index
      %get3A_1880 = arith.index_cast %mul3A_1876 : i32 to index
      %get3A_1881 = tpu.vector_load %arg6[%get3A_1878, %get3A_1879, %get3A_1880] {strides = array<i32>} : memref<2x26x128xi32, #tpu.memory_space<vmem>>, vector<16xi32>,
      %jit3A = arith.constant 262144 : i32
      %div3A = vector.broadcast %jit3A : i32 to vector<16xi32>
      %div3A_1882 = arith.divsi %get3A_1881, %div3A : vector<16xi32>
      %sign3A = arith.constant 0 : i32
      %sign3A_1883 = vector.broadcast %sign3A : i32 to vector<16xi32>
      %sign3A_1884 = arith.cmpi sgt, %get3A_1881, %sign3A_1883 : vector<16xi32>
      %sign3A_1885 = arith.extui %sign3A_1884 : vector<16xi1> to vector<16xi32>
      %sign3A_1886 = arith.constant 0 : i32
      %sign3A_1887 = vector.broadcast %sign3A_1886 : i32 to vector<16xi32>
      %sign3A_1888 = arith.cmpi slt, %get3A_1881, %sign3A_1887 : vector<16xi32>
      %sign3A_1889 = arith.extui %sign3A_1888 : vector<16xi1> to vector<16xi32>
      %sign3A_1890 = arith.subi %sign3A_1885, %sign3A_1889 : vector<16xi32>
      %sign3A_1891 = arith.constant 0 : i32
      %sign3A_1892 = arith.cmpi sgt, %jit3A, %sign3A_1891 : i32
      %sign3A_1893 = arith.extui %sign3A_1892 : i1 to i32
      %sign3A_1894 = arith.constant 0 : i32
      %sign3A_1895 = arith.cmpi slt, %jit3A, %sign3A_1894 : i32
      %sign3A_1896 = arith.extui %sign3A_1895 : i1 to i32
      %sign3A_1897 = arith.subi %sign3A_1893, %sign3A_1896 : i32
      %ne3A = vector.broadcast %sign3A_1897 : i32 to vector<16xi32>
      %ne3A_1898 = arith.cmpi ne, %sign3A_1890, %ne3A : vector<16xi32>
      %rem3A = vector.broadcast %jit3A : i32 to vector<16xi32>
      %rem3A_1899 = arith.remsi %get3A_1881, %rem3A : vector<16xi32>
      %ne3A_1900 = arith.constant 0 : i32
      %ne3A_1901 = vector.broadcast %ne3A_1900 : i32 to vector<16xi32>
      %ne3A_1902 = arith.cmpi ne, %rem3A_1899, %ne3A_1901 : vector<16xi32>
      %and3A = arith.andi %ne3A_1898, %ne3A_1902 : vector<16xi1>
      %sub3A_1903 = arith.constant 1 : i32
      %sub3A_1904 = vector.broadcast %sub3A_1903 : i32 to vector<16xi32>
      %sub3A_1905 = arith.subi %div3A_1882, %sub3A_1904 : vector<16xi32>
      %select_n3A = arith.select %and3A, %sub3A_1905, %div3A_1882 : vector<16xi1>, vector<16xi32>
      %mul3A_1906 = arith.constant 32 : i32
      %mul3A_1907 = vector.broadcast %mul3A_1906 : i32 to vector<16xi32>
      %mul3A_1908 = arith.muli %select_n3A, %mul3A_1907 : vector<16xi32>
      %mul3A_1909 = arith.constant 16 : i32
      %mul3A_1910 = arith.muli %scan3A_1874, %mul3A_1909 : i32
      %add3A_1911 = vector.broadcast %mul3A_1910 : i32 to vector<16xi32>
      %add3A_1912 = arith.addi %add3A_1911, %iota3A : vector<16xi32>
      %scan3A_1913 = arith.constant 0 : i32
      %scan3A_1914 = arith.constant 0 : i32
      %scan3A_1915 = arith.constant 32 : i32
      %scan3A_1916 = arith.addi %scan3A_1914, %scan3A_1915 : i32
      %scan3A_1917 = arith.constant 1 : i32
      scf.for %scan3A_1919 = %scan3A_1914 to %scan3A_1916 step %scan3A_1917  : i32 {
        %add3A_1920 = vector.broadcast %scan3A_1919 : i32 to vector<16xi32>
        %add3A_1921 = arith.addi %mul3A_1908, %add3A_1920 : vector<16xi32>
        %gather3A = tpu.vector_load_idx %arg8[%broadcast_in_dim3A_310, %add3A_1912, %add3A_1921] : memref<2x128x128xf32, #tpu.memory_space<vmem>>[vector<16xi32>, vector<16xi32>, vector<16xi32>], vector<16xf32>,
        %broadcast_in_dim3A_1922 = arith.constant 0 : i32
        %broadcast_in_dim3A_1923 = vector.broadcast %broadcast_in_dim3A_1922 : i32 to vector<16xi32>
        %add3A_1924 = vector.broadcast %scan3A_1919 : i32 to vector<16xi32>
        %add3A_1925 = arith.addi %broadcast_in_dim3A_1923, %add3A_1924 : vector<16xi32>
        tpu.vector_store_idx %arg9[%broadcast_in_dim3A_310, %add3A_1912, %add3A_1925], %gather3A : memref<2x128x32xf32, #tpu.memory_space<vmem>>[vector<16xi32>, vector<16xi32>, vector<16xi32>], vector<16xf32>,
      }
      %scan3A_1918 = arith.constant 32 : i32
    }
    %scan3A_316 = arith.constant 8 : i32
    %add3A_317 = arith.constant 4 : i32
    %add3A_318 = arith.addi %mul3A_2, %add3A_317 : i32
    %dma_start3A_319 = arith.constant 0 : i32
    %dma_start3A_320 = arith.constant 0 : i32
    %dma_start3A_321 = arith.constant 0 : i32
    %dma_start3A_322 = tpu.memref_slice %arg9[%dma_start3A_319, %dma_start3A_320, %dma_start3A_321] : memref<2x128x32xf32, #tpu.memory_space<vmem>> -> memref<1x128x32xf32, #tpu.memory_space<vmem>>
    %dma_start3A_323 = tpu.memref_squeeze %dma_start3A_322 : memref<1x128x32xf32, #tpu.memory_space<vmem>> -> memref<128x32xf32, #tpu.memory_space<vmem>>
    %dma_start3A_324 = arith.constant 0 : i32
    %dma_start3A_325 = arith.constant 0 : i32
    %dma_start3A_326 = tpu.memref_slice %arg4[%add3A_318, %dma_start3A_324, %dma_start3A_325] : memref<832x128x32xf32, #tpu.memory_space<hbm>> -> memref<1x128x32xf32, #tpu.memory_space<hbm>>
    %dma_start3A_327 = tpu.memref_squeeze %dma_start3A_326 : memref<1x128x32xf32, #tpu.memory_space<hbm>> -> memref<128x32xf32, #tpu.memory_space<hbm>>
    %dma_start3A_328 = arith.constant 0 : i32
    %dma_start3A_329 = arith.constant 0 : i32
    %dma_start3A_330 = tpu.memref_slice %arg4[%add3A_318, %dma_start3A_328, %dma_start3A_329] : memref<832x128x32xf32, #tpu.memory_space<hbm>> -> memref<1x128x32xf32, #tpu.memory_space<hbm>>
    %dma_start3A_331 = tpu.memref_squeeze %dma_start3A_330 : memref<1x128x32xf32, #tpu.memory_space<hbm>> -> memref<128x32xf32, #tpu.memory_space<hbm>>
    %dma_start3A_332 = arith.constant 0 : i32
    %dma_start3A_333 = arith.constant 0 : i32
    %dma_start3A_334 = tpu.memref_slice %arg9[%dma_start3A_319, %dma_start3A_332, %dma_start3A_333] : memref<2x128x32xf32, #tpu.memory_space<vmem>> -> memref<1x128x32xf32, #tpu.memory_space<vmem>>
    %dma_start3A_335 = tpu.memref_squeeze %dma_start3A_334 : memref<1x128x32xf32, #tpu.memory_space<vmem>> -> memref<128x32xf32, #tpu.memory_space<vmem>>
    tpu.enqueue_dma source(%dma_start3A_335 : memref<128x32xf32, #tpu.memory_space<vmem>>) target(%dma_start3A_331 : memref<128x32xf32, #tpu.memory_space<hbm>>) target_semaphore(%arg14 : memref<!tpu.dma_semaphore, #tpu.memory_space<semaphore_mem>>)
    %dma_start3A_336 = arith.constant 6 : i32
    %dma_start3A_337 = arith.constant 0 : i32
    %dma_start3A_338 = arith.constant 0 : i32
    %dma_start3A_339 = arith.constant 0 : i32
    %dma_start3A_340 = tpu.memref_slice %arg8[%dma_start3A_337, %dma_start3A_338, %dma_start3A_339] : memref<2x128x128xf32, #tpu.memory_space<vmem>> -> memref<1x128x128xf32, #tpu.memory_space<vmem>>
    %dma_start3A_341 = tpu.memref_squeeze %dma_start3A_340 : memref<1x128x128xf32, #tpu.memory_space<vmem>> -> memref<128x128xf32, #tpu.memory_space<vmem>>
    %dma_start3A_342 = arith.constant 0 : i32
    %dma_start3A_343 = tpu.memref_slice %arg7[%dma_start3A_336, %dma_start3A_342] : memref<26x128xi32, #tpu.memory_space<vmem>> -> memref<1x128xi32, #tpu.memory_space<vmem>>
    %dma_start3A_344 = tpu.memref_squeeze %dma_start3A_343 : memref<1x128xi32, #tpu.memory_space<vmem>> -> memref<128xi32, #tpu.memory_space<vmem>>
    %dma_start3A_345 = arith.constant 0 : i32
    %dma_start3A_346 = arith.constant 0 : i32
    %dma_start3A_347 = tpu.memref_slice %arg3[%dma_start3A_345, %dma_start3A_346] : memref<262144x128xf32, #tpu.memory_space<hbm>> -> memref<262144x128xf32, #tpu.memory_space<hbm>>
    tpu.enqueue_indirect_dma source(%dma_start3A_347 : memref<262144x128xf32, #tpu.memory_space<hbm>>) target(%dma_start3A_341 : memref<128x128xf32, #tpu.memory_space<vmem>>) offsets(%dma_start3A_344 : memref<128xi32, #tpu.memory_space<vmem>>) semaphore(%arg13 : memref<!tpu.dma_semaphore, #tpu.memory_space<semaphore_mem>>)
    %dma_wait3A_348 = arith.constant 5 : i32
    %dma_wait3A_349 = arith.constant 1 : i32
    %dma_wait3A_350 = arith.constant 0 : i32
    %dma_wait3A_351 = arith.constant 0 : i32
    %dma_wait3A_352 = tpu.memref_slice %arg8[%dma_wait3A_349, %dma_wait3A_350, %dma_wait3A_351] : memref<2x128x128xf32, #tpu.memory_space<vmem>> -> memref<1x128x128xf32, #tpu.memory_space<vmem>>
    %dma_wait3A_353 = tpu.memref_squeeze %dma_wait3A_352 : memref<1x128x128xf32, #tpu.memory_space<vmem>> -> memref<128x128xf32, #tpu.memory_space<vmem>>
    %dma_wait3A_354 = arith.constant 0 : i32
    %dma_wait3A_355 = tpu.memref_slice %arg7[%dma_wait3A_348, %dma_wait3A_354] : memref<26x128xi32, #tpu.memory_space<vmem>> -> memref<1x128xi32, #tpu.memory_space<vmem>>
    %dma_wait3A_356 = tpu.memref_squeeze %dma_wait3A_355 : memref<1x128xi32, #tpu.memory_space<vmem>> -> memref<128xi32, #tpu.memory_space<vmem>>
    %dma_wait3A_357 = arith.constant 0 : i32
    %dma_wait3A_358 = arith.constant 0 : i32
    %dma_wait3A_359 = tpu.memref_slice %arg3[%dma_wait3A_357, %dma_wait3A_358] : memref<262144x128xf32, #tpu.memory_space<hbm>> -> memref<262144x128xf32, #tpu.memory_space<hbm>>
    tpu.wait_indirect_dma semaphore(%arg13 : memref<!tpu.dma_semaphore, #tpu.memory_space<semaphore_mem>>) src(%dma_wait3A_359 : memref<262144x128xf32, #tpu.memory_space<hbm>>) dst(%dma_wait3A_353 : memref<128x128xf32, #tpu.memory_space<vmem>>)
    %add3A_360 = arith.constant 5 : i32
    %add3A_361 = arith.addi %mul3A_2, %add3A_360 : i32
    %sub3A_362 = arith.constant 2 : i32
    %sub3A_363 = arith.subi %add3A_361, %sub3A_362 : i32
    %dma_wait3A_364 = arith.constant 1 : i32
    %dma_wait3A_365 = arith.constant 0 : i32
    %dma_wait3A_366 = arith.constant 0 : i32
    %dma_wait3A_367 = tpu.memref_slice %arg9[%dma_wait3A_364, %dma_wait3A_365, %dma_wait3A_366] : memref<2x128x32xf32, #tpu.memory_space<vmem>> -> memref<1x128x32xf32, #tpu.memory_space<vmem>>
    %dma_wait3A_368 = tpu.memref_squeeze %dma_wait3A_367 : memref<1x128x32xf32, #tpu.memory_space<vmem>> -> memref<128x32xf32, #tpu.memory_space<vmem>>
    %dma_wait3A_369 = arith.constant 0 : i32
    %dma_wait3A_370 = arith.constant 0 : i32
    %dma_wait3A_371 = tpu.memref_slice %arg4[%sub3A_363, %dma_wait3A_369, %dma_wait3A_370] : memref<832x128x32xf32, #tpu.memory_space<hbm>> -> memref<1x128x32xf32, #tpu.memory_space<hbm>>
    %dma_wait3A_372 = tpu.memref_squeeze %dma_wait3A_371 : memref<1x128x32xf32, #tpu.memory_space<hbm>> -> memref<128x32xf32, #tpu.memory_space<hbm>>
    %dma_wait3A_373 = arith.constant 0 : i32
    %dma_wait3A_374 = arith.constant 0 : i32
    %dma_wait3A_375 = tpu.memref_slice %arg4[%sub3A_363, %dma_wait3A_373, %dma_wait3A_374] : memref<832x128x32xf32, #tpu.memory_space<hbm>> -> memref<1x128x32xf32, #tpu.memory_space<hbm>>
    %dma_wait3A_376 = tpu.memref_squeeze %dma_wait3A_375 : memref<1x128x32xf32, #tpu.memory_space<hbm>> -> memref<128x32xf32, #tpu.memory_space<hbm>>
    %dma_wait3A_377 = arith.constant 0 : i32
    %dma_wait3A_378 = arith.constant 0 : i32
    %dma_wait3A_379 = tpu.memref_slice %arg9[%dma_wait3A_364, %dma_wait3A_377, %dma_wait3A_378] : memref<2x128x32xf32, #tpu.memory_space<vmem>> -> memref<1x128x32xf32, #tpu.memory_space<vmem>>
    %dma_wait3A_380 = tpu.memref_squeeze %dma_wait3A_379 : memref<1x128x32xf32, #tpu.memory_space<vmem>> -> memref<128x32xf32, #tpu.memory_space<vmem>>
    tpu.wait_dma2 semaphore(%arg16 : memref<!tpu.dma_semaphore, #tpu.memory_space<semaphore_mem>>) src(%dma_wait3A_380 : memref<128x32xf32, #tpu.memory_space<vmem>>) dst(%dma_wait3A_376 : memref<128x32xf32, #tpu.memory_space<hbm>>)
    %broadcast_in_dim3A_381 = arith.constant 1 : i32
    %broadcast_in_dim3A_382 = vector.broadcast %broadcast_in_dim3A_381 : i32 to vector<16xi32>
    %scan3A_383 = arith.constant 0 : i32
    %scan3A_384 = arith.constant 0 : i32
    %scan3A_385 = arith.constant 8 : i32
    %scan3A_386 = arith.addi %scan3A_384, %scan3A_385 : i32
    %scan3A_387 = arith.constant 1 : i32
    scf.for %scan3A_1874 = %scan3A_384 to %scan3A_386 step %scan3A_387  : i32 {
      %mul3A_1875 = arith.constant 16 : i32
      %mul3A_1876 = arith.muli %scan3A_1874, %mul3A_1875 : i32
      %get3A = arith.constant 0 : i32
      %get3A_1877 = arith.constant 5 : i32
      %get3A_1878 = arith.index_cast %get3A : i32 to index
      %get3A_1879 = arith.index_cast %get3A_1877 : i32 to index
      %get3A_1880 = arith.index_cast %mul3A_1876 : i32 to index
      %get3A_1881 = tpu.vector_load %arg6[%get3A_1878, %get3A_1879, %get3A_1880] {strides = array<i32>} : memref<2x26x128xi32, #tpu.memory_space<vmem>>, vector<16xi32>,
      %jit3A = arith.constant 262144 : i32
      %div3A = vector.broadcast %jit3A : i32 to vector<16xi32>
      %div3A_1882 = arith.divsi %get3A_1881, %div3A : vector<16xi32>
      %sign3A = arith.constant 0 : i32
      %sign3A_1883 = vector.broadcast %sign3A : i32 to vector<16xi32>
      %sign3A_1884 = arith.cmpi sgt, %get3A_1881, %sign3A_1883 : vector<16xi32>
      %sign3A_1885 = arith.extui %sign3A_1884 : vector<16xi1> to vector<16xi32>
      %sign3A_1886 = arith.constant 0 : i32
      %sign3A_1887 = vector.broadcast %sign3A_1886 : i32 to vector<16xi32>
      %sign3A_1888 = arith.cmpi slt, %get3A_1881, %sign3A_1887 : vector<16xi32>
      %sign3A_1889 = arith.extui %sign3A_1888 : vector<16xi1> to vector<16xi32>
      %sign3A_1890 = arith.subi %sign3A_1885, %sign3A_1889 : vector<16xi32>
      %sign3A_1891 = arith.constant 0 : i32
      %sign3A_1892 = arith.cmpi sgt, %jit3A, %sign3A_1891 : i32
      %sign3A_1893 = arith.extui %sign3A_1892 : i1 to i32
      %sign3A_1894 = arith.constant 0 : i32
      %sign3A_1895 = arith.cmpi slt, %jit3A, %sign3A_1894 : i32
      %sign3A_1896 = arith.extui %sign3A_1895 : i1 to i32
      %sign3A_1897 = arith.subi %sign3A_1893, %sign3A_1896 : i32
      %ne3A = vector.broadcast %sign3A_1897 : i32 to vector<16xi32>
      %ne3A_1898 = arith.cmpi ne, %sign3A_1890, %ne3A : vector<16xi32>
      %rem3A = vector.broadcast %jit3A : i32 to vector<16xi32>
      %rem3A_1899 = arith.remsi %get3A_1881, %rem3A : vector<16xi32>
      %ne3A_1900 = arith.constant 0 : i32
      %ne3A_1901 = vector.broadcast %ne3A_1900 : i32 to vector<16xi32>
      %ne3A_1902 = arith.cmpi ne, %rem3A_1899, %ne3A_1901 : vector<16xi32>
      %and3A = arith.andi %ne3A_1898, %ne3A_1902 : vector<16xi1>
      %sub3A_1903 = arith.constant 1 : i32
      %sub3A_1904 = vector.broadcast %sub3A_1903 : i32 to vector<16xi32>
      %sub3A_1905 = arith.subi %div3A_1882, %sub3A_1904 : vector<16xi32>
      %select_n3A = arith.select %and3A, %sub3A_1905, %div3A_1882 : vector<16xi1>, vector<16xi32>
      %mul3A_1906 = arith.constant 32 : i32
      %mul3A_1907 = vector.broadcast %mul3A_1906 : i32 to vector<16xi32>
      %mul3A_1908 = arith.muli %select_n3A, %mul3A_1907 : vector<16xi32>
      %mul3A_1909 = arith.constant 16 : i32
      %mul3A_1910 = arith.muli %scan3A_1874, %mul3A_1909 : i32
      %add3A_1911 = vector.broadcast %mul3A_1910 : i32 to vector<16xi32>
      %add3A_1912 = arith.addi %add3A_1911, %iota3A : vector<16xi32>
      %scan3A_1913 = arith.constant 0 : i32
      %scan3A_1914 = arith.constant 0 : i32
      %scan3A_1915 = arith.constant 32 : i32
      %scan3A_1916 = arith.addi %scan3A_1914, %scan3A_1915 : i32
      %scan3A_1917 = arith.constant 1 : i32
      scf.for %scan3A_1919 = %scan3A_1914 to %scan3A_1916 step %scan3A_1917  : i32 {
        %add3A_1920 = vector.broadcast %scan3A_1919 : i32 to vector<16xi32>
        %add3A_1921 = arith.addi %mul3A_1908, %add3A_1920 : vector<16xi32>
        %gather3A = tpu.vector_load_idx %arg8[%broadcast_in_dim3A_382, %add3A_1912, %add3A_1921] : memref<2x128x128xf32, #tpu.memory_space<vmem>>[vector<16xi32>, vector<16xi32>, vector<16xi32>], vector<16xf32>,
        %broadcast_in_dim3A_1922 = arith.constant 0 : i32
        %broadcast_in_dim3A_1923 = vector.broadcast %broadcast_in_dim3A_1922 : i32 to vector<16xi32>
        %add3A_1924 = vector.broadcast %scan3A_1919 : i32 to vector<16xi32>
        %add3A_1925 = arith.addi %broadcast_in_dim3A_1923, %add3A_1924 : vector<16xi32>
        tpu.vector_store_idx %arg9[%broadcast_in_dim3A_382, %add3A_1912, %add3A_1925], %gather3A : memref<2x128x32xf32, #tpu.memory_space<vmem>>[vector<16xi32>, vector<16xi32>, vector<16xi32>], vector<16xf32>,
      }
      %scan3A_1918 = arith.constant 32 : i32
    }
    %scan3A_388 = arith.constant 8 : i32
    %add3A_389 = arith.constant 5 : i32
    %add3A_390 = arith.addi %mul3A_2, %add3A_389 : i32
    %dma_start3A_391 = arith.constant 1 : i32
    %dma_start3A_392 = arith.constant 0 : i32
    %dma_start3A_393 = arith.constant 0 : i32
    %dma_start3A_394 = tpu.memref_slice %arg9[%dma_start3A_391, %dma_start3A_392, %dma_start3A_393] : memref<2x128x32xf32, #tpu.memory_space<vmem>> -> memref<1x128x32xf32, #tpu.memory_space<vmem>>
    %dma_start3A_395 = tpu.memref_squeeze %dma_start3A_394 : memref<1x128x32xf32, #tpu.memory_space<vmem>> -> memref<128x32xf32, #tpu.memory_space<vmem>>
    %dma_start3A_396 = arith.constant 0 : i32
    %dma_start3A_397 = arith.constant 0 : i32
    %dma_start3A_398 = tpu.memref_slice %arg4[%add3A_390, %dma_start3A_396, %dma_start3A_397] : memref<832x128x32xf32, #tpu.memory_space<hbm>> -> memref<1x128x32xf32, #tpu.memory_space<hbm>>
    %dma_start3A_399 = tpu.memref_squeeze %dma_start3A_398 : memref<1x128x32xf32, #tpu.memory_space<hbm>> -> memref<128x32xf32, #tpu.memory_space<hbm>>
    %dma_start3A_400 = arith.constant 0 : i32
    %dma_start3A_401 = arith.constant 0 : i32
    %dma_start3A_402 = tpu.memref_slice %arg4[%add3A_390, %dma_start3A_400, %dma_start3A_401] : memref<832x128x32xf32, #tpu.memory_space<hbm>> -> memref<1x128x32xf32, #tpu.memory_space<hbm>>
    %dma_start3A_403 = tpu.memref_squeeze %dma_start3A_402 : memref<1x128x32xf32, #tpu.memory_space<hbm>> -> memref<128x32xf32, #tpu.memory_space<hbm>>
    %dma_start3A_404 = arith.constant 0 : i32
    %dma_start3A_405 = arith.constant 0 : i32
    %dma_start3A_406 = tpu.memref_slice %arg9[%dma_start3A_391, %dma_start3A_404, %dma_start3A_405] : memref<2x128x32xf32, #tpu.memory_space<vmem>> -> memref<1x128x32xf32, #tpu.memory_space<vmem>>
    %dma_start3A_407 = tpu.memref_squeeze %dma_start3A_406 : memref<1x128x32xf32, #tpu.memory_space<vmem>> -> memref<128x32xf32, #tpu.memory_space<vmem>>
    tpu.enqueue_dma source(%dma_start3A_407 : memref<128x32xf32, #tpu.memory_space<vmem>>) target(%dma_start3A_403 : memref<128x32xf32, #tpu.memory_space<hbm>>) target_semaphore(%arg16 : memref<!tpu.dma_semaphore, #tpu.memory_space<semaphore_mem>>)
    %dma_start3A_408 = arith.constant 7 : i32
    %dma_start3A_409 = arith.constant 1 : i32
    %dma_start3A_410 = arith.constant 0 : i32
    %dma_start3A_411 = arith.constant 0 : i32
    %dma_start3A_412 = tpu.memref_slice %arg8[%dma_start3A_409, %dma_start3A_410, %dma_start3A_411] : memref<2x128x128xf32, #tpu.memory_space<vmem>> -> memref<1x128x128xf32, #tpu.memory_space<vmem>>
    %dma_start3A_413 = tpu.memref_squeeze %dma_start3A_412 : memref<1x128x128xf32, #tpu.memory_space<vmem>> -> memref<128x128xf32, #tpu.memory_space<vmem>>
    %dma_start3A_414 = arith.constant 0 : i32
    %dma_start3A_415 = tpu.memref_slice %arg7[%dma_start3A_408, %dma_start3A_414] : memref<26x128xi32, #tpu.memory_space<vmem>> -> memref<1x128xi32, #tpu.memory_space<vmem>>
    %dma_start3A_416 = tpu.memref_squeeze %dma_start3A_415 : memref<1x128xi32, #tpu.memory_space<vmem>> -> memref<128xi32, #tpu.memory_space<vmem>>
    %dma_start3A_417 = arith.constant 0 : i32
    %dma_start3A_418 = arith.constant 0 : i32
    %dma_start3A_419 = tpu.memref_slice %arg3[%dma_start3A_417, %dma_start3A_418] : memref<262144x128xf32, #tpu.memory_space<hbm>> -> memref<262144x128xf32, #tpu.memory_space<hbm>>
    tpu.enqueue_indirect_dma source(%dma_start3A_419 : memref<262144x128xf32, #tpu.memory_space<hbm>>) target(%dma_start3A_413 : memref<128x128xf32, #tpu.memory_space<vmem>>) offsets(%dma_start3A_416 : memref<128xi32, #tpu.memory_space<vmem>>) semaphore(%arg13 : memref<!tpu.dma_semaphore, #tpu.memory_space<semaphore_mem>>)
    %dma_wait3A_420 = arith.constant 6 : i32
    %dma_wait3A_421 = arith.constant 0 : i32
    %dma_wait3A_422 = arith.constant 0 : i32
    %dma_wait3A_423 = arith.constant 0 : i32
    %dma_wait3A_424 = tpu.memref_slice %arg8[%dma_wait3A_421, %dma_wait3A_422, %dma_wait3A_423] : memref<2x128x128xf32, #tpu.memory_space<vmem>> -> memref<1x128x128xf32, #tpu.memory_space<vmem>>
    %dma_wait3A_425 = tpu.memref_squeeze %dma_wait3A_424 : memref<1x128x128xf32, #tpu.memory_space<vmem>> -> memref<128x128xf32, #tpu.memory_space<vmem>>
    %dma_wait3A_426 = arith.constant 0 : i32
    %dma_wait3A_427 = tpu.memref_slice %arg7[%dma_wait3A_420, %dma_wait3A_426] : memref<26x128xi32, #tpu.memory_space<vmem>> -> memref<1x128xi32, #tpu.memory_space<vmem>>
    %dma_wait3A_428 = tpu.memref_squeeze %dma_wait3A_427 : memref<1x128xi32, #tpu.memory_space<vmem>> -> memref<128xi32, #tpu.memory_space<vmem>>
    %dma_wait3A_429 = arith.constant 0 : i32
    %dma_wait3A_430 = arith.constant 0 : i32
    %dma_wait3A_431 = tpu.memref_slice %arg3[%dma_wait3A_429, %dma_wait3A_430] : memref<262144x128xf32, #tpu.memory_space<hbm>> -> memref<262144x128xf32, #tpu.memory_space<hbm>>
    tpu.wait_indirect_dma semaphore(%arg13 : memref<!tpu.dma_semaphore, #tpu.memory_space<semaphore_mem>>) src(%dma_wait3A_431 : memref<262144x128xf32, #tpu.memory_space<hbm>>) dst(%dma_wait3A_425 : memref<128x128xf32, #tpu.memory_space<vmem>>)
    %add3A_432 = arith.constant 6 : i32
    %add3A_433 = arith.addi %mul3A_2, %add3A_432 : i32
    %sub3A_434 = arith.constant 2 : i32
    %sub3A_435 = arith.subi %add3A_433, %sub3A_434 : i32
    %dma_wait3A_436 = arith.constant 0 : i32
    %dma_wait3A_437 = arith.constant 0 : i32
    %dma_wait3A_438 = arith.constant 0 : i32
    %dma_wait3A_439 = tpu.memref_slice %arg9[%dma_wait3A_436, %dma_wait3A_437, %dma_wait3A_438] : memref<2x128x32xf32, #tpu.memory_space<vmem>> -> memref<1x128x32xf32, #tpu.memory_space<vmem>>
    %dma_wait3A_440 = tpu.memref_squeeze %dma_wait3A_439 : memref<1x128x32xf32, #tpu.memory_space<vmem>> -> memref<128x32xf32, #tpu.memory_space<vmem>>
    %dma_wait3A_441 = arith.constant 0 : i32
    %dma_wait3A_442 = arith.constant 0 : i32
    %dma_wait3A_443 = tpu.memref_slice %arg4[%sub3A_435, %dma_wait3A_441, %dma_wait3A_442] : memref<832x128x32xf32, #tpu.memory_space<hbm>> -> memref<1x128x32xf32, #tpu.memory_space<hbm>>
    %dma_wait3A_444 = tpu.memref_squeeze %dma_wait3A_443 : memref<1x128x32xf32, #tpu.memory_space<hbm>> -> memref<128x32xf32, #tpu.memory_space<hbm>>
    %dma_wait3A_445 = arith.constant 0 : i32
    %dma_wait3A_446 = arith.constant 0 : i32
    %dma_wait3A_447 = tpu.memref_slice %arg4[%sub3A_435, %dma_wait3A_445, %dma_wait3A_446] : memref<832x128x32xf32, #tpu.memory_space<hbm>> -> memref<1x128x32xf32, #tpu.memory_space<hbm>>
    %dma_wait3A_448 = tpu.memref_squeeze %dma_wait3A_447 : memref<1x128x32xf32, #tpu.memory_space<hbm>> -> memref<128x32xf32, #tpu.memory_space<hbm>>
    %dma_wait3A_449 = arith.constant 0 : i32
    %dma_wait3A_450 = arith.constant 0 : i32
    %dma_wait3A_451 = tpu.memref_slice %arg9[%dma_wait3A_436, %dma_wait3A_449, %dma_wait3A_450] : memref<2x128x32xf32, #tpu.memory_space<vmem>> -> memref<1x128x32xf32, #tpu.memory_space<vmem>>
    %dma_wait3A_452 = tpu.memref_squeeze %dma_wait3A_451 : memref<1x128x32xf32, #tpu.memory_space<vmem>> -> memref<128x32xf32, #tpu.memory_space<vmem>>
    tpu.wait_dma2 semaphore(%arg14 : memref<!tpu.dma_semaphore, #tpu.memory_space<semaphore_mem>>) src(%dma_wait3A_452 : memref<128x32xf32, #tpu.memory_space<vmem>>) dst(%dma_wait3A_448 : memref<128x32xf32, #tpu.memory_space<hbm>>)
    %broadcast_in_dim3A_453 = arith.constant 0 : i32
    %broadcast_in_dim3A_454 = vector.broadcast %broadcast_in_dim3A_453 : i32 to vector<16xi32>
    %scan3A_455 = arith.constant 0 : i32
    %scan3A_456 = arith.constant 0 : i32
    %scan3A_457 = arith.constant 8 : i32
    %scan3A_458 = arith.addi %scan3A_456, %scan3A_457 : i32
    %scan3A_459 = arith.constant 1 : i32
    scf.for %scan3A_1874 = %scan3A_456 to %scan3A_458 step %scan3A_459  : i32 {
      %mul3A_1875 = arith.constant 16 : i32
      %mul3A_1876 = arith.muli %scan3A_1874, %mul3A_1875 : i32
      %get3A = arith.constant 0 : i32
      %get3A_1877 = arith.constant 6 : i32
      %get3A_1878 = arith.index_cast %get3A : i32 to index
      %get3A_1879 = arith.index_cast %get3A_1877 : i32 to index
      %get3A_1880 = arith.index_cast %mul3A_1876 : i32 to index
      %get3A_1881 = tpu.vector_load %arg6[%get3A_1878, %get3A_1879, %get3A_1880] {strides = array<i32>} : memref<2x26x128xi32, #tpu.memory_space<vmem>>, vector<16xi32>,
      %jit3A = arith.constant 262144 : i32
      %div3A = vector.broadcast %jit3A : i32 to vector<16xi32>
      %div3A_1882 = arith.divsi %get3A_1881, %div3A : vector<16xi32>
      %sign3A = arith.constant 0 : i32
      %sign3A_1883 = vector.broadcast %sign3A : i32 to vector<16xi32>
      %sign3A_1884 = arith.cmpi sgt, %get3A_1881, %sign3A_1883 : vector<16xi32>
      %sign3A_1885 = arith.extui %sign3A_1884 : vector<16xi1> to vector<16xi32>
      %sign3A_1886 = arith.constant 0 : i32
      %sign3A_1887 = vector.broadcast %sign3A_1886 : i32 to vector<16xi32>
      %sign3A_1888 = arith.cmpi slt, %get3A_1881, %sign3A_1887 : vector<16xi32>
      %sign3A_1889 = arith.extui %sign3A_1888 : vector<16xi1> to vector<16xi32>
      %sign3A_1890 = arith.subi %sign3A_1885, %sign3A_1889 : vector<16xi32>
      %sign3A_1891 = arith.constant 0 : i32
      %sign3A_1892 = arith.cmpi sgt, %jit3A, %sign3A_1891 : i32
      %sign3A_1893 = arith.extui %sign3A_1892 : i1 to i32
      %sign3A_1894 = arith.constant 0 : i32
      %sign3A_1895 = arith.cmpi slt, %jit3A, %sign3A_1894 : i32
      %sign3A_1896 = arith.extui %sign3A_1895 : i1 to i32
      %sign3A_1897 = arith.subi %sign3A_1893, %sign3A_1896 : i32
      %ne3A = vector.broadcast %sign3A_1897 : i32 to vector<16xi32>
      %ne3A_1898 = arith.cmpi ne, %sign3A_1890, %ne3A : vector<16xi32>
      %rem3A = vector.broadcast %jit3A : i32 to vector<16xi32>
      %rem3A_1899 = arith.remsi %get3A_1881, %rem3A : vector<16xi32>
      %ne3A_1900 = arith.constant 0 : i32
      %ne3A_1901 = vector.broadcast %ne3A_1900 : i32 to vector<16xi32>
      %ne3A_1902 = arith.cmpi ne, %rem3A_1899, %ne3A_1901 : vector<16xi32>
      %and3A = arith.andi %ne3A_1898, %ne3A_1902 : vector<16xi1>
      %sub3A_1903 = arith.constant 1 : i32
      %sub3A_1904 = vector.broadcast %sub3A_1903 : i32 to vector<16xi32>
      %sub3A_1905 = arith.subi %div3A_1882, %sub3A_1904 : vector<16xi32>
      %select_n3A = arith.select %and3A, %sub3A_1905, %div3A_1882 : vector<16xi1>, vector<16xi32>
      %mul3A_1906 = arith.constant 32 : i32
      %mul3A_1907 = vector.broadcast %mul3A_1906 : i32 to vector<16xi32>
      %mul3A_1908 = arith.muli %select_n3A, %mul3A_1907 : vector<16xi32>
      %mul3A_1909 = arith.constant 16 : i32
      %mul3A_1910 = arith.muli %scan3A_1874, %mul3A_1909 : i32
      %add3A_1911 = vector.broadcast %mul3A_1910 : i32 to vector<16xi32>
      %add3A_1912 = arith.addi %add3A_1911, %iota3A : vector<16xi32>
      %scan3A_1913 = arith.constant 0 : i32
      %scan3A_1914 = arith.constant 0 : i32
      %scan3A_1915 = arith.constant 32 : i32
      %scan3A_1916 = arith.addi %scan3A_1914, %scan3A_1915 : i32
      %scan3A_1917 = arith.constant 1 : i32
      scf.for %scan3A_1919 = %scan3A_1914 to %scan3A_1916 step %scan3A_1917  : i32 {
        %add3A_1920 = vector.broadcast %scan3A_1919 : i32 to vector<16xi32>
        %add3A_1921 = arith.addi %mul3A_1908, %add3A_1920 : vector<16xi32>
        %gather3A = tpu.vector_load_idx %arg8[%broadcast_in_dim3A_454, %add3A_1912, %add3A_1921] : memref<2x128x128xf32, #tpu.memory_space<vmem>>[vector<16xi32>, vector<16xi32>, vector<16xi32>], vector<16xf32>,
        %broadcast_in_dim3A_1922 = arith.constant 0 : i32
        %broadcast_in_dim3A_1923 = vector.broadcast %broadcast_in_dim3A_1922 : i32 to vector<16xi32>
        %add3A_1924 = vector.broadcast %scan3A_1919 : i32 to vector<16xi32>
        %add3A_1925 = arith.addi %broadcast_in_dim3A_1923, %add3A_1924 : vector<16xi32>
        tpu.vector_store_idx %arg9[%broadcast_in_dim3A_454, %add3A_1912, %add3A_1925], %gather3A : memref<2x128x32xf32, #tpu.memory_space<vmem>>[vector<16xi32>, vector<16xi32>, vector<16xi32>], vector<16xf32>,
      }
      %scan3A_1918 = arith.constant 32 : i32
    }
    %scan3A_460 = arith.constant 8 : i32
    %add3A_461 = arith.constant 6 : i32
    %add3A_462 = arith.addi %mul3A_2, %add3A_461 : i32
    %dma_start3A_463 = arith.constant 0 : i32
    %dma_start3A_464 = arith.constant 0 : i32
    %dma_start3A_465 = arith.constant 0 : i32
    %dma_start3A_466 = tpu.memref_slice %arg9[%dma_start3A_463, %dma_start3A_464, %dma_start3A_465] : memref<2x128x32xf32, #tpu.memory_space<vmem>> -> memref<1x128x32xf32, #tpu.memory_space<vmem>>
    %dma_start3A_467 = tpu.memref_squeeze %dma_start3A_466 : memref<1x128x32xf32, #tpu.memory_space<vmem>> -> memref<128x32xf32, #tpu.memory_space<vmem>>
    %dma_start3A_468 = arith.constant 0 : i32
    %dma_start3A_469 = arith.constant 0 : i32
    %dma_start3A_470 = tpu.memref_slice %arg4[%add3A_462, %dma_start3A_468, %dma_start3A_469] : memref<832x128x32xf32, #tpu.memory_space<hbm>> -> memref<1x128x32xf32, #tpu.memory_space<hbm>>
    %dma_start3A_471 = tpu.memref_squeeze %dma_start3A_470 : memref<1x128x32xf32, #tpu.memory_space<hbm>> -> memref<128x32xf32, #tpu.memory_space<hbm>>
    %dma_start3A_472 = arith.constant 0 : i32
    %dma_start3A_473 = arith.constant 0 : i32
    %dma_start3A_474 = tpu.memref_slice %arg4[%add3A_462, %dma_start3A_472, %dma_start3A_473] : memref<832x128x32xf32, #tpu.memory_space<hbm>> -> memref<1x128x32xf32, #tpu.memory_space<hbm>>
    %dma_start3A_475 = tpu.memref_squeeze %dma_start3A_474 : memref<1x128x32xf32, #tpu.memory_space<hbm>> -> memref<128x32xf32, #tpu.memory_space<hbm>>
    %dma_start3A_476 = arith.constant 0 : i32
    %dma_start3A_477 = arith.constant 0 : i32
    %dma_start3A_478 = tpu.memref_slice %arg9[%dma_start3A_463, %dma_start3A_476, %dma_start3A_477] : memref<2x128x32xf32, #tpu.memory_space<vmem>> -> memref<1x128x32xf32, #tpu.memory_space<vmem>>
    %dma_start3A_479 = tpu.memref_squeeze %dma_start3A_478 : memref<1x128x32xf32, #tpu.memory_space<vmem>> -> memref<128x32xf32, #tpu.memory_space<vmem>>
    tpu.enqueue_dma source(%dma_start3A_479 : memref<128x32xf32, #tpu.memory_space<vmem>>) target(%dma_start3A_475 : memref<128x32xf32, #tpu.memory_space<hbm>>) target_semaphore(%arg14 : memref<!tpu.dma_semaphore, #tpu.memory_space<semaphore_mem>>)
    %dma_start3A_480 = arith.constant 8 : i32
    %dma_start3A_481 = arith.constant 0 : i32
    %dma_start3A_482 = arith.constant 0 : i32
    %dma_start3A_483 = arith.constant 0 : i32
    %dma_start3A_484 = tpu.memref_slice %arg8[%dma_start3A_481, %dma_start3A_482, %dma_start3A_483] : memref<2x128x128xf32, #tpu.memory_space<vmem>> -> memref<1x128x128xf32, #tpu.memory_space<vmem>>
    %dma_start3A_485 = tpu.memref_squeeze %dma_start3A_484 : memref<1x128x128xf32, #tpu.memory_space<vmem>> -> memref<128x128xf32, #tpu.memory_space<vmem>>
    %dma_start3A_486 = arith.constant 0 : i32
    %dma_start3A_487 = tpu.memref_slice %arg7[%dma_start3A_480, %dma_start3A_486] : memref<26x128xi32, #tpu.memory_space<vmem>> -> memref<1x128xi32, #tpu.memory_space<vmem>>
    %dma_start3A_488 = tpu.memref_squeeze %dma_start3A_487 : memref<1x128xi32, #tpu.memory_space<vmem>> -> memref<128xi32, #tpu.memory_space<vmem>>
    %dma_start3A_489 = arith.constant 0 : i32
    %dma_start3A_490 = arith.constant 0 : i32
    %dma_start3A_491 = tpu.memref_slice %arg3[%dma_start3A_489, %dma_start3A_490] : memref<262144x128xf32, #tpu.memory_space<hbm>> -> memref<262144x128xf32, #tpu.memory_space<hbm>>
    tpu.enqueue_indirect_dma source(%dma_start3A_491 : memref<262144x128xf32, #tpu.memory_space<hbm>>) target(%dma_start3A_485 : memref<128x128xf32, #tpu.memory_space<vmem>>) offsets(%dma_start3A_488 : memref<128xi32, #tpu.memory_space<vmem>>) semaphore(%arg13 : memref<!tpu.dma_semaphore, #tpu.memory_space<semaphore_mem>>)
    %dma_wait3A_492 = arith.constant 7 : i32
    %dma_wait3A_493 = arith.constant 1 : i32
    %dma_wait3A_494 = arith.constant 0 : i32
    %dma_wait3A_495 = arith.constant 0 : i32
    %dma_wait3A_496 = tpu.memref_slice %arg8[%dma_wait3A_493, %dma_wait3A_494, %dma_wait3A_495] : memref<2x128x128xf32, #tpu.memory_space<vmem>> -> memref<1x128x128xf32, #tpu.memory_space<vmem>>
    %dma_wait3A_497 = tpu.memref_squeeze %dma_wait3A_496 : memref<1x128x128xf32, #tpu.memory_space<vmem>> -> memref<128x128xf32, #tpu.memory_space<vmem>>
    %dma_wait3A_498 = arith.constant 0 : i32
    %dma_wait3A_499 = tpu.memref_slice %arg7[%dma_wait3A_492, %dma_wait3A_498] : memref<26x128xi32, #tpu.memory_space<vmem>> -> memref<1x128xi32, #tpu.memory_space<vmem>>
    %dma_wait3A_500 = tpu.memref_squeeze %dma_wait3A_499 : memref<1x128xi32, #tpu.memory_space<vmem>> -> memref<128xi32, #tpu.memory_space<vmem>>
    %dma_wait3A_501 = arith.constant 0 : i32
    %dma_wait3A_502 = arith.constant 0 : i32
    %dma_wait3A_503 = tpu.memref_slice %arg3[%dma_wait3A_501, %dma_wait3A_502] : memref<262144x128xf32, #tpu.memory_space<hbm>> -> memref<262144x128xf32, #tpu.memory_space<hbm>>
    tpu.wait_indirect_dma semaphore(%arg13 : memref<!tpu.dma_semaphore, #tpu.memory_space<semaphore_mem>>) src(%dma_wait3A_503 : memref<262144x128xf32, #tpu.memory_space<hbm>>) dst(%dma_wait3A_497 : memref<128x128xf32, #tpu.memory_space<vmem>>)
    %add3A_504 = arith.constant 7 : i32
    %add3A_505 = arith.addi %mul3A_2, %add3A_504 : i32
    %sub3A_506 = arith.constant 2 : i32
    %sub3A_507 = arith.subi %add3A_505, %sub3A_506 : i32
    %dma_wait3A_508 = arith.constant 1 : i32
    %dma_wait3A_509 = arith.constant 0 : i32
    %dma_wait3A_510 = arith.constant 0 : i32
    %dma_wait3A_511 = tpu.memref_slice %arg9[%dma_wait3A_508, %dma_wait3A_509, %dma_wait3A_510] : memref<2x128x32xf32, #tpu.memory_space<vmem>> -> memref<1x128x32xf32, #tpu.memory_space<vmem>>
    %dma_wait3A_512 = tpu.memref_squeeze %dma_wait3A_511 : memref<1x128x32xf32, #tpu.memory_space<vmem>> -> memref<128x32xf32, #tpu.memory_space<vmem>>
    %dma_wait3A_513 = arith.constant 0 : i32
    %dma_wait3A_514 = arith.constant 0 : i32
    %dma_wait3A_515 = tpu.memref_slice %arg4[%sub3A_507, %dma_wait3A_513, %dma_wait3A_514] : memref<832x128x32xf32, #tpu.memory_space<hbm>> -> memref<1x128x32xf32, #tpu.memory_space<hbm>>
    %dma_wait3A_516 = tpu.memref_squeeze %dma_wait3A_515 : memref<1x128x32xf32, #tpu.memory_space<hbm>> -> memref<128x32xf32, #tpu.memory_space<hbm>>
    %dma_wait3A_517 = arith.constant 0 : i32
    %dma_wait3A_518 = arith.constant 0 : i32
    %dma_wait3A_519 = tpu.memref_slice %arg4[%sub3A_507, %dma_wait3A_517, %dma_wait3A_518] : memref<832x128x32xf32, #tpu.memory_space<hbm>> -> memref<1x128x32xf32, #tpu.memory_space<hbm>>
    %dma_wait3A_520 = tpu.memref_squeeze %dma_wait3A_519 : memref<1x128x32xf32, #tpu.memory_space<hbm>> -> memref<128x32xf32, #tpu.memory_space<hbm>>
    %dma_wait3A_521 = arith.constant 0 : i32
    %dma_wait3A_522 = arith.constant 0 : i32
    %dma_wait3A_523 = tpu.memref_slice %arg9[%dma_wait3A_508, %dma_wait3A_521, %dma_wait3A_522] : memref<2x128x32xf32, #tpu.memory_space<vmem>> -> memref<1x128x32xf32, #tpu.memory_space<vmem>>
    %dma_wait3A_524 = tpu.memref_squeeze %dma_wait3A_523 : memref<1x128x32xf32, #tpu.memory_space<vmem>> -> memref<128x32xf32, #tpu.memory_space<vmem>>
    tpu.wait_dma2 semaphore(%arg16 : memref<!tpu.dma_semaphore, #tpu.memory_space<semaphore_mem>>) src(%dma_wait3A_524 : memref<128x32xf32, #tpu.memory_space<vmem>>) dst(%dma_wait3A_520 : memref<128x32xf32, #tpu.memory_space<hbm>>)
    %broadcast_in_dim3A_525 = arith.constant 1 : i32
    %broadcast_in_dim3A_526 = vector.broadcast %broadcast_in_dim3A_525 : i32 to vector<16xi32>
    %scan3A_527 = arith.constant 0 : i32
    %scan3A_528 = arith.constant 0 : i32
    %scan3A_529 = arith.constant 8 : i32
    %scan3A_530 = arith.addi %scan3A_528, %scan3A_529 : i32
    %scan3A_531 = arith.constant 1 : i32
    scf.for %scan3A_1874 = %scan3A_528 to %scan3A_530 step %scan3A_531  : i32 {
      %mul3A_1875 = arith.constant 16 : i32
      %mul3A_1876 = arith.muli %scan3A_1874, %mul3A_1875 : i32
      %get3A = arith.constant 0 : i32
      %get3A_1877 = arith.constant 7 : i32
      %get3A_1878 = arith.index_cast %get3A : i32 to index
      %get3A_1879 = arith.index_cast %get3A_1877 : i32 to index
      %get3A_1880 = arith.index_cast %mul3A_1876 : i32 to index
      %get3A_1881 = tpu.vector_load %arg6[%get3A_1878, %get3A_1879, %get3A_1880] {strides = array<i32>} : memref<2x26x128xi32, #tpu.memory_space<vmem>>, vector<16xi32>,
      %jit3A = arith.constant 262144 : i32
      %div3A = vector.broadcast %jit3A : i32 to vector<16xi32>
      %div3A_1882 = arith.divsi %get3A_1881, %div3A : vector<16xi32>
      %sign3A = arith.constant 0 : i32
      %sign3A_1883 = vector.broadcast %sign3A : i32 to vector<16xi32>
      %sign3A_1884 = arith.cmpi sgt, %get3A_1881, %sign3A_1883 : vector<16xi32>
      %sign3A_1885 = arith.extui %sign3A_1884 : vector<16xi1> to vector<16xi32>
      %sign3A_1886 = arith.constant 0 : i32
      %sign3A_1887 = vector.broadcast %sign3A_1886 : i32 to vector<16xi32>
      %sign3A_1888 = arith.cmpi slt, %get3A_1881, %sign3A_1887 : vector<16xi32>
      %sign3A_1889 = arith.extui %sign3A_1888 : vector<16xi1> to vector<16xi32>
      %sign3A_1890 = arith.subi %sign3A_1885, %sign3A_1889 : vector<16xi32>
      %sign3A_1891 = arith.constant 0 : i32
      %sign3A_1892 = arith.cmpi sgt, %jit3A, %sign3A_1891 : i32
      %sign3A_1893 = arith.extui %sign3A_1892 : i1 to i32
      %sign3A_1894 = arith.constant 0 : i32
      %sign3A_1895 = arith.cmpi slt, %jit3A, %sign3A_1894 : i32
      %sign3A_1896 = arith.extui %sign3A_1895 : i1 to i32
      %sign3A_1897 = arith.subi %sign3A_1893, %sign3A_1896 : i32
      %ne3A = vector.broadcast %sign3A_1897 : i32 to vector<16xi32>
      %ne3A_1898 = arith.cmpi ne, %sign3A_1890, %ne3A : vector<16xi32>
      %rem3A = vector.broadcast %jit3A : i32 to vector<16xi32>
      %rem3A_1899 = arith.remsi %get3A_1881, %rem3A : vector<16xi32>
      %ne3A_1900 = arith.constant 0 : i32
      %ne3A_1901 = vector.broadcast %ne3A_1900 : i32 to vector<16xi32>
      %ne3A_1902 = arith.cmpi ne, %rem3A_1899, %ne3A_1901 : vector<16xi32>
      %and3A = arith.andi %ne3A_1898, %ne3A_1902 : vector<16xi1>
      %sub3A_1903 = arith.constant 1 : i32
      %sub3A_1904 = vector.broadcast %sub3A_1903 : i32 to vector<16xi32>
      %sub3A_1905 = arith.subi %div3A_1882, %sub3A_1904 : vector<16xi32>
      %select_n3A = arith.select %and3A, %sub3A_1905, %div3A_1882 : vector<16xi1>, vector<16xi32>
      %mul3A_1906 = arith.constant 32 : i32
      %mul3A_1907 = vector.broadcast %mul3A_1906 : i32 to vector<16xi32>
      %mul3A_1908 = arith.muli %select_n3A, %mul3A_1907 : vector<16xi32>
      %mul3A_1909 = arith.constant 16 : i32
      %mul3A_1910 = arith.muli %scan3A_1874, %mul3A_1909 : i32
      %add3A_1911 = vector.broadcast %mul3A_1910 : i32 to vector<16xi32>
      %add3A_1912 = arith.addi %add3A_1911, %iota3A : vector<16xi32>
      %scan3A_1913 = arith.constant 0 : i32
      %scan3A_1914 = arith.constant 0 : i32
      %scan3A_1915 = arith.constant 32 : i32
      %scan3A_1916 = arith.addi %scan3A_1914, %scan3A_1915 : i32
      %scan3A_1917 = arith.constant 1 : i32
      scf.for %scan3A_1919 = %scan3A_1914 to %scan3A_1916 step %scan3A_1917  : i32 {
        %add3A_1920 = vector.broadcast %scan3A_1919 : i32 to vector<16xi32>
        %add3A_1921 = arith.addi %mul3A_1908, %add3A_1920 : vector<16xi32>
        %gather3A = tpu.vector_load_idx %arg8[%broadcast_in_dim3A_526, %add3A_1912, %add3A_1921] : memref<2x128x128xf32, #tpu.memory_space<vmem>>[vector<16xi32>, vector<16xi32>, vector<16xi32>], vector<16xf32>,
        %broadcast_in_dim3A_1922 = arith.constant 0 : i32
        %broadcast_in_dim3A_1923 = vector.broadcast %broadcast_in_dim3A_1922 : i32 to vector<16xi32>
        %add3A_1924 = vector.broadcast %scan3A_1919 : i32 to vector<16xi32>
        %add3A_1925 = arith.addi %broadcast_in_dim3A_1923, %add3A_1924 : vector<16xi32>
        tpu.vector_store_idx %arg9[%broadcast_in_dim3A_526, %add3A_1912, %add3A_1925], %gather3A : memref<2x128x32xf32, #tpu.memory_space<vmem>>[vector<16xi32>, vector<16xi32>, vector<16xi32>], vector<16xf32>,
      }
      %scan3A_1918 = arith.constant 32 : i32
    }
    %scan3A_532 = arith.constant 8 : i32
    %add3A_533 = arith.constant 7 : i32
    %add3A_534 = arith.addi %mul3A_2, %add3A_533 : i32
    %dma_start3A_535 = arith.constant 1 : i32
    %dma_start3A_536 = arith.constant 0 : i32
    %dma_start3A_537 = arith.constant 0 : i32
    %dma_start3A_538 = tpu.memref_slice %arg9[%dma_start3A_535, %dma_start3A_536, %dma_start3A_537] : memref<2x128x32xf32, #tpu.memory_space<vmem>> -> memref<1x128x32xf32, #tpu.memory_space<vmem>>
    %dma_start3A_539 = tpu.memref_squeeze %dma_start3A_538 : memref<1x128x32xf32, #tpu.memory_space<vmem>> -> memref<128x32xf32, #tpu.memory_space<vmem>>
    %dma_start3A_540 = arith.constant 0 : i32
    %dma_start3A_541 = arith.constant 0 : i32
    %dma_start3A_542 = tpu.memref_slice %arg4[%add3A_534, %dma_start3A_540, %dma_start3A_541] : memref<832x128x32xf32, #tpu.memory_space<hbm>> -> memref<1x128x32xf32, #tpu.memory_space<hbm>>
    %dma_start3A_543 = tpu.memref_squeeze %dma_start3A_542 : memref<1x128x32xf32, #tpu.memory_space<hbm>> -> memref<128x32xf32, #tpu.memory_space<hbm>>
    %dma_start3A_544 = arith.constant 0 : i32
    %dma_start3A_545 = arith.constant 0 : i32
    %dma_start3A_546 = tpu.memref_slice %arg4[%add3A_534, %dma_start3A_544, %dma_start3A_545] : memref<832x128x32xf32, #tpu.memory_space<hbm>> -> memref<1x128x32xf32, #tpu.memory_space<hbm>>
    %dma_start3A_547 = tpu.memref_squeeze %dma_start3A_546 : memref<1x128x32xf32, #tpu.memory_space<hbm>> -> memref<128x32xf32, #tpu.memory_space<hbm>>
    %dma_start3A_548 = arith.constant 0 : i32
    %dma_start3A_549 = arith.constant 0 : i32
    %dma_start3A_550 = tpu.memref_slice %arg9[%dma_start3A_535, %dma_start3A_548, %dma_start3A_549] : memref<2x128x32xf32, #tpu.memory_space<vmem>> -> memref<1x128x32xf32, #tpu.memory_space<vmem>>
    %dma_start3A_551 = tpu.memref_squeeze %dma_start3A_550 : memref<1x128x32xf32, #tpu.memory_space<vmem>> -> memref<128x32xf32, #tpu.memory_space<vmem>>
    tpu.enqueue_dma source(%dma_start3A_551 : memref<128x32xf32, #tpu.memory_space<vmem>>) target(%dma_start3A_547 : memref<128x32xf32, #tpu.memory_space<hbm>>) target_semaphore(%arg16 : memref<!tpu.dma_semaphore, #tpu.memory_space<semaphore_mem>>)
    %dma_start3A_552 = arith.constant 9 : i32
    %dma_start3A_553 = arith.constant 1 : i32
    %dma_start3A_554 = arith.constant 0 : i32
    %dma_start3A_555 = arith.constant 0 : i32
    %dma_start3A_556 = tpu.memref_slice %arg8[%dma_start3A_553, %dma_start3A_554, %dma_start3A_555] : memref<2x128x128xf32, #tpu.memory_space<vmem>> -> memref<1x128x128xf32, #tpu.memory_space<vmem>>
    %dma_start3A_557 = tpu.memref_squeeze %dma_start3A_556 : memref<1x128x128xf32, #tpu.memory_space<vmem>> -> memref<128x128xf32, #tpu.memory_space<vmem>>
    %dma_start3A_558 = arith.constant 0 : i32
    %dma_start3A_559 = tpu.memref_slice %arg7[%dma_start3A_552, %dma_start3A_558] : memref<26x128xi32, #tpu.memory_space<vmem>> -> memref<1x128xi32, #tpu.memory_space<vmem>>
    %dma_start3A_560 = tpu.memref_squeeze %dma_start3A_559 : memref<1x128xi32, #tpu.memory_space<vmem>> -> memref<128xi32, #tpu.memory_space<vmem>>
    %dma_start3A_561 = arith.constant 0 : i32
    %dma_start3A_562 = arith.constant 0 : i32
    %dma_start3A_563 = tpu.memref_slice %arg3[%dma_start3A_561, %dma_start3A_562] : memref<262144x128xf32, #tpu.memory_space<hbm>> -> memref<262144x128xf32, #tpu.memory_space<hbm>>
    tpu.enqueue_indirect_dma source(%dma_start3A_563 : memref<262144x128xf32, #tpu.memory_space<hbm>>) target(%dma_start3A_557 : memref<128x128xf32, #tpu.memory_space<vmem>>) offsets(%dma_start3A_560 : memref<128xi32, #tpu.memory_space<vmem>>) semaphore(%arg13 : memref<!tpu.dma_semaphore, #tpu.memory_space<semaphore_mem>>)
    %dma_wait3A_564 = arith.constant 8 : i32
    %dma_wait3A_565 = arith.constant 0 : i32
    %dma_wait3A_566 = arith.constant 0 : i32
    %dma_wait3A_567 = arith.constant 0 : i32
    %dma_wait3A_568 = tpu.memref_slice %arg8[%dma_wait3A_565, %dma_wait3A_566, %dma_wait3A_567] : memref<2x128x128xf32, #tpu.memory_space<vmem>> -> memref<1x128x128xf32, #tpu.memory_space<vmem>>
    %dma_wait3A_569 = tpu.memref_squeeze %dma_wait3A_568 : memref<1x128x128xf32, #tpu.memory_space<vmem>> -> memref<128x128xf32, #tpu.memory_space<vmem>>
    %dma_wait3A_570 = arith.constant 0 : i32
    %dma_wait3A_571 = tpu.memref_slice %arg7[%dma_wait3A_564, %dma_wait3A_570] : memref<26x128xi32, #tpu.memory_space<vmem>> -> memref<1x128xi32, #tpu.memory_space<vmem>>
    %dma_wait3A_572 = tpu.memref_squeeze %dma_wait3A_571 : memref<1x128xi32, #tpu.memory_space<vmem>> -> memref<128xi32, #tpu.memory_space<vmem>>
    %dma_wait3A_573 = arith.constant 0 : i32
    %dma_wait3A_574 = arith.constant 0 : i32
    %dma_wait3A_575 = tpu.memref_slice %arg3[%dma_wait3A_573, %dma_wait3A_574] : memref<262144x128xf32, #tpu.memory_space<hbm>> -> memref<262144x128xf32, #tpu.memory_space<hbm>>
    tpu.wait_indirect_dma semaphore(%arg13 : memref<!tpu.dma_semaphore, #tpu.memory_space<semaphore_mem>>) src(%dma_wait3A_575 : memref<262144x128xf32, #tpu.memory_space<hbm>>) dst(%dma_wait3A_569 : memref<128x128xf32, #tpu.memory_space<vmem>>)
    %add3A_576 = arith.constant 8 : i32
    %add3A_577 = arith.addi %mul3A_2, %add3A_576 : i32
    %sub3A_578 = arith.constant 2 : i32
    %sub3A_579 = arith.subi %add3A_577, %sub3A_578 : i32
    %dma_wait3A_580 = arith.constant 0 : i32
    %dma_wait3A_581 = arith.constant 0 : i32
    %dma_wait3A_582 = arith.constant 0 : i32
    %dma_wait3A_583 = tpu.memref_slice %arg9[%dma_wait3A_580, %dma_wait3A_581, %dma_wait3A_582] : memref<2x128x32xf32, #tpu.memory_space<vmem>> -> memref<1x128x32xf32, #tpu.memory_space<vmem>>
    %dma_wait3A_584 = tpu.memref_squeeze %dma_wait3A_583 : memref<1x128x32xf32, #tpu.memory_space<vmem>> -> memref<128x32xf32, #tpu.memory_space<vmem>>
    %dma_wait3A_585 = arith.constant 0 : i32
    %dma_wait3A_586 = arith.constant 0 : i32
    %dma_wait3A_587 = tpu.memref_slice %arg4[%sub3A_579, %dma_wait3A_585, %dma_wait3A_586] : memref<832x128x32xf32, #tpu.memory_space<hbm>> -> memref<1x128x32xf32, #tpu.memory_space<hbm>>
    %dma_wait3A_588 = tpu.memref_squeeze %dma_wait3A_587 : memref<1x128x32xf32, #tpu.memory_space<hbm>> -> memref<128x32xf32, #tpu.memory_space<hbm>>
    %dma_wait3A_589 = arith.constant 0 : i32
    %dma_wait3A_590 = arith.constant 0 : i32
    %dma_wait3A_591 = tpu.memref_slice %arg4[%sub3A_579, %dma_wait3A_589, %dma_wait3A_590] : memref<832x128x32xf32, #tpu.memory_space<hbm>> -> memref<1x128x32xf32, #tpu.memory_space<hbm>>
    %dma_wait3A_592 = tpu.memref_squeeze %dma_wait3A_591 : memref<1x128x32xf32, #tpu.memory_space<hbm>> -> memref<128x32xf32, #tpu.memory_space<hbm>>
    %dma_wait3A_593 = arith.constant 0 : i32
    %dma_wait3A_594 = arith.constant 0 : i32
    %dma_wait3A_595 = tpu.memref_slice %arg9[%dma_wait3A_580, %dma_wait3A_593, %dma_wait3A_594] : memref<2x128x32xf32, #tpu.memory_space<vmem>> -> memref<1x128x32xf32, #tpu.memory_space<vmem>>
    %dma_wait3A_596 = tpu.memref_squeeze %dma_wait3A_595 : memref<1x128x32xf32, #tpu.memory_space<vmem>> -> memref<128x32xf32, #tpu.memory_space<vmem>>
    tpu.wait_dma2 semaphore(%arg14 : memref<!tpu.dma_semaphore, #tpu.memory_space<semaphore_mem>>) src(%dma_wait3A_596 : memref<128x32xf32, #tpu.memory_space<vmem>>) dst(%dma_wait3A_592 : memref<128x32xf32, #tpu.memory_space<hbm>>)
    %broadcast_in_dim3A_597 = arith.constant 0 : i32
    %broadcast_in_dim3A_598 = vector.broadcast %broadcast_in_dim3A_597 : i32 to vector<16xi32>
    %scan3A_599 = arith.constant 0 : i32
    %scan3A_600 = arith.constant 0 : i32
    %scan3A_601 = arith.constant 8 : i32
    %scan3A_602 = arith.addi %scan3A_600, %scan3A_601 : i32
    %scan3A_603 = arith.constant 1 : i32
    scf.for %scan3A_1874 = %scan3A_600 to %scan3A_602 step %scan3A_603  : i32 {
      %mul3A_1875 = arith.constant 16 : i32
      %mul3A_1876 = arith.muli %scan3A_1874, %mul3A_1875 : i32
      %get3A = arith.constant 0 : i32
      %get3A_1877 = arith.constant 8 : i32
      %get3A_1878 = arith.index_cast %get3A : i32 to index
      %get3A_1879 = arith.index_cast %get3A_1877 : i32 to index
      %get3A_1880 = arith.index_cast %mul3A_1876 : i32 to index
      %get3A_1881 = tpu.vector_load %arg6[%get3A_1878, %get3A_1879, %get3A_1880] {strides = array<i32>} : memref<2x26x128xi32, #tpu.memory_space<vmem>>, vector<16xi32>,
      %jit3A = arith.constant 262144 : i32
      %div3A = vector.broadcast %jit3A : i32 to vector<16xi32>
      %div3A_1882 = arith.divsi %get3A_1881, %div3A : vector<16xi32>
      %sign3A = arith.constant 0 : i32
      %sign3A_1883 = vector.broadcast %sign3A : i32 to vector<16xi32>
      %sign3A_1884 = arith.cmpi sgt, %get3A_1881, %sign3A_1883 : vector<16xi32>
      %sign3A_1885 = arith.extui %sign3A_1884 : vector<16xi1> to vector<16xi32>
      %sign3A_1886 = arith.constant 0 : i32
      %sign3A_1887 = vector.broadcast %sign3A_1886 : i32 to vector<16xi32>
      %sign3A_1888 = arith.cmpi slt, %get3A_1881, %sign3A_1887 : vector<16xi32>
      %sign3A_1889 = arith.extui %sign3A_1888 : vector<16xi1> to vector<16xi32>
      %sign3A_1890 = arith.subi %sign3A_1885, %sign3A_1889 : vector<16xi32>
      %sign3A_1891 = arith.constant 0 : i32
      %sign3A_1892 = arith.cmpi sgt, %jit3A, %sign3A_1891 : i32
      %sign3A_1893 = arith.extui %sign3A_1892 : i1 to i32
      %sign3A_1894 = arith.constant 0 : i32
      %sign3A_1895 = arith.cmpi slt, %jit3A, %sign3A_1894 : i32
      %sign3A_1896 = arith.extui %sign3A_1895 : i1 to i32
      %sign3A_1897 = arith.subi %sign3A_1893, %sign3A_1896 : i32
      %ne3A = vector.broadcast %sign3A_1897 : i32 to vector<16xi32>
      %ne3A_1898 = arith.cmpi ne, %sign3A_1890, %ne3A : vector<16xi32>
      %rem3A = vector.broadcast %jit3A : i32 to vector<16xi32>
      %rem3A_1899 = arith.remsi %get3A_1881, %rem3A : vector<16xi32>
      %ne3A_1900 = arith.constant 0 : i32
      %ne3A_1901 = vector.broadcast %ne3A_1900 : i32 to vector<16xi32>
      %ne3A_1902 = arith.cmpi ne, %rem3A_1899, %ne3A_1901 : vector<16xi32>
      %and3A = arith.andi %ne3A_1898, %ne3A_1902 : vector<16xi1>
      %sub3A_1903 = arith.constant 1 : i32
      %sub3A_1904 = vector.broadcast %sub3A_1903 : i32 to vector<16xi32>
      %sub3A_1905 = arith.subi %div3A_1882, %sub3A_1904 : vector<16xi32>
      %select_n3A = arith.select %and3A, %sub3A_1905, %div3A_1882 : vector<16xi1>, vector<16xi32>
      %mul3A_1906 = arith.constant 32 : i32
      %mul3A_1907 = vector.broadcast %mul3A_1906 : i32 to vector<16xi32>
      %mul3A_1908 = arith.muli %select_n3A, %mul3A_1907 : vector<16xi32>
      %mul3A_1909 = arith.constant 16 : i32
      %mul3A_1910 = arith.muli %scan3A_1874, %mul3A_1909 : i32
      %add3A_1911 = vector.broadcast %mul3A_1910 : i32 to vector<16xi32>
      %add3A_1912 = arith.addi %add3A_1911, %iota3A : vector<16xi32>
      %scan3A_1913 = arith.constant 0 : i32
      %scan3A_1914 = arith.constant 0 : i32
      %scan3A_1915 = arith.constant 32 : i32
      %scan3A_1916 = arith.addi %scan3A_1914, %scan3A_1915 : i32
      %scan3A_1917 = arith.constant 1 : i32
      scf.for %scan3A_1919 = %scan3A_1914 to %scan3A_1916 step %scan3A_1917  : i32 {
        %add3A_1920 = vector.broadcast %scan3A_1919 : i32 to vector<16xi32>
        %add3A_1921 = arith.addi %mul3A_1908, %add3A_1920 : vector<16xi32>
        %gather3A = tpu.vector_load_idx %arg8[%broadcast_in_dim3A_598, %add3A_1912, %add3A_1921] : memref<2x128x128xf32, #tpu.memory_space<vmem>>[vector<16xi32>, vector<16xi32>, vector<16xi32>], vector<16xf32>,
        %broadcast_in_dim3A_1922 = arith.constant 0 : i32
        %broadcast_in_dim3A_1923 = vector.broadcast %broadcast_in_dim3A_1922 : i32 to vector<16xi32>
        %add3A_1924 = vector.broadcast %scan3A_1919 : i32 to vector<16xi32>
        %add3A_1925 = arith.addi %broadcast_in_dim3A_1923, %add3A_1924 : vector<16xi32>
        tpu.vector_store_idx %arg9[%broadcast_in_dim3A_598, %add3A_1912, %add3A_1925], %gather3A : memref<2x128x32xf32, #tpu.memory_space<vmem>>[vector<16xi32>, vector<16xi32>, vector<16xi32>], vector<16xf32>,
      }
      %scan3A_1918 = arith.constant 32 : i32
    }
    %scan3A_604 = arith.constant 8 : i32
    %add3A_605 = arith.constant 8 : i32
    %add3A_606 = arith.addi %mul3A_2, %add3A_605 : i32
    %dma_start3A_607 = arith.constant 0 : i32
    %dma_start3A_608 = arith.constant 0 : i32
    %dma_start3A_609 = arith.constant 0 : i32
    %dma_start3A_610 = tpu.memref_slice %arg9[%dma_start3A_607, %dma_start3A_608, %dma_start3A_609] : memref<2x128x32xf32, #tpu.memory_space<vmem>> -> memref<1x128x32xf32, #tpu.memory_space<vmem>>
    %dma_start3A_611 = tpu.memref_squeeze %dma_start3A_610 : memref<1x128x32xf32, #tpu.memory_space<vmem>> -> memref<128x32xf32, #tpu.memory_space<vmem>>
    %dma_start3A_612 = arith.constant 0 : i32
    %dma_start3A_613 = arith.constant 0 : i32
    %dma_start3A_614 = tpu.memref_slice %arg4[%add3A_606, %dma_start3A_612, %dma_start3A_613] : memref<832x128x32xf32, #tpu.memory_space<hbm>> -> memref<1x128x32xf32, #tpu.memory_space<hbm>>
    %dma_start3A_615 = tpu.memref_squeeze %dma_start3A_614 : memref<1x128x32xf32, #tpu.memory_space<hbm>> -> memref<128x32xf32, #tpu.memory_space<hbm>>
    %dma_start3A_616 = arith.constant 0 : i32
    %dma_start3A_617 = arith.constant 0 : i32
    %dma_start3A_618 = tpu.memref_slice %arg4[%add3A_606, %dma_start3A_616, %dma_start3A_617] : memref<832x128x32xf32, #tpu.memory_space<hbm>> -> memref<1x128x32xf32, #tpu.memory_space<hbm>>
    %dma_start3A_619 = tpu.memref_squeeze %dma_start3A_618 : memref<1x128x32xf32, #tpu.memory_space<hbm>> -> memref<128x32xf32, #tpu.memory_space<hbm>>
    %dma_start3A_620 = arith.constant 0 : i32
    %dma_start3A_621 = arith.constant 0 : i32
    %dma_start3A_622 = tpu.memref_slice %arg9[%dma_start3A_607, %dma_start3A_620, %dma_start3A_621] : memref<2x128x32xf32, #tpu.memory_space<vmem>> -> memref<1x128x32xf32, #tpu.memory_space<vmem>>
    %dma_start3A_623 = tpu.memref_squeeze %dma_start3A_622 : memref<1x128x32xf32, #tpu.memory_space<vmem>> -> memref<128x32xf32, #tpu.memory_space<vmem>>
    tpu.enqueue_dma source(%dma_start3A_623 : memref<128x32xf32, #tpu.memory_space<vmem>>) target(%dma_start3A_619 : memref<128x32xf32, #tpu.memory_space<hbm>>) target_semaphore(%arg14 : memref<!tpu.dma_semaphore, #tpu.memory_space<semaphore_mem>>)
    %dma_start3A_624 = arith.constant 10 : i32
    %dma_start3A_625 = arith.constant 0 : i32
    %dma_start3A_626 = arith.constant 0 : i32
    %dma_start3A_627 = arith.constant 0 : i32
    %dma_start3A_628 = tpu.memref_slice %arg8[%dma_start3A_625, %dma_start3A_626, %dma_start3A_627] : memref<2x128x128xf32, #tpu.memory_space<vmem>> -> memref<1x128x128xf32, #tpu.memory_space<vmem>>
    %dma_start3A_629 = tpu.memref_squeeze %dma_start3A_628 : memref<1x128x128xf32, #tpu.memory_space<vmem>> -> memref<128x128xf32, #tpu.memory_space<vmem>>
    %dma_start3A_630 = arith.constant 0 : i32
    %dma_start3A_631 = tpu.memref_slice %arg7[%dma_start3A_624, %dma_start3A_630] : memref<26x128xi32, #tpu.memory_space<vmem>> -> memref<1x128xi32, #tpu.memory_space<vmem>>
    %dma_start3A_632 = tpu.memref_squeeze %dma_start3A_631 : memref<1x128xi32, #tpu.memory_space<vmem>> -> memref<128xi32, #tpu.memory_space<vmem>>
    %dma_start3A_633 = arith.constant 0 : i32
    %dma_start3A_634 = arith.constant 0 : i32
    %dma_start3A_635 = tpu.memref_slice %arg3[%dma_start3A_633, %dma_start3A_634] : memref<262144x128xf32, #tpu.memory_space<hbm>> -> memref<262144x128xf32, #tpu.memory_space<hbm>>
    tpu.enqueue_indirect_dma source(%dma_start3A_635 : memref<262144x128xf32, #tpu.memory_space<hbm>>) target(%dma_start3A_629 : memref<128x128xf32, #tpu.memory_space<vmem>>) offsets(%dma_start3A_632 : memref<128xi32, #tpu.memory_space<vmem>>) semaphore(%arg13 : memref<!tpu.dma_semaphore, #tpu.memory_space<semaphore_mem>>)
    %dma_wait3A_636 = arith.constant 9 : i32
    %dma_wait3A_637 = arith.constant 1 : i32
    %dma_wait3A_638 = arith.constant 0 : i32
    %dma_wait3A_639 = arith.constant 0 : i32
    %dma_wait3A_640 = tpu.memref_slice %arg8[%dma_wait3A_637, %dma_wait3A_638, %dma_wait3A_639] : memref<2x128x128xf32, #tpu.memory_space<vmem>> -> memref<1x128x128xf32, #tpu.memory_space<vmem>>
    %dma_wait3A_641 = tpu.memref_squeeze %dma_wait3A_640 : memref<1x128x128xf32, #tpu.memory_space<vmem>> -> memref<128x128xf32, #tpu.memory_space<vmem>>
    %dma_wait3A_642 = arith.constant 0 : i32
    %dma_wait3A_643 = tpu.memref_slice %arg7[%dma_wait3A_636, %dma_wait3A_642] : memref<26x128xi32, #tpu.memory_space<vmem>> -> memref<1x128xi32, #tpu.memory_space<vmem>>
    %dma_wait3A_644 = tpu.memref_squeeze %dma_wait3A_643 : memref<1x128xi32, #tpu.memory_space<vmem>> -> memref<128xi32, #tpu.memory_space<vmem>>
    %dma_wait3A_645 = arith.constant 0 : i32
    %dma_wait3A_646 = arith.constant 0 : i32
    %dma_wait3A_647 = tpu.memref_slice %arg3[%dma_wait3A_645, %dma_wait3A_646] : memref<262144x128xf32, #tpu.memory_space<hbm>> -> memref<262144x128xf32, #tpu.memory_space<hbm>>
    tpu.wait_indirect_dma semaphore(%arg13 : memref<!tpu.dma_semaphore, #tpu.memory_space<semaphore_mem>>) src(%dma_wait3A_647 : memref<262144x128xf32, #tpu.memory_space<hbm>>) dst(%dma_wait3A_641 : memref<128x128xf32, #tpu.memory_space<vmem>>)
    %add3A_648 = arith.constant 9 : i32
    %add3A_649 = arith.addi %mul3A_2, %add3A_648 : i32
    %sub3A_650 = arith.constant 2 : i32
    %sub3A_651 = arith.subi %add3A_649, %sub3A_650 : i32
    %dma_wait3A_652 = arith.constant 1 : i32
    %dma_wait3A_653 = arith.constant 0 : i32
    %dma_wait3A_654 = arith.constant 0 : i32
    %dma_wait3A_655 = tpu.memref_slice %arg9[%dma_wait3A_652, %dma_wait3A_653, %dma_wait3A_654] : memref<2x128x32xf32, #tpu.memory_space<vmem>> -> memref<1x128x32xf32, #tpu.memory_space<vmem>>
    %dma_wait3A_656 = tpu.memref_squeeze %dma_wait3A_655 : memref<1x128x32xf32, #tpu.memory_space<vmem>> -> memref<128x32xf32, #tpu.memory_space<vmem>>
    %dma_wait3A_657 = arith.constant 0 : i32
    %dma_wait3A_658 = arith.constant 0 : i32
    %dma_wait3A_659 = tpu.memref_slice %arg4[%sub3A_651, %dma_wait3A_657, %dma_wait3A_658] : memref<832x128x32xf32, #tpu.memory_space<hbm>> -> memref<1x128x32xf32, #tpu.memory_space<hbm>>
    %dma_wait3A_660 = tpu.memref_squeeze %dma_wait3A_659 : memref<1x128x32xf32, #tpu.memory_space<hbm>> -> memref<128x32xf32, #tpu.memory_space<hbm>>
    %dma_wait3A_661 = arith.constant 0 : i32
    %dma_wait3A_662 = arith.constant 0 : i32
    %dma_wait3A_663 = tpu.memref_slice %arg4[%sub3A_651, %dma_wait3A_661, %dma_wait3A_662] : memref<832x128x32xf32, #tpu.memory_space<hbm>> -> memref<1x128x32xf32, #tpu.memory_space<hbm>>
    %dma_wait3A_664 = tpu.memref_squeeze %dma_wait3A_663 : memref<1x128x32xf32, #tpu.memory_space<hbm>> -> memref<128x32xf32, #tpu.memory_space<hbm>>
    %dma_wait3A_665 = arith.constant 0 : i32
    %dma_wait3A_666 = arith.constant 0 : i32
    %dma_wait3A_667 = tpu.memref_slice %arg9[%dma_wait3A_652, %dma_wait3A_665, %dma_wait3A_666] : memref<2x128x32xf32, #tpu.memory_space<vmem>> -> memref<1x128x32xf32, #tpu.memory_space<vmem>>
    %dma_wait3A_668 = tpu.memref_squeeze %dma_wait3A_667 : memref<1x128x32xf32, #tpu.memory_space<vmem>> -> memref<128x32xf32, #tpu.memory_space<vmem>>
    tpu.wait_dma2 semaphore(%arg16 : memref<!tpu.dma_semaphore, #tpu.memory_space<semaphore_mem>>) src(%dma_wait3A_668 : memref<128x32xf32, #tpu.memory_space<vmem>>) dst(%dma_wait3A_664 : memref<128x32xf32, #tpu.memory_space<hbm>>)
    %broadcast_in_dim3A_669 = arith.constant 1 : i32
    %broadcast_in_dim3A_670 = vector.broadcast %broadcast_in_dim3A_669 : i32 to vector<16xi32>
    %scan3A_671 = arith.constant 0 : i32
    %scan3A_672 = arith.constant 0 : i32
    %scan3A_673 = arith.constant 8 : i32
    %scan3A_674 = arith.addi %scan3A_672, %scan3A_673 : i32
    %scan3A_675 = arith.constant 1 : i32
    scf.for %scan3A_1874 = %scan3A_672 to %scan3A_674 step %scan3A_675  : i32 {
      %mul3A_1875 = arith.constant 16 : i32
      %mul3A_1876 = arith.muli %scan3A_1874, %mul3A_1875 : i32
      %get3A = arith.constant 0 : i32
      %get3A_1877 = arith.constant 9 : i32
      %get3A_1878 = arith.index_cast %get3A : i32 to index
      %get3A_1879 = arith.index_cast %get3A_1877 : i32 to index
      %get3A_1880 = arith.index_cast %mul3A_1876 : i32 to index
      %get3A_1881 = tpu.vector_load %arg6[%get3A_1878, %get3A_1879, %get3A_1880] {strides = array<i32>} : memref<2x26x128xi32, #tpu.memory_space<vmem>>, vector<16xi32>,
      %jit3A = arith.constant 262144 : i32
      %div3A = vector.broadcast %jit3A : i32 to vector<16xi32>
      %div3A_1882 = arith.divsi %get3A_1881, %div3A : vector<16xi32>
      %sign3A = arith.constant 0 : i32
      %sign3A_1883 = vector.broadcast %sign3A : i32 to vector<16xi32>
      %sign3A_1884 = arith.cmpi sgt, %get3A_1881, %sign3A_1883 : vector<16xi32>
      %sign3A_1885 = arith.extui %sign3A_1884 : vector<16xi1> to vector<16xi32>
      %sign3A_1886 = arith.constant 0 : i32
      %sign3A_1887 = vector.broadcast %sign3A_1886 : i32 to vector<16xi32>
      %sign3A_1888 = arith.cmpi slt, %get3A_1881, %sign3A_1887 : vector<16xi32>
      %sign3A_1889 = arith.extui %sign3A_1888 : vector<16xi1> to vector<16xi32>
      %sign3A_1890 = arith.subi %sign3A_1885, %sign3A_1889 : vector<16xi32>
      %sign3A_1891 = arith.constant 0 : i32
      %sign3A_1892 = arith.cmpi sgt, %jit3A, %sign3A_1891 : i32
      %sign3A_1893 = arith.extui %sign3A_1892 : i1 to i32
      %sign3A_1894 = arith.constant 0 : i32
      %sign3A_1895 = arith.cmpi slt, %jit3A, %sign3A_1894 : i32
      %sign3A_1896 = arith.extui %sign3A_1895 : i1 to i32
      %sign3A_1897 = arith.subi %sign3A_1893, %sign3A_1896 : i32
      %ne3A = vector.broadcast %sign3A_1897 : i32 to vector<16xi32>
      %ne3A_1898 = arith.cmpi ne, %sign3A_1890, %ne3A : vector<16xi32>
      %rem3A = vector.broadcast %jit3A : i32 to vector<16xi32>
      %rem3A_1899 = arith.remsi %get3A_1881, %rem3A : vector<16xi32>
      %ne3A_1900 = arith.constant 0 : i32
      %ne3A_1901 = vector.broadcast %ne3A_1900 : i32 to vector<16xi32>
      %ne3A_1902 = arith.cmpi ne, %rem3A_1899, %ne3A_1901 : vector<16xi32>
      %and3A = arith.andi %ne3A_1898, %ne3A_1902 : vector<16xi1>
      %sub3A_1903 = arith.constant 1 : i32
      %sub3A_1904 = vector.broadcast %sub3A_1903 : i32 to vector<16xi32>
      %sub3A_1905 = arith.subi %div3A_1882, %sub3A_1904 : vector<16xi32>
      %select_n3A = arith.select %and3A, %sub3A_1905, %div3A_1882 : vector<16xi1>, vector<16xi32>
      %mul3A_1906 = arith.constant 32 : i32
      %mul3A_1907 = vector.broadcast %mul3A_1906 : i32 to vector<16xi32>
      %mul3A_1908 = arith.muli %select_n3A, %mul3A_1907 : vector<16xi32>
      %mul3A_1909 = arith.constant 16 : i32
      %mul3A_1910 = arith.muli %scan3A_1874, %mul3A_1909 : i32
      %add3A_1911 = vector.broadcast %mul3A_1910 : i32 to vector<16xi32>
      %add3A_1912 = arith.addi %add3A_1911, %iota3A : vector<16xi32>
      %scan3A_1913 = arith.constant 0 : i32
      %scan3A_1914 = arith.constant 0 : i32
      %scan3A_1915 = arith.constant 32 : i32
      %scan3A_1916 = arith.addi %scan3A_1914, %scan3A_1915 : i32
      %scan3A_1917 = arith.constant 1 : i32
      scf.for %scan3A_1919 = %scan3A_1914 to %scan3A_1916 step %scan3A_1917  : i32 {
        %add3A_1920 = vector.broadcast %scan3A_1919 : i32 to vector<16xi32>
        %add3A_1921 = arith.addi %mul3A_1908, %add3A_1920 : vector<16xi32>
        %gather3A = tpu.vector_load_idx %arg8[%broadcast_in_dim3A_670, %add3A_1912, %add3A_1921] : memref<2x128x128xf32, #tpu.memory_space<vmem>>[vector<16xi32>, vector<16xi32>, vector<16xi32>], vector<16xf32>,
        %broadcast_in_dim3A_1922 = arith.constant 0 : i32
        %broadcast_in_dim3A_1923 = vector.broadcast %broadcast_in_dim3A_1922 : i32 to vector<16xi32>
        %add3A_1924 = vector.broadcast %scan3A_1919 : i32 to vector<16xi32>
        %add3A_1925 = arith.addi %broadcast_in_dim3A_1923, %add3A_1924 : vector<16xi32>
        tpu.vector_store_idx %arg9[%broadcast_in_dim3A_670, %add3A_1912, %add3A_1925], %gather3A : memref<2x128x32xf32, #tpu.memory_space<vmem>>[vector<16xi32>, vector<16xi32>, vector<16xi32>], vector<16xf32>,
      }
      %scan3A_1918 = arith.constant 32 : i32
    }
    %scan3A_676 = arith.constant 8 : i32
    %add3A_677 = arith.constant 9 : i32
    %add3A_678 = arith.addi %mul3A_2, %add3A_677 : i32
    %dma_start3A_679 = arith.constant 1 : i32
    %dma_start3A_680 = arith.constant 0 : i32
    %dma_start3A_681 = arith.constant 0 : i32
    %dma_start3A_682 = tpu.memref_slice %arg9[%dma_start3A_679, %dma_start3A_680, %dma_start3A_681] : memref<2x128x32xf32, #tpu.memory_space<vmem>> -> memref<1x128x32xf32, #tpu.memory_space<vmem>>
    %dma_start3A_683 = tpu.memref_squeeze %dma_start3A_682 : memref<1x128x32xf32, #tpu.memory_space<vmem>> -> memref<128x32xf32, #tpu.memory_space<vmem>>
    %dma_start3A_684 = arith.constant 0 : i32
    %dma_start3A_685 = arith.constant 0 : i32
    %dma_start3A_686 = tpu.memref_slice %arg4[%add3A_678, %dma_start3A_684, %dma_start3A_685] : memref<832x128x32xf32, #tpu.memory_space<hbm>> -> memref<1x128x32xf32, #tpu.memory_space<hbm>>
    %dma_start3A_687 = tpu.memref_squeeze %dma_start3A_686 : memref<1x128x32xf32, #tpu.memory_space<hbm>> -> memref<128x32xf32, #tpu.memory_space<hbm>>
    %dma_start3A_688 = arith.constant 0 : i32
    %dma_start3A_689 = arith.constant 0 : i32
    %dma_start3A_690 = tpu.memref_slice %arg4[%add3A_678, %dma_start3A_688, %dma_start3A_689] : memref<832x128x32xf32, #tpu.memory_space<hbm>> -> memref<1x128x32xf32, #tpu.memory_space<hbm>>
    %dma_start3A_691 = tpu.memref_squeeze %dma_start3A_690 : memref<1x128x32xf32, #tpu.memory_space<hbm>> -> memref<128x32xf32, #tpu.memory_space<hbm>>
    %dma_start3A_692 = arith.constant 0 : i32
    %dma_start3A_693 = arith.constant 0 : i32
    %dma_start3A_694 = tpu.memref_slice %arg9[%dma_start3A_679, %dma_start3A_692, %dma_start3A_693] : memref<2x128x32xf32, #tpu.memory_space<vmem>> -> memref<1x128x32xf32, #tpu.memory_space<vmem>>
    %dma_start3A_695 = tpu.memref_squeeze %dma_start3A_694 : memref<1x128x32xf32, #tpu.memory_space<vmem>> -> memref<128x32xf32, #tpu.memory_space<vmem>>
    tpu.enqueue_dma source(%dma_start3A_695 : memref<128x32xf32, #tpu.memory_space<vmem>>) target(%dma_start3A_691 : memref<128x32xf32, #tpu.memory_space<hbm>>) target_semaphore(%arg16 : memref<!tpu.dma_semaphore, #tpu.memory_space<semaphore_mem>>)
    %dma_start3A_696 = arith.constant 11 : i32
    %dma_start3A_697 = arith.constant 1 : i32
    %dma_start3A_698 = arith.constant 0 : i32
    %dma_start3A_699 = arith.constant 0 : i32
    %dma_start3A_700 = tpu.memref_slice %arg8[%dma_start3A_697, %dma_start3A_698, %dma_start3A_699] : memref<2x128x128xf32, #tpu.memory_space<vmem>> -> memref<1x128x128xf32, #tpu.memory_space<vmem>>
    %dma_start3A_701 = tpu.memref_squeeze %dma_start3A_700 : memref<1x128x128xf32, #tpu.memory_space<vmem>> -> memref<128x128xf32, #tpu.memory_space<vmem>>
    %dma_start3A_702 = arith.constant 0 : i32
    %dma_start3A_703 = tpu.memref_slice %arg7[%dma_start3A_696, %dma_start3A_702] : memref<26x128xi32, #tpu.memory_space<vmem>> -> memref<1x128xi32, #tpu.memory_space<vmem>>
    %dma_start3A_704 = tpu.memref_squeeze %dma_start3A_703 : memref<1x128xi32, #tpu.memory_space<vmem>> -> memref<128xi32, #tpu.memory_space<vmem>>
    %dma_start3A_705 = arith.constant 0 : i32
    %dma_start3A_706 = arith.constant 0 : i32
    %dma_start3A_707 = tpu.memref_slice %arg3[%dma_start3A_705, %dma_start3A_706] : memref<262144x128xf32, #tpu.memory_space<hbm>> -> memref<262144x128xf32, #tpu.memory_space<hbm>>
    tpu.enqueue_indirect_dma source(%dma_start3A_707 : memref<262144x128xf32, #tpu.memory_space<hbm>>) target(%dma_start3A_701 : memref<128x128xf32, #tpu.memory_space<vmem>>) offsets(%dma_start3A_704 : memref<128xi32, #tpu.memory_space<vmem>>) semaphore(%arg13 : memref<!tpu.dma_semaphore, #tpu.memory_space<semaphore_mem>>)
    %dma_wait3A_708 = arith.constant 10 : i32
    %dma_wait3A_709 = arith.constant 0 : i32
    %dma_wait3A_710 = arith.constant 0 : i32
    %dma_wait3A_711 = arith.constant 0 : i32
    %dma_wait3A_712 = tpu.memref_slice %arg8[%dma_wait3A_709, %dma_wait3A_710, %dma_wait3A_711] : memref<2x128x128xf32, #tpu.memory_space<vmem>> -> memref<1x128x128xf32, #tpu.memory_space<vmem>>
    %dma_wait3A_713 = tpu.memref_squeeze %dma_wait3A_712 : memref<1x128x128xf32, #tpu.memory_space<vmem>> -> memref<128x128xf32, #tpu.memory_space<vmem>>
    %dma_wait3A_714 = arith.constant 0 : i32
    %dma_wait3A_715 = tpu.memref_slice %arg7[%dma_wait3A_708, %dma_wait3A_714] : memref<26x128xi32, #tpu.memory_space<vmem>> -> memref<1x128xi32, #tpu.memory_space<vmem>>
    %dma_wait3A_716 = tpu.memref_squeeze %dma_wait3A_715 : memref<1x128xi32, #tpu.memory_space<vmem>> -> memref<128xi32, #tpu.memory_space<vmem>>
    %dma_wait3A_717 = arith.constant 0 : i32
    %dma_wait3A_718 = arith.constant 0 : i32
    %dma_wait3A_719 = tpu.memref_slice %arg3[%dma_wait3A_717, %dma_wait3A_718] : memref<262144x128xf32, #tpu.memory_space<hbm>> -> memref<262144x128xf32, #tpu.memory_space<hbm>>
    tpu.wait_indirect_dma semaphore(%arg13 : memref<!tpu.dma_semaphore, #tpu.memory_space<semaphore_mem>>) src(%dma_wait3A_719 : memref<262144x128xf32, #tpu.memory_space<hbm>>) dst(%dma_wait3A_713 : memref<128x128xf32, #tpu.memory_space<vmem>>)
    %add3A_720 = arith.constant 10 : i32
    %add3A_721 = arith.addi %mul3A_2, %add3A_720 : i32
    %sub3A_722 = arith.constant 2 : i32
    %sub3A_723 = arith.subi %add3A_721, %sub3A_722 : i32
    %dma_wait3A_724 = arith.constant 0 : i32
    %dma_wait3A_725 = arith.constant 0 : i32
    %dma_wait3A_726 = arith.constant 0 : i32
    %dma_wait3A_727 = tpu.memref_slice %arg9[%dma_wait3A_724, %dma_wait3A_725, %dma_wait3A_726] : memref<2x128x32xf32, #tpu.memory_space<vmem>> -> memref<1x128x32xf32, #tpu.memory_space<vmem>>
    %dma_wait3A_728 = tpu.memref_squeeze %dma_wait3A_727 : memref<1x128x32xf32, #tpu.memory_space<vmem>> -> memref<128x32xf32, #tpu.memory_space<vmem>>
    %dma_wait3A_729 = arith.constant 0 : i32
    %dma_wait3A_730 = arith.constant 0 : i32
    %dma_wait3A_731 = tpu.memref_slice %arg4[%sub3A_723, %dma_wait3A_729, %dma_wait3A_730] : memref<832x128x32xf32, #tpu.memory_space<hbm>> -> memref<1x128x32xf32, #tpu.memory_space<hbm>>
    %dma_wait3A_732 = tpu.memref_squeeze %dma_wait3A_731 : memref<1x128x32xf32, #tpu.memory_space<hbm>> -> memref<128x32xf32, #tpu.memory_space<hbm>>
    %dma_wait3A_733 = arith.constant 0 : i32
    %dma_wait3A_734 = arith.constant 0 : i32
    %dma_wait3A_735 = tpu.memref_slice %arg4[%sub3A_723, %dma_wait3A_733, %dma_wait3A_734] : memref<832x128x32xf32, #tpu.memory_space<hbm>> -> memref<1x128x32xf32, #tpu.memory_space<hbm>>
    %dma_wait3A_736 = tpu.memref_squeeze %dma_wait3A_735 : memref<1x128x32xf32, #tpu.memory_space<hbm>> -> memref<128x32xf32, #tpu.memory_space<hbm>>
    %dma_wait3A_737 = arith.constant 0 : i32
    %dma_wait3A_738 = arith.constant 0 : i32
    %dma_wait3A_739 = tpu.memref_slice %arg9[%dma_wait3A_724, %dma_wait3A_737, %dma_wait3A_738] : memref<2x128x32xf32, #tpu.memory_space<vmem>> -> memref<1x128x32xf32, #tpu.memory_space<vmem>>
    %dma_wait3A_740 = tpu.memref_squeeze %dma_wait3A_739 : memref<1x128x32xf32, #tpu.memory_space<vmem>> -> memref<128x32xf32, #tpu.memory_space<vmem>>
    tpu.wait_dma2 semaphore(%arg14 : memref<!tpu.dma_semaphore, #tpu.memory_space<semaphore_mem>>) src(%dma_wait3A_740 : memref<128x32xf32, #tpu.memory_space<vmem>>) dst(%dma_wait3A_736 : memref<128x32xf32, #tpu.memory_space<hbm>>)
    %broadcast_in_dim3A_741 = arith.constant 0 : i32
    %broadcast_in_dim3A_742 = vector.broadcast %broadcast_in_dim3A_741 : i32 to vector<16xi32>
    %scan3A_743 = arith.constant 0 : i32
    %scan3A_744 = arith.constant 0 : i32
    %scan3A_745 = arith.constant 8 : i32
    %scan3A_746 = arith.addi %scan3A_744, %scan3A_745 : i32
    %scan3A_747 = arith.constant 1 : i32
    scf.for %scan3A_1874 = %scan3A_744 to %scan3A_746 step %scan3A_747  : i32 {
      %mul3A_1875 = arith.constant 16 : i32
      %mul3A_1876 = arith.muli %scan3A_1874, %mul3A_1875 : i32
      %get3A = arith.constant 0 : i32
      %get3A_1877 = arith.constant 10 : i32
      %get3A_1878 = arith.index_cast %get3A : i32 to index
      %get3A_1879 = arith.index_cast %get3A_1877 : i32 to index
      %get3A_1880 = arith.index_cast %mul3A_1876 : i32 to index
      %get3A_1881 = tpu.vector_load %arg6[%get3A_1878, %get3A_1879, %get3A_1880] {strides = array<i32>} : memref<2x26x128xi32, #tpu.memory_space<vmem>>, vector<16xi32>,
      %jit3A = arith.constant 262144 : i32
      %div3A = vector.broadcast %jit3A : i32 to vector<16xi32>
      %div3A_1882 = arith.divsi %get3A_1881, %div3A : vector<16xi32>
      %sign3A = arith.constant 0 : i32
      %sign3A_1883 = vector.broadcast %sign3A : i32 to vector<16xi32>
      %sign3A_1884 = arith.cmpi sgt, %get3A_1881, %sign3A_1883 : vector<16xi32>
      %sign3A_1885 = arith.extui %sign3A_1884 : vector<16xi1> to vector<16xi32>
      %sign3A_1886 = arith.constant 0 : i32
      %sign3A_1887 = vector.broadcast %sign3A_1886 : i32 to vector<16xi32>
      %sign3A_1888 = arith.cmpi slt, %get3A_1881, %sign3A_1887 : vector<16xi32>
      %sign3A_1889 = arith.extui %sign3A_1888 : vector<16xi1> to vector<16xi32>
      %sign3A_1890 = arith.subi %sign3A_1885, %sign3A_1889 : vector<16xi32>
      %sign3A_1891 = arith.constant 0 : i32
      %sign3A_1892 = arith.cmpi sgt, %jit3A, %sign3A_1891 : i32
      %sign3A_1893 = arith.extui %sign3A_1892 : i1 to i32
      %sign3A_1894 = arith.constant 0 : i32
      %sign3A_1895 = arith.cmpi slt, %jit3A, %sign3A_1894 : i32
      %sign3A_1896 = arith.extui %sign3A_1895 : i1 to i32
      %sign3A_1897 = arith.subi %sign3A_1893, %sign3A_1896 : i32
      %ne3A = vector.broadcast %sign3A_1897 : i32 to vector<16xi32>
      %ne3A_1898 = arith.cmpi ne, %sign3A_1890, %ne3A : vector<16xi32>
      %rem3A = vector.broadcast %jit3A : i32 to vector<16xi32>
      %rem3A_1899 = arith.remsi %get3A_1881, %rem3A : vector<16xi32>
      %ne3A_1900 = arith.constant 0 : i32
      %ne3A_1901 = vector.broadcast %ne3A_1900 : i32 to vector<16xi32>
      %ne3A_1902 = arith.cmpi ne, %rem3A_1899, %ne3A_1901 : vector<16xi32>
      %and3A = arith.andi %ne3A_1898, %ne3A_1902 : vector<16xi1>
      %sub3A_1903 = arith.constant 1 : i32
      %sub3A_1904 = vector.broadcast %sub3A_1903 : i32 to vector<16xi32>
      %sub3A_1905 = arith.subi %div3A_1882, %sub3A_1904 : vector<16xi32>
      %select_n3A = arith.select %and3A, %sub3A_1905, %div3A_1882 : vector<16xi1>, vector<16xi32>
      %mul3A_1906 = arith.constant 32 : i32
      %mul3A_1907 = vector.broadcast %mul3A_1906 : i32 to vector<16xi32>
      %mul3A_1908 = arith.muli %select_n3A, %mul3A_1907 : vector<16xi32>
      %mul3A_1909 = arith.constant 16 : i32
      %mul3A_1910 = arith.muli %scan3A_1874, %mul3A_1909 : i32
      %add3A_1911 = vector.broadcast %mul3A_1910 : i32 to vector<16xi32>
      %add3A_1912 = arith.addi %add3A_1911, %iota3A : vector<16xi32>
      %scan3A_1913 = arith.constant 0 : i32
      %scan3A_1914 = arith.constant 0 : i32
      %scan3A_1915 = arith.constant 32 : i32
      %scan3A_1916 = arith.addi %scan3A_1914, %scan3A_1915 : i32
      %scan3A_1917 = arith.constant 1 : i32
      scf.for %scan3A_1919 = %scan3A_1914 to %scan3A_1916 step %scan3A_1917  : i32 {
        %add3A_1920 = vector.broadcast %scan3A_1919 : i32 to vector<16xi32>
        %add3A_1921 = arith.addi %mul3A_1908, %add3A_1920 : vector<16xi32>
        %gather3A = tpu.vector_load_idx %arg8[%broadcast_in_dim3A_742, %add3A_1912, %add3A_1921] : memref<2x128x128xf32, #tpu.memory_space<vmem>>[vector<16xi32>, vector<16xi32>, vector<16xi32>], vector<16xf32>,
        %broadcast_in_dim3A_1922 = arith.constant 0 : i32
        %broadcast_in_dim3A_1923 = vector.broadcast %broadcast_in_dim3A_1922 : i32 to vector<16xi32>
        %add3A_1924 = vector.broadcast %scan3A_1919 : i32 to vector<16xi32>
        %add3A_1925 = arith.addi %broadcast_in_dim3A_1923, %add3A_1924 : vector<16xi32>
        tpu.vector_store_idx %arg9[%broadcast_in_dim3A_742, %add3A_1912, %add3A_1925], %gather3A : memref<2x128x32xf32, #tpu.memory_space<vmem>>[vector<16xi32>, vector<16xi32>, vector<16xi32>], vector<16xf32>,
      }
      %scan3A_1918 = arith.constant 32 : i32
    }
    %scan3A_748 = arith.constant 8 : i32
    %add3A_749 = arith.constant 10 : i32
    %add3A_750 = arith.addi %mul3A_2, %add3A_749 : i32
    %dma_start3A_751 = arith.constant 0 : i32
    %dma_start3A_752 = arith.constant 0 : i32
    %dma_start3A_753 = arith.constant 0 : i32
    %dma_start3A_754 = tpu.memref_slice %arg9[%dma_start3A_751, %dma_start3A_752, %dma_start3A_753] : memref<2x128x32xf32, #tpu.memory_space<vmem>> -> memref<1x128x32xf32, #tpu.memory_space<vmem>>
    %dma_start3A_755 = tpu.memref_squeeze %dma_start3A_754 : memref<1x128x32xf32, #tpu.memory_space<vmem>> -> memref<128x32xf32, #tpu.memory_space<vmem>>
    %dma_start3A_756 = arith.constant 0 : i32
    %dma_start3A_757 = arith.constant 0 : i32
    %dma_start3A_758 = tpu.memref_slice %arg4[%add3A_750, %dma_start3A_756, %dma_start3A_757] : memref<832x128x32xf32, #tpu.memory_space<hbm>> -> memref<1x128x32xf32, #tpu.memory_space<hbm>>
    %dma_start3A_759 = tpu.memref_squeeze %dma_start3A_758 : memref<1x128x32xf32, #tpu.memory_space<hbm>> -> memref<128x32xf32, #tpu.memory_space<hbm>>
    %dma_start3A_760 = arith.constant 0 : i32
    %dma_start3A_761 = arith.constant 0 : i32
    %dma_start3A_762 = tpu.memref_slice %arg4[%add3A_750, %dma_start3A_760, %dma_start3A_761] : memref<832x128x32xf32, #tpu.memory_space<hbm>> -> memref<1x128x32xf32, #tpu.memory_space<hbm>>
    %dma_start3A_763 = tpu.memref_squeeze %dma_start3A_762 : memref<1x128x32xf32, #tpu.memory_space<hbm>> -> memref<128x32xf32, #tpu.memory_space<hbm>>
    %dma_start3A_764 = arith.constant 0 : i32
    %dma_start3A_765 = arith.constant 0 : i32
    %dma_start3A_766 = tpu.memref_slice %arg9[%dma_start3A_751, %dma_start3A_764, %dma_start3A_765] : memref<2x128x32xf32, #tpu.memory_space<vmem>> -> memref<1x128x32xf32, #tpu.memory_space<vmem>>
    %dma_start3A_767 = tpu.memref_squeeze %dma_start3A_766 : memref<1x128x32xf32, #tpu.memory_space<vmem>> -> memref<128x32xf32, #tpu.memory_space<vmem>>
    tpu.enqueue_dma source(%dma_start3A_767 : memref<128x32xf32, #tpu.memory_space<vmem>>) target(%dma_start3A_763 : memref<128x32xf32, #tpu.memory_space<hbm>>) target_semaphore(%arg14 : memref<!tpu.dma_semaphore, #tpu.memory_space<semaphore_mem>>)
    %dma_start3A_768 = arith.constant 12 : i32
    %dma_start3A_769 = arith.constant 0 : i32
    %dma_start3A_770 = arith.constant 0 : i32
    %dma_start3A_771 = arith.constant 0 : i32
    %dma_start3A_772 = tpu.memref_slice %arg8[%dma_start3A_769, %dma_start3A_770, %dma_start3A_771] : memref<2x128x128xf32, #tpu.memory_space<vmem>> -> memref<1x128x128xf32, #tpu.memory_space<vmem>>
    %dma_start3A_773 = tpu.memref_squeeze %dma_start3A_772 : memref<1x128x128xf32, #tpu.memory_space<vmem>> -> memref<128x128xf32, #tpu.memory_space<vmem>>
    %dma_start3A_774 = arith.constant 0 : i32
    %dma_start3A_775 = tpu.memref_slice %arg7[%dma_start3A_768, %dma_start3A_774] : memref<26x128xi32, #tpu.memory_space<vmem>> -> memref<1x128xi32, #tpu.memory_space<vmem>>
    %dma_start3A_776 = tpu.memref_squeeze %dma_start3A_775 : memref<1x128xi32, #tpu.memory_space<vmem>> -> memref<128xi32, #tpu.memory_space<vmem>>
    %dma_start3A_777 = arith.constant 0 : i32
    %dma_start3A_778 = arith.constant 0 : i32
    %dma_start3A_779 = tpu.memref_slice %arg3[%dma_start3A_777, %dma_start3A_778] : memref<262144x128xf32, #tpu.memory_space<hbm>> -> memref<262144x128xf32, #tpu.memory_space<hbm>>
    tpu.enqueue_indirect_dma source(%dma_start3A_779 : memref<262144x128xf32, #tpu.memory_space<hbm>>) target(%dma_start3A_773 : memref<128x128xf32, #tpu.memory_space<vmem>>) offsets(%dma_start3A_776 : memref<128xi32, #tpu.memory_space<vmem>>) semaphore(%arg13 : memref<!tpu.dma_semaphore, #tpu.memory_space<semaphore_mem>>)
    %dma_wait3A_780 = arith.constant 11 : i32
    %dma_wait3A_781 = arith.constant 1 : i32
    %dma_wait3A_782 = arith.constant 0 : i32
    %dma_wait3A_783 = arith.constant 0 : i32
    %dma_wait3A_784 = tpu.memref_slice %arg8[%dma_wait3A_781, %dma_wait3A_782, %dma_wait3A_783] : memref<2x128x128xf32, #tpu.memory_space<vmem>> -> memref<1x128x128xf32, #tpu.memory_space<vmem>>
    %dma_wait3A_785 = tpu.memref_squeeze %dma_wait3A_784 : memref<1x128x128xf32, #tpu.memory_space<vmem>> -> memref<128x128xf32, #tpu.memory_space<vmem>>
    %dma_wait3A_786 = arith.constant 0 : i32
    %dma_wait3A_787 = tpu.memref_slice %arg7[%dma_wait3A_780, %dma_wait3A_786] : memref<26x128xi32, #tpu.memory_space<vmem>> -> memref<1x128xi32, #tpu.memory_space<vmem>>
    %dma_wait3A_788 = tpu.memref_squeeze %dma_wait3A_787 : memref<1x128xi32, #tpu.memory_space<vmem>> -> memref<128xi32, #tpu.memory_space<vmem>>
    %dma_wait3A_789 = arith.constant 0 : i32
    %dma_wait3A_790 = arith.constant 0 : i32
    %dma_wait3A_791 = tpu.memref_slice %arg3[%dma_wait3A_789, %dma_wait3A_790] : memref<262144x128xf32, #tpu.memory_space<hbm>> -> memref<262144x128xf32, #tpu.memory_space<hbm>>
    tpu.wait_indirect_dma semaphore(%arg13 : memref<!tpu.dma_semaphore, #tpu.memory_space<semaphore_mem>>) src(%dma_wait3A_791 : memref<262144x128xf32, #tpu.memory_space<hbm>>) dst(%dma_wait3A_785 : memref<128x128xf32, #tpu.memory_space<vmem>>)
    %add3A_792 = arith.constant 11 : i32
    %add3A_793 = arith.addi %mul3A_2, %add3A_792 : i32
    %sub3A_794 = arith.constant 2 : i32
    %sub3A_795 = arith.subi %add3A_793, %sub3A_794 : i32
    %dma_wait3A_796 = arith.constant 1 : i32
    %dma_wait3A_797 = arith.constant 0 : i32
    %dma_wait3A_798 = arith.constant 0 : i32
    %dma_wait3A_799 = tpu.memref_slice %arg9[%dma_wait3A_796, %dma_wait3A_797, %dma_wait3A_798] : memref<2x128x32xf32, #tpu.memory_space<vmem>> -> memref<1x128x32xf32, #tpu.memory_space<vmem>>
    %dma_wait3A_800 = tpu.memref_squeeze %dma_wait3A_799 : memref<1x128x32xf32, #tpu.memory_space<vmem>> -> memref<128x32xf32, #tpu.memory_space<vmem>>
    %dma_wait3A_801 = arith.constant 0 : i32
    %dma_wait3A_802 = arith.constant 0 : i32
    %dma_wait3A_803 = tpu.memref_slice %arg4[%sub3A_795, %dma_wait3A_801, %dma_wait3A_802] : memref<832x128x32xf32, #tpu.memory_space<hbm>> -> memref<1x128x32xf32, #tpu.memory_space<hbm>>
    %dma_wait3A_804 = tpu.memref_squeeze %dma_wait3A_803 : memref<1x128x32xf32, #tpu.memory_space<hbm>> -> memref<128x32xf32, #tpu.memory_space<hbm>>
    %dma_wait3A_805 = arith.constant 0 : i32
    %dma_wait3A_806 = arith.constant 0 : i32
    %dma_wait3A_807 = tpu.memref_slice %arg4[%sub3A_795, %dma_wait3A_805, %dma_wait3A_806] : memref<832x128x32xf32, #tpu.memory_space<hbm>> -> memref<1x128x32xf32, #tpu.memory_space<hbm>>
    %dma_wait3A_808 = tpu.memref_squeeze %dma_wait3A_807 : memref<1x128x32xf32, #tpu.memory_space<hbm>> -> memref<128x32xf32, #tpu.memory_space<hbm>>
    %dma_wait3A_809 = arith.constant 0 : i32
    %dma_wait3A_810 = arith.constant 0 : i32
    %dma_wait3A_811 = tpu.memref_slice %arg9[%dma_wait3A_796, %dma_wait3A_809, %dma_wait3A_810] : memref<2x128x32xf32, #tpu.memory_space<vmem>> -> memref<1x128x32xf32, #tpu.memory_space<vmem>>
    %dma_wait3A_812 = tpu.memref_squeeze %dma_wait3A_811 : memref<1x128x32xf32, #tpu.memory_space<vmem>> -> memref<128x32xf32, #tpu.memory_space<vmem>>
    tpu.wait_dma2 semaphore(%arg16 : memref<!tpu.dma_semaphore, #tpu.memory_space<semaphore_mem>>) src(%dma_wait3A_812 : memref<128x32xf32, #tpu.memory_space<vmem>>) dst(%dma_wait3A_808 : memref<128x32xf32, #tpu.memory_space<hbm>>)
    %broadcast_in_dim3A_813 = arith.constant 1 : i32
    %broadcast_in_dim3A_814 = vector.broadcast %broadcast_in_dim3A_813 : i32 to vector<16xi32>
    %scan3A_815 = arith.constant 0 : i32
    %scan3A_816 = arith.constant 0 : i32
    %scan3A_817 = arith.constant 8 : i32
    %scan3A_818 = arith.addi %scan3A_816, %scan3A_817 : i32
    %scan3A_819 = arith.constant 1 : i32
    scf.for %scan3A_1874 = %scan3A_816 to %scan3A_818 step %scan3A_819  : i32 {
      %mul3A_1875 = arith.constant 16 : i32
      %mul3A_1876 = arith.muli %scan3A_1874, %mul3A_1875 : i32
      %get3A = arith.constant 0 : i32
      %get3A_1877 = arith.constant 11 : i32
      %get3A_1878 = arith.index_cast %get3A : i32 to index
      %get3A_1879 = arith.index_cast %get3A_1877 : i32 to index
      %get3A_1880 = arith.index_cast %mul3A_1876 : i32 to index
      %get3A_1881 = tpu.vector_load %arg6[%get3A_1878, %get3A_1879, %get3A_1880] {strides = array<i32>} : memref<2x26x128xi32, #tpu.memory_space<vmem>>, vector<16xi32>,
      %jit3A = arith.constant 262144 : i32
      %div3A = vector.broadcast %jit3A : i32 to vector<16xi32>
      %div3A_1882 = arith.divsi %get3A_1881, %div3A : vector<16xi32>
      %sign3A = arith.constant 0 : i32
      %sign3A_1883 = vector.broadcast %sign3A : i32 to vector<16xi32>
      %sign3A_1884 = arith.cmpi sgt, %get3A_1881, %sign3A_1883 : vector<16xi32>
      %sign3A_1885 = arith.extui %sign3A_1884 : vector<16xi1> to vector<16xi32>
      %sign3A_1886 = arith.constant 0 : i32
      %sign3A_1887 = vector.broadcast %sign3A_1886 : i32 to vector<16xi32>
      %sign3A_1888 = arith.cmpi slt, %get3A_1881, %sign3A_1887 : vector<16xi32>
      %sign3A_1889 = arith.extui %sign3A_1888 : vector<16xi1> to vector<16xi32>
      %sign3A_1890 = arith.subi %sign3A_1885, %sign3A_1889 : vector<16xi32>
      %sign3A_1891 = arith.constant 0 : i32
      %sign3A_1892 = arith.cmpi sgt, %jit3A, %sign3A_1891 : i32
      %sign3A_1893 = arith.extui %sign3A_1892 : i1 to i32
      %sign3A_1894 = arith.constant 0 : i32
      %sign3A_1895 = arith.cmpi slt, %jit3A, %sign3A_1894 : i32
      %sign3A_1896 = arith.extui %sign3A_1895 : i1 to i32
      %sign3A_1897 = arith.subi %sign3A_1893, %sign3A_1896 : i32
      %ne3A = vector.broadcast %sign3A_1897 : i32 to vector<16xi32>
      %ne3A_1898 = arith.cmpi ne, %sign3A_1890, %ne3A : vector<16xi32>
      %rem3A = vector.broadcast %jit3A : i32 to vector<16xi32>
      %rem3A_1899 = arith.remsi %get3A_1881, %rem3A : vector<16xi32>
      %ne3A_1900 = arith.constant 0 : i32
      %ne3A_1901 = vector.broadcast %ne3A_1900 : i32 to vector<16xi32>
      %ne3A_1902 = arith.cmpi ne, %rem3A_1899, %ne3A_1901 : vector<16xi32>
      %and3A = arith.andi %ne3A_1898, %ne3A_1902 : vector<16xi1>
      %sub3A_1903 = arith.constant 1 : i32
      %sub3A_1904 = vector.broadcast %sub3A_1903 : i32 to vector<16xi32>
      %sub3A_1905 = arith.subi %div3A_1882, %sub3A_1904 : vector<16xi32>
      %select_n3A = arith.select %and3A, %sub3A_1905, %div3A_1882 : vector<16xi1>, vector<16xi32>
      %mul3A_1906 = arith.constant 32 : i32
      %mul3A_1907 = vector.broadcast %mul3A_1906 : i32 to vector<16xi32>
      %mul3A_1908 = arith.muli %select_n3A, %mul3A_1907 : vector<16xi32>
      %mul3A_1909 = arith.constant 16 : i32
      %mul3A_1910 = arith.muli %scan3A_1874, %mul3A_1909 : i32
      %add3A_1911 = vector.broadcast %mul3A_1910 : i32 to vector<16xi32>
      %add3A_1912 = arith.addi %add3A_1911, %iota3A : vector<16xi32>
      %scan3A_1913 = arith.constant 0 : i32
      %scan3A_1914 = arith.constant 0 : i32
      %scan3A_1915 = arith.constant 32 : i32
      %scan3A_1916 = arith.addi %scan3A_1914, %scan3A_1915 : i32
      %scan3A_1917 = arith.constant 1 : i32
      scf.for %scan3A_1919 = %scan3A_1914 to %scan3A_1916 step %scan3A_1917  : i32 {
        %add3A_1920 = vector.broadcast %scan3A_1919 : i32 to vector<16xi32>
        %add3A_1921 = arith.addi %mul3A_1908, %add3A_1920 : vector<16xi32>
        %gather3A = tpu.vector_load_idx %arg8[%broadcast_in_dim3A_814, %add3A_1912, %add3A_1921] : memref<2x128x128xf32, #tpu.memory_space<vmem>>[vector<16xi32>, vector<16xi32>, vector<16xi32>], vector<16xf32>,
        %broadcast_in_dim3A_1922 = arith.constant 0 : i32
        %broadcast_in_dim3A_1923 = vector.broadcast %broadcast_in_dim3A_1922 : i32 to vector<16xi32>
        %add3A_1924 = vector.broadcast %scan3A_1919 : i32 to vector<16xi32>
        %add3A_1925 = arith.addi %broadcast_in_dim3A_1923, %add3A_1924 : vector<16xi32>
        tpu.vector_store_idx %arg9[%broadcast_in_dim3A_814, %add3A_1912, %add3A_1925], %gather3A : memref<2x128x32xf32, #tpu.memory_space<vmem>>[vector<16xi32>, vector<16xi32>, vector<16xi32>], vector<16xf32>,
      }
      %scan3A_1918 = arith.constant 32 : i32
    }
    %scan3A_820 = arith.constant 8 : i32
    %add3A_821 = arith.constant 11 : i32
    %add3A_822 = arith.addi %mul3A_2, %add3A_821 : i32
    %dma_start3A_823 = arith.constant 1 : i32
    %dma_start3A_824 = arith.constant 0 : i32
    %dma_start3A_825 = arith.constant 0 : i32
    %dma_start3A_826 = tpu.memref_slice %arg9[%dma_start3A_823, %dma_start3A_824, %dma_start3A_825] : memref<2x128x32xf32, #tpu.memory_space<vmem>> -> memref<1x128x32xf32, #tpu.memory_space<vmem>>
    %dma_start3A_827 = tpu.memref_squeeze %dma_start3A_826 : memref<1x128x32xf32, #tpu.memory_space<vmem>> -> memref<128x32xf32, #tpu.memory_space<vmem>>
    %dma_start3A_828 = arith.constant 0 : i32
    %dma_start3A_829 = arith.constant 0 : i32
    %dma_start3A_830 = tpu.memref_slice %arg4[%add3A_822, %dma_start3A_828, %dma_start3A_829] : memref<832x128x32xf32, #tpu.memory_space<hbm>> -> memref<1x128x32xf32, #tpu.memory_space<hbm>>
    %dma_start3A_831 = tpu.memref_squeeze %dma_start3A_830 : memref<1x128x32xf32, #tpu.memory_space<hbm>> -> memref<128x32xf32, #tpu.memory_space<hbm>>
    %dma_start3A_832 = arith.constant 0 : i32
    %dma_start3A_833 = arith.constant 0 : i32
    %dma_start3A_834 = tpu.memref_slice %arg4[%add3A_822, %dma_start3A_832, %dma_start3A_833] : memref<832x128x32xf32, #tpu.memory_space<hbm>> -> memref<1x128x32xf32, #tpu.memory_space<hbm>>
    %dma_start3A_835 = tpu.memref_squeeze %dma_start3A_834 : memref<1x128x32xf32, #tpu.memory_space<hbm>> -> memref<128x32xf32, #tpu.memory_space<hbm>>
    %dma_start3A_836 = arith.constant 0 : i32
    %dma_start3A_837 = arith.constant 0 : i32
    %dma_start3A_838 = tpu.memref_slice %arg9[%dma_start3A_823, %dma_start3A_836, %dma_start3A_837] : memref<2x128x32xf32, #tpu.memory_space<vmem>> -> memref<1x128x32xf32, #tpu.memory_space<vmem>>
    %dma_start3A_839 = tpu.memref_squeeze %dma_start3A_838 : memref<1x128x32xf32, #tpu.memory_space<vmem>> -> memref<128x32xf32, #tpu.memory_space<vmem>>
    tpu.enqueue_dma source(%dma_start3A_839 : memref<128x32xf32, #tpu.memory_space<vmem>>) target(%dma_start3A_835 : memref<128x32xf32, #tpu.memory_space<hbm>>) target_semaphore(%arg16 : memref<!tpu.dma_semaphore, #tpu.memory_space<semaphore_mem>>)
    %dma_start3A_840 = arith.constant 13 : i32
    %dma_start3A_841 = arith.constant 1 : i32
    %dma_start3A_842 = arith.constant 0 : i32
    %dma_start3A_843 = arith.constant 0 : i32
    %dma_start3A_844 = tpu.memref_slice %arg8[%dma_start3A_841, %dma_start3A_842, %dma_start3A_843] : memref<2x128x128xf32, #tpu.memory_space<vmem>> -> memref<1x128x128xf32, #tpu.memory_space<vmem>>
    %dma_start3A_845 = tpu.memref_squeeze %dma_start3A_844 : memref<1x128x128xf32, #tpu.memory_space<vmem>> -> memref<128x128xf32, #tpu.memory_space<vmem>>
    %dma_start3A_846 = arith.constant 0 : i32
    %dma_start3A_847 = tpu.memref_slice %arg7[%dma_start3A_840, %dma_start3A_846] : memref<26x128xi32, #tpu.memory_space<vmem>> -> memref<1x128xi32, #tpu.memory_space<vmem>>
    %dma_start3A_848 = tpu.memref_squeeze %dma_start3A_847 : memref<1x128xi32, #tpu.memory_space<vmem>> -> memref<128xi32, #tpu.memory_space<vmem>>
    %dma_start3A_849 = arith.constant 0 : i32
    %dma_start3A_850 = arith.constant 0 : i32
    %dma_start3A_851 = tpu.memref_slice %arg3[%dma_start3A_849, %dma_start3A_850] : memref<262144x128xf32, #tpu.memory_space<hbm>> -> memref<262144x128xf32, #tpu.memory_space<hbm>>
    tpu.enqueue_indirect_dma source(%dma_start3A_851 : memref<262144x128xf32, #tpu.memory_space<hbm>>) target(%dma_start3A_845 : memref<128x128xf32, #tpu.memory_space<vmem>>) offsets(%dma_start3A_848 : memref<128xi32, #tpu.memory_space<vmem>>) semaphore(%arg13 : memref<!tpu.dma_semaphore, #tpu.memory_space<semaphore_mem>>)
    %dma_wait3A_852 = arith.constant 12 : i32
    %dma_wait3A_853 = arith.constant 0 : i32
    %dma_wait3A_854 = arith.constant 0 : i32
    %dma_wait3A_855 = arith.constant 0 : i32
    %dma_wait3A_856 = tpu.memref_slice %arg8[%dma_wait3A_853, %dma_wait3A_854, %dma_wait3A_855] : memref<2x128x128xf32, #tpu.memory_space<vmem>> -> memref<1x128x128xf32, #tpu.memory_space<vmem>>
    %dma_wait3A_857 = tpu.memref_squeeze %dma_wait3A_856 : memref<1x128x128xf32, #tpu.memory_space<vmem>> -> memref<128x128xf32, #tpu.memory_space<vmem>>
    %dma_wait3A_858 = arith.constant 0 : i32
    %dma_wait3A_859 = tpu.memref_slice %arg7[%dma_wait3A_852, %dma_wait3A_858] : memref<26x128xi32, #tpu.memory_space<vmem>> -> memref<1x128xi32, #tpu.memory_space<vmem>>
    %dma_wait3A_860 = tpu.memref_squeeze %dma_wait3A_859 : memref<1x128xi32, #tpu.memory_space<vmem>> -> memref<128xi32, #tpu.memory_space<vmem>>
    %dma_wait3A_861 = arith.constant 0 : i32
    %dma_wait3A_862 = arith.constant 0 : i32
    %dma_wait3A_863 = tpu.memref_slice %arg3[%dma_wait3A_861, %dma_wait3A_862] : memref<262144x128xf32, #tpu.memory_space<hbm>> -> memref<262144x128xf32, #tpu.memory_space<hbm>>
    tpu.wait_indirect_dma semaphore(%arg13 : memref<!tpu.dma_semaphore, #tpu.memory_space<semaphore_mem>>) src(%dma_wait3A_863 : memref<262144x128xf32, #tpu.memory_space<hbm>>) dst(%dma_wait3A_857 : memref<128x128xf32, #tpu.memory_space<vmem>>)
    %add3A_864 = arith.constant 12 : i32
    %add3A_865 = arith.addi %mul3A_2, %add3A_864 : i32
    %sub3A_866 = arith.constant 2 : i32
    %sub3A_867 = arith.subi %add3A_865, %sub3A_866 : i32
    %dma_wait3A_868 = arith.constant 0 : i32
    %dma_wait3A_869 = arith.constant 0 : i32
    %dma_wait3A_870 = arith.constant 0 : i32
    %dma_wait3A_871 = tpu.memref_slice %arg9[%dma_wait3A_868, %dma_wait3A_869, %dma_wait3A_870] : memref<2x128x32xf32, #tpu.memory_space<vmem>> -> memref<1x128x32xf32, #tpu.memory_space<vmem>>
    %dma_wait3A_872 = tpu.memref_squeeze %dma_wait3A_871 : memref<1x128x32xf32, #tpu.memory_space<vmem>> -> memref<128x32xf32, #tpu.memory_space<vmem>>
    %dma_wait3A_873 = arith.constant 0 : i32
    %dma_wait3A_874 = arith.constant 0 : i32
    %dma_wait3A_875 = tpu.memref_slice %arg4[%sub3A_867, %dma_wait3A_873, %dma_wait3A_874] : memref<832x128x32xf32, #tpu.memory_space<hbm>> -> memref<1x128x32xf32, #tpu.memory_space<hbm>>
    %dma_wait3A_876 = tpu.memref_squeeze %dma_wait3A_875 : memref<1x128x32xf32, #tpu.memory_space<hbm>> -> memref<128x32xf32, #tpu.memory_space<hbm>>
    %dma_wait3A_877 = arith.constant 0 : i32
    %dma_wait3A_878 = arith.constant 0 : i32
    %dma_wait3A_879 = tpu.memref_slice %arg4[%sub3A_867, %dma_wait3A_877, %dma_wait3A_878] : memref<832x128x32xf32, #tpu.memory_space<hbm>> -> memref<1x128x32xf32, #tpu.memory_space<hbm>>
    %dma_wait3A_880 = tpu.memref_squeeze %dma_wait3A_879 : memref<1x128x32xf32, #tpu.memory_space<hbm>> -> memref<128x32xf32, #tpu.memory_space<hbm>>
    %dma_wait3A_881 = arith.constant 0 : i32
    %dma_wait3A_882 = arith.constant 0 : i32
    %dma_wait3A_883 = tpu.memref_slice %arg9[%dma_wait3A_868, %dma_wait3A_881, %dma_wait3A_882] : memref<2x128x32xf32, #tpu.memory_space<vmem>> -> memref<1x128x32xf32, #tpu.memory_space<vmem>>
    %dma_wait3A_884 = tpu.memref_squeeze %dma_wait3A_883 : memref<1x128x32xf32, #tpu.memory_space<vmem>> -> memref<128x32xf32, #tpu.memory_space<vmem>>
    tpu.wait_dma2 semaphore(%arg14 : memref<!tpu.dma_semaphore, #tpu.memory_space<semaphore_mem>>) src(%dma_wait3A_884 : memref<128x32xf32, #tpu.memory_space<vmem>>) dst(%dma_wait3A_880 : memref<128x32xf32, #tpu.memory_space<hbm>>)
    %broadcast_in_dim3A_885 = arith.constant 0 : i32
    %broadcast_in_dim3A_886 = vector.broadcast %broadcast_in_dim3A_885 : i32 to vector<16xi32>
    %scan3A_887 = arith.constant 0 : i32
    %scan3A_888 = arith.constant 0 : i32
    %scan3A_889 = arith.constant 8 : i32
    %scan3A_890 = arith.addi %scan3A_888, %scan3A_889 : i32
    %scan3A_891 = arith.constant 1 : i32
    scf.for %scan3A_1874 = %scan3A_888 to %scan3A_890 step %scan3A_891  : i32 {
      %mul3A_1875 = arith.constant 16 : i32
      %mul3A_1876 = arith.muli %scan3A_1874, %mul3A_1875 : i32
      %get3A = arith.constant 0 : i32
      %get3A_1877 = arith.constant 12 : i32
      %get3A_1878 = arith.index_cast %get3A : i32 to index
      %get3A_1879 = arith.index_cast %get3A_1877 : i32 to index
      %get3A_1880 = arith.index_cast %mul3A_1876 : i32 to index
      %get3A_1881 = tpu.vector_load %arg6[%get3A_1878, %get3A_1879, %get3A_1880] {strides = array<i32>} : memref<2x26x128xi32, #tpu.memory_space<vmem>>, vector<16xi32>,
      %jit3A = arith.constant 262144 : i32
      %div3A = vector.broadcast %jit3A : i32 to vector<16xi32>
      %div3A_1882 = arith.divsi %get3A_1881, %div3A : vector<16xi32>
      %sign3A = arith.constant 0 : i32
      %sign3A_1883 = vector.broadcast %sign3A : i32 to vector<16xi32>
      %sign3A_1884 = arith.cmpi sgt, %get3A_1881, %sign3A_1883 : vector<16xi32>
      %sign3A_1885 = arith.extui %sign3A_1884 : vector<16xi1> to vector<16xi32>
      %sign3A_1886 = arith.constant 0 : i32
      %sign3A_1887 = vector.broadcast %sign3A_1886 : i32 to vector<16xi32>
      %sign3A_1888 = arith.cmpi slt, %get3A_1881, %sign3A_1887 : vector<16xi32>
      %sign3A_1889 = arith.extui %sign3A_1888 : vector<16xi1> to vector<16xi32>
      %sign3A_1890 = arith.subi %sign3A_1885, %sign3A_1889 : vector<16xi32>
      %sign3A_1891 = arith.constant 0 : i32
      %sign3A_1892 = arith.cmpi sgt, %jit3A, %sign3A_1891 : i32
      %sign3A_1893 = arith.extui %sign3A_1892 : i1 to i32
      %sign3A_1894 = arith.constant 0 : i32
      %sign3A_1895 = arith.cmpi slt, %jit3A, %sign3A_1894 : i32
      %sign3A_1896 = arith.extui %sign3A_1895 : i1 to i32
      %sign3A_1897 = arith.subi %sign3A_1893, %sign3A_1896 : i32
      %ne3A = vector.broadcast %sign3A_1897 : i32 to vector<16xi32>
      %ne3A_1898 = arith.cmpi ne, %sign3A_1890, %ne3A : vector<16xi32>
      %rem3A = vector.broadcast %jit3A : i32 to vector<16xi32>
      %rem3A_1899 = arith.remsi %get3A_1881, %rem3A : vector<16xi32>
      %ne3A_1900 = arith.constant 0 : i32
      %ne3A_1901 = vector.broadcast %ne3A_1900 : i32 to vector<16xi32>
      %ne3A_1902 = arith.cmpi ne, %rem3A_1899, %ne3A_1901 : vector<16xi32>
      %and3A = arith.andi %ne3A_1898, %ne3A_1902 : vector<16xi1>
      %sub3A_1903 = arith.constant 1 : i32
      %sub3A_1904 = vector.broadcast %sub3A_1903 : i32 to vector<16xi32>
      %sub3A_1905 = arith.subi %div3A_1882, %sub3A_1904 : vector<16xi32>
      %select_n3A = arith.select %and3A, %sub3A_1905, %div3A_1882 : vector<16xi1>, vector<16xi32>
      %mul3A_1906 = arith.constant 32 : i32
      %mul3A_1907 = vector.broadcast %mul3A_1906 : i32 to vector<16xi32>
      %mul3A_1908 = arith.muli %select_n3A, %mul3A_1907 : vector<16xi32>
      %mul3A_1909 = arith.constant 16 : i32
      %mul3A_1910 = arith.muli %scan3A_1874, %mul3A_1909 : i32
      %add3A_1911 = vector.broadcast %mul3A_1910 : i32 to vector<16xi32>
      %add3A_1912 = arith.addi %add3A_1911, %iota3A : vector<16xi32>
      %scan3A_1913 = arith.constant 0 : i32
      %scan3A_1914 = arith.constant 0 : i32
      %scan3A_1915 = arith.constant 32 : i32
      %scan3A_1916 = arith.addi %scan3A_1914, %scan3A_1915 : i32
      %scan3A_1917 = arith.constant 1 : i32
      scf.for %scan3A_1919 = %scan3A_1914 to %scan3A_1916 step %scan3A_1917  : i32 {
        %add3A_1920 = vector.broadcast %scan3A_1919 : i32 to vector<16xi32>
        %add3A_1921 = arith.addi %mul3A_1908, %add3A_1920 : vector<16xi32>
        %gather3A = tpu.vector_load_idx %arg8[%broadcast_in_dim3A_886, %add3A_1912, %add3A_1921] : memref<2x128x128xf32, #tpu.memory_space<vmem>>[vector<16xi32>, vector<16xi32>, vector<16xi32>], vector<16xf32>,
        %broadcast_in_dim3A_1922 = arith.constant 0 : i32
        %broadcast_in_dim3A_1923 = vector.broadcast %broadcast_in_dim3A_1922 : i32 to vector<16xi32>
        %add3A_1924 = vector.broadcast %scan3A_1919 : i32 to vector<16xi32>
        %add3A_1925 = arith.addi %broadcast_in_dim3A_1923, %add3A_1924 : vector<16xi32>
        tpu.vector_store_idx %arg9[%broadcast_in_dim3A_886, %add3A_1912, %add3A_1925], %gather3A : memref<2x128x32xf32, #tpu.memory_space<vmem>>[vector<16xi32>, vector<16xi32>, vector<16xi32>], vector<16xf32>,
      }
      %scan3A_1918 = arith.constant 32 : i32
    }
    %scan3A_892 = arith.constant 8 : i32
    %add3A_893 = arith.constant 12 : i32
    %add3A_894 = arith.addi %mul3A_2, %add3A_893 : i32
    %dma_start3A_895 = arith.constant 0 : i32
    %dma_start3A_896 = arith.constant 0 : i32
    %dma_start3A_897 = arith.constant 0 : i32
    %dma_start3A_898 = tpu.memref_slice %arg9[%dma_start3A_895, %dma_start3A_896, %dma_start3A_897] : memref<2x128x32xf32, #tpu.memory_space<vmem>> -> memref<1x128x32xf32, #tpu.memory_space<vmem>>
    %dma_start3A_899 = tpu.memref_squeeze %dma_start3A_898 : memref<1x128x32xf32, #tpu.memory_space<vmem>> -> memref<128x32xf32, #tpu.memory_space<vmem>>
    %dma_start3A_900 = arith.constant 0 : i32
    %dma_start3A_901 = arith.constant 0 : i32
    %dma_start3A_902 = tpu.memref_slice %arg4[%add3A_894, %dma_start3A_900, %dma_start3A_901] : memref<832x128x32xf32, #tpu.memory_space<hbm>> -> memref<1x128x32xf32, #tpu.memory_space<hbm>>
    %dma_start3A_903 = tpu.memref_squeeze %dma_start3A_902 : memref<1x128x32xf32, #tpu.memory_space<hbm>> -> memref<128x32xf32, #tpu.memory_space<hbm>>
    %dma_start3A_904 = arith.constant 0 : i32
    %dma_start3A_905 = arith.constant 0 : i32
    %dma_start3A_906 = tpu.memref_slice %arg4[%add3A_894, %dma_start3A_904, %dma_start3A_905] : memref<832x128x32xf32, #tpu.memory_space<hbm>> -> memref<1x128x32xf32, #tpu.memory_space<hbm>>
    %dma_start3A_907 = tpu.memref_squeeze %dma_start3A_906 : memref<1x128x32xf32, #tpu.memory_space<hbm>> -> memref<128x32xf32, #tpu.memory_space<hbm>>
    %dma_start3A_908 = arith.constant 0 : i32
    %dma_start3A_909 = arith.constant 0 : i32
    %dma_start3A_910 = tpu.memref_slice %arg9[%dma_start3A_895, %dma_start3A_908, %dma_start3A_909] : memref<2x128x32xf32, #tpu.memory_space<vmem>> -> memref<1x128x32xf32, #tpu.memory_space<vmem>>
    %dma_start3A_911 = tpu.memref_squeeze %dma_start3A_910 : memref<1x128x32xf32, #tpu.memory_space<vmem>> -> memref<128x32xf32, #tpu.memory_space<vmem>>
    tpu.enqueue_dma source(%dma_start3A_911 : memref<128x32xf32, #tpu.memory_space<vmem>>) target(%dma_start3A_907 : memref<128x32xf32, #tpu.memory_space<hbm>>) target_semaphore(%arg14 : memref<!tpu.dma_semaphore, #tpu.memory_space<semaphore_mem>>)
    %dma_start3A_912 = arith.constant 14 : i32
    %dma_start3A_913 = arith.constant 0 : i32
    %dma_start3A_914 = arith.constant 0 : i32
    %dma_start3A_915 = arith.constant 0 : i32
    %dma_start3A_916 = tpu.memref_slice %arg8[%dma_start3A_913, %dma_start3A_914, %dma_start3A_915] : memref<2x128x128xf32, #tpu.memory_space<vmem>> -> memref<1x128x128xf32, #tpu.memory_space<vmem>>
    %dma_start3A_917 = tpu.memref_squeeze %dma_start3A_916 : memref<1x128x128xf32, #tpu.memory_space<vmem>> -> memref<128x128xf32, #tpu.memory_space<vmem>>
    %dma_start3A_918 = arith.constant 0 : i32
    %dma_start3A_919 = tpu.memref_slice %arg7[%dma_start3A_912, %dma_start3A_918] : memref<26x128xi32, #tpu.memory_space<vmem>> -> memref<1x128xi32, #tpu.memory_space<vmem>>
    %dma_start3A_920 = tpu.memref_squeeze %dma_start3A_919 : memref<1x128xi32, #tpu.memory_space<vmem>> -> memref<128xi32, #tpu.memory_space<vmem>>
    %dma_start3A_921 = arith.constant 0 : i32
    %dma_start3A_922 = arith.constant 0 : i32
    %dma_start3A_923 = tpu.memref_slice %arg3[%dma_start3A_921, %dma_start3A_922] : memref<262144x128xf32, #tpu.memory_space<hbm>> -> memref<262144x128xf32, #tpu.memory_space<hbm>>
    tpu.enqueue_indirect_dma source(%dma_start3A_923 : memref<262144x128xf32, #tpu.memory_space<hbm>>) target(%dma_start3A_917 : memref<128x128xf32, #tpu.memory_space<vmem>>) offsets(%dma_start3A_920 : memref<128xi32, #tpu.memory_space<vmem>>) semaphore(%arg13 : memref<!tpu.dma_semaphore, #tpu.memory_space<semaphore_mem>>)
    %dma_wait3A_924 = arith.constant 13 : i32
    %dma_wait3A_925 = arith.constant 1 : i32
    %dma_wait3A_926 = arith.constant 0 : i32
    %dma_wait3A_927 = arith.constant 0 : i32
    %dma_wait3A_928 = tpu.memref_slice %arg8[%dma_wait3A_925, %dma_wait3A_926, %dma_wait3A_927] : memref<2x128x128xf32, #tpu.memory_space<vmem>> -> memref<1x128x128xf32, #tpu.memory_space<vmem>>
    %dma_wait3A_929 = tpu.memref_squeeze %dma_wait3A_928 : memref<1x128x128xf32, #tpu.memory_space<vmem>> -> memref<128x128xf32, #tpu.memory_space<vmem>>
    %dma_wait3A_930 = arith.constant 0 : i32
    %dma_wait3A_931 = tpu.memref_slice %arg7[%dma_wait3A_924, %dma_wait3A_930] : memref<26x128xi32, #tpu.memory_space<vmem>> -> memref<1x128xi32, #tpu.memory_space<vmem>>
    %dma_wait3A_932 = tpu.memref_squeeze %dma_wait3A_931 : memref<1x128xi32, #tpu.memory_space<vmem>> -> memref<128xi32, #tpu.memory_space<vmem>>
    %dma_wait3A_933 = arith.constant 0 : i32
    %dma_wait3A_934 = arith.constant 0 : i32
    %dma_wait3A_935 = tpu.memref_slice %arg3[%dma_wait3A_933, %dma_wait3A_934] : memref<262144x128xf32, #tpu.memory_space<hbm>> -> memref<262144x128xf32, #tpu.memory_space<hbm>>
    tpu.wait_indirect_dma semaphore(%arg13 : memref<!tpu.dma_semaphore, #tpu.memory_space<semaphore_mem>>) src(%dma_wait3A_935 : memref<262144x128xf32, #tpu.memory_space<hbm>>) dst(%dma_wait3A_929 : memref<128x128xf32, #tpu.memory_space<vmem>>)
    %add3A_936 = arith.constant 13 : i32
    %add3A_937 = arith.addi %mul3A_2, %add3A_936 : i32
    %sub3A_938 = arith.constant 2 : i32
    %sub3A_939 = arith.subi %add3A_937, %sub3A_938 : i32
    %dma_wait3A_940 = arith.constant 1 : i32
    %dma_wait3A_941 = arith.constant 0 : i32
    %dma_wait3A_942 = arith.constant 0 : i32
    %dma_wait3A_943 = tpu.memref_slice %arg9[%dma_wait3A_940, %dma_wait3A_941, %dma_wait3A_942] : memref<2x128x32xf32, #tpu.memory_space<vmem>> -> memref<1x128x32xf32, #tpu.memory_space<vmem>>
    %dma_wait3A_944 = tpu.memref_squeeze %dma_wait3A_943 : memref<1x128x32xf32, #tpu.memory_space<vmem>> -> memref<128x32xf32, #tpu.memory_space<vmem>>
    %dma_wait3A_945 = arith.constant 0 : i32
    %dma_wait3A_946 = arith.constant 0 : i32
    %dma_wait3A_947 = tpu.memref_slice %arg4[%sub3A_939, %dma_wait3A_945, %dma_wait3A_946] : memref<832x128x32xf32, #tpu.memory_space<hbm>> -> memref<1x128x32xf32, #tpu.memory_space<hbm>>
    %dma_wait3A_948 = tpu.memref_squeeze %dma_wait3A_947 : memref<1x128x32xf32, #tpu.memory_space<hbm>> -> memref<128x32xf32, #tpu.memory_space<hbm>>
    %dma_wait3A_949 = arith.constant 0 : i32
    %dma_wait3A_950 = arith.constant 0 : i32
    %dma_wait3A_951 = tpu.memref_slice %arg4[%sub3A_939, %dma_wait3A_949, %dma_wait3A_950] : memref<832x128x32xf32, #tpu.memory_space<hbm>> -> memref<1x128x32xf32, #tpu.memory_space<hbm>>
    %dma_wait3A_952 = tpu.memref_squeeze %dma_wait3A_951 : memref<1x128x32xf32, #tpu.memory_space<hbm>> -> memref<128x32xf32, #tpu.memory_space<hbm>>
    %dma_wait3A_953 = arith.constant 0 : i32
    %dma_wait3A_954 = arith.constant 0 : i32
    %dma_wait3A_955 = tpu.memref_slice %arg9[%dma_wait3A_940, %dma_wait3A_953, %dma_wait3A_954] : memref<2x128x32xf32, #tpu.memory_space<vmem>> -> memref<1x128x32xf32, #tpu.memory_space<vmem>>
    %dma_wait3A_956 = tpu.memref_squeeze %dma_wait3A_955 : memref<1x128x32xf32, #tpu.memory_space<vmem>> -> memref<128x32xf32, #tpu.memory_space<vmem>>
    tpu.wait_dma2 semaphore(%arg16 : memref<!tpu.dma_semaphore, #tpu.memory_space<semaphore_mem>>) src(%dma_wait3A_956 : memref<128x32xf32, #tpu.memory_space<vmem>>) dst(%dma_wait3A_952 : memref<128x32xf32, #tpu.memory_space<hbm>>)
    %broadcast_in_dim3A_957 = arith.constant 1 : i32
    %broadcast_in_dim3A_958 = vector.broadcast %broadcast_in_dim3A_957 : i32 to vector<16xi32>
    %scan3A_959 = arith.constant 0 : i32
    %scan3A_960 = arith.constant 0 : i32
    %scan3A_961 = arith.constant 8 : i32
    %scan3A_962 = arith.addi %scan3A_960, %scan3A_961 : i32
    %scan3A_963 = arith.constant 1 : i32
    scf.for %scan3A_1874 = %scan3A_960 to %scan3A_962 step %scan3A_963  : i32 {
      %mul3A_1875 = arith.constant 16 : i32
      %mul3A_1876 = arith.muli %scan3A_1874, %mul3A_1875 : i32
      %get3A = arith.constant 0 : i32
      %get3A_1877 = arith.constant 13 : i32
      %get3A_1878 = arith.index_cast %get3A : i32 to index
      %get3A_1879 = arith.index_cast %get3A_1877 : i32 to index
      %get3A_1880 = arith.index_cast %mul3A_1876 : i32 to index
      %get3A_1881 = tpu.vector_load %arg6[%get3A_1878, %get3A_1879, %get3A_1880] {strides = array<i32>} : memref<2x26x128xi32, #tpu.memory_space<vmem>>, vector<16xi32>,
      %jit3A = arith.constant 262144 : i32
      %div3A = vector.broadcast %jit3A : i32 to vector<16xi32>
      %div3A_1882 = arith.divsi %get3A_1881, %div3A : vector<16xi32>
      %sign3A = arith.constant 0 : i32
      %sign3A_1883 = vector.broadcast %sign3A : i32 to vector<16xi32>
      %sign3A_1884 = arith.cmpi sgt, %get3A_1881, %sign3A_1883 : vector<16xi32>
      %sign3A_1885 = arith.extui %sign3A_1884 : vector<16xi1> to vector<16xi32>
      %sign3A_1886 = arith.constant 0 : i32
      %sign3A_1887 = vector.broadcast %sign3A_1886 : i32 to vector<16xi32>
      %sign3A_1888 = arith.cmpi slt, %get3A_1881, %sign3A_1887 : vector<16xi32>
      %sign3A_1889 = arith.extui %sign3A_1888 : vector<16xi1> to vector<16xi32>
      %sign3A_1890 = arith.subi %sign3A_1885, %sign3A_1889 : vector<16xi32>
      %sign3A_1891 = arith.constant 0 : i32
      %sign3A_1892 = arith.cmpi sgt, %jit3A, %sign3A_1891 : i32
      %sign3A_1893 = arith.extui %sign3A_1892 : i1 to i32
      %sign3A_1894 = arith.constant 0 : i32
      %sign3A_1895 = arith.cmpi slt, %jit3A, %sign3A_1894 : i32
      %sign3A_1896 = arith.extui %sign3A_1895 : i1 to i32
      %sign3A_1897 = arith.subi %sign3A_1893, %sign3A_1896 : i32
      %ne3A = vector.broadcast %sign3A_1897 : i32 to vector<16xi32>
      %ne3A_1898 = arith.cmpi ne, %sign3A_1890, %ne3A : vector<16xi32>
      %rem3A = vector.broadcast %jit3A : i32 to vector<16xi32>
      %rem3A_1899 = arith.remsi %get3A_1881, %rem3A : vector<16xi32>
      %ne3A_1900 = arith.constant 0 : i32
      %ne3A_1901 = vector.broadcast %ne3A_1900 : i32 to vector<16xi32>
      %ne3A_1902 = arith.cmpi ne, %rem3A_1899, %ne3A_1901 : vector<16xi32>
      %and3A = arith.andi %ne3A_1898, %ne3A_1902 : vector<16xi1>
      %sub3A_1903 = arith.constant 1 : i32
      %sub3A_1904 = vector.broadcast %sub3A_1903 : i32 to vector<16xi32>
      %sub3A_1905 = arith.subi %div3A_1882, %sub3A_1904 : vector<16xi32>
      %select_n3A = arith.select %and3A, %sub3A_1905, %div3A_1882 : vector<16xi1>, vector<16xi32>
      %mul3A_1906 = arith.constant 32 : i32
      %mul3A_1907 = vector.broadcast %mul3A_1906 : i32 to vector<16xi32>
      %mul3A_1908 = arith.muli %select_n3A, %mul3A_1907 : vector<16xi32>
      %mul3A_1909 = arith.constant 16 : i32
      %mul3A_1910 = arith.muli %scan3A_1874, %mul3A_1909 : i32
      %add3A_1911 = vector.broadcast %mul3A_1910 : i32 to vector<16xi32>
      %add3A_1912 = arith.addi %add3A_1911, %iota3A : vector<16xi32>
      %scan3A_1913 = arith.constant 0 : i32
      %scan3A_1914 = arith.constant 0 : i32
      %scan3A_1915 = arith.constant 32 : i32
      %scan3A_1916 = arith.addi %scan3A_1914, %scan3A_1915 : i32
      %scan3A_1917 = arith.constant 1 : i32
      scf.for %scan3A_1919 = %scan3A_1914 to %scan3A_1916 step %scan3A_1917  : i32 {
        %add3A_1920 = vector.broadcast %scan3A_1919 : i32 to vector<16xi32>
        %add3A_1921 = arith.addi %mul3A_1908, %add3A_1920 : vector<16xi32>
        %gather3A = tpu.vector_load_idx %arg8[%broadcast_in_dim3A_958, %add3A_1912, %add3A_1921] : memref<2x128x128xf32, #tpu.memory_space<vmem>>[vector<16xi32>, vector<16xi32>, vector<16xi32>], vector<16xf32>,
        %broadcast_in_dim3A_1922 = arith.constant 0 : i32
        %broadcast_in_dim3A_1923 = vector.broadcast %broadcast_in_dim3A_1922 : i32 to vector<16xi32>
        %add3A_1924 = vector.broadcast %scan3A_1919 : i32 to vector<16xi32>
        %add3A_1925 = arith.addi %broadcast_in_dim3A_1923, %add3A_1924 : vector<16xi32>
        tpu.vector_store_idx %arg9[%broadcast_in_dim3A_958, %add3A_1912, %add3A_1925], %gather3A : memref<2x128x32xf32, #tpu.memory_space<vmem>>[vector<16xi32>, vector<16xi32>, vector<16xi32>], vector<16xf32>,
      }
      %scan3A_1918 = arith.constant 32 : i32
    }
    %scan3A_964 = arith.constant 8 : i32
    %add3A_965 = arith.constant 13 : i32
    %add3A_966 = arith.addi %mul3A_2, %add3A_965 : i32
    %dma_start3A_967 = arith.constant 1 : i32
    %dma_start3A_968 = arith.constant 0 : i32
    %dma_start3A_969 = arith.constant 0 : i32
    %dma_start3A_970 = tpu.memref_slice %arg9[%dma_start3A_967, %dma_start3A_968, %dma_start3A_969] : memref<2x128x32xf32, #tpu.memory_space<vmem>> -> memref<1x128x32xf32, #tpu.memory_space<vmem>>
    %dma_start3A_971 = tpu.memref_squeeze %dma_start3A_970 : memref<1x128x32xf32, #tpu.memory_space<vmem>> -> memref<128x32xf32, #tpu.memory_space<vmem>>
    %dma_start3A_972 = arith.constant 0 : i32
    %dma_start3A_973 = arith.constant 0 : i32
    %dma_start3A_974 = tpu.memref_slice %arg4[%add3A_966, %dma_start3A_972, %dma_start3A_973] : memref<832x128x32xf32, #tpu.memory_space<hbm>> -> memref<1x128x32xf32, #tpu.memory_space<hbm>>
    %dma_start3A_975 = tpu.memref_squeeze %dma_start3A_974 : memref<1x128x32xf32, #tpu.memory_space<hbm>> -> memref<128x32xf32, #tpu.memory_space<hbm>>
    %dma_start3A_976 = arith.constant 0 : i32
    %dma_start3A_977 = arith.constant 0 : i32
    %dma_start3A_978 = tpu.memref_slice %arg4[%add3A_966, %dma_start3A_976, %dma_start3A_977] : memref<832x128x32xf32, #tpu.memory_space<hbm>> -> memref<1x128x32xf32, #tpu.memory_space<hbm>>
    %dma_start3A_979 = tpu.memref_squeeze %dma_start3A_978 : memref<1x128x32xf32, #tpu.memory_space<hbm>> -> memref<128x32xf32, #tpu.memory_space<hbm>>
    %dma_start3A_980 = arith.constant 0 : i32
    %dma_start3A_981 = arith.constant 0 : i32
    %dma_start3A_982 = tpu.memref_slice %arg9[%dma_start3A_967, %dma_start3A_980, %dma_start3A_981] : memref<2x128x32xf32, #tpu.memory_space<vmem>> -> memref<1x128x32xf32, #tpu.memory_space<vmem>>
    %dma_start3A_983 = tpu.memref_squeeze %dma_start3A_982 : memref<1x128x32xf32, #tpu.memory_space<vmem>> -> memref<128x32xf32, #tpu.memory_space<vmem>>
    tpu.enqueue_dma source(%dma_start3A_983 : memref<128x32xf32, #tpu.memory_space<vmem>>) target(%dma_start3A_979 : memref<128x32xf32, #tpu.memory_space<hbm>>) target_semaphore(%arg16 : memref<!tpu.dma_semaphore, #tpu.memory_space<semaphore_mem>>)
    %dma_start3A_984 = arith.constant 15 : i32
    %dma_start3A_985 = arith.constant 1 : i32
    %dma_start3A_986 = arith.constant 0 : i32
    %dma_start3A_987 = arith.constant 0 : i32
    %dma_start3A_988 = tpu.memref_slice %arg8[%dma_start3A_985, %dma_start3A_986, %dma_start3A_987] : memref<2x128x128xf32, #tpu.memory_space<vmem>> -> memref<1x128x128xf32, #tpu.memory_space<vmem>>
    %dma_start3A_989 = tpu.memref_squeeze %dma_start3A_988 : memref<1x128x128xf32, #tpu.memory_space<vmem>> -> memref<128x128xf32, #tpu.memory_space<vmem>>
    %dma_start3A_990 = arith.constant 0 : i32
    %dma_start3A_991 = tpu.memref_slice %arg7[%dma_start3A_984, %dma_start3A_990] : memref<26x128xi32, #tpu.memory_space<vmem>> -> memref<1x128xi32, #tpu.memory_space<vmem>>
    %dma_start3A_992 = tpu.memref_squeeze %dma_start3A_991 : memref<1x128xi32, #tpu.memory_space<vmem>> -> memref<128xi32, #tpu.memory_space<vmem>>
    %dma_start3A_993 = arith.constant 0 : i32
    %dma_start3A_994 = arith.constant 0 : i32
    %dma_start3A_995 = tpu.memref_slice %arg3[%dma_start3A_993, %dma_start3A_994] : memref<262144x128xf32, #tpu.memory_space<hbm>> -> memref<262144x128xf32, #tpu.memory_space<hbm>>
    tpu.enqueue_indirect_dma source(%dma_start3A_995 : memref<262144x128xf32, #tpu.memory_space<hbm>>) target(%dma_start3A_989 : memref<128x128xf32, #tpu.memory_space<vmem>>) offsets(%dma_start3A_992 : memref<128xi32, #tpu.memory_space<vmem>>) semaphore(%arg13 : memref<!tpu.dma_semaphore, #tpu.memory_space<semaphore_mem>>)
    %dma_wait3A_996 = arith.constant 14 : i32
    %dma_wait3A_997 = arith.constant 0 : i32
    %dma_wait3A_998 = arith.constant 0 : i32
    %dma_wait3A_999 = arith.constant 0 : i32
    %dma_wait3A_1000 = tpu.memref_slice %arg8[%dma_wait3A_997, %dma_wait3A_998, %dma_wait3A_999] : memref<2x128x128xf32, #tpu.memory_space<vmem>> -> memref<1x128x128xf32, #tpu.memory_space<vmem>>
    %dma_wait3A_1001 = tpu.memref_squeeze %dma_wait3A_1000 : memref<1x128x128xf32, #tpu.memory_space<vmem>> -> memref<128x128xf32, #tpu.memory_space<vmem>>
    %dma_wait3A_1002 = arith.constant 0 : i32
    %dma_wait3A_1003 = tpu.memref_slice %arg7[%dma_wait3A_996, %dma_wait3A_1002] : memref<26x128xi32, #tpu.memory_space<vmem>> -> memref<1x128xi32, #tpu.memory_space<vmem>>
    %dma_wait3A_1004 = tpu.memref_squeeze %dma_wait3A_1003 : memref<1x128xi32, #tpu.memory_space<vmem>> -> memref<128xi32, #tpu.memory_space<vmem>>
    %dma_wait3A_1005 = arith.constant 0 : i32
    %dma_wait3A_1006 = arith.constant 0 : i32
    %dma_wait3A_1007 = tpu.memref_slice %arg3[%dma_wait3A_1005, %dma_wait3A_1006] : memref<262144x128xf32, #tpu.memory_space<hbm>> -> memref<262144x128xf32, #tpu.memory_space<hbm>>
    tpu.wait_indirect_dma semaphore(%arg13 : memref<!tpu.dma_semaphore, #tpu.memory_space<semaphore_mem>>) src(%dma_wait3A_1007 : memref<262144x128xf32, #tpu.memory_space<hbm>>) dst(%dma_wait3A_1001 : memref<128x128xf32, #tpu.memory_space<vmem>>)
    %add3A_1008 = arith.constant 14 : i32
    %add3A_1009 = arith.addi %mul3A_2, %add3A_1008 : i32
    %sub3A_1010 = arith.constant 2 : i32
    %sub3A_1011 = arith.subi %add3A_1009, %sub3A_1010 : i32
    %dma_wait3A_1012 = arith.constant 0 : i32
    %dma_wait3A_1013 = arith.constant 0 : i32
    %dma_wait3A_1014 = arith.constant 0 : i32
    %dma_wait3A_1015 = tpu.memref_slice %arg9[%dma_wait3A_1012, %dma_wait3A_1013, %dma_wait3A_1014] : memref<2x128x32xf32, #tpu.memory_space<vmem>> -> memref<1x128x32xf32, #tpu.memory_space<vmem>>
    %dma_wait3A_1016 = tpu.memref_squeeze %dma_wait3A_1015 : memref<1x128x32xf32, #tpu.memory_space<vmem>> -> memref<128x32xf32, #tpu.memory_space<vmem>>
    %dma_wait3A_1017 = arith.constant 0 : i32
    %dma_wait3A_1018 = arith.constant 0 : i32
    %dma_wait3A_1019 = tpu.memref_slice %arg4[%sub3A_1011, %dma_wait3A_1017, %dma_wait3A_1018] : memref<832x128x32xf32, #tpu.memory_space<hbm>> -> memref<1x128x32xf32, #tpu.memory_space<hbm>>
    %dma_wait3A_1020 = tpu.memref_squeeze %dma_wait3A_1019 : memref<1x128x32xf32, #tpu.memory_space<hbm>> -> memref<128x32xf32, #tpu.memory_space<hbm>>
    %dma_wait3A_1021 = arith.constant 0 : i32
    %dma_wait3A_1022 = arith.constant 0 : i32
    %dma_wait3A_1023 = tpu.memref_slice %arg4[%sub3A_1011, %dma_wait3A_1021, %dma_wait3A_1022] : memref<832x128x32xf32, #tpu.memory_space<hbm>> -> memref<1x128x32xf32, #tpu.memory_space<hbm>>
    %dma_wait3A_1024 = tpu.memref_squeeze %dma_wait3A_1023 : memref<1x128x32xf32, #tpu.memory_space<hbm>> -> memref<128x32xf32, #tpu.memory_space<hbm>>
    %dma_wait3A_1025 = arith.constant 0 : i32
    %dma_wait3A_1026 = arith.constant 0 : i32
    %dma_wait3A_1027 = tpu.memref_slice %arg9[%dma_wait3A_1012, %dma_wait3A_1025, %dma_wait3A_1026] : memref<2x128x32xf32, #tpu.memory_space<vmem>> -> memref<1x128x32xf32, #tpu.memory_space<vmem>>
    %dma_wait3A_1028 = tpu.memref_squeeze %dma_wait3A_1027 : memref<1x128x32xf32, #tpu.memory_space<vmem>> -> memref<128x32xf32, #tpu.memory_space<vmem>>
    tpu.wait_dma2 semaphore(%arg14 : memref<!tpu.dma_semaphore, #tpu.memory_space<semaphore_mem>>) src(%dma_wait3A_1028 : memref<128x32xf32, #tpu.memory_space<vmem>>) dst(%dma_wait3A_1024 : memref<128x32xf32, #tpu.memory_space<hbm>>)
    %broadcast_in_dim3A_1029 = arith.constant 0 : i32
    %broadcast_in_dim3A_1030 = vector.broadcast %broadcast_in_dim3A_1029 : i32 to vector<16xi32>
    %scan3A_1031 = arith.constant 0 : i32
    %scan3A_1032 = arith.constant 0 : i32
    %scan3A_1033 = arith.constant 8 : i32
    %scan3A_1034 = arith.addi %scan3A_1032, %scan3A_1033 : i32
    %scan3A_1035 = arith.constant 1 : i32
    scf.for %scan3A_1874 = %scan3A_1032 to %scan3A_1034 step %scan3A_1035  : i32 {
      %mul3A_1875 = arith.constant 16 : i32
      %mul3A_1876 = arith.muli %scan3A_1874, %mul3A_1875 : i32
      %get3A = arith.constant 0 : i32
      %get3A_1877 = arith.constant 14 : i32
      %get3A_1878 = arith.index_cast %get3A : i32 to index
      %get3A_1879 = arith.index_cast %get3A_1877 : i32 to index
      %get3A_1880 = arith.index_cast %mul3A_1876 : i32 to index
      %get3A_1881 = tpu.vector_load %arg6[%get3A_1878, %get3A_1879, %get3A_1880] {strides = array<i32>} : memref<2x26x128xi32, #tpu.memory_space<vmem>>, vector<16xi32>,
      %jit3A = arith.constant 262144 : i32
      %div3A = vector.broadcast %jit3A : i32 to vector<16xi32>
      %div3A_1882 = arith.divsi %get3A_1881, %div3A : vector<16xi32>
      %sign3A = arith.constant 0 : i32
      %sign3A_1883 = vector.broadcast %sign3A : i32 to vector<16xi32>
      %sign3A_1884 = arith.cmpi sgt, %get3A_1881, %sign3A_1883 : vector<16xi32>
      %sign3A_1885 = arith.extui %sign3A_1884 : vector<16xi1> to vector<16xi32>
      %sign3A_1886 = arith.constant 0 : i32
      %sign3A_1887 = vector.broadcast %sign3A_1886 : i32 to vector<16xi32>
      %sign3A_1888 = arith.cmpi slt, %get3A_1881, %sign3A_1887 : vector<16xi32>
      %sign3A_1889 = arith.extui %sign3A_1888 : vector<16xi1> to vector<16xi32>
      %sign3A_1890 = arith.subi %sign3A_1885, %sign3A_1889 : vector<16xi32>
      %sign3A_1891 = arith.constant 0 : i32
      %sign3A_1892 = arith.cmpi sgt, %jit3A, %sign3A_1891 : i32
      %sign3A_1893 = arith.extui %sign3A_1892 : i1 to i32
      %sign3A_1894 = arith.constant 0 : i32
      %sign3A_1895 = arith.cmpi slt, %jit3A, %sign3A_1894 : i32
      %sign3A_1896 = arith.extui %sign3A_1895 : i1 to i32
      %sign3A_1897 = arith.subi %sign3A_1893, %sign3A_1896 : i32
      %ne3A = vector.broadcast %sign3A_1897 : i32 to vector<16xi32>
      %ne3A_1898 = arith.cmpi ne, %sign3A_1890, %ne3A : vector<16xi32>
      %rem3A = vector.broadcast %jit3A : i32 to vector<16xi32>
      %rem3A_1899 = arith.remsi %get3A_1881, %rem3A : vector<16xi32>
      %ne3A_1900 = arith.constant 0 : i32
      %ne3A_1901 = vector.broadcast %ne3A_1900 : i32 to vector<16xi32>
      %ne3A_1902 = arith.cmpi ne, %rem3A_1899, %ne3A_1901 : vector<16xi32>
      %and3A = arith.andi %ne3A_1898, %ne3A_1902 : vector<16xi1>
      %sub3A_1903 = arith.constant 1 : i32
      %sub3A_1904 = vector.broadcast %sub3A_1903 : i32 to vector<16xi32>
      %sub3A_1905 = arith.subi %div3A_1882, %sub3A_1904 : vector<16xi32>
      %select_n3A = arith.select %and3A, %sub3A_1905, %div3A_1882 : vector<16xi1>, vector<16xi32>
      %mul3A_1906 = arith.constant 32 : i32
      %mul3A_1907 = vector.broadcast %mul3A_1906 : i32 to vector<16xi32>
      %mul3A_1908 = arith.muli %select_n3A, %mul3A_1907 : vector<16xi32>
      %mul3A_1909 = arith.constant 16 : i32
      %mul3A_1910 = arith.muli %scan3A_1874, %mul3A_1909 : i32
      %add3A_1911 = vector.broadcast %mul3A_1910 : i32 to vector<16xi32>
      %add3A_1912 = arith.addi %add3A_1911, %iota3A : vector<16xi32>
      %scan3A_1913 = arith.constant 0 : i32
      %scan3A_1914 = arith.constant 0 : i32
      %scan3A_1915 = arith.constant 32 : i32
      %scan3A_1916 = arith.addi %scan3A_1914, %scan3A_1915 : i32
      %scan3A_1917 = arith.constant 1 : i32
      scf.for %scan3A_1919 = %scan3A_1914 to %scan3A_1916 step %scan3A_1917  : i32 {
        %add3A_1920 = vector.broadcast %scan3A_1919 : i32 to vector<16xi32>
        %add3A_1921 = arith.addi %mul3A_1908, %add3A_1920 : vector<16xi32>
        %gather3A = tpu.vector_load_idx %arg8[%broadcast_in_dim3A_1030, %add3A_1912, %add3A_1921] : memref<2x128x128xf32, #tpu.memory_space<vmem>>[vector<16xi32>, vector<16xi32>, vector<16xi32>], vector<16xf32>,
        %broadcast_in_dim3A_1922 = arith.constant 0 : i32
        %broadcast_in_dim3A_1923 = vector.broadcast %broadcast_in_dim3A_1922 : i32 to vector<16xi32>
        %add3A_1924 = vector.broadcast %scan3A_1919 : i32 to vector<16xi32>
        %add3A_1925 = arith.addi %broadcast_in_dim3A_1923, %add3A_1924 : vector<16xi32>
        tpu.vector_store_idx %arg9[%broadcast_in_dim3A_1030, %add3A_1912, %add3A_1925], %gather3A : memref<2x128x32xf32, #tpu.memory_space<vmem>>[vector<16xi32>, vector<16xi32>, vector<16xi32>], vector<16xf32>,
      }
      %scan3A_1918 = arith.constant 32 : i32
    }
    %scan3A_1036 = arith.constant 8 : i32
    %add3A_1037 = arith.constant 14 : i32
    %add3A_1038 = arith.addi %mul3A_2, %add3A_1037 : i32
    %dma_start3A_1039 = arith.constant 0 : i32
    %dma_start3A_1040 = arith.constant 0 : i32
    %dma_start3A_1041 = arith.constant 0 : i32
    %dma_start3A_1042 = tpu.memref_slice %arg9[%dma_start3A_1039, %dma_start3A_1040, %dma_start3A_1041] : memref<2x128x32xf32, #tpu.memory_space<vmem>> -> memref<1x128x32xf32, #tpu.memory_space<vmem>>
    %dma_start3A_1043 = tpu.memref_squeeze %dma_start3A_1042 : memref<1x128x32xf32, #tpu.memory_space<vmem>> -> memref<128x32xf32, #tpu.memory_space<vmem>>
    %dma_start3A_1044 = arith.constant 0 : i32
    %dma_start3A_1045 = arith.constant 0 : i32
    %dma_start3A_1046 = tpu.memref_slice %arg4[%add3A_1038, %dma_start3A_1044, %dma_start3A_1045] : memref<832x128x32xf32, #tpu.memory_space<hbm>> -> memref<1x128x32xf32, #tpu.memory_space<hbm>>
    %dma_start3A_1047 = tpu.memref_squeeze %dma_start3A_1046 : memref<1x128x32xf32, #tpu.memory_space<hbm>> -> memref<128x32xf32, #tpu.memory_space<hbm>>
    %dma_start3A_1048 = arith.constant 0 : i32
    %dma_start3A_1049 = arith.constant 0 : i32
    %dma_start3A_1050 = tpu.memref_slice %arg4[%add3A_1038, %dma_start3A_1048, %dma_start3A_1049] : memref<832x128x32xf32, #tpu.memory_space<hbm>> -> memref<1x128x32xf32, #tpu.memory_space<hbm>>
    %dma_start3A_1051 = tpu.memref_squeeze %dma_start3A_1050 : memref<1x128x32xf32, #tpu.memory_space<hbm>> -> memref<128x32xf32, #tpu.memory_space<hbm>>
    %dma_start3A_1052 = arith.constant 0 : i32
    %dma_start3A_1053 = arith.constant 0 : i32
    %dma_start3A_1054 = tpu.memref_slice %arg9[%dma_start3A_1039, %dma_start3A_1052, %dma_start3A_1053] : memref<2x128x32xf32, #tpu.memory_space<vmem>> -> memref<1x128x32xf32, #tpu.memory_space<vmem>>
    %dma_start3A_1055 = tpu.memref_squeeze %dma_start3A_1054 : memref<1x128x32xf32, #tpu.memory_space<vmem>> -> memref<128x32xf32, #tpu.memory_space<vmem>>
    tpu.enqueue_dma source(%dma_start3A_1055 : memref<128x32xf32, #tpu.memory_space<vmem>>) target(%dma_start3A_1051 : memref<128x32xf32, #tpu.memory_space<hbm>>) target_semaphore(%arg14 : memref<!tpu.dma_semaphore, #tpu.memory_space<semaphore_mem>>)
    %dma_start3A_1056 = arith.constant 16 : i32
    %dma_start3A_1057 = arith.constant 0 : i32
    %dma_start3A_1058 = arith.constant 0 : i32
    %dma_start3A_1059 = arith.constant 0 : i32
    %dma_start3A_1060 = tpu.memref_slice %arg8[%dma_start3A_1057, %dma_start3A_1058, %dma_start3A_1059] : memref<2x128x128xf32, #tpu.memory_space<vmem>> -> memref<1x128x128xf32, #tpu.memory_space<vmem>>
    %dma_start3A_1061 = tpu.memref_squeeze %dma_start3A_1060 : memref<1x128x128xf32, #tpu.memory_space<vmem>> -> memref<128x128xf32, #tpu.memory_space<vmem>>
    %dma_start3A_1062 = arith.constant 0 : i32
    %dma_start3A_1063 = tpu.memref_slice %arg7[%dma_start3A_1056, %dma_start3A_1062] : memref<26x128xi32, #tpu.memory_space<vmem>> -> memref<1x128xi32, #tpu.memory_space<vmem>>
    %dma_start3A_1064 = tpu.memref_squeeze %dma_start3A_1063 : memref<1x128xi32, #tpu.memory_space<vmem>> -> memref<128xi32, #tpu.memory_space<vmem>>
    %dma_start3A_1065 = arith.constant 0 : i32
    %dma_start3A_1066 = arith.constant 0 : i32
    %dma_start3A_1067 = tpu.memref_slice %arg3[%dma_start3A_1065, %dma_start3A_1066] : memref<262144x128xf32, #tpu.memory_space<hbm>> -> memref<262144x128xf32, #tpu.memory_space<hbm>>
    tpu.enqueue_indirect_dma source(%dma_start3A_1067 : memref<262144x128xf32, #tpu.memory_space<hbm>>) target(%dma_start3A_1061 : memref<128x128xf32, #tpu.memory_space<vmem>>) offsets(%dma_start3A_1064 : memref<128xi32, #tpu.memory_space<vmem>>) semaphore(%arg13 : memref<!tpu.dma_semaphore, #tpu.memory_space<semaphore_mem>>)
    %dma_wait3A_1068 = arith.constant 15 : i32
    %dma_wait3A_1069 = arith.constant 1 : i32
    %dma_wait3A_1070 = arith.constant 0 : i32
    %dma_wait3A_1071 = arith.constant 0 : i32
    %dma_wait3A_1072 = tpu.memref_slice %arg8[%dma_wait3A_1069, %dma_wait3A_1070, %dma_wait3A_1071] : memref<2x128x128xf32, #tpu.memory_space<vmem>> -> memref<1x128x128xf32, #tpu.memory_space<vmem>>
    %dma_wait3A_1073 = tpu.memref_squeeze %dma_wait3A_1072 : memref<1x128x128xf32, #tpu.memory_space<vmem>> -> memref<128x128xf32, #tpu.memory_space<vmem>>
    %dma_wait3A_1074 = arith.constant 0 : i32
    %dma_wait3A_1075 = tpu.memref_slice %arg7[%dma_wait3A_1068, %dma_wait3A_1074] : memref<26x128xi32, #tpu.memory_space<vmem>> -> memref<1x128xi32, #tpu.memory_space<vmem>>
    %dma_wait3A_1076 = tpu.memref_squeeze %dma_wait3A_1075 : memref<1x128xi32, #tpu.memory_space<vmem>> -> memref<128xi32, #tpu.memory_space<vmem>>
    %dma_wait3A_1077 = arith.constant 0 : i32
    %dma_wait3A_1078 = arith.constant 0 : i32
    %dma_wait3A_1079 = tpu.memref_slice %arg3[%dma_wait3A_1077, %dma_wait3A_1078] : memref<262144x128xf32, #tpu.memory_space<hbm>> -> memref<262144x128xf32, #tpu.memory_space<hbm>>
    tpu.wait_indirect_dma semaphore(%arg13 : memref<!tpu.dma_semaphore, #tpu.memory_space<semaphore_mem>>) src(%dma_wait3A_1079 : memref<262144x128xf32, #tpu.memory_space<hbm>>) dst(%dma_wait3A_1073 : memref<128x128xf32, #tpu.memory_space<vmem>>)
    %add3A_1080 = arith.constant 15 : i32
    %add3A_1081 = arith.addi %mul3A_2, %add3A_1080 : i32
    %sub3A_1082 = arith.constant 2 : i32
    %sub3A_1083 = arith.subi %add3A_1081, %sub3A_1082 : i32
    %dma_wait3A_1084 = arith.constant 1 : i32
    %dma_wait3A_1085 = arith.constant 0 : i32
    %dma_wait3A_1086 = arith.constant 0 : i32
    %dma_wait3A_1087 = tpu.memref_slice %arg9[%dma_wait3A_1084, %dma_wait3A_1085, %dma_wait3A_1086] : memref<2x128x32xf32, #tpu.memory_space<vmem>> -> memref<1x128x32xf32, #tpu.memory_space<vmem>>
    %dma_wait3A_1088 = tpu.memref_squeeze %dma_wait3A_1087 : memref<1x128x32xf32, #tpu.memory_space<vmem>> -> memref<128x32xf32, #tpu.memory_space<vmem>>
    %dma_wait3A_1089 = arith.constant 0 : i32
    %dma_wait3A_1090 = arith.constant 0 : i32
    %dma_wait3A_1091 = tpu.memref_slice %arg4[%sub3A_1083, %dma_wait3A_1089, %dma_wait3A_1090] : memref<832x128x32xf32, #tpu.memory_space<hbm>> -> memref<1x128x32xf32, #tpu.memory_space<hbm>>
    %dma_wait3A_1092 = tpu.memref_squeeze %dma_wait3A_1091 : memref<1x128x32xf32, #tpu.memory_space<hbm>> -> memref<128x32xf32, #tpu.memory_space<hbm>>
    %dma_wait3A_1093 = arith.constant 0 : i32
    %dma_wait3A_1094 = arith.constant 0 : i32
    %dma_wait3A_1095 = tpu.memref_slice %arg4[%sub3A_1083, %dma_wait3A_1093, %dma_wait3A_1094] : memref<832x128x32xf32, #tpu.memory_space<hbm>> -> memref<1x128x32xf32, #tpu.memory_space<hbm>>
    %dma_wait3A_1096 = tpu.memref_squeeze %dma_wait3A_1095 : memref<1x128x32xf32, #tpu.memory_space<hbm>> -> memref<128x32xf32, #tpu.memory_space<hbm>>
    %dma_wait3A_1097 = arith.constant 0 : i32
    %dma_wait3A_1098 = arith.constant 0 : i32
    %dma_wait3A_1099 = tpu.memref_slice %arg9[%dma_wait3A_1084, %dma_wait3A_1097, %dma_wait3A_1098] : memref<2x128x32xf32, #tpu.memory_space<vmem>> -> memref<1x128x32xf32, #tpu.memory_space<vmem>>
    %dma_wait3A_1100 = tpu.memref_squeeze %dma_wait3A_1099 : memref<1x128x32xf32, #tpu.memory_space<vmem>> -> memref<128x32xf32, #tpu.memory_space<vmem>>
    tpu.wait_dma2 semaphore(%arg16 : memref<!tpu.dma_semaphore, #tpu.memory_space<semaphore_mem>>) src(%dma_wait3A_1100 : memref<128x32xf32, #tpu.memory_space<vmem>>) dst(%dma_wait3A_1096 : memref<128x32xf32, #tpu.memory_space<hbm>>)
    %broadcast_in_dim3A_1101 = arith.constant 1 : i32
    %broadcast_in_dim3A_1102 = vector.broadcast %broadcast_in_dim3A_1101 : i32 to vector<16xi32>
    %scan3A_1103 = arith.constant 0 : i32
    %scan3A_1104 = arith.constant 0 : i32
    %scan3A_1105 = arith.constant 8 : i32
    %scan3A_1106 = arith.addi %scan3A_1104, %scan3A_1105 : i32
    %scan3A_1107 = arith.constant 1 : i32
    scf.for %scan3A_1874 = %scan3A_1104 to %scan3A_1106 step %scan3A_1107  : i32 {
      %mul3A_1875 = arith.constant 16 : i32
      %mul3A_1876 = arith.muli %scan3A_1874, %mul3A_1875 : i32
      %get3A = arith.constant 0 : i32
      %get3A_1877 = arith.constant 15 : i32
      %get3A_1878 = arith.index_cast %get3A : i32 to index
      %get3A_1879 = arith.index_cast %get3A_1877 : i32 to index
      %get3A_1880 = arith.index_cast %mul3A_1876 : i32 to index
      %get3A_1881 = tpu.vector_load %arg6[%get3A_1878, %get3A_1879, %get3A_1880] {strides = array<i32>} : memref<2x26x128xi32, #tpu.memory_space<vmem>>, vector<16xi32>,
      %jit3A = arith.constant 262144 : i32
      %div3A = vector.broadcast %jit3A : i32 to vector<16xi32>
      %div3A_1882 = arith.divsi %get3A_1881, %div3A : vector<16xi32>
      %sign3A = arith.constant 0 : i32
      %sign3A_1883 = vector.broadcast %sign3A : i32 to vector<16xi32>
      %sign3A_1884 = arith.cmpi sgt, %get3A_1881, %sign3A_1883 : vector<16xi32>
      %sign3A_1885 = arith.extui %sign3A_1884 : vector<16xi1> to vector<16xi32>
      %sign3A_1886 = arith.constant 0 : i32
      %sign3A_1887 = vector.broadcast %sign3A_1886 : i32 to vector<16xi32>
      %sign3A_1888 = arith.cmpi slt, %get3A_1881, %sign3A_1887 : vector<16xi32>
      %sign3A_1889 = arith.extui %sign3A_1888 : vector<16xi1> to vector<16xi32>
      %sign3A_1890 = arith.subi %sign3A_1885, %sign3A_1889 : vector<16xi32>
      %sign3A_1891 = arith.constant 0 : i32
      %sign3A_1892 = arith.cmpi sgt, %jit3A, %sign3A_1891 : i32
      %sign3A_1893 = arith.extui %sign3A_1892 : i1 to i32
      %sign3A_1894 = arith.constant 0 : i32
      %sign3A_1895 = arith.cmpi slt, %jit3A, %sign3A_1894 : i32
      %sign3A_1896 = arith.extui %sign3A_1895 : i1 to i32
      %sign3A_1897 = arith.subi %sign3A_1893, %sign3A_1896 : i32
      %ne3A = vector.broadcast %sign3A_1897 : i32 to vector<16xi32>
      %ne3A_1898 = arith.cmpi ne, %sign3A_1890, %ne3A : vector<16xi32>
      %rem3A = vector.broadcast %jit3A : i32 to vector<16xi32>
      %rem3A_1899 = arith.remsi %get3A_1881, %rem3A : vector<16xi32>
      %ne3A_1900 = arith.constant 0 : i32
      %ne3A_1901 = vector.broadcast %ne3A_1900 : i32 to vector<16xi32>
      %ne3A_1902 = arith.cmpi ne, %rem3A_1899, %ne3A_1901 : vector<16xi32>
      %and3A = arith.andi %ne3A_1898, %ne3A_1902 : vector<16xi1>
      %sub3A_1903 = arith.constant 1 : i32
      %sub3A_1904 = vector.broadcast %sub3A_1903 : i32 to vector<16xi32>
      %sub3A_1905 = arith.subi %div3A_1882, %sub3A_1904 : vector<16xi32>
      %select_n3A = arith.select %and3A, %sub3A_1905, %div3A_1882 : vector<16xi1>, vector<16xi32>
      %mul3A_1906 = arith.constant 32 : i32
      %mul3A_1907 = vector.broadcast %mul3A_1906 : i32 to vector<16xi32>
      %mul3A_1908 = arith.muli %select_n3A, %mul3A_1907 : vector<16xi32>
      %mul3A_1909 = arith.constant 16 : i32
      %mul3A_1910 = arith.muli %scan3A_1874, %mul3A_1909 : i32
      %add3A_1911 = vector.broadcast %mul3A_1910 : i32 to vector<16xi32>
      %add3A_1912 = arith.addi %add3A_1911, %iota3A : vector<16xi32>
      %scan3A_1913 = arith.constant 0 : i32
      %scan3A_1914 = arith.constant 0 : i32
      %scan3A_1915 = arith.constant 32 : i32
      %scan3A_1916 = arith.addi %scan3A_1914, %scan3A_1915 : i32
      %scan3A_1917 = arith.constant 1 : i32
      scf.for %scan3A_1919 = %scan3A_1914 to %scan3A_1916 step %scan3A_1917  : i32 {
        %add3A_1920 = vector.broadcast %scan3A_1919 : i32 to vector<16xi32>
        %add3A_1921 = arith.addi %mul3A_1908, %add3A_1920 : vector<16xi32>
        %gather3A = tpu.vector_load_idx %arg8[%broadcast_in_dim3A_1102, %add3A_1912, %add3A_1921] : memref<2x128x128xf32, #tpu.memory_space<vmem>>[vector<16xi32>, vector<16xi32>, vector<16xi32>], vector<16xf32>,
        %broadcast_in_dim3A_1922 = arith.constant 0 : i32
        %broadcast_in_dim3A_1923 = vector.broadcast %broadcast_in_dim3A_1922 : i32 to vector<16xi32>
        %add3A_1924 = vector.broadcast %scan3A_1919 : i32 to vector<16xi32>
        %add3A_1925 = arith.addi %broadcast_in_dim3A_1923, %add3A_1924 : vector<16xi32>
        tpu.vector_store_idx %arg9[%broadcast_in_dim3A_1102, %add3A_1912, %add3A_1925], %gather3A : memref<2x128x32xf32, #tpu.memory_space<vmem>>[vector<16xi32>, vector<16xi32>, vector<16xi32>], vector<16xf32>,
      }
      %scan3A_1918 = arith.constant 32 : i32
    }
    %scan3A_1108 = arith.constant 8 : i32
    %add3A_1109 = arith.constant 15 : i32
    %add3A_1110 = arith.addi %mul3A_2, %add3A_1109 : i32
    %dma_start3A_1111 = arith.constant 1 : i32
    %dma_start3A_1112 = arith.constant 0 : i32
    %dma_start3A_1113 = arith.constant 0 : i32
    %dma_start3A_1114 = tpu.memref_slice %arg9[%dma_start3A_1111, %dma_start3A_1112, %dma_start3A_1113] : memref<2x128x32xf32, #tpu.memory_space<vmem>> -> memref<1x128x32xf32, #tpu.memory_space<vmem>>
    %dma_start3A_1115 = tpu.memref_squeeze %dma_start3A_1114 : memref<1x128x32xf32, #tpu.memory_space<vmem>> -> memref<128x32xf32, #tpu.memory_space<vmem>>
    %dma_start3A_1116 = arith.constant 0 : i32
    %dma_start3A_1117 = arith.constant 0 : i32
    %dma_start3A_1118 = tpu.memref_slice %arg4[%add3A_1110, %dma_start3A_1116, %dma_start3A_1117] : memref<832x128x32xf32, #tpu.memory_space<hbm>> -> memref<1x128x32xf32, #tpu.memory_space<hbm>>
    %dma_start3A_1119 = tpu.memref_squeeze %dma_start3A_1118 : memref<1x128x32xf32, #tpu.memory_space<hbm>> -> memref<128x32xf32, #tpu.memory_space<hbm>>
    %dma_start3A_1120 = arith.constant 0 : i32
    %dma_start3A_1121 = arith.constant 0 : i32
    %dma_start3A_1122 = tpu.memref_slice %arg4[%add3A_1110, %dma_start3A_1120, %dma_start3A_1121] : memref<832x128x32xf32, #tpu.memory_space<hbm>> -> memref<1x128x32xf32, #tpu.memory_space<hbm>>
    %dma_start3A_1123 = tpu.memref_squeeze %dma_start3A_1122 : memref<1x128x32xf32, #tpu.memory_space<hbm>> -> memref<128x32xf32, #tpu.memory_space<hbm>>
    %dma_start3A_1124 = arith.constant 0 : i32
    %dma_start3A_1125 = arith.constant 0 : i32
    %dma_start3A_1126 = tpu.memref_slice %arg9[%dma_start3A_1111, %dma_start3A_1124, %dma_start3A_1125] : memref<2x128x32xf32, #tpu.memory_space<vmem>> -> memref<1x128x32xf32, #tpu.memory_space<vmem>>
    %dma_start3A_1127 = tpu.memref_squeeze %dma_start3A_1126 : memref<1x128x32xf32, #tpu.memory_space<vmem>> -> memref<128x32xf32, #tpu.memory_space<vmem>>
    tpu.enqueue_dma source(%dma_start3A_1127 : memref<128x32xf32, #tpu.memory_space<vmem>>) target(%dma_start3A_1123 : memref<128x32xf32, #tpu.memory_space<hbm>>) target_semaphore(%arg16 : memref<!tpu.dma_semaphore, #tpu.memory_space<semaphore_mem>>)
    %dma_start3A_1128 = arith.constant 17 : i32
    %dma_start3A_1129 = arith.constant 1 : i32
    %dma_start3A_1130 = arith.constant 0 : i32
    %dma_start3A_1131 = arith.constant 0 : i32
    %dma_start3A_1132 = tpu.memref_slice %arg8[%dma_start3A_1129, %dma_start3A_1130, %dma_start3A_1131] : memref<2x128x128xf32, #tpu.memory_space<vmem>> -> memref<1x128x128xf32, #tpu.memory_space<vmem>>
    %dma_start3A_1133 = tpu.memref_squeeze %dma_start3A_1132 : memref<1x128x128xf32, #tpu.memory_space<vmem>> -> memref<128x128xf32, #tpu.memory_space<vmem>>
    %dma_start3A_1134 = arith.constant 0 : i32
    %dma_start3A_1135 = tpu.memref_slice %arg7[%dma_start3A_1128, %dma_start3A_1134] : memref<26x128xi32, #tpu.memory_space<vmem>> -> memref<1x128xi32, #tpu.memory_space<vmem>>
    %dma_start3A_1136 = tpu.memref_squeeze %dma_start3A_1135 : memref<1x128xi32, #tpu.memory_space<vmem>> -> memref<128xi32, #tpu.memory_space<vmem>>
    %dma_start3A_1137 = arith.constant 0 : i32
    %dma_start3A_1138 = arith.constant 0 : i32
    %dma_start3A_1139 = tpu.memref_slice %arg3[%dma_start3A_1137, %dma_start3A_1138] : memref<262144x128xf32, #tpu.memory_space<hbm>> -> memref<262144x128xf32, #tpu.memory_space<hbm>>
    tpu.enqueue_indirect_dma source(%dma_start3A_1139 : memref<262144x128xf32, #tpu.memory_space<hbm>>) target(%dma_start3A_1133 : memref<128x128xf32, #tpu.memory_space<vmem>>) offsets(%dma_start3A_1136 : memref<128xi32, #tpu.memory_space<vmem>>) semaphore(%arg13 : memref<!tpu.dma_semaphore, #tpu.memory_space<semaphore_mem>>)
    %dma_wait3A_1140 = arith.constant 16 : i32
    %dma_wait3A_1141 = arith.constant 0 : i32
    %dma_wait3A_1142 = arith.constant 0 : i32
    %dma_wait3A_1143 = arith.constant 0 : i32
    %dma_wait3A_1144 = tpu.memref_slice %arg8[%dma_wait3A_1141, %dma_wait3A_1142, %dma_wait3A_1143] : memref<2x128x128xf32, #tpu.memory_space<vmem>> -> memref<1x128x128xf32, #tpu.memory_space<vmem>>
    %dma_wait3A_1145 = tpu.memref_squeeze %dma_wait3A_1144 : memref<1x128x128xf32, #tpu.memory_space<vmem>> -> memref<128x128xf32, #tpu.memory_space<vmem>>
    %dma_wait3A_1146 = arith.constant 0 : i32
    %dma_wait3A_1147 = tpu.memref_slice %arg7[%dma_wait3A_1140, %dma_wait3A_1146] : memref<26x128xi32, #tpu.memory_space<vmem>> -> memref<1x128xi32, #tpu.memory_space<vmem>>
    %dma_wait3A_1148 = tpu.memref_squeeze %dma_wait3A_1147 : memref<1x128xi32, #tpu.memory_space<vmem>> -> memref<128xi32, #tpu.memory_space<vmem>>
    %dma_wait3A_1149 = arith.constant 0 : i32
    %dma_wait3A_1150 = arith.constant 0 : i32
    %dma_wait3A_1151 = tpu.memref_slice %arg3[%dma_wait3A_1149, %dma_wait3A_1150] : memref<262144x128xf32, #tpu.memory_space<hbm>> -> memref<262144x128xf32, #tpu.memory_space<hbm>>
    tpu.wait_indirect_dma semaphore(%arg13 : memref<!tpu.dma_semaphore, #tpu.memory_space<semaphore_mem>>) src(%dma_wait3A_1151 : memref<262144x128xf32, #tpu.memory_space<hbm>>) dst(%dma_wait3A_1145 : memref<128x128xf32, #tpu.memory_space<vmem>>)
    %add3A_1152 = arith.constant 16 : i32
    %add3A_1153 = arith.addi %mul3A_2, %add3A_1152 : i32
    %sub3A_1154 = arith.constant 2 : i32
    %sub3A_1155 = arith.subi %add3A_1153, %sub3A_1154 : i32
    %dma_wait3A_1156 = arith.constant 0 : i32
    %dma_wait3A_1157 = arith.constant 0 : i32
    %dma_wait3A_1158 = arith.constant 0 : i32
    %dma_wait3A_1159 = tpu.memref_slice %arg9[%dma_wait3A_1156, %dma_wait3A_1157, %dma_wait3A_1158] : memref<2x128x32xf32, #tpu.memory_space<vmem>> -> memref<1x128x32xf32, #tpu.memory_space<vmem>>
    %dma_wait3A_1160 = tpu.memref_squeeze %dma_wait3A_1159 : memref<1x128x32xf32, #tpu.memory_space<vmem>> -> memref<128x32xf32, #tpu.memory_space<vmem>>
    %dma_wait3A_1161 = arith.constant 0 : i32
    %dma_wait3A_1162 = arith.constant 0 : i32
    %dma_wait3A_1163 = tpu.memref_slice %arg4[%sub3A_1155, %dma_wait3A_1161, %dma_wait3A_1162] : memref<832x128x32xf32, #tpu.memory_space<hbm>> -> memref<1x128x32xf32, #tpu.memory_space<hbm>>
    %dma_wait3A_1164 = tpu.memref_squeeze %dma_wait3A_1163 : memref<1x128x32xf32, #tpu.memory_space<hbm>> -> memref<128x32xf32, #tpu.memory_space<hbm>>
    %dma_wait3A_1165 = arith.constant 0 : i32
    %dma_wait3A_1166 = arith.constant 0 : i32
    %dma_wait3A_1167 = tpu.memref_slice %arg4[%sub3A_1155, %dma_wait3A_1165, %dma_wait3A_1166] : memref<832x128x32xf32, #tpu.memory_space<hbm>> -> memref<1x128x32xf32, #tpu.memory_space<hbm>>
    %dma_wait3A_1168 = tpu.memref_squeeze %dma_wait3A_1167 : memref<1x128x32xf32, #tpu.memory_space<hbm>> -> memref<128x32xf32, #tpu.memory_space<hbm>>
    %dma_wait3A_1169 = arith.constant 0 : i32
    %dma_wait3A_1170 = arith.constant 0 : i32
    %dma_wait3A_1171 = tpu.memref_slice %arg9[%dma_wait3A_1156, %dma_wait3A_1169, %dma_wait3A_1170] : memref<2x128x32xf32, #tpu.memory_space<vmem>> -> memref<1x128x32xf32, #tpu.memory_space<vmem>>
    %dma_wait3A_1172 = tpu.memref_squeeze %dma_wait3A_1171 : memref<1x128x32xf32, #tpu.memory_space<vmem>> -> memref<128x32xf32, #tpu.memory_space<vmem>>
    tpu.wait_dma2 semaphore(%arg14 : memref<!tpu.dma_semaphore, #tpu.memory_space<semaphore_mem>>) src(%dma_wait3A_1172 : memref<128x32xf32, #tpu.memory_space<vmem>>) dst(%dma_wait3A_1168 : memref<128x32xf32, #tpu.memory_space<hbm>>)
    %broadcast_in_dim3A_1173 = arith.constant 0 : i32
    %broadcast_in_dim3A_1174 = vector.broadcast %broadcast_in_dim3A_1173 : i32 to vector<16xi32>
    %scan3A_1175 = arith.constant 0 : i32
    %scan3A_1176 = arith.constant 0 : i32
    %scan3A_1177 = arith.constant 8 : i32
    %scan3A_1178 = arith.addi %scan3A_1176, %scan3A_1177 : i32
    %scan3A_1179 = arith.constant 1 : i32
    scf.for %scan3A_1874 = %scan3A_1176 to %scan3A_1178 step %scan3A_1179  : i32 {
      %mul3A_1875 = arith.constant 16 : i32
      %mul3A_1876 = arith.muli %scan3A_1874, %mul3A_1875 : i32
      %get3A = arith.constant 0 : i32
      %get3A_1877 = arith.constant 16 : i32
      %get3A_1878 = arith.index_cast %get3A : i32 to index
      %get3A_1879 = arith.index_cast %get3A_1877 : i32 to index
      %get3A_1880 = arith.index_cast %mul3A_1876 : i32 to index
      %get3A_1881 = tpu.vector_load %arg6[%get3A_1878, %get3A_1879, %get3A_1880] {strides = array<i32>} : memref<2x26x128xi32, #tpu.memory_space<vmem>>, vector<16xi32>,
      %jit3A = arith.constant 262144 : i32
      %div3A = vector.broadcast %jit3A : i32 to vector<16xi32>
      %div3A_1882 = arith.divsi %get3A_1881, %div3A : vector<16xi32>
      %sign3A = arith.constant 0 : i32
      %sign3A_1883 = vector.broadcast %sign3A : i32 to vector<16xi32>
      %sign3A_1884 = arith.cmpi sgt, %get3A_1881, %sign3A_1883 : vector<16xi32>
      %sign3A_1885 = arith.extui %sign3A_1884 : vector<16xi1> to vector<16xi32>
      %sign3A_1886 = arith.constant 0 : i32
      %sign3A_1887 = vector.broadcast %sign3A_1886 : i32 to vector<16xi32>
      %sign3A_1888 = arith.cmpi slt, %get3A_1881, %sign3A_1887 : vector<16xi32>
      %sign3A_1889 = arith.extui %sign3A_1888 : vector<16xi1> to vector<16xi32>
      %sign3A_1890 = arith.subi %sign3A_1885, %sign3A_1889 : vector<16xi32>
      %sign3A_1891 = arith.constant 0 : i32
      %sign3A_1892 = arith.cmpi sgt, %jit3A, %sign3A_1891 : i32
      %sign3A_1893 = arith.extui %sign3A_1892 : i1 to i32
      %sign3A_1894 = arith.constant 0 : i32
      %sign3A_1895 = arith.cmpi slt, %jit3A, %sign3A_1894 : i32
      %sign3A_1896 = arith.extui %sign3A_1895 : i1 to i32
      %sign3A_1897 = arith.subi %sign3A_1893, %sign3A_1896 : i32
      %ne3A = vector.broadcast %sign3A_1897 : i32 to vector<16xi32>
      %ne3A_1898 = arith.cmpi ne, %sign3A_1890, %ne3A : vector<16xi32>
      %rem3A = vector.broadcast %jit3A : i32 to vector<16xi32>
      %rem3A_1899 = arith.remsi %get3A_1881, %rem3A : vector<16xi32>
      %ne3A_1900 = arith.constant 0 : i32
      %ne3A_1901 = vector.broadcast %ne3A_1900 : i32 to vector<16xi32>
      %ne3A_1902 = arith.cmpi ne, %rem3A_1899, %ne3A_1901 : vector<16xi32>
      %and3A = arith.andi %ne3A_1898, %ne3A_1902 : vector<16xi1>
      %sub3A_1903 = arith.constant 1 : i32
      %sub3A_1904 = vector.broadcast %sub3A_1903 : i32 to vector<16xi32>
      %sub3A_1905 = arith.subi %div3A_1882, %sub3A_1904 : vector<16xi32>
      %select_n3A = arith.select %and3A, %sub3A_1905, %div3A_1882 : vector<16xi1>, vector<16xi32>
      %mul3A_1906 = arith.constant 32 : i32
      %mul3A_1907 = vector.broadcast %mul3A_1906 : i32 to vector<16xi32>
      %mul3A_1908 = arith.muli %select_n3A, %mul3A_1907 : vector<16xi32>
      %mul3A_1909 = arith.constant 16 : i32
      %mul3A_1910 = arith.muli %scan3A_1874, %mul3A_1909 : i32
      %add3A_1911 = vector.broadcast %mul3A_1910 : i32 to vector<16xi32>
      %add3A_1912 = arith.addi %add3A_1911, %iota3A : vector<16xi32>
      %scan3A_1913 = arith.constant 0 : i32
      %scan3A_1914 = arith.constant 0 : i32
      %scan3A_1915 = arith.constant 32 : i32
      %scan3A_1916 = arith.addi %scan3A_1914, %scan3A_1915 : i32
      %scan3A_1917 = arith.constant 1 : i32
      scf.for %scan3A_1919 = %scan3A_1914 to %scan3A_1916 step %scan3A_1917  : i32 {
        %add3A_1920 = vector.broadcast %scan3A_1919 : i32 to vector<16xi32>
        %add3A_1921 = arith.addi %mul3A_1908, %add3A_1920 : vector<16xi32>
        %gather3A = tpu.vector_load_idx %arg8[%broadcast_in_dim3A_1174, %add3A_1912, %add3A_1921] : memref<2x128x128xf32, #tpu.memory_space<vmem>>[vector<16xi32>, vector<16xi32>, vector<16xi32>], vector<16xf32>,
        %broadcast_in_dim3A_1922 = arith.constant 0 : i32
        %broadcast_in_dim3A_1923 = vector.broadcast %broadcast_in_dim3A_1922 : i32 to vector<16xi32>
        %add3A_1924 = vector.broadcast %scan3A_1919 : i32 to vector<16xi32>
        %add3A_1925 = arith.addi %broadcast_in_dim3A_1923, %add3A_1924 : vector<16xi32>
        tpu.vector_store_idx %arg9[%broadcast_in_dim3A_1174, %add3A_1912, %add3A_1925], %gather3A : memref<2x128x32xf32, #tpu.memory_space<vmem>>[vector<16xi32>, vector<16xi32>, vector<16xi32>], vector<16xf32>,
      }
      %scan3A_1918 = arith.constant 32 : i32
    }
    %scan3A_1180 = arith.constant 8 : i32
    %add3A_1181 = arith.constant 16 : i32
    %add3A_1182 = arith.addi %mul3A_2, %add3A_1181 : i32
    %dma_start3A_1183 = arith.constant 0 : i32
    %dma_start3A_1184 = arith.constant 0 : i32
    %dma_start3A_1185 = arith.constant 0 : i32
    %dma_start3A_1186 = tpu.memref_slice %arg9[%dma_start3A_1183, %dma_start3A_1184, %dma_start3A_1185] : memref<2x128x32xf32, #tpu.memory_space<vmem>> -> memref<1x128x32xf32, #tpu.memory_space<vmem>>
    %dma_start3A_1187 = tpu.memref_squeeze %dma_start3A_1186 : memref<1x128x32xf32, #tpu.memory_space<vmem>> -> memref<128x32xf32, #tpu.memory_space<vmem>>
    %dma_start3A_1188 = arith.constant 0 : i32
    %dma_start3A_1189 = arith.constant 0 : i32
    %dma_start3A_1190 = tpu.memref_slice %arg4[%add3A_1182, %dma_start3A_1188, %dma_start3A_1189] : memref<832x128x32xf32, #tpu.memory_space<hbm>> -> memref<1x128x32xf32, #tpu.memory_space<hbm>>
    %dma_start3A_1191 = tpu.memref_squeeze %dma_start3A_1190 : memref<1x128x32xf32, #tpu.memory_space<hbm>> -> memref<128x32xf32, #tpu.memory_space<hbm>>
    %dma_start3A_1192 = arith.constant 0 : i32
    %dma_start3A_1193 = arith.constant 0 : i32
    %dma_start3A_1194 = tpu.memref_slice %arg4[%add3A_1182, %dma_start3A_1192, %dma_start3A_1193] : memref<832x128x32xf32, #tpu.memory_space<hbm>> -> memref<1x128x32xf32, #tpu.memory_space<hbm>>
    %dma_start3A_1195 = tpu.memref_squeeze %dma_start3A_1194 : memref<1x128x32xf32, #tpu.memory_space<hbm>> -> memref<128x32xf32, #tpu.memory_space<hbm>>
    %dma_start3A_1196 = arith.constant 0 : i32
    %dma_start3A_1197 = arith.constant 0 : i32
    %dma_start3A_1198 = tpu.memref_slice %arg9[%dma_start3A_1183, %dma_start3A_1196, %dma_start3A_1197] : memref<2x128x32xf32, #tpu.memory_space<vmem>> -> memref<1x128x32xf32, #tpu.memory_space<vmem>>
    %dma_start3A_1199 = tpu.memref_squeeze %dma_start3A_1198 : memref<1x128x32xf32, #tpu.memory_space<vmem>> -> memref<128x32xf32, #tpu.memory_space<vmem>>
    tpu.enqueue_dma source(%dma_start3A_1199 : memref<128x32xf32, #tpu.memory_space<vmem>>) target(%dma_start3A_1195 : memref<128x32xf32, #tpu.memory_space<hbm>>) target_semaphore(%arg14 : memref<!tpu.dma_semaphore, #tpu.memory_space<semaphore_mem>>)
    %dma_start3A_1200 = arith.constant 18 : i32
    %dma_start3A_1201 = arith.constant 0 : i32
    %dma_start3A_1202 = arith.constant 0 : i32
    %dma_start3A_1203 = arith.constant 0 : i32
    %dma_start3A_1204 = tpu.memref_slice %arg8[%dma_start3A_1201, %dma_start3A_1202, %dma_start3A_1203] : memref<2x128x128xf32, #tpu.memory_space<vmem>> -> memref<1x128x128xf32, #tpu.memory_space<vmem>>
    %dma_start3A_1205 = tpu.memref_squeeze %dma_start3A_1204 : memref<1x128x128xf32, #tpu.memory_space<vmem>> -> memref<128x128xf32, #tpu.memory_space<vmem>>
    %dma_start3A_1206 = arith.constant 0 : i32
    %dma_start3A_1207 = tpu.memref_slice %arg7[%dma_start3A_1200, %dma_start3A_1206] : memref<26x128xi32, #tpu.memory_space<vmem>> -> memref<1x128xi32, #tpu.memory_space<vmem>>
    %dma_start3A_1208 = tpu.memref_squeeze %dma_start3A_1207 : memref<1x128xi32, #tpu.memory_space<vmem>> -> memref<128xi32, #tpu.memory_space<vmem>>
    %dma_start3A_1209 = arith.constant 0 : i32
    %dma_start3A_1210 = arith.constant 0 : i32
    %dma_start3A_1211 = tpu.memref_slice %arg3[%dma_start3A_1209, %dma_start3A_1210] : memref<262144x128xf32, #tpu.memory_space<hbm>> -> memref<262144x128xf32, #tpu.memory_space<hbm>>
    tpu.enqueue_indirect_dma source(%dma_start3A_1211 : memref<262144x128xf32, #tpu.memory_space<hbm>>) target(%dma_start3A_1205 : memref<128x128xf32, #tpu.memory_space<vmem>>) offsets(%dma_start3A_1208 : memref<128xi32, #tpu.memory_space<vmem>>) semaphore(%arg13 : memref<!tpu.dma_semaphore, #tpu.memory_space<semaphore_mem>>)
    %dma_wait3A_1212 = arith.constant 17 : i32
    %dma_wait3A_1213 = arith.constant 1 : i32
    %dma_wait3A_1214 = arith.constant 0 : i32
    %dma_wait3A_1215 = arith.constant 0 : i32
    %dma_wait3A_1216 = tpu.memref_slice %arg8[%dma_wait3A_1213, %dma_wait3A_1214, %dma_wait3A_1215] : memref<2x128x128xf32, #tpu.memory_space<vmem>> -> memref<1x128x128xf32, #tpu.memory_space<vmem>>
    %dma_wait3A_1217 = tpu.memref_squeeze %dma_wait3A_1216 : memref<1x128x128xf32, #tpu.memory_space<vmem>> -> memref<128x128xf32, #tpu.memory_space<vmem>>
    %dma_wait3A_1218 = arith.constant 0 : i32
    %dma_wait3A_1219 = tpu.memref_slice %arg7[%dma_wait3A_1212, %dma_wait3A_1218] : memref<26x128xi32, #tpu.memory_space<vmem>> -> memref<1x128xi32, #tpu.memory_space<vmem>>
    %dma_wait3A_1220 = tpu.memref_squeeze %dma_wait3A_1219 : memref<1x128xi32, #tpu.memory_space<vmem>> -> memref<128xi32, #tpu.memory_space<vmem>>
    %dma_wait3A_1221 = arith.constant 0 : i32
    %dma_wait3A_1222 = arith.constant 0 : i32
    %dma_wait3A_1223 = tpu.memref_slice %arg3[%dma_wait3A_1221, %dma_wait3A_1222] : memref<262144x128xf32, #tpu.memory_space<hbm>> -> memref<262144x128xf32, #tpu.memory_space<hbm>>
    tpu.wait_indirect_dma semaphore(%arg13 : memref<!tpu.dma_semaphore, #tpu.memory_space<semaphore_mem>>) src(%dma_wait3A_1223 : memref<262144x128xf32, #tpu.memory_space<hbm>>) dst(%dma_wait3A_1217 : memref<128x128xf32, #tpu.memory_space<vmem>>)
    %add3A_1224 = arith.constant 17 : i32
    %add3A_1225 = arith.addi %mul3A_2, %add3A_1224 : i32
    %sub3A_1226 = arith.constant 2 : i32
    %sub3A_1227 = arith.subi %add3A_1225, %sub3A_1226 : i32
    %dma_wait3A_1228 = arith.constant 1 : i32
    %dma_wait3A_1229 = arith.constant 0 : i32
    %dma_wait3A_1230 = arith.constant 0 : i32
    %dma_wait3A_1231 = tpu.memref_slice %arg9[%dma_wait3A_1228, %dma_wait3A_1229, %dma_wait3A_1230] : memref<2x128x32xf32, #tpu.memory_space<vmem>> -> memref<1x128x32xf32, #tpu.memory_space<vmem>>
    %dma_wait3A_1232 = tpu.memref_squeeze %dma_wait3A_1231 : memref<1x128x32xf32, #tpu.memory_space<vmem>> -> memref<128x32xf32, #tpu.memory_space<vmem>>
    %dma_wait3A_1233 = arith.constant 0 : i32
    %dma_wait3A_1234 = arith.constant 0 : i32
    %dma_wait3A_1235 = tpu.memref_slice %arg4[%sub3A_1227, %dma_wait3A_1233, %dma_wait3A_1234] : memref<832x128x32xf32, #tpu.memory_space<hbm>> -> memref<1x128x32xf32, #tpu.memory_space<hbm>>
    %dma_wait3A_1236 = tpu.memref_squeeze %dma_wait3A_1235 : memref<1x128x32xf32, #tpu.memory_space<hbm>> -> memref<128x32xf32, #tpu.memory_space<hbm>>
    %dma_wait3A_1237 = arith.constant 0 : i32
    %dma_wait3A_1238 = arith.constant 0 : i32
    %dma_wait3A_1239 = tpu.memref_slice %arg4[%sub3A_1227, %dma_wait3A_1237, %dma_wait3A_1238] : memref<832x128x32xf32, #tpu.memory_space<hbm>> -> memref<1x128x32xf32, #tpu.memory_space<hbm>>
    %dma_wait3A_1240 = tpu.memref_squeeze %dma_wait3A_1239 : memref<1x128x32xf32, #tpu.memory_space<hbm>> -> memref<128x32xf32, #tpu.memory_space<hbm>>
    %dma_wait3A_1241 = arith.constant 0 : i32
    %dma_wait3A_1242 = arith.constant 0 : i32
    %dma_wait3A_1243 = tpu.memref_slice %arg9[%dma_wait3A_1228, %dma_wait3A_1241, %dma_wait3A_1242] : memref<2x128x32xf32, #tpu.memory_space<vmem>> -> memref<1x128x32xf32, #tpu.memory_space<vmem>>
    %dma_wait3A_1244 = tpu.memref_squeeze %dma_wait3A_1243 : memref<1x128x32xf32, #tpu.memory_space<vmem>> -> memref<128x32xf32, #tpu.memory_space<vmem>>
    tpu.wait_dma2 semaphore(%arg16 : memref<!tpu.dma_semaphore, #tpu.memory_space<semaphore_mem>>) src(%dma_wait3A_1244 : memref<128x32xf32, #tpu.memory_space<vmem>>) dst(%dma_wait3A_1240 : memref<128x32xf32, #tpu.memory_space<hbm>>)
    %broadcast_in_dim3A_1245 = arith.constant 1 : i32
    %broadcast_in_dim3A_1246 = vector.broadcast %broadcast_in_dim3A_1245 : i32 to vector<16xi32>
    %scan3A_1247 = arith.constant 0 : i32
    %scan3A_1248 = arith.constant 0 : i32
    %scan3A_1249 = arith.constant 8 : i32
    %scan3A_1250 = arith.addi %scan3A_1248, %scan3A_1249 : i32
    %scan3A_1251 = arith.constant 1 : i32
    scf.for %scan3A_1874 = %scan3A_1248 to %scan3A_1250 step %scan3A_1251  : i32 {
      %mul3A_1875 = arith.constant 16 : i32
      %mul3A_1876 = arith.muli %scan3A_1874, %mul3A_1875 : i32
      %get3A = arith.constant 0 : i32
      %get3A_1877 = arith.constant 17 : i32
      %get3A_1878 = arith.index_cast %get3A : i32 to index
      %get3A_1879 = arith.index_cast %get3A_1877 : i32 to index
      %get3A_1880 = arith.index_cast %mul3A_1876 : i32 to index
      %get3A_1881 = tpu.vector_load %arg6[%get3A_1878, %get3A_1879, %get3A_1880] {strides = array<i32>} : memref<2x26x128xi32, #tpu.memory_space<vmem>>, vector<16xi32>,
      %jit3A = arith.constant 262144 : i32
      %div3A = vector.broadcast %jit3A : i32 to vector<16xi32>
      %div3A_1882 = arith.divsi %get3A_1881, %div3A : vector<16xi32>
      %sign3A = arith.constant 0 : i32
      %sign3A_1883 = vector.broadcast %sign3A : i32 to vector<16xi32>
      %sign3A_1884 = arith.cmpi sgt, %get3A_1881, %sign3A_1883 : vector<16xi32>
      %sign3A_1885 = arith.extui %sign3A_1884 : vector<16xi1> to vector<16xi32>
      %sign3A_1886 = arith.constant 0 : i32
      %sign3A_1887 = vector.broadcast %sign3A_1886 : i32 to vector<16xi32>
      %sign3A_1888 = arith.cmpi slt, %get3A_1881, %sign3A_1887 : vector<16xi32>
      %sign3A_1889 = arith.extui %sign3A_1888 : vector<16xi1> to vector<16xi32>
      %sign3A_1890 = arith.subi %sign3A_1885, %sign3A_1889 : vector<16xi32>
      %sign3A_1891 = arith.constant 0 : i32
      %sign3A_1892 = arith.cmpi sgt, %jit3A, %sign3A_1891 : i32
      %sign3A_1893 = arith.extui %sign3A_1892 : i1 to i32
      %sign3A_1894 = arith.constant 0 : i32
      %sign3A_1895 = arith.cmpi slt, %jit3A, %sign3A_1894 : i32
      %sign3A_1896 = arith.extui %sign3A_1895 : i1 to i32
      %sign3A_1897 = arith.subi %sign3A_1893, %sign3A_1896 : i32
      %ne3A = vector.broadcast %sign3A_1897 : i32 to vector<16xi32>
      %ne3A_1898 = arith.cmpi ne, %sign3A_1890, %ne3A : vector<16xi32>
      %rem3A = vector.broadcast %jit3A : i32 to vector<16xi32>
      %rem3A_1899 = arith.remsi %get3A_1881, %rem3A : vector<16xi32>
      %ne3A_1900 = arith.constant 0 : i32
      %ne3A_1901 = vector.broadcast %ne3A_1900 : i32 to vector<16xi32>
      %ne3A_1902 = arith.cmpi ne, %rem3A_1899, %ne3A_1901 : vector<16xi32>
      %and3A = arith.andi %ne3A_1898, %ne3A_1902 : vector<16xi1>
      %sub3A_1903 = arith.constant 1 : i32
      %sub3A_1904 = vector.broadcast %sub3A_1903 : i32 to vector<16xi32>
      %sub3A_1905 = arith.subi %div3A_1882, %sub3A_1904 : vector<16xi32>
      %select_n3A = arith.select %and3A, %sub3A_1905, %div3A_1882 : vector<16xi1>, vector<16xi32>
      %mul3A_1906 = arith.constant 32 : i32
      %mul3A_1907 = vector.broadcast %mul3A_1906 : i32 to vector<16xi32>
      %mul3A_1908 = arith.muli %select_n3A, %mul3A_1907 : vector<16xi32>
      %mul3A_1909 = arith.constant 16 : i32
      %mul3A_1910 = arith.muli %scan3A_1874, %mul3A_1909 : i32
      %add3A_1911 = vector.broadcast %mul3A_1910 : i32 to vector<16xi32>
      %add3A_1912 = arith.addi %add3A_1911, %iota3A : vector<16xi32>
      %scan3A_1913 = arith.constant 0 : i32
      %scan3A_1914 = arith.constant 0 : i32
      %scan3A_1915 = arith.constant 32 : i32
      %scan3A_1916 = arith.addi %scan3A_1914, %scan3A_1915 : i32
      %scan3A_1917 = arith.constant 1 : i32
      scf.for %scan3A_1919 = %scan3A_1914 to %scan3A_1916 step %scan3A_1917  : i32 {
        %add3A_1920 = vector.broadcast %scan3A_1919 : i32 to vector<16xi32>
        %add3A_1921 = arith.addi %mul3A_1908, %add3A_1920 : vector<16xi32>
        %gather3A = tpu.vector_load_idx %arg8[%broadcast_in_dim3A_1246, %add3A_1912, %add3A_1921] : memref<2x128x128xf32, #tpu.memory_space<vmem>>[vector<16xi32>, vector<16xi32>, vector<16xi32>], vector<16xf32>,
        %broadcast_in_dim3A_1922 = arith.constant 0 : i32
        %broadcast_in_dim3A_1923 = vector.broadcast %broadcast_in_dim3A_1922 : i32 to vector<16xi32>
        %add3A_1924 = vector.broadcast %scan3A_1919 : i32 to vector<16xi32>
        %add3A_1925 = arith.addi %broadcast_in_dim3A_1923, %add3A_1924 : vector<16xi32>
        tpu.vector_store_idx %arg9[%broadcast_in_dim3A_1246, %add3A_1912, %add3A_1925], %gather3A : memref<2x128x32xf32, #tpu.memory_space<vmem>>[vector<16xi32>, vector<16xi32>, vector<16xi32>], vector<16xf32>,
      }
      %scan3A_1918 = arith.constant 32 : i32
    }
    %scan3A_1252 = arith.constant 8 : i32
    %add3A_1253 = arith.constant 17 : i32
    %add3A_1254 = arith.addi %mul3A_2, %add3A_1253 : i32
    %dma_start3A_1255 = arith.constant 1 : i32
    %dma_start3A_1256 = arith.constant 0 : i32
    %dma_start3A_1257 = arith.constant 0 : i32
    %dma_start3A_1258 = tpu.memref_slice %arg9[%dma_start3A_1255, %dma_start3A_1256, %dma_start3A_1257] : memref<2x128x32xf32, #tpu.memory_space<vmem>> -> memref<1x128x32xf32, #tpu.memory_space<vmem>>
    %dma_start3A_1259 = tpu.memref_squeeze %dma_start3A_1258 : memref<1x128x32xf32, #tpu.memory_space<vmem>> -> memref<128x32xf32, #tpu.memory_space<vmem>>
    %dma_start3A_1260 = arith.constant 0 : i32
    %dma_start3A_1261 = arith.constant 0 : i32
    %dma_start3A_1262 = tpu.memref_slice %arg4[%add3A_1254, %dma_start3A_1260, %dma_start3A_1261] : memref<832x128x32xf32, #tpu.memory_space<hbm>> -> memref<1x128x32xf32, #tpu.memory_space<hbm>>
    %dma_start3A_1263 = tpu.memref_squeeze %dma_start3A_1262 : memref<1x128x32xf32, #tpu.memory_space<hbm>> -> memref<128x32xf32, #tpu.memory_space<hbm>>
    %dma_start3A_1264 = arith.constant 0 : i32
    %dma_start3A_1265 = arith.constant 0 : i32
    %dma_start3A_1266 = tpu.memref_slice %arg4[%add3A_1254, %dma_start3A_1264, %dma_start3A_1265] : memref<832x128x32xf32, #tpu.memory_space<hbm>> -> memref<1x128x32xf32, #tpu.memory_space<hbm>>
    %dma_start3A_1267 = tpu.memref_squeeze %dma_start3A_1266 : memref<1x128x32xf32, #tpu.memory_space<hbm>> -> memref<128x32xf32, #tpu.memory_space<hbm>>
    %dma_start3A_1268 = arith.constant 0 : i32
    %dma_start3A_1269 = arith.constant 0 : i32
    %dma_start3A_1270 = tpu.memref_slice %arg9[%dma_start3A_1255, %dma_start3A_1268, %dma_start3A_1269] : memref<2x128x32xf32, #tpu.memory_space<vmem>> -> memref<1x128x32xf32, #tpu.memory_space<vmem>>
    %dma_start3A_1271 = tpu.memref_squeeze %dma_start3A_1270 : memref<1x128x32xf32, #tpu.memory_space<vmem>> -> memref<128x32xf32, #tpu.memory_space<vmem>>
    tpu.enqueue_dma source(%dma_start3A_1271 : memref<128x32xf32, #tpu.memory_space<vmem>>) target(%dma_start3A_1267 : memref<128x32xf32, #tpu.memory_space<hbm>>) target_semaphore(%arg16 : memref<!tpu.dma_semaphore, #tpu.memory_space<semaphore_mem>>)
    %dma_start3A_1272 = arith.constant 19 : i32
    %dma_start3A_1273 = arith.constant 1 : i32
    %dma_start3A_1274 = arith.constant 0 : i32
    %dma_start3A_1275 = arith.constant 0 : i32
    %dma_start3A_1276 = tpu.memref_slice %arg8[%dma_start3A_1273, %dma_start3A_1274, %dma_start3A_1275] : memref<2x128x128xf32, #tpu.memory_space<vmem>> -> memref<1x128x128xf32, #tpu.memory_space<vmem>>
    %dma_start3A_1277 = tpu.memref_squeeze %dma_start3A_1276 : memref<1x128x128xf32, #tpu.memory_space<vmem>> -> memref<128x128xf32, #tpu.memory_space<vmem>>
    %dma_start3A_1278 = arith.constant 0 : i32
    %dma_start3A_1279 = tpu.memref_slice %arg7[%dma_start3A_1272, %dma_start3A_1278] : memref<26x128xi32, #tpu.memory_space<vmem>> -> memref<1x128xi32, #tpu.memory_space<vmem>>
    %dma_start3A_1280 = tpu.memref_squeeze %dma_start3A_1279 : memref<1x128xi32, #tpu.memory_space<vmem>> -> memref<128xi32, #tpu.memory_space<vmem>>
    %dma_start3A_1281 = arith.constant 0 : i32
    %dma_start3A_1282 = arith.constant 0 : i32
    %dma_start3A_1283 = tpu.memref_slice %arg3[%dma_start3A_1281, %dma_start3A_1282] : memref<262144x128xf32, #tpu.memory_space<hbm>> -> memref<262144x128xf32, #tpu.memory_space<hbm>>
    tpu.enqueue_indirect_dma source(%dma_start3A_1283 : memref<262144x128xf32, #tpu.memory_space<hbm>>) target(%dma_start3A_1277 : memref<128x128xf32, #tpu.memory_space<vmem>>) offsets(%dma_start3A_1280 : memref<128xi32, #tpu.memory_space<vmem>>) semaphore(%arg13 : memref<!tpu.dma_semaphore, #tpu.memory_space<semaphore_mem>>)
    %dma_wait3A_1284 = arith.constant 18 : i32
    %dma_wait3A_1285 = arith.constant 0 : i32
    %dma_wait3A_1286 = arith.constant 0 : i32
    %dma_wait3A_1287 = arith.constant 0 : i32
    %dma_wait3A_1288 = tpu.memref_slice %arg8[%dma_wait3A_1285, %dma_wait3A_1286, %dma_wait3A_1287] : memref<2x128x128xf32, #tpu.memory_space<vmem>> -> memref<1x128x128xf32, #tpu.memory_space<vmem>>
    %dma_wait3A_1289 = tpu.memref_squeeze %dma_wait3A_1288 : memref<1x128x128xf32, #tpu.memory_space<vmem>> -> memref<128x128xf32, #tpu.memory_space<vmem>>
    %dma_wait3A_1290 = arith.constant 0 : i32
    %dma_wait3A_1291 = tpu.memref_slice %arg7[%dma_wait3A_1284, %dma_wait3A_1290] : memref<26x128xi32, #tpu.memory_space<vmem>> -> memref<1x128xi32, #tpu.memory_space<vmem>>
    %dma_wait3A_1292 = tpu.memref_squeeze %dma_wait3A_1291 : memref<1x128xi32, #tpu.memory_space<vmem>> -> memref<128xi32, #tpu.memory_space<vmem>>
    %dma_wait3A_1293 = arith.constant 0 : i32
    %dma_wait3A_1294 = arith.constant 0 : i32
    %dma_wait3A_1295 = tpu.memref_slice %arg3[%dma_wait3A_1293, %dma_wait3A_1294] : memref<262144x128xf32, #tpu.memory_space<hbm>> -> memref<262144x128xf32, #tpu.memory_space<hbm>>
    tpu.wait_indirect_dma semaphore(%arg13 : memref<!tpu.dma_semaphore, #tpu.memory_space<semaphore_mem>>) src(%dma_wait3A_1295 : memref<262144x128xf32, #tpu.memory_space<hbm>>) dst(%dma_wait3A_1289 : memref<128x128xf32, #tpu.memory_space<vmem>>)
    %add3A_1296 = arith.constant 18 : i32
    %add3A_1297 = arith.addi %mul3A_2, %add3A_1296 : i32
    %sub3A_1298 = arith.constant 2 : i32
    %sub3A_1299 = arith.subi %add3A_1297, %sub3A_1298 : i32
    %dma_wait3A_1300 = arith.constant 0 : i32
    %dma_wait3A_1301 = arith.constant 0 : i32
    %dma_wait3A_1302 = arith.constant 0 : i32
    %dma_wait3A_1303 = tpu.memref_slice %arg9[%dma_wait3A_1300, %dma_wait3A_1301, %dma_wait3A_1302] : memref<2x128x32xf32, #tpu.memory_space<vmem>> -> memref<1x128x32xf32, #tpu.memory_space<vmem>>
    %dma_wait3A_1304 = tpu.memref_squeeze %dma_wait3A_1303 : memref<1x128x32xf32, #tpu.memory_space<vmem>> -> memref<128x32xf32, #tpu.memory_space<vmem>>
    %dma_wait3A_1305 = arith.constant 0 : i32
    %dma_wait3A_1306 = arith.constant 0 : i32
    %dma_wait3A_1307 = tpu.memref_slice %arg4[%sub3A_1299, %dma_wait3A_1305, %dma_wait3A_1306] : memref<832x128x32xf32, #tpu.memory_space<hbm>> -> memref<1x128x32xf32, #tpu.memory_space<hbm>>
    %dma_wait3A_1308 = tpu.memref_squeeze %dma_wait3A_1307 : memref<1x128x32xf32, #tpu.memory_space<hbm>> -> memref<128x32xf32, #tpu.memory_space<hbm>>
    %dma_wait3A_1309 = arith.constant 0 : i32
    %dma_wait3A_1310 = arith.constant 0 : i32
    %dma_wait3A_1311 = tpu.memref_slice %arg4[%sub3A_1299, %dma_wait3A_1309, %dma_wait3A_1310] : memref<832x128x32xf32, #tpu.memory_space<hbm>> -> memref<1x128x32xf32, #tpu.memory_space<hbm>>
    %dma_wait3A_1312 = tpu.memref_squeeze %dma_wait3A_1311 : memref<1x128x32xf32, #tpu.memory_space<hbm>> -> memref<128x32xf32, #tpu.memory_space<hbm>>
    %dma_wait3A_1313 = arith.constant 0 : i32
    %dma_wait3A_1314 = arith.constant 0 : i32
    %dma_wait3A_1315 = tpu.memref_slice %arg9[%dma_wait3A_1300, %dma_wait3A_1313, %dma_wait3A_1314] : memref<2x128x32xf32, #tpu.memory_space<vmem>> -> memref<1x128x32xf32, #tpu.memory_space<vmem>>
    %dma_wait3A_1316 = tpu.memref_squeeze %dma_wait3A_1315 : memref<1x128x32xf32, #tpu.memory_space<vmem>> -> memref<128x32xf32, #tpu.memory_space<vmem>>
    tpu.wait_dma2 semaphore(%arg14 : memref<!tpu.dma_semaphore, #tpu.memory_space<semaphore_mem>>) src(%dma_wait3A_1316 : memref<128x32xf32, #tpu.memory_space<vmem>>) dst(%dma_wait3A_1312 : memref<128x32xf32, #tpu.memory_space<hbm>>)
    %broadcast_in_dim3A_1317 = arith.constant 0 : i32
    %broadcast_in_dim3A_1318 = vector.broadcast %broadcast_in_dim3A_1317 : i32 to vector<16xi32>
    %scan3A_1319 = arith.constant 0 : i32
    %scan3A_1320 = arith.constant 0 : i32
    %scan3A_1321 = arith.constant 8 : i32
    %scan3A_1322 = arith.addi %scan3A_1320, %scan3A_1321 : i32
    %scan3A_1323 = arith.constant 1 : i32
    scf.for %scan3A_1874 = %scan3A_1320 to %scan3A_1322 step %scan3A_1323  : i32 {
      %mul3A_1875 = arith.constant 16 : i32
      %mul3A_1876 = arith.muli %scan3A_1874, %mul3A_1875 : i32
      %get3A = arith.constant 0 : i32
      %get3A_1877 = arith.constant 18 : i32
      %get3A_1878 = arith.index_cast %get3A : i32 to index
      %get3A_1879 = arith.index_cast %get3A_1877 : i32 to index
      %get3A_1880 = arith.index_cast %mul3A_1876 : i32 to index
      %get3A_1881 = tpu.vector_load %arg6[%get3A_1878, %get3A_1879, %get3A_1880] {strides = array<i32>} : memref<2x26x128xi32, #tpu.memory_space<vmem>>, vector<16xi32>,
      %jit3A = arith.constant 262144 : i32
      %div3A = vector.broadcast %jit3A : i32 to vector<16xi32>
      %div3A_1882 = arith.divsi %get3A_1881, %div3A : vector<16xi32>
      %sign3A = arith.constant 0 : i32
      %sign3A_1883 = vector.broadcast %sign3A : i32 to vector<16xi32>
      %sign3A_1884 = arith.cmpi sgt, %get3A_1881, %sign3A_1883 : vector<16xi32>
      %sign3A_1885 = arith.extui %sign3A_1884 : vector<16xi1> to vector<16xi32>
      %sign3A_1886 = arith.constant 0 : i32
      %sign3A_1887 = vector.broadcast %sign3A_1886 : i32 to vector<16xi32>
      %sign3A_1888 = arith.cmpi slt, %get3A_1881, %sign3A_1887 : vector<16xi32>
      %sign3A_1889 = arith.extui %sign3A_1888 : vector<16xi1> to vector<16xi32>
      %sign3A_1890 = arith.subi %sign3A_1885, %sign3A_1889 : vector<16xi32>
      %sign3A_1891 = arith.constant 0 : i32
      %sign3A_1892 = arith.cmpi sgt, %jit3A, %sign3A_1891 : i32
      %sign3A_1893 = arith.extui %sign3A_1892 : i1 to i32
      %sign3A_1894 = arith.constant 0 : i32
      %sign3A_1895 = arith.cmpi slt, %jit3A, %sign3A_1894 : i32
      %sign3A_1896 = arith.extui %sign3A_1895 : i1 to i32
      %sign3A_1897 = arith.subi %sign3A_1893, %sign3A_1896 : i32
      %ne3A = vector.broadcast %sign3A_1897 : i32 to vector<16xi32>
      %ne3A_1898 = arith.cmpi ne, %sign3A_1890, %ne3A : vector<16xi32>
      %rem3A = vector.broadcast %jit3A : i32 to vector<16xi32>
      %rem3A_1899 = arith.remsi %get3A_1881, %rem3A : vector<16xi32>
      %ne3A_1900 = arith.constant 0 : i32
      %ne3A_1901 = vector.broadcast %ne3A_1900 : i32 to vector<16xi32>
      %ne3A_1902 = arith.cmpi ne, %rem3A_1899, %ne3A_1901 : vector<16xi32>
      %and3A = arith.andi %ne3A_1898, %ne3A_1902 : vector<16xi1>
      %sub3A_1903 = arith.constant 1 : i32
      %sub3A_1904 = vector.broadcast %sub3A_1903 : i32 to vector<16xi32>
      %sub3A_1905 = arith.subi %div3A_1882, %sub3A_1904 : vector<16xi32>
      %select_n3A = arith.select %and3A, %sub3A_1905, %div3A_1882 : vector<16xi1>, vector<16xi32>
      %mul3A_1906 = arith.constant 32 : i32
      %mul3A_1907 = vector.broadcast %mul3A_1906 : i32 to vector<16xi32>
      %mul3A_1908 = arith.muli %select_n3A, %mul3A_1907 : vector<16xi32>
      %mul3A_1909 = arith.constant 16 : i32
      %mul3A_1910 = arith.muli %scan3A_1874, %mul3A_1909 : i32
      %add3A_1911 = vector.broadcast %mul3A_1910 : i32 to vector<16xi32>
      %add3A_1912 = arith.addi %add3A_1911, %iota3A : vector<16xi32>
      %scan3A_1913 = arith.constant 0 : i32
      %scan3A_1914 = arith.constant 0 : i32
      %scan3A_1915 = arith.constant 32 : i32
      %scan3A_1916 = arith.addi %scan3A_1914, %scan3A_1915 : i32
      %scan3A_1917 = arith.constant 1 : i32
      scf.for %scan3A_1919 = %scan3A_1914 to %scan3A_1916 step %scan3A_1917  : i32 {
        %add3A_1920 = vector.broadcast %scan3A_1919 : i32 to vector<16xi32>
        %add3A_1921 = arith.addi %mul3A_1908, %add3A_1920 : vector<16xi32>
        %gather3A = tpu.vector_load_idx %arg8[%broadcast_in_dim3A_1318, %add3A_1912, %add3A_1921] : memref<2x128x128xf32, #tpu.memory_space<vmem>>[vector<16xi32>, vector<16xi32>, vector<16xi32>], vector<16xf32>,
        %broadcast_in_dim3A_1922 = arith.constant 0 : i32
        %broadcast_in_dim3A_1923 = vector.broadcast %broadcast_in_dim3A_1922 : i32 to vector<16xi32>
        %add3A_1924 = vector.broadcast %scan3A_1919 : i32 to vector<16xi32>
        %add3A_1925 = arith.addi %broadcast_in_dim3A_1923, %add3A_1924 : vector<16xi32>
        tpu.vector_store_idx %arg9[%broadcast_in_dim3A_1318, %add3A_1912, %add3A_1925], %gather3A : memref<2x128x32xf32, #tpu.memory_space<vmem>>[vector<16xi32>, vector<16xi32>, vector<16xi32>], vector<16xf32>,
      }
      %scan3A_1918 = arith.constant 32 : i32
    }
    %scan3A_1324 = arith.constant 8 : i32
    %add3A_1325 = arith.constant 18 : i32
    %add3A_1326 = arith.addi %mul3A_2, %add3A_1325 : i32
    %dma_start3A_1327 = arith.constant 0 : i32
    %dma_start3A_1328 = arith.constant 0 : i32
    %dma_start3A_1329 = arith.constant 0 : i32
    %dma_start3A_1330 = tpu.memref_slice %arg9[%dma_start3A_1327, %dma_start3A_1328, %dma_start3A_1329] : memref<2x128x32xf32, #tpu.memory_space<vmem>> -> memref<1x128x32xf32, #tpu.memory_space<vmem>>
    %dma_start3A_1331 = tpu.memref_squeeze %dma_start3A_1330 : memref<1x128x32xf32, #tpu.memory_space<vmem>> -> memref<128x32xf32, #tpu.memory_space<vmem>>
    %dma_start3A_1332 = arith.constant 0 : i32
    %dma_start3A_1333 = arith.constant 0 : i32
    %dma_start3A_1334 = tpu.memref_slice %arg4[%add3A_1326, %dma_start3A_1332, %dma_start3A_1333] : memref<832x128x32xf32, #tpu.memory_space<hbm>> -> memref<1x128x32xf32, #tpu.memory_space<hbm>>
    %dma_start3A_1335 = tpu.memref_squeeze %dma_start3A_1334 : memref<1x128x32xf32, #tpu.memory_space<hbm>> -> memref<128x32xf32, #tpu.memory_space<hbm>>
    %dma_start3A_1336 = arith.constant 0 : i32
    %dma_start3A_1337 = arith.constant 0 : i32
    %dma_start3A_1338 = tpu.memref_slice %arg4[%add3A_1326, %dma_start3A_1336, %dma_start3A_1337] : memref<832x128x32xf32, #tpu.memory_space<hbm>> -> memref<1x128x32xf32, #tpu.memory_space<hbm>>
    %dma_start3A_1339 = tpu.memref_squeeze %dma_start3A_1338 : memref<1x128x32xf32, #tpu.memory_space<hbm>> -> memref<128x32xf32, #tpu.memory_space<hbm>>
    %dma_start3A_1340 = arith.constant 0 : i32
    %dma_start3A_1341 = arith.constant 0 : i32
    %dma_start3A_1342 = tpu.memref_slice %arg9[%dma_start3A_1327, %dma_start3A_1340, %dma_start3A_1341] : memref<2x128x32xf32, #tpu.memory_space<vmem>> -> memref<1x128x32xf32, #tpu.memory_space<vmem>>
    %dma_start3A_1343 = tpu.memref_squeeze %dma_start3A_1342 : memref<1x128x32xf32, #tpu.memory_space<vmem>> -> memref<128x32xf32, #tpu.memory_space<vmem>>
    tpu.enqueue_dma source(%dma_start3A_1343 : memref<128x32xf32, #tpu.memory_space<vmem>>) target(%dma_start3A_1339 : memref<128x32xf32, #tpu.memory_space<hbm>>) target_semaphore(%arg14 : memref<!tpu.dma_semaphore, #tpu.memory_space<semaphore_mem>>)
    %dma_start3A_1344 = arith.constant 20 : i32
    %dma_start3A_1345 = arith.constant 0 : i32
    %dma_start3A_1346 = arith.constant 0 : i32
    %dma_start3A_1347 = arith.constant 0 : i32
    %dma_start3A_1348 = tpu.memref_slice %arg8[%dma_start3A_1345, %dma_start3A_1346, %dma_start3A_1347] : memref<2x128x128xf32, #tpu.memory_space<vmem>> -> memref<1x128x128xf32, #tpu.memory_space<vmem>>
    %dma_start3A_1349 = tpu.memref_squeeze %dma_start3A_1348 : memref<1x128x128xf32, #tpu.memory_space<vmem>> -> memref<128x128xf32, #tpu.memory_space<vmem>>
    %dma_start3A_1350 = arith.constant 0 : i32
    %dma_start3A_1351 = tpu.memref_slice %arg7[%dma_start3A_1344, %dma_start3A_1350] : memref<26x128xi32, #tpu.memory_space<vmem>> -> memref<1x128xi32, #tpu.memory_space<vmem>>
    %dma_start3A_1352 = tpu.memref_squeeze %dma_start3A_1351 : memref<1x128xi32, #tpu.memory_space<vmem>> -> memref<128xi32, #tpu.memory_space<vmem>>
    %dma_start3A_1353 = arith.constant 0 : i32
    %dma_start3A_1354 = arith.constant 0 : i32
    %dma_start3A_1355 = tpu.memref_slice %arg3[%dma_start3A_1353, %dma_start3A_1354] : memref<262144x128xf32, #tpu.memory_space<hbm>> -> memref<262144x128xf32, #tpu.memory_space<hbm>>
    tpu.enqueue_indirect_dma source(%dma_start3A_1355 : memref<262144x128xf32, #tpu.memory_space<hbm>>) target(%dma_start3A_1349 : memref<128x128xf32, #tpu.memory_space<vmem>>) offsets(%dma_start3A_1352 : memref<128xi32, #tpu.memory_space<vmem>>) semaphore(%arg13 : memref<!tpu.dma_semaphore, #tpu.memory_space<semaphore_mem>>)
    %dma_wait3A_1356 = arith.constant 19 : i32
    %dma_wait3A_1357 = arith.constant 1 : i32
    %dma_wait3A_1358 = arith.constant 0 : i32
    %dma_wait3A_1359 = arith.constant 0 : i32
    %dma_wait3A_1360 = tpu.memref_slice %arg8[%dma_wait3A_1357, %dma_wait3A_1358, %dma_wait3A_1359] : memref<2x128x128xf32, #tpu.memory_space<vmem>> -> memref<1x128x128xf32, #tpu.memory_space<vmem>>
    %dma_wait3A_1361 = tpu.memref_squeeze %dma_wait3A_1360 : memref<1x128x128xf32, #tpu.memory_space<vmem>> -> memref<128x128xf32, #tpu.memory_space<vmem>>
    %dma_wait3A_1362 = arith.constant 0 : i32
    %dma_wait3A_1363 = tpu.memref_slice %arg7[%dma_wait3A_1356, %dma_wait3A_1362] : memref<26x128xi32, #tpu.memory_space<vmem>> -> memref<1x128xi32, #tpu.memory_space<vmem>>
    %dma_wait3A_1364 = tpu.memref_squeeze %dma_wait3A_1363 : memref<1x128xi32, #tpu.memory_space<vmem>> -> memref<128xi32, #tpu.memory_space<vmem>>
    %dma_wait3A_1365 = arith.constant 0 : i32
    %dma_wait3A_1366 = arith.constant 0 : i32
    %dma_wait3A_1367 = tpu.memref_slice %arg3[%dma_wait3A_1365, %dma_wait3A_1366] : memref<262144x128xf32, #tpu.memory_space<hbm>> -> memref<262144x128xf32, #tpu.memory_space<hbm>>
    tpu.wait_indirect_dma semaphore(%arg13 : memref<!tpu.dma_semaphore, #tpu.memory_space<semaphore_mem>>) src(%dma_wait3A_1367 : memref<262144x128xf32, #tpu.memory_space<hbm>>) dst(%dma_wait3A_1361 : memref<128x128xf32, #tpu.memory_space<vmem>>)
    %add3A_1368 = arith.constant 19 : i32
    %add3A_1369 = arith.addi %mul3A_2, %add3A_1368 : i32
    %sub3A_1370 = arith.constant 2 : i32
    %sub3A_1371 = arith.subi %add3A_1369, %sub3A_1370 : i32
    %dma_wait3A_1372 = arith.constant 1 : i32
    %dma_wait3A_1373 = arith.constant 0 : i32
    %dma_wait3A_1374 = arith.constant 0 : i32
    %dma_wait3A_1375 = tpu.memref_slice %arg9[%dma_wait3A_1372, %dma_wait3A_1373, %dma_wait3A_1374] : memref<2x128x32xf32, #tpu.memory_space<vmem>> -> memref<1x128x32xf32, #tpu.memory_space<vmem>>
    %dma_wait3A_1376 = tpu.memref_squeeze %dma_wait3A_1375 : memref<1x128x32xf32, #tpu.memory_space<vmem>> -> memref<128x32xf32, #tpu.memory_space<vmem>>
    %dma_wait3A_1377 = arith.constant 0 : i32
    %dma_wait3A_1378 = arith.constant 0 : i32
    %dma_wait3A_1379 = tpu.memref_slice %arg4[%sub3A_1371, %dma_wait3A_1377, %dma_wait3A_1378] : memref<832x128x32xf32, #tpu.memory_space<hbm>> -> memref<1x128x32xf32, #tpu.memory_space<hbm>>
    %dma_wait3A_1380 = tpu.memref_squeeze %dma_wait3A_1379 : memref<1x128x32xf32, #tpu.memory_space<hbm>> -> memref<128x32xf32, #tpu.memory_space<hbm>>
    %dma_wait3A_1381 = arith.constant 0 : i32
    %dma_wait3A_1382 = arith.constant 0 : i32
    %dma_wait3A_1383 = tpu.memref_slice %arg4[%sub3A_1371, %dma_wait3A_1381, %dma_wait3A_1382] : memref<832x128x32xf32, #tpu.memory_space<hbm>> -> memref<1x128x32xf32, #tpu.memory_space<hbm>>
    %dma_wait3A_1384 = tpu.memref_squeeze %dma_wait3A_1383 : memref<1x128x32xf32, #tpu.memory_space<hbm>> -> memref<128x32xf32, #tpu.memory_space<hbm>>
    %dma_wait3A_1385 = arith.constant 0 : i32
    %dma_wait3A_1386 = arith.constant 0 : i32
    %dma_wait3A_1387 = tpu.memref_slice %arg9[%dma_wait3A_1372, %dma_wait3A_1385, %dma_wait3A_1386] : memref<2x128x32xf32, #tpu.memory_space<vmem>> -> memref<1x128x32xf32, #tpu.memory_space<vmem>>
    %dma_wait3A_1388 = tpu.memref_squeeze %dma_wait3A_1387 : memref<1x128x32xf32, #tpu.memory_space<vmem>> -> memref<128x32xf32, #tpu.memory_space<vmem>>
    tpu.wait_dma2 semaphore(%arg16 : memref<!tpu.dma_semaphore, #tpu.memory_space<semaphore_mem>>) src(%dma_wait3A_1388 : memref<128x32xf32, #tpu.memory_space<vmem>>) dst(%dma_wait3A_1384 : memref<128x32xf32, #tpu.memory_space<hbm>>)
    %broadcast_in_dim3A_1389 = arith.constant 1 : i32
    %broadcast_in_dim3A_1390 = vector.broadcast %broadcast_in_dim3A_1389 : i32 to vector<16xi32>
    %scan3A_1391 = arith.constant 0 : i32
    %scan3A_1392 = arith.constant 0 : i32
    %scan3A_1393 = arith.constant 8 : i32
    %scan3A_1394 = arith.addi %scan3A_1392, %scan3A_1393 : i32
    %scan3A_1395 = arith.constant 1 : i32
    scf.for %scan3A_1874 = %scan3A_1392 to %scan3A_1394 step %scan3A_1395  : i32 {
      %mul3A_1875 = arith.constant 16 : i32
      %mul3A_1876 = arith.muli %scan3A_1874, %mul3A_1875 : i32
      %get3A = arith.constant 0 : i32
      %get3A_1877 = arith.constant 19 : i32
      %get3A_1878 = arith.index_cast %get3A : i32 to index
      %get3A_1879 = arith.index_cast %get3A_1877 : i32 to index
      %get3A_1880 = arith.index_cast %mul3A_1876 : i32 to index
      %get3A_1881 = tpu.vector_load %arg6[%get3A_1878, %get3A_1879, %get3A_1880] {strides = array<i32>} : memref<2x26x128xi32, #tpu.memory_space<vmem>>, vector<16xi32>,
      %jit3A = arith.constant 262144 : i32
      %div3A = vector.broadcast %jit3A : i32 to vector<16xi32>
      %div3A_1882 = arith.divsi %get3A_1881, %div3A : vector<16xi32>
      %sign3A = arith.constant 0 : i32
      %sign3A_1883 = vector.broadcast %sign3A : i32 to vector<16xi32>
      %sign3A_1884 = arith.cmpi sgt, %get3A_1881, %sign3A_1883 : vector<16xi32>
      %sign3A_1885 = arith.extui %sign3A_1884 : vector<16xi1> to vector<16xi32>
      %sign3A_1886 = arith.constant 0 : i32
      %sign3A_1887 = vector.broadcast %sign3A_1886 : i32 to vector<16xi32>
      %sign3A_1888 = arith.cmpi slt, %get3A_1881, %sign3A_1887 : vector<16xi32>
      %sign3A_1889 = arith.extui %sign3A_1888 : vector<16xi1> to vector<16xi32>
      %sign3A_1890 = arith.subi %sign3A_1885, %sign3A_1889 : vector<16xi32>
      %sign3A_1891 = arith.constant 0 : i32
      %sign3A_1892 = arith.cmpi sgt, %jit3A, %sign3A_1891 : i32
      %sign3A_1893 = arith.extui %sign3A_1892 : i1 to i32
      %sign3A_1894 = arith.constant 0 : i32
      %sign3A_1895 = arith.cmpi slt, %jit3A, %sign3A_1894 : i32
      %sign3A_1896 = arith.extui %sign3A_1895 : i1 to i32
      %sign3A_1897 = arith.subi %sign3A_1893, %sign3A_1896 : i32
      %ne3A = vector.broadcast %sign3A_1897 : i32 to vector<16xi32>
      %ne3A_1898 = arith.cmpi ne, %sign3A_1890, %ne3A : vector<16xi32>
      %rem3A = vector.broadcast %jit3A : i32 to vector<16xi32>
      %rem3A_1899 = arith.remsi %get3A_1881, %rem3A : vector<16xi32>
      %ne3A_1900 = arith.constant 0 : i32
      %ne3A_1901 = vector.broadcast %ne3A_1900 : i32 to vector<16xi32>
      %ne3A_1902 = arith.cmpi ne, %rem3A_1899, %ne3A_1901 : vector<16xi32>
      %and3A = arith.andi %ne3A_1898, %ne3A_1902 : vector<16xi1>
      %sub3A_1903 = arith.constant 1 : i32
      %sub3A_1904 = vector.broadcast %sub3A_1903 : i32 to vector<16xi32>
      %sub3A_1905 = arith.subi %div3A_1882, %sub3A_1904 : vector<16xi32>
      %select_n3A = arith.select %and3A, %sub3A_1905, %div3A_1882 : vector<16xi1>, vector<16xi32>
      %mul3A_1906 = arith.constant 32 : i32
      %mul3A_1907 = vector.broadcast %mul3A_1906 : i32 to vector<16xi32>
      %mul3A_1908 = arith.muli %select_n3A, %mul3A_1907 : vector<16xi32>
      %mul3A_1909 = arith.constant 16 : i32
      %mul3A_1910 = arith.muli %scan3A_1874, %mul3A_1909 : i32
      %add3A_1911 = vector.broadcast %mul3A_1910 : i32 to vector<16xi32>
      %add3A_1912 = arith.addi %add3A_1911, %iota3A : vector<16xi32>
      %scan3A_1913 = arith.constant 0 : i32
      %scan3A_1914 = arith.constant 0 : i32
      %scan3A_1915 = arith.constant 32 : i32
      %scan3A_1916 = arith.addi %scan3A_1914, %scan3A_1915 : i32
      %scan3A_1917 = arith.constant 1 : i32
      scf.for %scan3A_1919 = %scan3A_1914 to %scan3A_1916 step %scan3A_1917  : i32 {
        %add3A_1920 = vector.broadcast %scan3A_1919 : i32 to vector<16xi32>
        %add3A_1921 = arith.addi %mul3A_1908, %add3A_1920 : vector<16xi32>
        %gather3A = tpu.vector_load_idx %arg8[%broadcast_in_dim3A_1390, %add3A_1912, %add3A_1921] : memref<2x128x128xf32, #tpu.memory_space<vmem>>[vector<16xi32>, vector<16xi32>, vector<16xi32>], vector<16xf32>,
        %broadcast_in_dim3A_1922 = arith.constant 0 : i32
        %broadcast_in_dim3A_1923 = vector.broadcast %broadcast_in_dim3A_1922 : i32 to vector<16xi32>
        %add3A_1924 = vector.broadcast %scan3A_1919 : i32 to vector<16xi32>
        %add3A_1925 = arith.addi %broadcast_in_dim3A_1923, %add3A_1924 : vector<16xi32>
        tpu.vector_store_idx %arg9[%broadcast_in_dim3A_1390, %add3A_1912, %add3A_1925], %gather3A : memref<2x128x32xf32, #tpu.memory_space<vmem>>[vector<16xi32>, vector<16xi32>, vector<16xi32>], vector<16xf32>,
      }
      %scan3A_1918 = arith.constant 32 : i32
    }
    %scan3A_1396 = arith.constant 8 : i32
    %add3A_1397 = arith.constant 19 : i32
    %add3A_1398 = arith.addi %mul3A_2, %add3A_1397 : i32
    %dma_start3A_1399 = arith.constant 1 : i32
    %dma_start3A_1400 = arith.constant 0 : i32
    %dma_start3A_1401 = arith.constant 0 : i32
    %dma_start3A_1402 = tpu.memref_slice %arg9[%dma_start3A_1399, %dma_start3A_1400, %dma_start3A_1401] : memref<2x128x32xf32, #tpu.memory_space<vmem>> -> memref<1x128x32xf32, #tpu.memory_space<vmem>>
    %dma_start3A_1403 = tpu.memref_squeeze %dma_start3A_1402 : memref<1x128x32xf32, #tpu.memory_space<vmem>> -> memref<128x32xf32, #tpu.memory_space<vmem>>
    %dma_start3A_1404 = arith.constant 0 : i32
    %dma_start3A_1405 = arith.constant 0 : i32
    %dma_start3A_1406 = tpu.memref_slice %arg4[%add3A_1398, %dma_start3A_1404, %dma_start3A_1405] : memref<832x128x32xf32, #tpu.memory_space<hbm>> -> memref<1x128x32xf32, #tpu.memory_space<hbm>>
    %dma_start3A_1407 = tpu.memref_squeeze %dma_start3A_1406 : memref<1x128x32xf32, #tpu.memory_space<hbm>> -> memref<128x32xf32, #tpu.memory_space<hbm>>
    %dma_start3A_1408 = arith.constant 0 : i32
    %dma_start3A_1409 = arith.constant 0 : i32
    %dma_start3A_1410 = tpu.memref_slice %arg4[%add3A_1398, %dma_start3A_1408, %dma_start3A_1409] : memref<832x128x32xf32, #tpu.memory_space<hbm>> -> memref<1x128x32xf32, #tpu.memory_space<hbm>>
    %dma_start3A_1411 = tpu.memref_squeeze %dma_start3A_1410 : memref<1x128x32xf32, #tpu.memory_space<hbm>> -> memref<128x32xf32, #tpu.memory_space<hbm>>
    %dma_start3A_1412 = arith.constant 0 : i32
    %dma_start3A_1413 = arith.constant 0 : i32
    %dma_start3A_1414 = tpu.memref_slice %arg9[%dma_start3A_1399, %dma_start3A_1412, %dma_start3A_1413] : memref<2x128x32xf32, #tpu.memory_space<vmem>> -> memref<1x128x32xf32, #tpu.memory_space<vmem>>
    %dma_start3A_1415 = tpu.memref_squeeze %dma_start3A_1414 : memref<1x128x32xf32, #tpu.memory_space<vmem>> -> memref<128x32xf32, #tpu.memory_space<vmem>>
    tpu.enqueue_dma source(%dma_start3A_1415 : memref<128x32xf32, #tpu.memory_space<vmem>>) target(%dma_start3A_1411 : memref<128x32xf32, #tpu.memory_space<hbm>>) target_semaphore(%arg16 : memref<!tpu.dma_semaphore, #tpu.memory_space<semaphore_mem>>)
    %dma_start3A_1416 = arith.constant 21 : i32
    %dma_start3A_1417 = arith.constant 1 : i32
    %dma_start3A_1418 = arith.constant 0 : i32
    %dma_start3A_1419 = arith.constant 0 : i32
    %dma_start3A_1420 = tpu.memref_slice %arg8[%dma_start3A_1417, %dma_start3A_1418, %dma_start3A_1419] : memref<2x128x128xf32, #tpu.memory_space<vmem>> -> memref<1x128x128xf32, #tpu.memory_space<vmem>>
    %dma_start3A_1421 = tpu.memref_squeeze %dma_start3A_1420 : memref<1x128x128xf32, #tpu.memory_space<vmem>> -> memref<128x128xf32, #tpu.memory_space<vmem>>
    %dma_start3A_1422 = arith.constant 0 : i32
    %dma_start3A_1423 = tpu.memref_slice %arg7[%dma_start3A_1416, %dma_start3A_1422] : memref<26x128xi32, #tpu.memory_space<vmem>> -> memref<1x128xi32, #tpu.memory_space<vmem>>
    %dma_start3A_1424 = tpu.memref_squeeze %dma_start3A_1423 : memref<1x128xi32, #tpu.memory_space<vmem>> -> memref<128xi32, #tpu.memory_space<vmem>>
    %dma_start3A_1425 = arith.constant 0 : i32
    %dma_start3A_1426 = arith.constant 0 : i32
    %dma_start3A_1427 = tpu.memref_slice %arg3[%dma_start3A_1425, %dma_start3A_1426] : memref<262144x128xf32, #tpu.memory_space<hbm>> -> memref<262144x128xf32, #tpu.memory_space<hbm>>
    tpu.enqueue_indirect_dma source(%dma_start3A_1427 : memref<262144x128xf32, #tpu.memory_space<hbm>>) target(%dma_start3A_1421 : memref<128x128xf32, #tpu.memory_space<vmem>>) offsets(%dma_start3A_1424 : memref<128xi32, #tpu.memory_space<vmem>>) semaphore(%arg13 : memref<!tpu.dma_semaphore, #tpu.memory_space<semaphore_mem>>)
    %dma_wait3A_1428 = arith.constant 20 : i32
    %dma_wait3A_1429 = arith.constant 0 : i32
    %dma_wait3A_1430 = arith.constant 0 : i32
    %dma_wait3A_1431 = arith.constant 0 : i32
    %dma_wait3A_1432 = tpu.memref_slice %arg8[%dma_wait3A_1429, %dma_wait3A_1430, %dma_wait3A_1431] : memref<2x128x128xf32, #tpu.memory_space<vmem>> -> memref<1x128x128xf32, #tpu.memory_space<vmem>>
    %dma_wait3A_1433 = tpu.memref_squeeze %dma_wait3A_1432 : memref<1x128x128xf32, #tpu.memory_space<vmem>> -> memref<128x128xf32, #tpu.memory_space<vmem>>
    %dma_wait3A_1434 = arith.constant 0 : i32
    %dma_wait3A_1435 = tpu.memref_slice %arg7[%dma_wait3A_1428, %dma_wait3A_1434] : memref<26x128xi32, #tpu.memory_space<vmem>> -> memref<1x128xi32, #tpu.memory_space<vmem>>
    %dma_wait3A_1436 = tpu.memref_squeeze %dma_wait3A_1435 : memref<1x128xi32, #tpu.memory_space<vmem>> -> memref<128xi32, #tpu.memory_space<vmem>>
    %dma_wait3A_1437 = arith.constant 0 : i32
    %dma_wait3A_1438 = arith.constant 0 : i32
    %dma_wait3A_1439 = tpu.memref_slice %arg3[%dma_wait3A_1437, %dma_wait3A_1438] : memref<262144x128xf32, #tpu.memory_space<hbm>> -> memref<262144x128xf32, #tpu.memory_space<hbm>>
    tpu.wait_indirect_dma semaphore(%arg13 : memref<!tpu.dma_semaphore, #tpu.memory_space<semaphore_mem>>) src(%dma_wait3A_1439 : memref<262144x128xf32, #tpu.memory_space<hbm>>) dst(%dma_wait3A_1433 : memref<128x128xf32, #tpu.memory_space<vmem>>)
    %add3A_1440 = arith.constant 20 : i32
    %add3A_1441 = arith.addi %mul3A_2, %add3A_1440 : i32
    %sub3A_1442 = arith.constant 2 : i32
    %sub3A_1443 = arith.subi %add3A_1441, %sub3A_1442 : i32
    %dma_wait3A_1444 = arith.constant 0 : i32
    %dma_wait3A_1445 = arith.constant 0 : i32
    %dma_wait3A_1446 = arith.constant 0 : i32
    %dma_wait3A_1447 = tpu.memref_slice %arg9[%dma_wait3A_1444, %dma_wait3A_1445, %dma_wait3A_1446] : memref<2x128x32xf32, #tpu.memory_space<vmem>> -> memref<1x128x32xf32, #tpu.memory_space<vmem>>
    %dma_wait3A_1448 = tpu.memref_squeeze %dma_wait3A_1447 : memref<1x128x32xf32, #tpu.memory_space<vmem>> -> memref<128x32xf32, #tpu.memory_space<vmem>>
    %dma_wait3A_1449 = arith.constant 0 : i32
    %dma_wait3A_1450 = arith.constant 0 : i32
    %dma_wait3A_1451 = tpu.memref_slice %arg4[%sub3A_1443, %dma_wait3A_1449, %dma_wait3A_1450] : memref<832x128x32xf32, #tpu.memory_space<hbm>> -> memref<1x128x32xf32, #tpu.memory_space<hbm>>
    %dma_wait3A_1452 = tpu.memref_squeeze %dma_wait3A_1451 : memref<1x128x32xf32, #tpu.memory_space<hbm>> -> memref<128x32xf32, #tpu.memory_space<hbm>>
    %dma_wait3A_1453 = arith.constant 0 : i32
    %dma_wait3A_1454 = arith.constant 0 : i32
    %dma_wait3A_1455 = tpu.memref_slice %arg4[%sub3A_1443, %dma_wait3A_1453, %dma_wait3A_1454] : memref<832x128x32xf32, #tpu.memory_space<hbm>> -> memref<1x128x32xf32, #tpu.memory_space<hbm>>
    %dma_wait3A_1456 = tpu.memref_squeeze %dma_wait3A_1455 : memref<1x128x32xf32, #tpu.memory_space<hbm>> -> memref<128x32xf32, #tpu.memory_space<hbm>>
    %dma_wait3A_1457 = arith.constant 0 : i32
    %dma_wait3A_1458 = arith.constant 0 : i32
    %dma_wait3A_1459 = tpu.memref_slice %arg9[%dma_wait3A_1444, %dma_wait3A_1457, %dma_wait3A_1458] : memref<2x128x32xf32, #tpu.memory_space<vmem>> -> memref<1x128x32xf32, #tpu.memory_space<vmem>>
    %dma_wait3A_1460 = tpu.memref_squeeze %dma_wait3A_1459 : memref<1x128x32xf32, #tpu.memory_space<vmem>> -> memref<128x32xf32, #tpu.memory_space<vmem>>
    tpu.wait_dma2 semaphore(%arg14 : memref<!tpu.dma_semaphore, #tpu.memory_space<semaphore_mem>>) src(%dma_wait3A_1460 : memref<128x32xf32, #tpu.memory_space<vmem>>) dst(%dma_wait3A_1456 : memref<128x32xf32, #tpu.memory_space<hbm>>)
    %broadcast_in_dim3A_1461 = arith.constant 0 : i32
    %broadcast_in_dim3A_1462 = vector.broadcast %broadcast_in_dim3A_1461 : i32 to vector<16xi32>
    %scan3A_1463 = arith.constant 0 : i32
    %scan3A_1464 = arith.constant 0 : i32
    %scan3A_1465 = arith.constant 8 : i32
    %scan3A_1466 = arith.addi %scan3A_1464, %scan3A_1465 : i32
    %scan3A_1467 = arith.constant 1 : i32
    scf.for %scan3A_1874 = %scan3A_1464 to %scan3A_1466 step %scan3A_1467  : i32 {
      %mul3A_1875 = arith.constant 16 : i32
      %mul3A_1876 = arith.muli %scan3A_1874, %mul3A_1875 : i32
      %get3A = arith.constant 0 : i32
      %get3A_1877 = arith.constant 20 : i32
      %get3A_1878 = arith.index_cast %get3A : i32 to index
      %get3A_1879 = arith.index_cast %get3A_1877 : i32 to index
      %get3A_1880 = arith.index_cast %mul3A_1876 : i32 to index
      %get3A_1881 = tpu.vector_load %arg6[%get3A_1878, %get3A_1879, %get3A_1880] {strides = array<i32>} : memref<2x26x128xi32, #tpu.memory_space<vmem>>, vector<16xi32>,
      %jit3A = arith.constant 262144 : i32
      %div3A = vector.broadcast %jit3A : i32 to vector<16xi32>
      %div3A_1882 = arith.divsi %get3A_1881, %div3A : vector<16xi32>
      %sign3A = arith.constant 0 : i32
      %sign3A_1883 = vector.broadcast %sign3A : i32 to vector<16xi32>
      %sign3A_1884 = arith.cmpi sgt, %get3A_1881, %sign3A_1883 : vector<16xi32>
      %sign3A_1885 = arith.extui %sign3A_1884 : vector<16xi1> to vector<16xi32>
      %sign3A_1886 = arith.constant 0 : i32
      %sign3A_1887 = vector.broadcast %sign3A_1886 : i32 to vector<16xi32>
      %sign3A_1888 = arith.cmpi slt, %get3A_1881, %sign3A_1887 : vector<16xi32>
      %sign3A_1889 = arith.extui %sign3A_1888 : vector<16xi1> to vector<16xi32>
      %sign3A_1890 = arith.subi %sign3A_1885, %sign3A_1889 : vector<16xi32>
      %sign3A_1891 = arith.constant 0 : i32
      %sign3A_1892 = arith.cmpi sgt, %jit3A, %sign3A_1891 : i32
      %sign3A_1893 = arith.extui %sign3A_1892 : i1 to i32
      %sign3A_1894 = arith.constant 0 : i32
      %sign3A_1895 = arith.cmpi slt, %jit3A, %sign3A_1894 : i32
      %sign3A_1896 = arith.extui %sign3A_1895 : i1 to i32
      %sign3A_1897 = arith.subi %sign3A_1893, %sign3A_1896 : i32
      %ne3A = vector.broadcast %sign3A_1897 : i32 to vector<16xi32>
      %ne3A_1898 = arith.cmpi ne, %sign3A_1890, %ne3A : vector<16xi32>
      %rem3A = vector.broadcast %jit3A : i32 to vector<16xi32>
      %rem3A_1899 = arith.remsi %get3A_1881, %rem3A : vector<16xi32>
      %ne3A_1900 = arith.constant 0 : i32
      %ne3A_1901 = vector.broadcast %ne3A_1900 : i32 to vector<16xi32>
      %ne3A_1902 = arith.cmpi ne, %rem3A_1899, %ne3A_1901 : vector<16xi32>
      %and3A = arith.andi %ne3A_1898, %ne3A_1902 : vector<16xi1>
      %sub3A_1903 = arith.constant 1 : i32
      %sub3A_1904 = vector.broadcast %sub3A_1903 : i32 to vector<16xi32>
      %sub3A_1905 = arith.subi %div3A_1882, %sub3A_1904 : vector<16xi32>
      %select_n3A = arith.select %and3A, %sub3A_1905, %div3A_1882 : vector<16xi1>, vector<16xi32>
      %mul3A_1906 = arith.constant 32 : i32
      %mul3A_1907 = vector.broadcast %mul3A_1906 : i32 to vector<16xi32>
      %mul3A_1908 = arith.muli %select_n3A, %mul3A_1907 : vector<16xi32>
      %mul3A_1909 = arith.constant 16 : i32
      %mul3A_1910 = arith.muli %scan3A_1874, %mul3A_1909 : i32
      %add3A_1911 = vector.broadcast %mul3A_1910 : i32 to vector<16xi32>
      %add3A_1912 = arith.addi %add3A_1911, %iota3A : vector<16xi32>
      %scan3A_1913 = arith.constant 0 : i32
      %scan3A_1914 = arith.constant 0 : i32
      %scan3A_1915 = arith.constant 32 : i32
      %scan3A_1916 = arith.addi %scan3A_1914, %scan3A_1915 : i32
      %scan3A_1917 = arith.constant 1 : i32
      scf.for %scan3A_1919 = %scan3A_1914 to %scan3A_1916 step %scan3A_1917  : i32 {
        %add3A_1920 = vector.broadcast %scan3A_1919 : i32 to vector<16xi32>
        %add3A_1921 = arith.addi %mul3A_1908, %add3A_1920 : vector<16xi32>
        %gather3A = tpu.vector_load_idx %arg8[%broadcast_in_dim3A_1462, %add3A_1912, %add3A_1921] : memref<2x128x128xf32, #tpu.memory_space<vmem>>[vector<16xi32>, vector<16xi32>, vector<16xi32>], vector<16xf32>,
        %broadcast_in_dim3A_1922 = arith.constant 0 : i32
        %broadcast_in_dim3A_1923 = vector.broadcast %broadcast_in_dim3A_1922 : i32 to vector<16xi32>
        %add3A_1924 = vector.broadcast %scan3A_1919 : i32 to vector<16xi32>
        %add3A_1925 = arith.addi %broadcast_in_dim3A_1923, %add3A_1924 : vector<16xi32>
        tpu.vector_store_idx %arg9[%broadcast_in_dim3A_1462, %add3A_1912, %add3A_1925], %gather3A : memref<2x128x32xf32, #tpu.memory_space<vmem>>[vector<16xi32>, vector<16xi32>, vector<16xi32>], vector<16xf32>,
      }
      %scan3A_1918 = arith.constant 32 : i32
    }
    %scan3A_1468 = arith.constant 8 : i32
    %add3A_1469 = arith.constant 20 : i32
    %add3A_1470 = arith.addi %mul3A_2, %add3A_1469 : i32
    %dma_start3A_1471 = arith.constant 0 : i32
    %dma_start3A_1472 = arith.constant 0 : i32
    %dma_start3A_1473 = arith.constant 0 : i32
    %dma_start3A_1474 = tpu.memref_slice %arg9[%dma_start3A_1471, %dma_start3A_1472, %dma_start3A_1473] : memref<2x128x32xf32, #tpu.memory_space<vmem>> -> memref<1x128x32xf32, #tpu.memory_space<vmem>>
    %dma_start3A_1475 = tpu.memref_squeeze %dma_start3A_1474 : memref<1x128x32xf32, #tpu.memory_space<vmem>> -> memref<128x32xf32, #tpu.memory_space<vmem>>
    %dma_start3A_1476 = arith.constant 0 : i32
    %dma_start3A_1477 = arith.constant 0 : i32
    %dma_start3A_1478 = tpu.memref_slice %arg4[%add3A_1470, %dma_start3A_1476, %dma_start3A_1477] : memref<832x128x32xf32, #tpu.memory_space<hbm>> -> memref<1x128x32xf32, #tpu.memory_space<hbm>>
    %dma_start3A_1479 = tpu.memref_squeeze %dma_start3A_1478 : memref<1x128x32xf32, #tpu.memory_space<hbm>> -> memref<128x32xf32, #tpu.memory_space<hbm>>
    %dma_start3A_1480 = arith.constant 0 : i32
    %dma_start3A_1481 = arith.constant 0 : i32
    %dma_start3A_1482 = tpu.memref_slice %arg4[%add3A_1470, %dma_start3A_1480, %dma_start3A_1481] : memref<832x128x32xf32, #tpu.memory_space<hbm>> -> memref<1x128x32xf32, #tpu.memory_space<hbm>>
    %dma_start3A_1483 = tpu.memref_squeeze %dma_start3A_1482 : memref<1x128x32xf32, #tpu.memory_space<hbm>> -> memref<128x32xf32, #tpu.memory_space<hbm>>
    %dma_start3A_1484 = arith.constant 0 : i32
    %dma_start3A_1485 = arith.constant 0 : i32
    %dma_start3A_1486 = tpu.memref_slice %arg9[%dma_start3A_1471, %dma_start3A_1484, %dma_start3A_1485] : memref<2x128x32xf32, #tpu.memory_space<vmem>> -> memref<1x128x32xf32, #tpu.memory_space<vmem>>
    %dma_start3A_1487 = tpu.memref_squeeze %dma_start3A_1486 : memref<1x128x32xf32, #tpu.memory_space<vmem>> -> memref<128x32xf32, #tpu.memory_space<vmem>>
    tpu.enqueue_dma source(%dma_start3A_1487 : memref<128x32xf32, #tpu.memory_space<vmem>>) target(%dma_start3A_1483 : memref<128x32xf32, #tpu.memory_space<hbm>>) target_semaphore(%arg14 : memref<!tpu.dma_semaphore, #tpu.memory_space<semaphore_mem>>)
    %dma_start3A_1488 = arith.constant 22 : i32
    %dma_start3A_1489 = arith.constant 0 : i32
    %dma_start3A_1490 = arith.constant 0 : i32
    %dma_start3A_1491 = arith.constant 0 : i32
    %dma_start3A_1492 = tpu.memref_slice %arg8[%dma_start3A_1489, %dma_start3A_1490, %dma_start3A_1491] : memref<2x128x128xf32, #tpu.memory_space<vmem>> -> memref<1x128x128xf32, #tpu.memory_space<vmem>>
    %dma_start3A_1493 = tpu.memref_squeeze %dma_start3A_1492 : memref<1x128x128xf32, #tpu.memory_space<vmem>> -> memref<128x128xf32, #tpu.memory_space<vmem>>
    %dma_start3A_1494 = arith.constant 0 : i32
    %dma_start3A_1495 = tpu.memref_slice %arg7[%dma_start3A_1488, %dma_start3A_1494] : memref<26x128xi32, #tpu.memory_space<vmem>> -> memref<1x128xi32, #tpu.memory_space<vmem>>
    %dma_start3A_1496 = tpu.memref_squeeze %dma_start3A_1495 : memref<1x128xi32, #tpu.memory_space<vmem>> -> memref<128xi32, #tpu.memory_space<vmem>>
    %dma_start3A_1497 = arith.constant 0 : i32
    %dma_start3A_1498 = arith.constant 0 : i32
    %dma_start3A_1499 = tpu.memref_slice %arg3[%dma_start3A_1497, %dma_start3A_1498] : memref<262144x128xf32, #tpu.memory_space<hbm>> -> memref<262144x128xf32, #tpu.memory_space<hbm>>
    tpu.enqueue_indirect_dma source(%dma_start3A_1499 : memref<262144x128xf32, #tpu.memory_space<hbm>>) target(%dma_start3A_1493 : memref<128x128xf32, #tpu.memory_space<vmem>>) offsets(%dma_start3A_1496 : memref<128xi32, #tpu.memory_space<vmem>>) semaphore(%arg13 : memref<!tpu.dma_semaphore, #tpu.memory_space<semaphore_mem>>)
    %dma_wait3A_1500 = arith.constant 21 : i32
    %dma_wait3A_1501 = arith.constant 1 : i32
    %dma_wait3A_1502 = arith.constant 0 : i32
    %dma_wait3A_1503 = arith.constant 0 : i32
    %dma_wait3A_1504 = tpu.memref_slice %arg8[%dma_wait3A_1501, %dma_wait3A_1502, %dma_wait3A_1503] : memref<2x128x128xf32, #tpu.memory_space<vmem>> -> memref<1x128x128xf32, #tpu.memory_space<vmem>>
    %dma_wait3A_1505 = tpu.memref_squeeze %dma_wait3A_1504 : memref<1x128x128xf32, #tpu.memory_space<vmem>> -> memref<128x128xf32, #tpu.memory_space<vmem>>
    %dma_wait3A_1506 = arith.constant 0 : i32
    %dma_wait3A_1507 = tpu.memref_slice %arg7[%dma_wait3A_1500, %dma_wait3A_1506] : memref<26x128xi32, #tpu.memory_space<vmem>> -> memref<1x128xi32, #tpu.memory_space<vmem>>
    %dma_wait3A_1508 = tpu.memref_squeeze %dma_wait3A_1507 : memref<1x128xi32, #tpu.memory_space<vmem>> -> memref<128xi32, #tpu.memory_space<vmem>>
    %dma_wait3A_1509 = arith.constant 0 : i32
    %dma_wait3A_1510 = arith.constant 0 : i32
    %dma_wait3A_1511 = tpu.memref_slice %arg3[%dma_wait3A_1509, %dma_wait3A_1510] : memref<262144x128xf32, #tpu.memory_space<hbm>> -> memref<262144x128xf32, #tpu.memory_space<hbm>>
    tpu.wait_indirect_dma semaphore(%arg13 : memref<!tpu.dma_semaphore, #tpu.memory_space<semaphore_mem>>) src(%dma_wait3A_1511 : memref<262144x128xf32, #tpu.memory_space<hbm>>) dst(%dma_wait3A_1505 : memref<128x128xf32, #tpu.memory_space<vmem>>)
    %add3A_1512 = arith.constant 21 : i32
    %add3A_1513 = arith.addi %mul3A_2, %add3A_1512 : i32
    %sub3A_1514 = arith.constant 2 : i32
    %sub3A_1515 = arith.subi %add3A_1513, %sub3A_1514 : i32
    %dma_wait3A_1516 = arith.constant 1 : i32
    %dma_wait3A_1517 = arith.constant 0 : i32
    %dma_wait3A_1518 = arith.constant 0 : i32
    %dma_wait3A_1519 = tpu.memref_slice %arg9[%dma_wait3A_1516, %dma_wait3A_1517, %dma_wait3A_1518] : memref<2x128x32xf32, #tpu.memory_space<vmem>> -> memref<1x128x32xf32, #tpu.memory_space<vmem>>
    %dma_wait3A_1520 = tpu.memref_squeeze %dma_wait3A_1519 : memref<1x128x32xf32, #tpu.memory_space<vmem>> -> memref<128x32xf32, #tpu.memory_space<vmem>>
    %dma_wait3A_1521 = arith.constant 0 : i32
    %dma_wait3A_1522 = arith.constant 0 : i32
    %dma_wait3A_1523 = tpu.memref_slice %arg4[%sub3A_1515, %dma_wait3A_1521, %dma_wait3A_1522] : memref<832x128x32xf32, #tpu.memory_space<hbm>> -> memref<1x128x32xf32, #tpu.memory_space<hbm>>
    %dma_wait3A_1524 = tpu.memref_squeeze %dma_wait3A_1523 : memref<1x128x32xf32, #tpu.memory_space<hbm>> -> memref<128x32xf32, #tpu.memory_space<hbm>>
    %dma_wait3A_1525 = arith.constant 0 : i32
    %dma_wait3A_1526 = arith.constant 0 : i32
    %dma_wait3A_1527 = tpu.memref_slice %arg4[%sub3A_1515, %dma_wait3A_1525, %dma_wait3A_1526] : memref<832x128x32xf32, #tpu.memory_space<hbm>> -> memref<1x128x32xf32, #tpu.memory_space<hbm>>
    %dma_wait3A_1528 = tpu.memref_squeeze %dma_wait3A_1527 : memref<1x128x32xf32, #tpu.memory_space<hbm>> -> memref<128x32xf32, #tpu.memory_space<hbm>>
    %dma_wait3A_1529 = arith.constant 0 : i32
    %dma_wait3A_1530 = arith.constant 0 : i32
    %dma_wait3A_1531 = tpu.memref_slice %arg9[%dma_wait3A_1516, %dma_wait3A_1529, %dma_wait3A_1530] : memref<2x128x32xf32, #tpu.memory_space<vmem>> -> memref<1x128x32xf32, #tpu.memory_space<vmem>>
    %dma_wait3A_1532 = tpu.memref_squeeze %dma_wait3A_1531 : memref<1x128x32xf32, #tpu.memory_space<vmem>> -> memref<128x32xf32, #tpu.memory_space<vmem>>
    tpu.wait_dma2 semaphore(%arg16 : memref<!tpu.dma_semaphore, #tpu.memory_space<semaphore_mem>>) src(%dma_wait3A_1532 : memref<128x32xf32, #tpu.memory_space<vmem>>) dst(%dma_wait3A_1528 : memref<128x32xf32, #tpu.memory_space<hbm>>)
    %broadcast_in_dim3A_1533 = arith.constant 1 : i32
    %broadcast_in_dim3A_1534 = vector.broadcast %broadcast_in_dim3A_1533 : i32 to vector<16xi32>
    %scan3A_1535 = arith.constant 0 : i32
    %scan3A_1536 = arith.constant 0 : i32
    %scan3A_1537 = arith.constant 8 : i32
    %scan3A_1538 = arith.addi %scan3A_1536, %scan3A_1537 : i32
    %scan3A_1539 = arith.constant 1 : i32
    scf.for %scan3A_1874 = %scan3A_1536 to %scan3A_1538 step %scan3A_1539  : i32 {
      %mul3A_1875 = arith.constant 16 : i32
      %mul3A_1876 = arith.muli %scan3A_1874, %mul3A_1875 : i32
      %get3A = arith.constant 0 : i32
      %get3A_1877 = arith.constant 21 : i32
      %get3A_1878 = arith.index_cast %get3A : i32 to index
      %get3A_1879 = arith.index_cast %get3A_1877 : i32 to index
      %get3A_1880 = arith.index_cast %mul3A_1876 : i32 to index
      %get3A_1881 = tpu.vector_load %arg6[%get3A_1878, %get3A_1879, %get3A_1880] {strides = array<i32>} : memref<2x26x128xi32, #tpu.memory_space<vmem>>, vector<16xi32>,
      %jit3A = arith.constant 262144 : i32
      %div3A = vector.broadcast %jit3A : i32 to vector<16xi32>
      %div3A_1882 = arith.divsi %get3A_1881, %div3A : vector<16xi32>
      %sign3A = arith.constant 0 : i32
      %sign3A_1883 = vector.broadcast %sign3A : i32 to vector<16xi32>
      %sign3A_1884 = arith.cmpi sgt, %get3A_1881, %sign3A_1883 : vector<16xi32>
      %sign3A_1885 = arith.extui %sign3A_1884 : vector<16xi1> to vector<16xi32>
      %sign3A_1886 = arith.constant 0 : i32
      %sign3A_1887 = vector.broadcast %sign3A_1886 : i32 to vector<16xi32>
      %sign3A_1888 = arith.cmpi slt, %get3A_1881, %sign3A_1887 : vector<16xi32>
      %sign3A_1889 = arith.extui %sign3A_1888 : vector<16xi1> to vector<16xi32>
      %sign3A_1890 = arith.subi %sign3A_1885, %sign3A_1889 : vector<16xi32>
      %sign3A_1891 = arith.constant 0 : i32
      %sign3A_1892 = arith.cmpi sgt, %jit3A, %sign3A_1891 : i32
      %sign3A_1893 = arith.extui %sign3A_1892 : i1 to i32
      %sign3A_1894 = arith.constant 0 : i32
      %sign3A_1895 = arith.cmpi slt, %jit3A, %sign3A_1894 : i32
      %sign3A_1896 = arith.extui %sign3A_1895 : i1 to i32
      %sign3A_1897 = arith.subi %sign3A_1893, %sign3A_1896 : i32
      %ne3A = vector.broadcast %sign3A_1897 : i32 to vector<16xi32>
      %ne3A_1898 = arith.cmpi ne, %sign3A_1890, %ne3A : vector<16xi32>
      %rem3A = vector.broadcast %jit3A : i32 to vector<16xi32>
      %rem3A_1899 = arith.remsi %get3A_1881, %rem3A : vector<16xi32>
      %ne3A_1900 = arith.constant 0 : i32
      %ne3A_1901 = vector.broadcast %ne3A_1900 : i32 to vector<16xi32>
      %ne3A_1902 = arith.cmpi ne, %rem3A_1899, %ne3A_1901 : vector<16xi32>
      %and3A = arith.andi %ne3A_1898, %ne3A_1902 : vector<16xi1>
      %sub3A_1903 = arith.constant 1 : i32
      %sub3A_1904 = vector.broadcast %sub3A_1903 : i32 to vector<16xi32>
      %sub3A_1905 = arith.subi %div3A_1882, %sub3A_1904 : vector<16xi32>
      %select_n3A = arith.select %and3A, %sub3A_1905, %div3A_1882 : vector<16xi1>, vector<16xi32>
      %mul3A_1906 = arith.constant 32 : i32
      %mul3A_1907 = vector.broadcast %mul3A_1906 : i32 to vector<16xi32>
      %mul3A_1908 = arith.muli %select_n3A, %mul3A_1907 : vector<16xi32>
      %mul3A_1909 = arith.constant 16 : i32
      %mul3A_1910 = arith.muli %scan3A_1874, %mul3A_1909 : i32
      %add3A_1911 = vector.broadcast %mul3A_1910 : i32 to vector<16xi32>
      %add3A_1912 = arith.addi %add3A_1911, %iota3A : vector<16xi32>
      %scan3A_1913 = arith.constant 0 : i32
      %scan3A_1914 = arith.constant 0 : i32
      %scan3A_1915 = arith.constant 32 : i32
      %scan3A_1916 = arith.addi %scan3A_1914, %scan3A_1915 : i32
      %scan3A_1917 = arith.constant 1 : i32
      scf.for %scan3A_1919 = %scan3A_1914 to %scan3A_1916 step %scan3A_1917  : i32 {
        %add3A_1920 = vector.broadcast %scan3A_1919 : i32 to vector<16xi32>
        %add3A_1921 = arith.addi %mul3A_1908, %add3A_1920 : vector<16xi32>
        %gather3A = tpu.vector_load_idx %arg8[%broadcast_in_dim3A_1534, %add3A_1912, %add3A_1921] : memref<2x128x128xf32, #tpu.memory_space<vmem>>[vector<16xi32>, vector<16xi32>, vector<16xi32>], vector<16xf32>,
        %broadcast_in_dim3A_1922 = arith.constant 0 : i32
        %broadcast_in_dim3A_1923 = vector.broadcast %broadcast_in_dim3A_1922 : i32 to vector<16xi32>
        %add3A_1924 = vector.broadcast %scan3A_1919 : i32 to vector<16xi32>
        %add3A_1925 = arith.addi %broadcast_in_dim3A_1923, %add3A_1924 : vector<16xi32>
        tpu.vector_store_idx %arg9[%broadcast_in_dim3A_1534, %add3A_1912, %add3A_1925], %gather3A : memref<2x128x32xf32, #tpu.memory_space<vmem>>[vector<16xi32>, vector<16xi32>, vector<16xi32>], vector<16xf32>,
      }
      %scan3A_1918 = arith.constant 32 : i32
    }
    %scan3A_1540 = arith.constant 8 : i32
    %add3A_1541 = arith.constant 21 : i32
    %add3A_1542 = arith.addi %mul3A_2, %add3A_1541 : i32
    %dma_start3A_1543 = arith.constant 1 : i32
    %dma_start3A_1544 = arith.constant 0 : i32
    %dma_start3A_1545 = arith.constant 0 : i32
    %dma_start3A_1546 = tpu.memref_slice %arg9[%dma_start3A_1543, %dma_start3A_1544, %dma_start3A_1545] : memref<2x128x32xf32, #tpu.memory_space<vmem>> -> memref<1x128x32xf32, #tpu.memory_space<vmem>>
    %dma_start3A_1547 = tpu.memref_squeeze %dma_start3A_1546 : memref<1x128x32xf32, #tpu.memory_space<vmem>> -> memref<128x32xf32, #tpu.memory_space<vmem>>
    %dma_start3A_1548 = arith.constant 0 : i32
    %dma_start3A_1549 = arith.constant 0 : i32
    %dma_start3A_1550 = tpu.memref_slice %arg4[%add3A_1542, %dma_start3A_1548, %dma_start3A_1549] : memref<832x128x32xf32, #tpu.memory_space<hbm>> -> memref<1x128x32xf32, #tpu.memory_space<hbm>>
    %dma_start3A_1551 = tpu.memref_squeeze %dma_start3A_1550 : memref<1x128x32xf32, #tpu.memory_space<hbm>> -> memref<128x32xf32, #tpu.memory_space<hbm>>
    %dma_start3A_1552 = arith.constant 0 : i32
    %dma_start3A_1553 = arith.constant 0 : i32
    %dma_start3A_1554 = tpu.memref_slice %arg4[%add3A_1542, %dma_start3A_1552, %dma_start3A_1553] : memref<832x128x32xf32, #tpu.memory_space<hbm>> -> memref<1x128x32xf32, #tpu.memory_space<hbm>>
    %dma_start3A_1555 = tpu.memref_squeeze %dma_start3A_1554 : memref<1x128x32xf32, #tpu.memory_space<hbm>> -> memref<128x32xf32, #tpu.memory_space<hbm>>
    %dma_start3A_1556 = arith.constant 0 : i32
    %dma_start3A_1557 = arith.constant 0 : i32
    %dma_start3A_1558 = tpu.memref_slice %arg9[%dma_start3A_1543, %dma_start3A_1556, %dma_start3A_1557] : memref<2x128x32xf32, #tpu.memory_space<vmem>> -> memref<1x128x32xf32, #tpu.memory_space<vmem>>
    %dma_start3A_1559 = tpu.memref_squeeze %dma_start3A_1558 : memref<1x128x32xf32, #tpu.memory_space<vmem>> -> memref<128x32xf32, #tpu.memory_space<vmem>>
    tpu.enqueue_dma source(%dma_start3A_1559 : memref<128x32xf32, #tpu.memory_space<vmem>>) target(%dma_start3A_1555 : memref<128x32xf32, #tpu.memory_space<hbm>>) target_semaphore(%arg16 : memref<!tpu.dma_semaphore, #tpu.memory_space<semaphore_mem>>)
    %dma_start3A_1560 = arith.constant 23 : i32
    %dma_start3A_1561 = arith.constant 1 : i32
    %dma_start3A_1562 = arith.constant 0 : i32
    %dma_start3A_1563 = arith.constant 0 : i32
    %dma_start3A_1564 = tpu.memref_slice %arg8[%dma_start3A_1561, %dma_start3A_1562, %dma_start3A_1563] : memref<2x128x128xf32, #tpu.memory_space<vmem>> -> memref<1x128x128xf32, #tpu.memory_space<vmem>>
    %dma_start3A_1565 = tpu.memref_squeeze %dma_start3A_1564 : memref<1x128x128xf32, #tpu.memory_space<vmem>> -> memref<128x128xf32, #tpu.memory_space<vmem>>
    %dma_start3A_1566 = arith.constant 0 : i32
    %dma_start3A_1567 = tpu.memref_slice %arg7[%dma_start3A_1560, %dma_start3A_1566] : memref<26x128xi32, #tpu.memory_space<vmem>> -> memref<1x128xi32, #tpu.memory_space<vmem>>
    %dma_start3A_1568 = tpu.memref_squeeze %dma_start3A_1567 : memref<1x128xi32, #tpu.memory_space<vmem>> -> memref<128xi32, #tpu.memory_space<vmem>>
    %dma_start3A_1569 = arith.constant 0 : i32
    %dma_start3A_1570 = arith.constant 0 : i32
    %dma_start3A_1571 = tpu.memref_slice %arg3[%dma_start3A_1569, %dma_start3A_1570] : memref<262144x128xf32, #tpu.memory_space<hbm>> -> memref<262144x128xf32, #tpu.memory_space<hbm>>
    tpu.enqueue_indirect_dma source(%dma_start3A_1571 : memref<262144x128xf32, #tpu.memory_space<hbm>>) target(%dma_start3A_1565 : memref<128x128xf32, #tpu.memory_space<vmem>>) offsets(%dma_start3A_1568 : memref<128xi32, #tpu.memory_space<vmem>>) semaphore(%arg13 : memref<!tpu.dma_semaphore, #tpu.memory_space<semaphore_mem>>)
    %dma_wait3A_1572 = arith.constant 22 : i32
    %dma_wait3A_1573 = arith.constant 0 : i32
    %dma_wait3A_1574 = arith.constant 0 : i32
    %dma_wait3A_1575 = arith.constant 0 : i32
    %dma_wait3A_1576 = tpu.memref_slice %arg8[%dma_wait3A_1573, %dma_wait3A_1574, %dma_wait3A_1575] : memref<2x128x128xf32, #tpu.memory_space<vmem>> -> memref<1x128x128xf32, #tpu.memory_space<vmem>>
    %dma_wait3A_1577 = tpu.memref_squeeze %dma_wait3A_1576 : memref<1x128x128xf32, #tpu.memory_space<vmem>> -> memref<128x128xf32, #tpu.memory_space<vmem>>
    %dma_wait3A_1578 = arith.constant 0 : i32
    %dma_wait3A_1579 = tpu.memref_slice %arg7[%dma_wait3A_1572, %dma_wait3A_1578] : memref<26x128xi32, #tpu.memory_space<vmem>> -> memref<1x128xi32, #tpu.memory_space<vmem>>
    %dma_wait3A_1580 = tpu.memref_squeeze %dma_wait3A_1579 : memref<1x128xi32, #tpu.memory_space<vmem>> -> memref<128xi32, #tpu.memory_space<vmem>>
    %dma_wait3A_1581 = arith.constant 0 : i32
    %dma_wait3A_1582 = arith.constant 0 : i32
    %dma_wait3A_1583 = tpu.memref_slice %arg3[%dma_wait3A_1581, %dma_wait3A_1582] : memref<262144x128xf32, #tpu.memory_space<hbm>> -> memref<262144x128xf32, #tpu.memory_space<hbm>>
    tpu.wait_indirect_dma semaphore(%arg13 : memref<!tpu.dma_semaphore, #tpu.memory_space<semaphore_mem>>) src(%dma_wait3A_1583 : memref<262144x128xf32, #tpu.memory_space<hbm>>) dst(%dma_wait3A_1577 : memref<128x128xf32, #tpu.memory_space<vmem>>)
    %add3A_1584 = arith.constant 22 : i32
    %add3A_1585 = arith.addi %mul3A_2, %add3A_1584 : i32
    %sub3A_1586 = arith.constant 2 : i32
    %sub3A_1587 = arith.subi %add3A_1585, %sub3A_1586 : i32
    %dma_wait3A_1588 = arith.constant 0 : i32
    %dma_wait3A_1589 = arith.constant 0 : i32
    %dma_wait3A_1590 = arith.constant 0 : i32
    %dma_wait3A_1591 = tpu.memref_slice %arg9[%dma_wait3A_1588, %dma_wait3A_1589, %dma_wait3A_1590] : memref<2x128x32xf32, #tpu.memory_space<vmem>> -> memref<1x128x32xf32, #tpu.memory_space<vmem>>
    %dma_wait3A_1592 = tpu.memref_squeeze %dma_wait3A_1591 : memref<1x128x32xf32, #tpu.memory_space<vmem>> -> memref<128x32xf32, #tpu.memory_space<vmem>>
    %dma_wait3A_1593 = arith.constant 0 : i32
    %dma_wait3A_1594 = arith.constant 0 : i32
    %dma_wait3A_1595 = tpu.memref_slice %arg4[%sub3A_1587, %dma_wait3A_1593, %dma_wait3A_1594] : memref<832x128x32xf32, #tpu.memory_space<hbm>> -> memref<1x128x32xf32, #tpu.memory_space<hbm>>
    %dma_wait3A_1596 = tpu.memref_squeeze %dma_wait3A_1595 : memref<1x128x32xf32, #tpu.memory_space<hbm>> -> memref<128x32xf32, #tpu.memory_space<hbm>>
    %dma_wait3A_1597 = arith.constant 0 : i32
    %dma_wait3A_1598 = arith.constant 0 : i32
    %dma_wait3A_1599 = tpu.memref_slice %arg4[%sub3A_1587, %dma_wait3A_1597, %dma_wait3A_1598] : memref<832x128x32xf32, #tpu.memory_space<hbm>> -> memref<1x128x32xf32, #tpu.memory_space<hbm>>
    %dma_wait3A_1600 = tpu.memref_squeeze %dma_wait3A_1599 : memref<1x128x32xf32, #tpu.memory_space<hbm>> -> memref<128x32xf32, #tpu.memory_space<hbm>>
    %dma_wait3A_1601 = arith.constant 0 : i32
    %dma_wait3A_1602 = arith.constant 0 : i32
    %dma_wait3A_1603 = tpu.memref_slice %arg9[%dma_wait3A_1588, %dma_wait3A_1601, %dma_wait3A_1602] : memref<2x128x32xf32, #tpu.memory_space<vmem>> -> memref<1x128x32xf32, #tpu.memory_space<vmem>>
    %dma_wait3A_1604 = tpu.memref_squeeze %dma_wait3A_1603 : memref<1x128x32xf32, #tpu.memory_space<vmem>> -> memref<128x32xf32, #tpu.memory_space<vmem>>
    tpu.wait_dma2 semaphore(%arg14 : memref<!tpu.dma_semaphore, #tpu.memory_space<semaphore_mem>>) src(%dma_wait3A_1604 : memref<128x32xf32, #tpu.memory_space<vmem>>) dst(%dma_wait3A_1600 : memref<128x32xf32, #tpu.memory_space<hbm>>)
    %broadcast_in_dim3A_1605 = arith.constant 0 : i32
    %broadcast_in_dim3A_1606 = vector.broadcast %broadcast_in_dim3A_1605 : i32 to vector<16xi32>
    %scan3A_1607 = arith.constant 0 : i32
    %scan3A_1608 = arith.constant 0 : i32
    %scan3A_1609 = arith.constant 8 : i32
    %scan3A_1610 = arith.addi %scan3A_1608, %scan3A_1609 : i32
    %scan3A_1611 = arith.constant 1 : i32
    scf.for %scan3A_1874 = %scan3A_1608 to %scan3A_1610 step %scan3A_1611  : i32 {
      %mul3A_1875 = arith.constant 16 : i32
      %mul3A_1876 = arith.muli %scan3A_1874, %mul3A_1875 : i32
      %get3A = arith.constant 0 : i32
      %get3A_1877 = arith.constant 22 : i32
      %get3A_1878 = arith.index_cast %get3A : i32 to index
      %get3A_1879 = arith.index_cast %get3A_1877 : i32 to index
      %get3A_1880 = arith.index_cast %mul3A_1876 : i32 to index
      %get3A_1881 = tpu.vector_load %arg6[%get3A_1878, %get3A_1879, %get3A_1880] {strides = array<i32>} : memref<2x26x128xi32, #tpu.memory_space<vmem>>, vector<16xi32>,
      %jit3A = arith.constant 262144 : i32
      %div3A = vector.broadcast %jit3A : i32 to vector<16xi32>
      %div3A_1882 = arith.divsi %get3A_1881, %div3A : vector<16xi32>
      %sign3A = arith.constant 0 : i32
      %sign3A_1883 = vector.broadcast %sign3A : i32 to vector<16xi32>
      %sign3A_1884 = arith.cmpi sgt, %get3A_1881, %sign3A_1883 : vector<16xi32>
      %sign3A_1885 = arith.extui %sign3A_1884 : vector<16xi1> to vector<16xi32>
      %sign3A_1886 = arith.constant 0 : i32
      %sign3A_1887 = vector.broadcast %sign3A_1886 : i32 to vector<16xi32>
      %sign3A_1888 = arith.cmpi slt, %get3A_1881, %sign3A_1887 : vector<16xi32>
      %sign3A_1889 = arith.extui %sign3A_1888 : vector<16xi1> to vector<16xi32>
      %sign3A_1890 = arith.subi %sign3A_1885, %sign3A_1889 : vector<16xi32>
      %sign3A_1891 = arith.constant 0 : i32
      %sign3A_1892 = arith.cmpi sgt, %jit3A, %sign3A_1891 : i32
      %sign3A_1893 = arith.extui %sign3A_1892 : i1 to i32
      %sign3A_1894 = arith.constant 0 : i32
      %sign3A_1895 = arith.cmpi slt, %jit3A, %sign3A_1894 : i32
      %sign3A_1896 = arith.extui %sign3A_1895 : i1 to i32
      %sign3A_1897 = arith.subi %sign3A_1893, %sign3A_1896 : i32
      %ne3A = vector.broadcast %sign3A_1897 : i32 to vector<16xi32>
      %ne3A_1898 = arith.cmpi ne, %sign3A_1890, %ne3A : vector<16xi32>
      %rem3A = vector.broadcast %jit3A : i32 to vector<16xi32>
      %rem3A_1899 = arith.remsi %get3A_1881, %rem3A : vector<16xi32>
      %ne3A_1900 = arith.constant 0 : i32
      %ne3A_1901 = vector.broadcast %ne3A_1900 : i32 to vector<16xi32>
      %ne3A_1902 = arith.cmpi ne, %rem3A_1899, %ne3A_1901 : vector<16xi32>
      %and3A = arith.andi %ne3A_1898, %ne3A_1902 : vector<16xi1>
      %sub3A_1903 = arith.constant 1 : i32
      %sub3A_1904 = vector.broadcast %sub3A_1903 : i32 to vector<16xi32>
      %sub3A_1905 = arith.subi %div3A_1882, %sub3A_1904 : vector<16xi32>
      %select_n3A = arith.select %and3A, %sub3A_1905, %div3A_1882 : vector<16xi1>, vector<16xi32>
      %mul3A_1906 = arith.constant 32 : i32
      %mul3A_1907 = vector.broadcast %mul3A_1906 : i32 to vector<16xi32>
      %mul3A_1908 = arith.muli %select_n3A, %mul3A_1907 : vector<16xi32>
      %mul3A_1909 = arith.constant 16 : i32
      %mul3A_1910 = arith.muli %scan3A_1874, %mul3A_1909 : i32
      %add3A_1911 = vector.broadcast %mul3A_1910 : i32 to vector<16xi32>
      %add3A_1912 = arith.addi %add3A_1911, %iota3A : vector<16xi32>
      %scan3A_1913 = arith.constant 0 : i32
      %scan3A_1914 = arith.constant 0 : i32
      %scan3A_1915 = arith.constant 32 : i32
      %scan3A_1916 = arith.addi %scan3A_1914, %scan3A_1915 : i32
      %scan3A_1917 = arith.constant 1 : i32
      scf.for %scan3A_1919 = %scan3A_1914 to %scan3A_1916 step %scan3A_1917  : i32 {
        %add3A_1920 = vector.broadcast %scan3A_1919 : i32 to vector<16xi32>
        %add3A_1921 = arith.addi %mul3A_1908, %add3A_1920 : vector<16xi32>
        %gather3A = tpu.vector_load_idx %arg8[%broadcast_in_dim3A_1606, %add3A_1912, %add3A_1921] : memref<2x128x128xf32, #tpu.memory_space<vmem>>[vector<16xi32>, vector<16xi32>, vector<16xi32>], vector<16xf32>,
        %broadcast_in_dim3A_1922 = arith.constant 0 : i32
        %broadcast_in_dim3A_1923 = vector.broadcast %broadcast_in_dim3A_1922 : i32 to vector<16xi32>
        %add3A_1924 = vector.broadcast %scan3A_1919 : i32 to vector<16xi32>
        %add3A_1925 = arith.addi %broadcast_in_dim3A_1923, %add3A_1924 : vector<16xi32>
        tpu.vector_store_idx %arg9[%broadcast_in_dim3A_1606, %add3A_1912, %add3A_1925], %gather3A : memref<2x128x32xf32, #tpu.memory_space<vmem>>[vector<16xi32>, vector<16xi32>, vector<16xi32>], vector<16xf32>,
      }
      %scan3A_1918 = arith.constant 32 : i32
    }
    %scan3A_1612 = arith.constant 8 : i32
    %add3A_1613 = arith.constant 22 : i32
    %add3A_1614 = arith.addi %mul3A_2, %add3A_1613 : i32
    %dma_start3A_1615 = arith.constant 0 : i32
    %dma_start3A_1616 = arith.constant 0 : i32
    %dma_start3A_1617 = arith.constant 0 : i32
    %dma_start3A_1618 = tpu.memref_slice %arg9[%dma_start3A_1615, %dma_start3A_1616, %dma_start3A_1617] : memref<2x128x32xf32, #tpu.memory_space<vmem>> -> memref<1x128x32xf32, #tpu.memory_space<vmem>>
    %dma_start3A_1619 = tpu.memref_squeeze %dma_start3A_1618 : memref<1x128x32xf32, #tpu.memory_space<vmem>> -> memref<128x32xf32, #tpu.memory_space<vmem>>
    %dma_start3A_1620 = arith.constant 0 : i32
    %dma_start3A_1621 = arith.constant 0 : i32
    %dma_start3A_1622 = tpu.memref_slice %arg4[%add3A_1614, %dma_start3A_1620, %dma_start3A_1621] : memref<832x128x32xf32, #tpu.memory_space<hbm>> -> memref<1x128x32xf32, #tpu.memory_space<hbm>>
    %dma_start3A_1623 = tpu.memref_squeeze %dma_start3A_1622 : memref<1x128x32xf32, #tpu.memory_space<hbm>> -> memref<128x32xf32, #tpu.memory_space<hbm>>
    %dma_start3A_1624 = arith.constant 0 : i32
    %dma_start3A_1625 = arith.constant 0 : i32
    %dma_start3A_1626 = tpu.memref_slice %arg4[%add3A_1614, %dma_start3A_1624, %dma_start3A_1625] : memref<832x128x32xf32, #tpu.memory_space<hbm>> -> memref<1x128x32xf32, #tpu.memory_space<hbm>>
    %dma_start3A_1627 = tpu.memref_squeeze %dma_start3A_1626 : memref<1x128x32xf32, #tpu.memory_space<hbm>> -> memref<128x32xf32, #tpu.memory_space<hbm>>
    %dma_start3A_1628 = arith.constant 0 : i32
    %dma_start3A_1629 = arith.constant 0 : i32
    %dma_start3A_1630 = tpu.memref_slice %arg9[%dma_start3A_1615, %dma_start3A_1628, %dma_start3A_1629] : memref<2x128x32xf32, #tpu.memory_space<vmem>> -> memref<1x128x32xf32, #tpu.memory_space<vmem>>
    %dma_start3A_1631 = tpu.memref_squeeze %dma_start3A_1630 : memref<1x128x32xf32, #tpu.memory_space<vmem>> -> memref<128x32xf32, #tpu.memory_space<vmem>>
    tpu.enqueue_dma source(%dma_start3A_1631 : memref<128x32xf32, #tpu.memory_space<vmem>>) target(%dma_start3A_1627 : memref<128x32xf32, #tpu.memory_space<hbm>>) target_semaphore(%arg14 : memref<!tpu.dma_semaphore, #tpu.memory_space<semaphore_mem>>)
    %dma_start3A_1632 = arith.constant 24 : i32
    %dma_start3A_1633 = arith.constant 0 : i32
    %dma_start3A_1634 = arith.constant 0 : i32
    %dma_start3A_1635 = arith.constant 0 : i32
    %dma_start3A_1636 = tpu.memref_slice %arg8[%dma_start3A_1633, %dma_start3A_1634, %dma_start3A_1635] : memref<2x128x128xf32, #tpu.memory_space<vmem>> -> memref<1x128x128xf32, #tpu.memory_space<vmem>>
    %dma_start3A_1637 = tpu.memref_squeeze %dma_start3A_1636 : memref<1x128x128xf32, #tpu.memory_space<vmem>> -> memref<128x128xf32, #tpu.memory_space<vmem>>
    %dma_start3A_1638 = arith.constant 0 : i32
    %dma_start3A_1639 = tpu.memref_slice %arg7[%dma_start3A_1632, %dma_start3A_1638] : memref<26x128xi32, #tpu.memory_space<vmem>> -> memref<1x128xi32, #tpu.memory_space<vmem>>
    %dma_start3A_1640 = tpu.memref_squeeze %dma_start3A_1639 : memref<1x128xi32, #tpu.memory_space<vmem>> -> memref<128xi32, #tpu.memory_space<vmem>>
    %dma_start3A_1641 = arith.constant 0 : i32
    %dma_start3A_1642 = arith.constant 0 : i32
    %dma_start3A_1643 = tpu.memref_slice %arg3[%dma_start3A_1641, %dma_start3A_1642] : memref<262144x128xf32, #tpu.memory_space<hbm>> -> memref<262144x128xf32, #tpu.memory_space<hbm>>
    tpu.enqueue_indirect_dma source(%dma_start3A_1643 : memref<262144x128xf32, #tpu.memory_space<hbm>>) target(%dma_start3A_1637 : memref<128x128xf32, #tpu.memory_space<vmem>>) offsets(%dma_start3A_1640 : memref<128xi32, #tpu.memory_space<vmem>>) semaphore(%arg13 : memref<!tpu.dma_semaphore, #tpu.memory_space<semaphore_mem>>)
    %dma_wait3A_1644 = arith.constant 23 : i32
    %dma_wait3A_1645 = arith.constant 1 : i32
    %dma_wait3A_1646 = arith.constant 0 : i32
    %dma_wait3A_1647 = arith.constant 0 : i32
    %dma_wait3A_1648 = tpu.memref_slice %arg8[%dma_wait3A_1645, %dma_wait3A_1646, %dma_wait3A_1647] : memref<2x128x128xf32, #tpu.memory_space<vmem>> -> memref<1x128x128xf32, #tpu.memory_space<vmem>>
    %dma_wait3A_1649 = tpu.memref_squeeze %dma_wait3A_1648 : memref<1x128x128xf32, #tpu.memory_space<vmem>> -> memref<128x128xf32, #tpu.memory_space<vmem>>
    %dma_wait3A_1650 = arith.constant 0 : i32
    %dma_wait3A_1651 = tpu.memref_slice %arg7[%dma_wait3A_1644, %dma_wait3A_1650] : memref<26x128xi32, #tpu.memory_space<vmem>> -> memref<1x128xi32, #tpu.memory_space<vmem>>
    %dma_wait3A_1652 = tpu.memref_squeeze %dma_wait3A_1651 : memref<1x128xi32, #tpu.memory_space<vmem>> -> memref<128xi32, #tpu.memory_space<vmem>>
    %dma_wait3A_1653 = arith.constant 0 : i32
    %dma_wait3A_1654 = arith.constant 0 : i32
    %dma_wait3A_1655 = tpu.memref_slice %arg3[%dma_wait3A_1653, %dma_wait3A_1654] : memref<262144x128xf32, #tpu.memory_space<hbm>> -> memref<262144x128xf32, #tpu.memory_space<hbm>>
    tpu.wait_indirect_dma semaphore(%arg13 : memref<!tpu.dma_semaphore, #tpu.memory_space<semaphore_mem>>) src(%dma_wait3A_1655 : memref<262144x128xf32, #tpu.memory_space<hbm>>) dst(%dma_wait3A_1649 : memref<128x128xf32, #tpu.memory_space<vmem>>)
    %add3A_1656 = arith.constant 23 : i32
    %add3A_1657 = arith.addi %mul3A_2, %add3A_1656 : i32
    %sub3A_1658 = arith.constant 2 : i32
    %sub3A_1659 = arith.subi %add3A_1657, %sub3A_1658 : i32
    %dma_wait3A_1660 = arith.constant 1 : i32
    %dma_wait3A_1661 = arith.constant 0 : i32
    %dma_wait3A_1662 = arith.constant 0 : i32
    %dma_wait3A_1663 = tpu.memref_slice %arg9[%dma_wait3A_1660, %dma_wait3A_1661, %dma_wait3A_1662] : memref<2x128x32xf32, #tpu.memory_space<vmem>> -> memref<1x128x32xf32, #tpu.memory_space<vmem>>
    %dma_wait3A_1664 = tpu.memref_squeeze %dma_wait3A_1663 : memref<1x128x32xf32, #tpu.memory_space<vmem>> -> memref<128x32xf32, #tpu.memory_space<vmem>>
    %dma_wait3A_1665 = arith.constant 0 : i32
    %dma_wait3A_1666 = arith.constant 0 : i32
    %dma_wait3A_1667 = tpu.memref_slice %arg4[%sub3A_1659, %dma_wait3A_1665, %dma_wait3A_1666] : memref<832x128x32xf32, #tpu.memory_space<hbm>> -> memref<1x128x32xf32, #tpu.memory_space<hbm>>
    %dma_wait3A_1668 = tpu.memref_squeeze %dma_wait3A_1667 : memref<1x128x32xf32, #tpu.memory_space<hbm>> -> memref<128x32xf32, #tpu.memory_space<hbm>>
    %dma_wait3A_1669 = arith.constant 0 : i32
    %dma_wait3A_1670 = arith.constant 0 : i32
    %dma_wait3A_1671 = tpu.memref_slice %arg4[%sub3A_1659, %dma_wait3A_1669, %dma_wait3A_1670] : memref<832x128x32xf32, #tpu.memory_space<hbm>> -> memref<1x128x32xf32, #tpu.memory_space<hbm>>
    %dma_wait3A_1672 = tpu.memref_squeeze %dma_wait3A_1671 : memref<1x128x32xf32, #tpu.memory_space<hbm>> -> memref<128x32xf32, #tpu.memory_space<hbm>>
    %dma_wait3A_1673 = arith.constant 0 : i32
    %dma_wait3A_1674 = arith.constant 0 : i32
    %dma_wait3A_1675 = tpu.memref_slice %arg9[%dma_wait3A_1660, %dma_wait3A_1673, %dma_wait3A_1674] : memref<2x128x32xf32, #tpu.memory_space<vmem>> -> memref<1x128x32xf32, #tpu.memory_space<vmem>>
    %dma_wait3A_1676 = tpu.memref_squeeze %dma_wait3A_1675 : memref<1x128x32xf32, #tpu.memory_space<vmem>> -> memref<128x32xf32, #tpu.memory_space<vmem>>
    tpu.wait_dma2 semaphore(%arg16 : memref<!tpu.dma_semaphore, #tpu.memory_space<semaphore_mem>>) src(%dma_wait3A_1676 : memref<128x32xf32, #tpu.memory_space<vmem>>) dst(%dma_wait3A_1672 : memref<128x32xf32, #tpu.memory_space<hbm>>)
    %broadcast_in_dim3A_1677 = arith.constant 1 : i32
    %broadcast_in_dim3A_1678 = vector.broadcast %broadcast_in_dim3A_1677 : i32 to vector<16xi32>
    %scan3A_1679 = arith.constant 0 : i32
    %scan3A_1680 = arith.constant 0 : i32
    %scan3A_1681 = arith.constant 8 : i32
    %scan3A_1682 = arith.addi %scan3A_1680, %scan3A_1681 : i32
    %scan3A_1683 = arith.constant 1 : i32
    scf.for %scan3A_1874 = %scan3A_1680 to %scan3A_1682 step %scan3A_1683  : i32 {
      %mul3A_1875 = arith.constant 16 : i32
      %mul3A_1876 = arith.muli %scan3A_1874, %mul3A_1875 : i32
      %get3A = arith.constant 0 : i32
      %get3A_1877 = arith.constant 23 : i32
      %get3A_1878 = arith.index_cast %get3A : i32 to index
      %get3A_1879 = arith.index_cast %get3A_1877 : i32 to index
      %get3A_1880 = arith.index_cast %mul3A_1876 : i32 to index
      %get3A_1881 = tpu.vector_load %arg6[%get3A_1878, %get3A_1879, %get3A_1880] {strides = array<i32>} : memref<2x26x128xi32, #tpu.memory_space<vmem>>, vector<16xi32>,
      %jit3A = arith.constant 262144 : i32
      %div3A = vector.broadcast %jit3A : i32 to vector<16xi32>
      %div3A_1882 = arith.divsi %get3A_1881, %div3A : vector<16xi32>
      %sign3A = arith.constant 0 : i32
      %sign3A_1883 = vector.broadcast %sign3A : i32 to vector<16xi32>
      %sign3A_1884 = arith.cmpi sgt, %get3A_1881, %sign3A_1883 : vector<16xi32>
      %sign3A_1885 = arith.extui %sign3A_1884 : vector<16xi1> to vector<16xi32>
      %sign3A_1886 = arith.constant 0 : i32
      %sign3A_1887 = vector.broadcast %sign3A_1886 : i32 to vector<16xi32>
      %sign3A_1888 = arith.cmpi slt, %get3A_1881, %sign3A_1887 : vector<16xi32>
      %sign3A_1889 = arith.extui %sign3A_1888 : vector<16xi1> to vector<16xi32>
      %sign3A_1890 = arith.subi %sign3A_1885, %sign3A_1889 : vector<16xi32>
      %sign3A_1891 = arith.constant 0 : i32
      %sign3A_1892 = arith.cmpi sgt, %jit3A, %sign3A_1891 : i32
      %sign3A_1893 = arith.extui %sign3A_1892 : i1 to i32
      %sign3A_1894 = arith.constant 0 : i32
      %sign3A_1895 = arith.cmpi slt, %jit3A, %sign3A_1894 : i32
      %sign3A_1896 = arith.extui %sign3A_1895 : i1 to i32
      %sign3A_1897 = arith.subi %sign3A_1893, %sign3A_1896 : i32
      %ne3A = vector.broadcast %sign3A_1897 : i32 to vector<16xi32>
      %ne3A_1898 = arith.cmpi ne, %sign3A_1890, %ne3A : vector<16xi32>
      %rem3A = vector.broadcast %jit3A : i32 to vector<16xi32>
      %rem3A_1899 = arith.remsi %get3A_1881, %rem3A : vector<16xi32>
      %ne3A_1900 = arith.constant 0 : i32
      %ne3A_1901 = vector.broadcast %ne3A_1900 : i32 to vector<16xi32>
      %ne3A_1902 = arith.cmpi ne, %rem3A_1899, %ne3A_1901 : vector<16xi32>
      %and3A = arith.andi %ne3A_1898, %ne3A_1902 : vector<16xi1>
      %sub3A_1903 = arith.constant 1 : i32
      %sub3A_1904 = vector.broadcast %sub3A_1903 : i32 to vector<16xi32>
      %sub3A_1905 = arith.subi %div3A_1882, %sub3A_1904 : vector<16xi32>
      %select_n3A = arith.select %and3A, %sub3A_1905, %div3A_1882 : vector<16xi1>, vector<16xi32>
      %mul3A_1906 = arith.constant 32 : i32
      %mul3A_1907 = vector.broadcast %mul3A_1906 : i32 to vector<16xi32>
      %mul3A_1908 = arith.muli %select_n3A, %mul3A_1907 : vector<16xi32>
      %mul3A_1909 = arith.constant 16 : i32
      %mul3A_1910 = arith.muli %scan3A_1874, %mul3A_1909 : i32
      %add3A_1911 = vector.broadcast %mul3A_1910 : i32 to vector<16xi32>
      %add3A_1912 = arith.addi %add3A_1911, %iota3A : vector<16xi32>
      %scan3A_1913 = arith.constant 0 : i32
      %scan3A_1914 = arith.constant 0 : i32
      %scan3A_1915 = arith.constant 32 : i32
      %scan3A_1916 = arith.addi %scan3A_1914, %scan3A_1915 : i32
      %scan3A_1917 = arith.constant 1 : i32
      scf.for %scan3A_1919 = %scan3A_1914 to %scan3A_1916 step %scan3A_1917  : i32 {
        %add3A_1920 = vector.broadcast %scan3A_1919 : i32 to vector<16xi32>
        %add3A_1921 = arith.addi %mul3A_1908, %add3A_1920 : vector<16xi32>
        %gather3A = tpu.vector_load_idx %arg8[%broadcast_in_dim3A_1678, %add3A_1912, %add3A_1921] : memref<2x128x128xf32, #tpu.memory_space<vmem>>[vector<16xi32>, vector<16xi32>, vector<16xi32>], vector<16xf32>,
        %broadcast_in_dim3A_1922 = arith.constant 0 : i32
        %broadcast_in_dim3A_1923 = vector.broadcast %broadcast_in_dim3A_1922 : i32 to vector<16xi32>
        %add3A_1924 = vector.broadcast %scan3A_1919 : i32 to vector<16xi32>
        %add3A_1925 = arith.addi %broadcast_in_dim3A_1923, %add3A_1924 : vector<16xi32>
        tpu.vector_store_idx %arg9[%broadcast_in_dim3A_1678, %add3A_1912, %add3A_1925], %gather3A : memref<2x128x32xf32, #tpu.memory_space<vmem>>[vector<16xi32>, vector<16xi32>, vector<16xi32>], vector<16xf32>,
      }
      %scan3A_1918 = arith.constant 32 : i32
    }
    %scan3A_1684 = arith.constant 8 : i32
    %add3A_1685 = arith.constant 23 : i32
    %add3A_1686 = arith.addi %mul3A_2, %add3A_1685 : i32
    %dma_start3A_1687 = arith.constant 1 : i32
    %dma_start3A_1688 = arith.constant 0 : i32
    %dma_start3A_1689 = arith.constant 0 : i32
    %dma_start3A_1690 = tpu.memref_slice %arg9[%dma_start3A_1687, %dma_start3A_1688, %dma_start3A_1689] : memref<2x128x32xf32, #tpu.memory_space<vmem>> -> memref<1x128x32xf32, #tpu.memory_space<vmem>>
    %dma_start3A_1691 = tpu.memref_squeeze %dma_start3A_1690 : memref<1x128x32xf32, #tpu.memory_space<vmem>> -> memref<128x32xf32, #tpu.memory_space<vmem>>
    %dma_start3A_1692 = arith.constant 0 : i32
    %dma_start3A_1693 = arith.constant 0 : i32
    %dma_start3A_1694 = tpu.memref_slice %arg4[%add3A_1686, %dma_start3A_1692, %dma_start3A_1693] : memref<832x128x32xf32, #tpu.memory_space<hbm>> -> memref<1x128x32xf32, #tpu.memory_space<hbm>>
    %dma_start3A_1695 = tpu.memref_squeeze %dma_start3A_1694 : memref<1x128x32xf32, #tpu.memory_space<hbm>> -> memref<128x32xf32, #tpu.memory_space<hbm>>
    %dma_start3A_1696 = arith.constant 0 : i32
    %dma_start3A_1697 = arith.constant 0 : i32
    %dma_start3A_1698 = tpu.memref_slice %arg4[%add3A_1686, %dma_start3A_1696, %dma_start3A_1697] : memref<832x128x32xf32, #tpu.memory_space<hbm>> -> memref<1x128x32xf32, #tpu.memory_space<hbm>>
    %dma_start3A_1699 = tpu.memref_squeeze %dma_start3A_1698 : memref<1x128x32xf32, #tpu.memory_space<hbm>> -> memref<128x32xf32, #tpu.memory_space<hbm>>
    %dma_start3A_1700 = arith.constant 0 : i32
    %dma_start3A_1701 = arith.constant 0 : i32
    %dma_start3A_1702 = tpu.memref_slice %arg9[%dma_start3A_1687, %dma_start3A_1700, %dma_start3A_1701] : memref<2x128x32xf32, #tpu.memory_space<vmem>> -> memref<1x128x32xf32, #tpu.memory_space<vmem>>
    %dma_start3A_1703 = tpu.memref_squeeze %dma_start3A_1702 : memref<1x128x32xf32, #tpu.memory_space<vmem>> -> memref<128x32xf32, #tpu.memory_space<vmem>>
    tpu.enqueue_dma source(%dma_start3A_1703 : memref<128x32xf32, #tpu.memory_space<vmem>>) target(%dma_start3A_1699 : memref<128x32xf32, #tpu.memory_space<hbm>>) target_semaphore(%arg16 : memref<!tpu.dma_semaphore, #tpu.memory_space<semaphore_mem>>)
    %dma_start3A_1704 = arith.constant 25 : i32
    %dma_start3A_1705 = arith.constant 1 : i32
    %dma_start3A_1706 = arith.constant 0 : i32
    %dma_start3A_1707 = arith.constant 0 : i32
    %dma_start3A_1708 = tpu.memref_slice %arg8[%dma_start3A_1705, %dma_start3A_1706, %dma_start3A_1707] : memref<2x128x128xf32, #tpu.memory_space<vmem>> -> memref<1x128x128xf32, #tpu.memory_space<vmem>>
    %dma_start3A_1709 = tpu.memref_squeeze %dma_start3A_1708 : memref<1x128x128xf32, #tpu.memory_space<vmem>> -> memref<128x128xf32, #tpu.memory_space<vmem>>
    %dma_start3A_1710 = arith.constant 0 : i32
    %dma_start3A_1711 = tpu.memref_slice %arg7[%dma_start3A_1704, %dma_start3A_1710] : memref<26x128xi32, #tpu.memory_space<vmem>> -> memref<1x128xi32, #tpu.memory_space<vmem>>
    %dma_start3A_1712 = tpu.memref_squeeze %dma_start3A_1711 : memref<1x128xi32, #tpu.memory_space<vmem>> -> memref<128xi32, #tpu.memory_space<vmem>>
    %dma_start3A_1713 = arith.constant 0 : i32
    %dma_start3A_1714 = arith.constant 0 : i32
    %dma_start3A_1715 = tpu.memref_slice %arg3[%dma_start3A_1713, %dma_start3A_1714] : memref<262144x128xf32, #tpu.memory_space<hbm>> -> memref<262144x128xf32, #tpu.memory_space<hbm>>
    tpu.enqueue_indirect_dma source(%dma_start3A_1715 : memref<262144x128xf32, #tpu.memory_space<hbm>>) target(%dma_start3A_1709 : memref<128x128xf32, #tpu.memory_space<vmem>>) offsets(%dma_start3A_1712 : memref<128xi32, #tpu.memory_space<vmem>>) semaphore(%arg13 : memref<!tpu.dma_semaphore, #tpu.memory_space<semaphore_mem>>)
    %dma_wait3A_1716 = arith.constant 24 : i32
    %dma_wait3A_1717 = arith.constant 0 : i32
    %dma_wait3A_1718 = arith.constant 0 : i32
    %dma_wait3A_1719 = arith.constant 0 : i32
    %dma_wait3A_1720 = tpu.memref_slice %arg8[%dma_wait3A_1717, %dma_wait3A_1718, %dma_wait3A_1719] : memref<2x128x128xf32, #tpu.memory_space<vmem>> -> memref<1x128x128xf32, #tpu.memory_space<vmem>>
    %dma_wait3A_1721 = tpu.memref_squeeze %dma_wait3A_1720 : memref<1x128x128xf32, #tpu.memory_space<vmem>> -> memref<128x128xf32, #tpu.memory_space<vmem>>
    %dma_wait3A_1722 = arith.constant 0 : i32
    %dma_wait3A_1723 = tpu.memref_slice %arg7[%dma_wait3A_1716, %dma_wait3A_1722] : memref<26x128xi32, #tpu.memory_space<vmem>> -> memref<1x128xi32, #tpu.memory_space<vmem>>
    %dma_wait3A_1724 = tpu.memref_squeeze %dma_wait3A_1723 : memref<1x128xi32, #tpu.memory_space<vmem>> -> memref<128xi32, #tpu.memory_space<vmem>>
    %dma_wait3A_1725 = arith.constant 0 : i32
    %dma_wait3A_1726 = arith.constant 0 : i32
    %dma_wait3A_1727 = tpu.memref_slice %arg3[%dma_wait3A_1725, %dma_wait3A_1726] : memref<262144x128xf32, #tpu.memory_space<hbm>> -> memref<262144x128xf32, #tpu.memory_space<hbm>>
    tpu.wait_indirect_dma semaphore(%arg13 : memref<!tpu.dma_semaphore, #tpu.memory_space<semaphore_mem>>) src(%dma_wait3A_1727 : memref<262144x128xf32, #tpu.memory_space<hbm>>) dst(%dma_wait3A_1721 : memref<128x128xf32, #tpu.memory_space<vmem>>)
    %add3A_1728 = arith.constant 24 : i32
    %add3A_1729 = arith.addi %mul3A_2, %add3A_1728 : i32
    %sub3A_1730 = arith.constant 2 : i32
    %sub3A_1731 = arith.subi %add3A_1729, %sub3A_1730 : i32
    %dma_wait3A_1732 = arith.constant 0 : i32
    %dma_wait3A_1733 = arith.constant 0 : i32
    %dma_wait3A_1734 = arith.constant 0 : i32
    %dma_wait3A_1735 = tpu.memref_slice %arg9[%dma_wait3A_1732, %dma_wait3A_1733, %dma_wait3A_1734] : memref<2x128x32xf32, #tpu.memory_space<vmem>> -> memref<1x128x32xf32, #tpu.memory_space<vmem>>
    %dma_wait3A_1736 = tpu.memref_squeeze %dma_wait3A_1735 : memref<1x128x32xf32, #tpu.memory_space<vmem>> -> memref<128x32xf32, #tpu.memory_space<vmem>>
    %dma_wait3A_1737 = arith.constant 0 : i32
    %dma_wait3A_1738 = arith.constant 0 : i32
    %dma_wait3A_1739 = tpu.memref_slice %arg4[%sub3A_1731, %dma_wait3A_1737, %dma_wait3A_1738] : memref<832x128x32xf32, #tpu.memory_space<hbm>> -> memref<1x128x32xf32, #tpu.memory_space<hbm>>
    %dma_wait3A_1740 = tpu.memref_squeeze %dma_wait3A_1739 : memref<1x128x32xf32, #tpu.memory_space<hbm>> -> memref<128x32xf32, #tpu.memory_space<hbm>>
    %dma_wait3A_1741 = arith.constant 0 : i32
    %dma_wait3A_1742 = arith.constant 0 : i32
    %dma_wait3A_1743 = tpu.memref_slice %arg4[%sub3A_1731, %dma_wait3A_1741, %dma_wait3A_1742] : memref<832x128x32xf32, #tpu.memory_space<hbm>> -> memref<1x128x32xf32, #tpu.memory_space<hbm>>
    %dma_wait3A_1744 = tpu.memref_squeeze %dma_wait3A_1743 : memref<1x128x32xf32, #tpu.memory_space<hbm>> -> memref<128x32xf32, #tpu.memory_space<hbm>>
    %dma_wait3A_1745 = arith.constant 0 : i32
    %dma_wait3A_1746 = arith.constant 0 : i32
    %dma_wait3A_1747 = tpu.memref_slice %arg9[%dma_wait3A_1732, %dma_wait3A_1745, %dma_wait3A_1746] : memref<2x128x32xf32, #tpu.memory_space<vmem>> -> memref<1x128x32xf32, #tpu.memory_space<vmem>>
    %dma_wait3A_1748 = tpu.memref_squeeze %dma_wait3A_1747 : memref<1x128x32xf32, #tpu.memory_space<vmem>> -> memref<128x32xf32, #tpu.memory_space<vmem>>
    tpu.wait_dma2 semaphore(%arg14 : memref<!tpu.dma_semaphore, #tpu.memory_space<semaphore_mem>>) src(%dma_wait3A_1748 : memref<128x32xf32, #tpu.memory_space<vmem>>) dst(%dma_wait3A_1744 : memref<128x32xf32, #tpu.memory_space<hbm>>)
    %broadcast_in_dim3A_1749 = arith.constant 0 : i32
    %broadcast_in_dim3A_1750 = vector.broadcast %broadcast_in_dim3A_1749 : i32 to vector<16xi32>
    %scan3A_1751 = arith.constant 0 : i32
    %scan3A_1752 = arith.constant 0 : i32
    %scan3A_1753 = arith.constant 8 : i32
    %scan3A_1754 = arith.addi %scan3A_1752, %scan3A_1753 : i32
    %scan3A_1755 = arith.constant 1 : i32
    scf.for %scan3A_1874 = %scan3A_1752 to %scan3A_1754 step %scan3A_1755  : i32 {
      %mul3A_1875 = arith.constant 16 : i32
      %mul3A_1876 = arith.muli %scan3A_1874, %mul3A_1875 : i32
      %get3A = arith.constant 0 : i32
      %get3A_1877 = arith.constant 24 : i32
      %get3A_1878 = arith.index_cast %get3A : i32 to index
      %get3A_1879 = arith.index_cast %get3A_1877 : i32 to index
      %get3A_1880 = arith.index_cast %mul3A_1876 : i32 to index
      %get3A_1881 = tpu.vector_load %arg6[%get3A_1878, %get3A_1879, %get3A_1880] {strides = array<i32>} : memref<2x26x128xi32, #tpu.memory_space<vmem>>, vector<16xi32>,
      %jit3A = arith.constant 262144 : i32
      %div3A = vector.broadcast %jit3A : i32 to vector<16xi32>
      %div3A_1882 = arith.divsi %get3A_1881, %div3A : vector<16xi32>
      %sign3A = arith.constant 0 : i32
      %sign3A_1883 = vector.broadcast %sign3A : i32 to vector<16xi32>
      %sign3A_1884 = arith.cmpi sgt, %get3A_1881, %sign3A_1883 : vector<16xi32>
      %sign3A_1885 = arith.extui %sign3A_1884 : vector<16xi1> to vector<16xi32>
      %sign3A_1886 = arith.constant 0 : i32
      %sign3A_1887 = vector.broadcast %sign3A_1886 : i32 to vector<16xi32>
      %sign3A_1888 = arith.cmpi slt, %get3A_1881, %sign3A_1887 : vector<16xi32>
      %sign3A_1889 = arith.extui %sign3A_1888 : vector<16xi1> to vector<16xi32>
      %sign3A_1890 = arith.subi %sign3A_1885, %sign3A_1889 : vector<16xi32>
      %sign3A_1891 = arith.constant 0 : i32
      %sign3A_1892 = arith.cmpi sgt, %jit3A, %sign3A_1891 : i32
      %sign3A_1893 = arith.extui %sign3A_1892 : i1 to i32
      %sign3A_1894 = arith.constant 0 : i32
      %sign3A_1895 = arith.cmpi slt, %jit3A, %sign3A_1894 : i32
      %sign3A_1896 = arith.extui %sign3A_1895 : i1 to i32
      %sign3A_1897 = arith.subi %sign3A_1893, %sign3A_1896 : i32
      %ne3A = vector.broadcast %sign3A_1897 : i32 to vector<16xi32>
      %ne3A_1898 = arith.cmpi ne, %sign3A_1890, %ne3A : vector<16xi32>
      %rem3A = vector.broadcast %jit3A : i32 to vector<16xi32>
      %rem3A_1899 = arith.remsi %get3A_1881, %rem3A : vector<16xi32>
      %ne3A_1900 = arith.constant 0 : i32
      %ne3A_1901 = vector.broadcast %ne3A_1900 : i32 to vector<16xi32>
      %ne3A_1902 = arith.cmpi ne, %rem3A_1899, %ne3A_1901 : vector<16xi32>
      %and3A = arith.andi %ne3A_1898, %ne3A_1902 : vector<16xi1>
      %sub3A_1903 = arith.constant 1 : i32
      %sub3A_1904 = vector.broadcast %sub3A_1903 : i32 to vector<16xi32>
      %sub3A_1905 = arith.subi %div3A_1882, %sub3A_1904 : vector<16xi32>
      %select_n3A = arith.select %and3A, %sub3A_1905, %div3A_1882 : vector<16xi1>, vector<16xi32>
      %mul3A_1906 = arith.constant 32 : i32
      %mul3A_1907 = vector.broadcast %mul3A_1906 : i32 to vector<16xi32>
      %mul3A_1908 = arith.muli %select_n3A, %mul3A_1907 : vector<16xi32>
      %mul3A_1909 = arith.constant 16 : i32
      %mul3A_1910 = arith.muli %scan3A_1874, %mul3A_1909 : i32
      %add3A_1911 = vector.broadcast %mul3A_1910 : i32 to vector<16xi32>
      %add3A_1912 = arith.addi %add3A_1911, %iota3A : vector<16xi32>
      %scan3A_1913 = arith.constant 0 : i32
      %scan3A_1914 = arith.constant 0 : i32
      %scan3A_1915 = arith.constant 32 : i32
      %scan3A_1916 = arith.addi %scan3A_1914, %scan3A_1915 : i32
      %scan3A_1917 = arith.constant 1 : i32
      scf.for %scan3A_1919 = %scan3A_1914 to %scan3A_1916 step %scan3A_1917  : i32 {
        %add3A_1920 = vector.broadcast %scan3A_1919 : i32 to vector<16xi32>
        %add3A_1921 = arith.addi %mul3A_1908, %add3A_1920 : vector<16xi32>
        %gather3A = tpu.vector_load_idx %arg8[%broadcast_in_dim3A_1750, %add3A_1912, %add3A_1921] : memref<2x128x128xf32, #tpu.memory_space<vmem>>[vector<16xi32>, vector<16xi32>, vector<16xi32>], vector<16xf32>,
        %broadcast_in_dim3A_1922 = arith.constant 0 : i32
        %broadcast_in_dim3A_1923 = vector.broadcast %broadcast_in_dim3A_1922 : i32 to vector<16xi32>
        %add3A_1924 = vector.broadcast %scan3A_1919 : i32 to vector<16xi32>
        %add3A_1925 = arith.addi %broadcast_in_dim3A_1923, %add3A_1924 : vector<16xi32>
        tpu.vector_store_idx %arg9[%broadcast_in_dim3A_1750, %add3A_1912, %add3A_1925], %gather3A : memref<2x128x32xf32, #tpu.memory_space<vmem>>[vector<16xi32>, vector<16xi32>, vector<16xi32>], vector<16xf32>,
      }
      %scan3A_1918 = arith.constant 32 : i32
    }
    %scan3A_1756 = arith.constant 8 : i32
    %add3A_1757 = arith.constant 24 : i32
    %add3A_1758 = arith.addi %mul3A_2, %add3A_1757 : i32
    %dma_start3A_1759 = arith.constant 0 : i32
    %dma_start3A_1760 = arith.constant 0 : i32
    %dma_start3A_1761 = arith.constant 0 : i32
    %dma_start3A_1762 = tpu.memref_slice %arg9[%dma_start3A_1759, %dma_start3A_1760, %dma_start3A_1761] : memref<2x128x32xf32, #tpu.memory_space<vmem>> -> memref<1x128x32xf32, #tpu.memory_space<vmem>>
    %dma_start3A_1763 = tpu.memref_squeeze %dma_start3A_1762 : memref<1x128x32xf32, #tpu.memory_space<vmem>> -> memref<128x32xf32, #tpu.memory_space<vmem>>
    %dma_start3A_1764 = arith.constant 0 : i32
    %dma_start3A_1765 = arith.constant 0 : i32
    %dma_start3A_1766 = tpu.memref_slice %arg4[%add3A_1758, %dma_start3A_1764, %dma_start3A_1765] : memref<832x128x32xf32, #tpu.memory_space<hbm>> -> memref<1x128x32xf32, #tpu.memory_space<hbm>>
    %dma_start3A_1767 = tpu.memref_squeeze %dma_start3A_1766 : memref<1x128x32xf32, #tpu.memory_space<hbm>> -> memref<128x32xf32, #tpu.memory_space<hbm>>
    %dma_start3A_1768 = arith.constant 0 : i32
    %dma_start3A_1769 = arith.constant 0 : i32
    %dma_start3A_1770 = tpu.memref_slice %arg4[%add3A_1758, %dma_start3A_1768, %dma_start3A_1769] : memref<832x128x32xf32, #tpu.memory_space<hbm>> -> memref<1x128x32xf32, #tpu.memory_space<hbm>>
    %dma_start3A_1771 = tpu.memref_squeeze %dma_start3A_1770 : memref<1x128x32xf32, #tpu.memory_space<hbm>> -> memref<128x32xf32, #tpu.memory_space<hbm>>
    %dma_start3A_1772 = arith.constant 0 : i32
    %dma_start3A_1773 = arith.constant 0 : i32
    %dma_start3A_1774 = tpu.memref_slice %arg9[%dma_start3A_1759, %dma_start3A_1772, %dma_start3A_1773] : memref<2x128x32xf32, #tpu.memory_space<vmem>> -> memref<1x128x32xf32, #tpu.memory_space<vmem>>
    %dma_start3A_1775 = tpu.memref_squeeze %dma_start3A_1774 : memref<1x128x32xf32, #tpu.memory_space<vmem>> -> memref<128x32xf32, #tpu.memory_space<vmem>>
    tpu.enqueue_dma source(%dma_start3A_1775 : memref<128x32xf32, #tpu.memory_space<vmem>>) target(%dma_start3A_1771 : memref<128x32xf32, #tpu.memory_space<hbm>>) target_semaphore(%arg14 : memref<!tpu.dma_semaphore, #tpu.memory_space<semaphore_mem>>)
    %dma_wait3A_1776 = arith.constant 25 : i32
    %dma_wait3A_1777 = arith.constant 1 : i32
    %dma_wait3A_1778 = arith.constant 0 : i32
    %dma_wait3A_1779 = arith.constant 0 : i32
    %dma_wait3A_1780 = tpu.memref_slice %arg8[%dma_wait3A_1777, %dma_wait3A_1778, %dma_wait3A_1779] : memref<2x128x128xf32, #tpu.memory_space<vmem>> -> memref<1x128x128xf32, #tpu.memory_space<vmem>>
    %dma_wait3A_1781 = tpu.memref_squeeze %dma_wait3A_1780 : memref<1x128x128xf32, #tpu.memory_space<vmem>> -> memref<128x128xf32, #tpu.memory_space<vmem>>
    %dma_wait3A_1782 = arith.constant 0 : i32
    %dma_wait3A_1783 = tpu.memref_slice %arg7[%dma_wait3A_1776, %dma_wait3A_1782] : memref<26x128xi32, #tpu.memory_space<vmem>> -> memref<1x128xi32, #tpu.memory_space<vmem>>
    %dma_wait3A_1784 = tpu.memref_squeeze %dma_wait3A_1783 : memref<1x128xi32, #tpu.memory_space<vmem>> -> memref<128xi32, #tpu.memory_space<vmem>>
    %dma_wait3A_1785 = arith.constant 0 : i32
    %dma_wait3A_1786 = arith.constant 0 : i32
    %dma_wait3A_1787 = tpu.memref_slice %arg3[%dma_wait3A_1785, %dma_wait3A_1786] : memref<262144x128xf32, #tpu.memory_space<hbm>> -> memref<262144x128xf32, #tpu.memory_space<hbm>>
    tpu.wait_indirect_dma semaphore(%arg13 : memref<!tpu.dma_semaphore, #tpu.memory_space<semaphore_mem>>) src(%dma_wait3A_1787 : memref<262144x128xf32, #tpu.memory_space<hbm>>) dst(%dma_wait3A_1781 : memref<128x128xf32, #tpu.memory_space<vmem>>)
    %add3A_1788 = arith.constant 25 : i32
    %add3A_1789 = arith.addi %mul3A_2, %add3A_1788 : i32
    %sub3A_1790 = arith.constant 2 : i32
    %sub3A_1791 = arith.subi %add3A_1789, %sub3A_1790 : i32
    %dma_wait3A_1792 = arith.constant 1 : i32
    %dma_wait3A_1793 = arith.constant 0 : i32
    %dma_wait3A_1794 = arith.constant 0 : i32
    %dma_wait3A_1795 = tpu.memref_slice %arg9[%dma_wait3A_1792, %dma_wait3A_1793, %dma_wait3A_1794] : memref<2x128x32xf32, #tpu.memory_space<vmem>> -> memref<1x128x32xf32, #tpu.memory_space<vmem>>
    %dma_wait3A_1796 = tpu.memref_squeeze %dma_wait3A_1795 : memref<1x128x32xf32, #tpu.memory_space<vmem>> -> memref<128x32xf32, #tpu.memory_space<vmem>>
    %dma_wait3A_1797 = arith.constant 0 : i32
    %dma_wait3A_1798 = arith.constant 0 : i32
    %dma_wait3A_1799 = tpu.memref_slice %arg4[%sub3A_1791, %dma_wait3A_1797, %dma_wait3A_1798] : memref<832x128x32xf32, #tpu.memory_space<hbm>> -> memref<1x128x32xf32, #tpu.memory_space<hbm>>
    %dma_wait3A_1800 = tpu.memref_squeeze %dma_wait3A_1799 : memref<1x128x32xf32, #tpu.memory_space<hbm>> -> memref<128x32xf32, #tpu.memory_space<hbm>>
    %dma_wait3A_1801 = arith.constant 0 : i32
    %dma_wait3A_1802 = arith.constant 0 : i32
    %dma_wait3A_1803 = tpu.memref_slice %arg4[%sub3A_1791, %dma_wait3A_1801, %dma_wait3A_1802] : memref<832x128x32xf32, #tpu.memory_space<hbm>> -> memref<1x128x32xf32, #tpu.memory_space<hbm>>
    %dma_wait3A_1804 = tpu.memref_squeeze %dma_wait3A_1803 : memref<1x128x32xf32, #tpu.memory_space<hbm>> -> memref<128x32xf32, #tpu.memory_space<hbm>>
    %dma_wait3A_1805 = arith.constant 0 : i32
    %dma_wait3A_1806 = arith.constant 0 : i32
    %dma_wait3A_1807 = tpu.memref_slice %arg9[%dma_wait3A_1792, %dma_wait3A_1805, %dma_wait3A_1806] : memref<2x128x32xf32, #tpu.memory_space<vmem>> -> memref<1x128x32xf32, #tpu.memory_space<vmem>>
    %dma_wait3A_1808 = tpu.memref_squeeze %dma_wait3A_1807 : memref<1x128x32xf32, #tpu.memory_space<vmem>> -> memref<128x32xf32, #tpu.memory_space<vmem>>
    tpu.wait_dma2 semaphore(%arg16 : memref<!tpu.dma_semaphore, #tpu.memory_space<semaphore_mem>>) src(%dma_wait3A_1808 : memref<128x32xf32, #tpu.memory_space<vmem>>) dst(%dma_wait3A_1804 : memref<128x32xf32, #tpu.memory_space<hbm>>)
    %broadcast_in_dim3A_1809 = arith.constant 1 : i32
    %broadcast_in_dim3A_1810 = vector.broadcast %broadcast_in_dim3A_1809 : i32 to vector<16xi32>
    %scan3A_1811 = arith.constant 0 : i32
    %scan3A_1812 = arith.constant 0 : i32
    %scan3A_1813 = arith.constant 8 : i32
    %scan3A_1814 = arith.addi %scan3A_1812, %scan3A_1813 : i32
    %scan3A_1815 = arith.constant 1 : i32
    scf.for %scan3A_1874 = %scan3A_1812 to %scan3A_1814 step %scan3A_1815  : i32 {
      %mul3A_1875 = arith.constant 16 : i32
      %mul3A_1876 = arith.muli %scan3A_1874, %mul3A_1875 : i32
      %get3A = arith.constant 0 : i32
      %get3A_1877 = arith.constant 25 : i32
      %get3A_1878 = arith.index_cast %get3A : i32 to index
      %get3A_1879 = arith.index_cast %get3A_1877 : i32 to index
      %get3A_1880 = arith.index_cast %mul3A_1876 : i32 to index
      %get3A_1881 = tpu.vector_load %arg6[%get3A_1878, %get3A_1879, %get3A_1880] {strides = array<i32>} : memref<2x26x128xi32, #tpu.memory_space<vmem>>, vector<16xi32>,
      %jit3A = arith.constant 262144 : i32
      %div3A = vector.broadcast %jit3A : i32 to vector<16xi32>
      %div3A_1882 = arith.divsi %get3A_1881, %div3A : vector<16xi32>
      %sign3A = arith.constant 0 : i32
      %sign3A_1883 = vector.broadcast %sign3A : i32 to vector<16xi32>
      %sign3A_1884 = arith.cmpi sgt, %get3A_1881, %sign3A_1883 : vector<16xi32>
      %sign3A_1885 = arith.extui %sign3A_1884 : vector<16xi1> to vector<16xi32>
      %sign3A_1886 = arith.constant 0 : i32
      %sign3A_1887 = vector.broadcast %sign3A_1886 : i32 to vector<16xi32>
      %sign3A_1888 = arith.cmpi slt, %get3A_1881, %sign3A_1887 : vector<16xi32>
      %sign3A_1889 = arith.extui %sign3A_1888 : vector<16xi1> to vector<16xi32>
      %sign3A_1890 = arith.subi %sign3A_1885, %sign3A_1889 : vector<16xi32>
      %sign3A_1891 = arith.constant 0 : i32
      %sign3A_1892 = arith.cmpi sgt, %jit3A, %sign3A_1891 : i32
      %sign3A_1893 = arith.extui %sign3A_1892 : i1 to i32
      %sign3A_1894 = arith.constant 0 : i32
      %sign3A_1895 = arith.cmpi slt, %jit3A, %sign3A_1894 : i32
      %sign3A_1896 = arith.extui %sign3A_1895 : i1 to i32
      %sign3A_1897 = arith.subi %sign3A_1893, %sign3A_1896 : i32
      %ne3A = vector.broadcast %sign3A_1897 : i32 to vector<16xi32>
      %ne3A_1898 = arith.cmpi ne, %sign3A_1890, %ne3A : vector<16xi32>
      %rem3A = vector.broadcast %jit3A : i32 to vector<16xi32>
      %rem3A_1899 = arith.remsi %get3A_1881, %rem3A : vector<16xi32>
      %ne3A_1900 = arith.constant 0 : i32
      %ne3A_1901 = vector.broadcast %ne3A_1900 : i32 to vector<16xi32>
      %ne3A_1902 = arith.cmpi ne, %rem3A_1899, %ne3A_1901 : vector<16xi32>
      %and3A = arith.andi %ne3A_1898, %ne3A_1902 : vector<16xi1>
      %sub3A_1903 = arith.constant 1 : i32
      %sub3A_1904 = vector.broadcast %sub3A_1903 : i32 to vector<16xi32>
      %sub3A_1905 = arith.subi %div3A_1882, %sub3A_1904 : vector<16xi32>
      %select_n3A = arith.select %and3A, %sub3A_1905, %div3A_1882 : vector<16xi1>, vector<16xi32>
      %mul3A_1906 = arith.constant 32 : i32
      %mul3A_1907 = vector.broadcast %mul3A_1906 : i32 to vector<16xi32>
      %mul3A_1908 = arith.muli %select_n3A, %mul3A_1907 : vector<16xi32>
      %mul3A_1909 = arith.constant 16 : i32
      %mul3A_1910 = arith.muli %scan3A_1874, %mul3A_1909 : i32
      %add3A_1911 = vector.broadcast %mul3A_1910 : i32 to vector<16xi32>
      %add3A_1912 = arith.addi %add3A_1911, %iota3A : vector<16xi32>
      %scan3A_1913 = arith.constant 0 : i32
      %scan3A_1914 = arith.constant 0 : i32
      %scan3A_1915 = arith.constant 32 : i32
      %scan3A_1916 = arith.addi %scan3A_1914, %scan3A_1915 : i32
      %scan3A_1917 = arith.constant 1 : i32
      scf.for %scan3A_1919 = %scan3A_1914 to %scan3A_1916 step %scan3A_1917  : i32 {
        %add3A_1920 = vector.broadcast %scan3A_1919 : i32 to vector<16xi32>
        %add3A_1921 = arith.addi %mul3A_1908, %add3A_1920 : vector<16xi32>
        %gather3A = tpu.vector_load_idx %arg8[%broadcast_in_dim3A_1810, %add3A_1912, %add3A_1921] : memref<2x128x128xf32, #tpu.memory_space<vmem>>[vector<16xi32>, vector<16xi32>, vector<16xi32>], vector<16xf32>,
        %broadcast_in_dim3A_1922 = arith.constant 0 : i32
        %broadcast_in_dim3A_1923 = vector.broadcast %broadcast_in_dim3A_1922 : i32 to vector<16xi32>
        %add3A_1924 = vector.broadcast %scan3A_1919 : i32 to vector<16xi32>
        %add3A_1925 = arith.addi %broadcast_in_dim3A_1923, %add3A_1924 : vector<16xi32>
        tpu.vector_store_idx %arg9[%broadcast_in_dim3A_1810, %add3A_1912, %add3A_1925], %gather3A : memref<2x128x32xf32, #tpu.memory_space<vmem>>[vector<16xi32>, vector<16xi32>, vector<16xi32>], vector<16xf32>,
      }
      %scan3A_1918 = arith.constant 32 : i32
    }
    %scan3A_1816 = arith.constant 8 : i32
    %add3A_1817 = arith.constant 25 : i32
    %add3A_1818 = arith.addi %mul3A_2, %add3A_1817 : i32
    %dma_start3A_1819 = arith.constant 1 : i32
    %dma_start3A_1820 = arith.constant 0 : i32
    %dma_start3A_1821 = arith.constant 0 : i32
    %dma_start3A_1822 = tpu.memref_slice %arg9[%dma_start3A_1819, %dma_start3A_1820, %dma_start3A_1821] : memref<2x128x32xf32, #tpu.memory_space<vmem>> -> memref<1x128x32xf32, #tpu.memory_space<vmem>>
    %dma_start3A_1823 = tpu.memref_squeeze %dma_start3A_1822 : memref<1x128x32xf32, #tpu.memory_space<vmem>> -> memref<128x32xf32, #tpu.memory_space<vmem>>
    %dma_start3A_1824 = arith.constant 0 : i32
    %dma_start3A_1825 = arith.constant 0 : i32
    %dma_start3A_1826 = tpu.memref_slice %arg4[%add3A_1818, %dma_start3A_1824, %dma_start3A_1825] : memref<832x128x32xf32, #tpu.memory_space<hbm>> -> memref<1x128x32xf32, #tpu.memory_space<hbm>>
    %dma_start3A_1827 = tpu.memref_squeeze %dma_start3A_1826 : memref<1x128x32xf32, #tpu.memory_space<hbm>> -> memref<128x32xf32, #tpu.memory_space<hbm>>
    %dma_start3A_1828 = arith.constant 0 : i32
    %dma_start3A_1829 = arith.constant 0 : i32
    %dma_start3A_1830 = tpu.memref_slice %arg4[%add3A_1818, %dma_start3A_1828, %dma_start3A_1829] : memref<832x128x32xf32, #tpu.memory_space<hbm>> -> memref<1x128x32xf32, #tpu.memory_space<hbm>>
    %dma_start3A_1831 = tpu.memref_squeeze %dma_start3A_1830 : memref<1x128x32xf32, #tpu.memory_space<hbm>> -> memref<128x32xf32, #tpu.memory_space<hbm>>
    %dma_start3A_1832 = arith.constant 0 : i32
    %dma_start3A_1833 = arith.constant 0 : i32
    %dma_start3A_1834 = tpu.memref_slice %arg9[%dma_start3A_1819, %dma_start3A_1832, %dma_start3A_1833] : memref<2x128x32xf32, #tpu.memory_space<vmem>> -> memref<1x128x32xf32, #tpu.memory_space<vmem>>
    %dma_start3A_1835 = tpu.memref_squeeze %dma_start3A_1834 : memref<1x128x32xf32, #tpu.memory_space<vmem>> -> memref<128x32xf32, #tpu.memory_space<vmem>>
    tpu.enqueue_dma source(%dma_start3A_1835 : memref<128x32xf32, #tpu.memory_space<vmem>>) target(%dma_start3A_1831 : memref<128x32xf32, #tpu.memory_space<hbm>>) target_semaphore(%arg16 : memref<!tpu.dma_semaphore, #tpu.memory_space<semaphore_mem>>)
    %add3A_1836 = arith.constant 24 : i32
    %add3A_1837 = arith.addi %mul3A_2, %add3A_1836 : i32
    %dma_wait3A_1838 = arith.constant 0 : i32
    %dma_wait3A_1839 = arith.constant 0 : i32
    %dma_wait3A_1840 = arith.constant 0 : i32
    %dma_wait3A_1841 = tpu.memref_slice %arg9[%dma_wait3A_1838, %dma_wait3A_1839, %dma_wait3A_1840] : memref<2x128x32xf32, #tpu.memory_space<vmem>> -> memref<1x128x32xf32, #tpu.memory_space<vmem>>
    %dma_wait3A_1842 = tpu.memref_squeeze %dma_wait3A_1841 : memref<1x128x32xf32, #tpu.memory_space<vmem>> -> memref<128x32xf32, #tpu.memory_space<vmem>>
    %dma_wait3A_1843 = arith.constant 0 : i32
    %dma_wait3A_1844 = arith.constant 0 : i32
    %dma_wait3A_1845 = tpu.memref_slice %arg4[%add3A_1837, %dma_wait3A_1843, %dma_wait3A_1844] : memref<832x128x32xf32, #tpu.memory_space<hbm>> -> memref<1x128x32xf32, #tpu.memory_space<hbm>>
    %dma_wait3A_1846 = tpu.memref_squeeze %dma_wait3A_1845 : memref<1x128x32xf32, #tpu.memory_space<hbm>> -> memref<128x32xf32, #tpu.memory_space<hbm>>
    %dma_wait3A_1847 = arith.constant 0 : i32
    %dma_wait3A_1848 = arith.constant 0 : i32
    %dma_wait3A_1849 = tpu.memref_slice %arg4[%add3A_1837, %dma_wait3A_1847, %dma_wait3A_1848] : memref<832x128x32xf32, #tpu.memory_space<hbm>> -> memref<1x128x32xf32, #tpu.memory_space<hbm>>
    %dma_wait3A_1850 = tpu.memref_squeeze %dma_wait3A_1849 : memref<1x128x32xf32, #tpu.memory_space<hbm>> -> memref<128x32xf32, #tpu.memory_space<hbm>>
    %dma_wait3A_1851 = arith.constant 0 : i32
    %dma_wait3A_1852 = arith.constant 0 : i32
    %dma_wait3A_1853 = tpu.memref_slice %arg9[%dma_wait3A_1838, %dma_wait3A_1851, %dma_wait3A_1852] : memref<2x128x32xf32, #tpu.memory_space<vmem>> -> memref<1x128x32xf32, #tpu.memory_space<vmem>>
    %dma_wait3A_1854 = tpu.memref_squeeze %dma_wait3A_1853 : memref<1x128x32xf32, #tpu.memory_space<vmem>> -> memref<128x32xf32, #tpu.memory_space<vmem>>
    tpu.wait_dma2 semaphore(%arg14 : memref<!tpu.dma_semaphore, #tpu.memory_space<semaphore_mem>>) src(%dma_wait3A_1854 : memref<128x32xf32, #tpu.memory_space<vmem>>) dst(%dma_wait3A_1850 : memref<128x32xf32, #tpu.memory_space<hbm>>)
    %add3A_1855 = arith.constant 25 : i32
    %add3A_1856 = arith.addi %mul3A_2, %add3A_1855 : i32
    %dma_wait3A_1857 = arith.constant 1 : i32
    %dma_wait3A_1858 = arith.constant 0 : i32
    %dma_wait3A_1859 = arith.constant 0 : i32
    %dma_wait3A_1860 = tpu.memref_slice %arg9[%dma_wait3A_1857, %dma_wait3A_1858, %dma_wait3A_1859] : memref<2x128x32xf32, #tpu.memory_space<vmem>> -> memref<1x128x32xf32, #tpu.memory_space<vmem>>
    %dma_wait3A_1861 = tpu.memref_squeeze %dma_wait3A_1860 : memref<1x128x32xf32, #tpu.memory_space<vmem>> -> memref<128x32xf32, #tpu.memory_space<vmem>>
    %dma_wait3A_1862 = arith.constant 0 : i32
    %dma_wait3A_1863 = arith.constant 0 : i32
    %dma_wait3A_1864 = tpu.memref_slice %arg4[%add3A_1856, %dma_wait3A_1862, %dma_wait3A_1863] : memref<832x128x32xf32, #tpu.memory_space<hbm>> -> memref<1x128x32xf32, #tpu.memory_space<hbm>>
    %dma_wait3A_1865 = tpu.memref_squeeze %dma_wait3A_1864 : memref<1x128x32xf32, #tpu.memory_space<hbm>> -> memref<128x32xf32, #tpu.memory_space<hbm>>
    %dma_wait3A_1866 = arith.constant 0 : i32
    %dma_wait3A_1867 = arith.constant 0 : i32
    %dma_wait3A_1868 = tpu.memref_slice %arg4[%add3A_1856, %dma_wait3A_1866, %dma_wait3A_1867] : memref<832x128x32xf32, #tpu.memory_space<hbm>> -> memref<1x128x32xf32, #tpu.memory_space<hbm>>
    %dma_wait3A_1869 = tpu.memref_squeeze %dma_wait3A_1868 : memref<1x128x32xf32, #tpu.memory_space<hbm>> -> memref<128x32xf32, #tpu.memory_space<hbm>>
    %dma_wait3A_1870 = arith.constant 0 : i32
    %dma_wait3A_1871 = arith.constant 0 : i32
    %dma_wait3A_1872 = tpu.memref_slice %arg9[%dma_wait3A_1857, %dma_wait3A_1870, %dma_wait3A_1871] : memref<2x128x32xf32, #tpu.memory_space<vmem>> -> memref<1x128x32xf32, #tpu.memory_space<vmem>>
    %dma_wait3A_1873 = tpu.memref_squeeze %dma_wait3A_1872 : memref<1x128x32xf32, #tpu.memory_space<vmem>> -> memref<128x32xf32, #tpu.memory_space<vmem>>
    tpu.wait_dma2 semaphore(%arg16 : memref<!tpu.dma_semaphore, #tpu.memory_space<semaphore_mem>>) src(%dma_wait3A_1873 : memref<128x32xf32, #tpu.memory_space<vmem>>) dst(%dma_wait3A_1869 : memref<128x32xf32, #tpu.memory_space<hbm>>)
    return
  }
}

</mosaic_0001>

<sc_bundles>
// kernel: _run.3.cloned.1.call-start
scs
__scs_entry_jumppad:
0x0: {  	(pc) =	sbr.rel $0x88, $3  }
0x1: {  	(tag) =	ssettag $0x0;
	lr =	simm.s32 $0x1  }
0x2: {  	[smem:$0x3F9F] =	sst lr;
	_ =	strace $0xD0000000  }
0x3: {  	_ = 	snop  }
0x4: {  	_ = 	snop  }
0x5: {  	_ = 	snop  }
0x6: {  	_ = 	snop  }
0x7: {  	_ = 	snop  }
__scs_overlays_trampoline_lowered:
0x8: {  	[smem:$0x3FAE] =	sst s0  }
0x9: {  	[smem:$0x3FAF] =	sst s1  }
0xa: {  	[smem:$0x3FB0] =	sst s2  }
0xb: {  	[smem:$0x3FB1] =	sst s3  }
0xc: {  	[smem:$0x3FB2] =	sst s4  }
0xd: {  	[smem:$0x3FB3] =	sst s5  }
0xe: {  	[smem:$0x3FB4] =	sst s6  }
0xf: {  	[smem:$0x3FB5] =	sst s7  }
0x10: {  	[smem:$0x3FB6] =	sst s8  }
0x11: {  	[smem:$0x3FB7] =	sst s9;
	s0 =	simm.s32 @!p0 $0x0  }
0x12: {  	s1 =	sld [smem:$0x3F9D];
	s0 =	simm.s32 @p0 $0x1  }
0x13: {  	[smem:$0x3FB8] =	sst s0;
	s0 =	simm.s32 @!p1 $0x0  }
0x14: {  	s2 =	sld [smem:$0x3F9C];
	s0 =	simm.s32 @p1 $0x1  }
0x15: {  	[smem:$0x3FB9] =	sst s0;
	s0 =	simm.s32 @!p2 $0x0  }
0x16: {  	s3 =	sld [smem:$0x3FDB];
	s0 =	simm.s32 @p2 $0x1  }
0x17: {  	s4 =	simm.s32 $0x1BF5;
	[smem:$0x3FBB] =	sst s0  }
0x18: {  	s0 =	sld [smem:$0x3F9E];
	_ =	swait.ge [sflag:s4], $0x0  }
0x19: {  	s7 =	sld [smem:$0x3F9F]  }
0x1a: {  	s8 =	sadd.s32 $0xFFFFE003, lr  }
0x1b: {  	s9 =	sadd.s32 $0xFFFFFEF7, lr;
	s5 =	simm.s32 $0xFFFFFFFF;
	p2 =	slt.u32 s8, $0xFFFFF086  }
0x1c: {  	p1 =	slt.u32 s9, $0xF7A;
	s5 =	simm.s32 @!p2 $0x0  }
0x1d: {  	s5 =	simm.s32 @p1 $0x1;
	p0 =	seq.s32 s7, s2  }
0x1e: {  	s7 =	smul.u32 @!p0 $0xF7A, s2;
	p2 =	seq.s32 @!p0 s5, $0x0  }
0x1f: {  	s9 =	smul.u32 $0xF7A, s1;
	s8 =	simm.s32 @!p0 $0x1BF5;
	p2 =	por !p2, p0  }
0x20: {  	[sflag:s8] =	ssyncset.s32 @!p0 $0xFFFFF086;
	s6 =	sadd.s32 @!p0 s3, s7;
	s7 =	simm.s32 @!p0 $0x108  }
0x21: {  	s3 =	sadd.s32 s3, s9;
	s6 =	sadd.s32 @!p0 $0x88, s6;
	s7 =	simm.s32 @p2 $0x1082  }
0x22: {  	[simem:s7], [sflag:s8] =	dma.local @!p0 [hbm:s6], $0xF7A  }
0x23: {  	s9 =	sor.u32 $0xD0000000, s2;
	s6 =	simm.s32 $0x108;
	_ =	swait.ge @!p0 [sflag:s8], $0x0  }
0x24: {  	s3 =	sadd.s32 $0x88, s3;
	s6 =	simm.s32 @!p1 $0x1082;
	[sflag:s4] =	ssyncset.s32 $0xFFFFF086  }
0x25: {  	[simem:s6], [sflag:s4] =	dma.local [hbm:s3], $0xF7A  }
0x26: {  	[smem:$0x3F9F] =	sst s1;
	(tag) =	ssettag s2;
	_ =	strace s9  }
0x27: {  	s1 =	sld [smem:$0x3FAF]  }
0x28: {  	s2 =	sld [smem:$0x3FB0]  }
0x29: {  	s4 =	sld [smem:$0x3FB2]  }
0x2a: {  	p0 =	seq.s32 s5, $0x0;
	s5 =	sld [smem:$0x3FB3]  }
0x2b: {  	s6 =	sld [smem:$0x3FB4]  }
0x2c: {  	s7 =	sld [smem:$0x3FB5]  }
0x2d: {  	s3 =	simm.s32 $0x108;
	s8 =	sld [smem:$0x3FB6]  }
0x2e: {  	s3 =	simm.s32 @!p0 $0x1082;
	s9 =	sld [smem:$0x3FB7]  }
0x2f: {  	lr =	sadd.s32 s0, s3;
	s0 =	sld [smem:$0x3FAE]  }
0x30: {  	s3 =	sld [smem:$0x3FB1]  }
0x31: {  	[smem:$0x3FBA] =	sst s10  }
0x32: {  	s10 =	sld [smem:$0x3FB8];
	_ =	sdelay $0x3  }
0x33: {  	p0 =	seq.s32 s10, $0x1;
	s10 =	sld [smem:$0x3FBA];
	_ =	sdelay $0x3  }
0x34: {  	[smem:$0x3FBA] =	sst s10  }
0x35: {  	s10 =	sld [smem:$0x3FB9];
	_ =	sdelay $0x3  }
0x36: {  	p1 =	seq.s32 s10, $0x1;
	s10 =	sld [smem:$0x3FBA];
	_ =	sdelay $0x3  }
0x37: {  	[smem:$0x3FBA] =	sst s10  }
0x38: {  	s10 =	sld [smem:$0x3FBB]  }
0x39: {  	_ = 	snop;
	(pc) =	sbr.ind lr, $3  }
0x3a: {  	_ = 	snop  }
0x3b: {  	_ = 	snop  }
0x3c: {  	p2 =	seq.s32 s10, $0x1;
	s10 =	sld [smem:$0x3FBA]  }
0x3d: {  	_ =	shalt  }
0x3e: {  	_ =	shalt  }
0x3f: {  	_ =	shalt  }
0x40: {  	_ =	shalt  }
0x41: {  	_ =	shalt  }
0x42: {  	_ =	shalt  }
0x43: {  	_ =	shalt  }
0x44: {  	_ =	shalt  }
0x45: {  	_ =	shalt  }
0x46: {  	_ =	shalt  }
0x47: {  	_ =	shalt  }
0x48: {  	_ =	shalt  }
0x49: {  	_ =	shalt  }
0x4a: {  	_ =	shalt  }
0x4b: {  	_ =	shalt  }
0x4c: {  	_ =	shalt  }
0x4d: {  	_ =	shalt  }
0x4e: {  	_ =	shalt  }
0x4f: {  	_ =	shalt  }
0x50: {  	_ =	shalt  }
0x51: {  	_ =	shalt  }
0x52: {  	_ =	shalt  }
0x53: {  	_ =	shalt  }
0x54: {  	_ =	shalt  }
0x55: {  	_ =	shalt  }
0x56: {  	_ =	shalt  }
0x57: {  	_ =	shalt  }
0x58: {  	_ =	shalt  }
0x59: {  	_ =	shalt  }
0x5a: {  	_ =	shalt  }
0x5b: {  	_ =	shalt  }
0x5c: {  	_ =	shalt  }
0x5d: {  	_ =	shalt  }
0x5e: {  	_ =	shalt  }
0x5f: {  	_ =	shalt  }
0x60: {  	_ =	shalt  }
0x61: {  	_ =	shalt  }
0x62: {  	_ =	shalt  }
0x63: {  	_ =	shalt  }
0x64: {  	_ =	shalt  }
0x65: {  	_ =	shalt  }
0x66: {  	_ =	shalt  }
0x67: {  	_ =	shalt  }
0x68: {  	_ =	shalt  }
0x69: {  	_ =	shalt  }
0x6a: {  	_ =	shalt  }
0x6b: {  	_ =	shalt  }
0x6c: {  	_ =	shalt  }
0x6d: {  	_ =	shalt  }
0x6e: {  	_ =	shalt  }
0x6f: {  	_ =	shalt  }
0x70: {  	_ =	shalt  }
0x71: {  	_ =	shalt  }
0x72: {  	_ =	shalt  }
0x73: {  	_ =	shalt  }
0x74: {  	_ =	shalt  }
0x75: {  	_ =	shalt  }
0x76: {  	_ =	shalt  }
0x77: {  	_ =	shalt  }
0x78: {  	_ =	shalt  }
0x79: {  	_ =	shalt  }
0x7a: {  	_ =	shalt  }
0x7b: {  	_ =	shalt  }
0x7c: {  	_ =	shalt  }
0x7d: {  	_ =	shalt  }
0x7e: {  	_ =	shalt  }
0x7f: {  	_ =	shalt  }
0x80: {  	_ =	shalt  }
0x81: {  	_ =	shalt  }
0x82: {  	_ =	shalt  }
0x83: {  	_ =	shalt  }
0x84: {  	_ =	shalt  }
0x85: {  	_ =	shalt  }
0x86: {  	_ =	shalt  }
0x87: {  	_ =	shalt  }
.Lfunc_end0:
.L_simem_size_0:
called_computation_lowered:
.L_overlay_start_0:
0x88: {  	s2 =	sld [smem:$0x3FD9]  }
0x89: {  	s3 =	sld [smem:$0x3FFE];
	_ =	sdelay $0x1  }
0x8a: {  	s1 =	srdreg.scid  }
0x8b: {  	s0 =	sand.u32 $0x1, s1  }
0x8c: {  	s14 =	sshll.u32 s0, $0xA;
	s2 =	sadd.s32 s3, s2  }
0x8d: {  	s2 =	sadd.s32 s2, s14  }
0x8e: {  	[smem:$0x3FC6] =	sst s2  }
0x8f: {  	_ = 	snop  }
0x90: {  	s2 =	sld [smem:$0x3FD0];
	_ =	sdelay $0x2  }
0x91: {  	s4 =	simm.s32 $0xA;
	s5 =	simm.s32 $0x10;
	s15 =	sld [smem:$0x3FC8]  }
0x92: {  	[smem:s5], [sflag:s4] =	dma.local [hbm:s2], $0x1  }
0x93: {  	_ =	swait.eq [sflag:s4], $0x1  }
0x94: {  	[sflag:s4] =	ssyncset.done $0x0  }
0x95: {  	s16 =	sld [smem:$0x10];
	[sflag:s4] =	ssyncadd.s32 $0xFFFFFFFF  }
0x96: {  	s17 =	sld [smem:$0x11];
	(tm) =	ssettm $0x1  }
0x97: {  	s18 =	sld [smem:$0x3FFB];
	_ =	sdelay $0x3  }
0x98: {  	_ =	strace s18  }
0x99: {  	s5 =	sld [smem:$0x3FFC];
	_ =	sdelay $0x3  }
0x9a: {  	_ =	strace s5  }
0x9b: {  	s5 =	sld [smem:$0x3FFD];
	_ =	sdelay $0x3  }
0x9c: {  	_ =	strace s5  }
0x9d: {  	_ =	strace $0x8FFFFFFF  }
0x9e: {  	s19 =	sld [smem:$0x3FDB];
	_ =	sdelay $0x1  }
0x9f: {  	s6 =	simm.s32 $_scs_section_size  }
0xa0: {  	s7 =	simm.s32 $_size__tile_overlayer_lowered;
	s8 =	simm.s32 $_tile_overlayer_lowered  }
0xa1: {  	s22 =	simm.s32 $0x1BFF;
	s21 =	sshll.u32 s8, $0x1;
	s5 =	sadd.s32 s6, s19  }
0xa2: {  	s9 =	simm.s32 $0x0;
	s20 =	sshll.u32 s7, $0x1;
	s7 =	sadd.s32 s21, s5  }
0xa3: {  	[timem:s9], [sflag:s22] =	dma.local [hbm:s7], s20  }
0xa4: {  	_ =	swait.ge [sflag:s22], s20  }
0xa5: {  	s6 =	ssub.s32 $0x0, s20;
	[sflag:s22] =	ssyncset.done $0x0  }
0xa6: {  	[sflag:s22] =	ssyncadd.s32 s6;
	_ =	sdelay $0x1  }
0xa7: {  	s23 =	simm.s32 $0x1B8B  }
0xa8: {  	_ =	swait.ge [sflag:s23], $0x1  }
0xa9: {  	[sflag:s23] =	ssyncset.done $0x0  }
0xaa: {  	s25 =	simm.s32 $0x1B8E;
	s24 =	sld [smem:$0x3FFE];
	[sflag:s23] =	ssyncadd.s32 $0xFFFFFFFF  }
0xab: {  	s26 =	simm.s32 $execute0_lowered;
	[smem:$0x3FD2] =	sst s25  }
0xac: {  	s7 =	sshll.u32 s26, $0x1;
	_ =	strace $0x80000046;
	[dreg:$0x1] =	wrdreg $0xFFFFFFFF  }
0xad: {  	s28 =	simm.s32 $_size_execute0_lowered;
	s5 =	sadd.s32 s5, s7;
	[dreg:$0x0] =	wrdreg $0x0  }
0xae: {  	s7 =	sshll.u32 s28, $0x1;
	[dreg:$0x2] =	wrdreg s5  }
0xaf: {  	[dreg:$0x3] =	wrdreg s7  }
0xb0: {  	[dreg:$0x4] =	wrdreg $0xC0  }
0xb1: {  	_ =	task [dreg:s9], $0x5FFFF  }
0xb2: {  	[dreg:$0x1] =	wrdreg $0xFFFFFFFF  }
0xb3: {  	[dreg:$0x0] =	wrdreg $0x60  }
0xb4: {  	[dreg:$0x2] =	wrdreg s24  }
0xb5: {  	[dreg:$0x3] =	wrdreg s15  }
0xb6: {  	[dreg:$0x4] =	wrdreg s16  }
0xb7: {  	[dreg:$0x5] =	wrdreg s17  }
0xb8: {  	[dreg:$0x6] =	wrdreg $0xD3C00  }
0xb9: {  	[dreg:$0x7] =	wrdreg $0x9  }
0xba: {  	_ =	task.clear_ibuf [dreg:s9], $0x8FFFF;
	_ =	strace $0x90000046  }
0xbb: {  	s29 =	simm.s32 $0x9;
	_ =	strace $0x80000048  }
0xbc: {  	_ =	swait.ge [sflag:s29], $0x1  }
0xbd: {  	[sflag:s29] =	ssyncadd.s32 $0xFFFFFFFF  }
0xbe: {  	_ =	strace $0x90000048  }
0xbf: {  	_ =	sfence  }
0xc0: {  	s30 =	sld [smem:$0x0];
	_ =	sdelay $0x2  }
0xc1: {  	s31 =	sshll.u32 s1, $0xD;
	s1 =	sshrl.u32 s1, $0x2  }
0xc2: {  	s3 =	sand.u32 $0x4000, s31;
	s1 =	sadd.s32 s1, s30  }
0xc3: {  	s0 =	sor.u32 s3, s0;
	s1 =	sshll.u32 s1, $0x11  }
0xc4: {  	s0 =	sor.u32 s1, s0  }
0xc5: {  	s0 =	sadd.s32 $0x8F2B, s0  }
0xc6: {  	[sflag:s0] =	ssyncadd.remote.s32 $0x1  }
0xc7: {  	_ =	sfence.sel $0xFFFF  }
0xc8: {  	[dreg:$0x0] =	wrdreg $0xFFFFFFFF;
	(pc) =	sbr.abs _section_cstart, $3  }
0xc9: {  	[dreg:$0x1] =	wrdreg $0xFFFFFFFF  }
0xca: {  	_ =	task.clear_ibuf [dreg:s9], $0x2FFFF;
	_ =	strace $0x9FFFFFFF  }
0xcb: {  	(tm) =	ssettm $0x7FFFFFFF  }
tec
execute0_lowered:
.L_overlay_start_1:
0x0: {  	(tag) =	ssettag $0x1  }
0x1: {  	s0 =	rddreg [dreg:$0x0]  }
0x2: {  	s1 =	rddreg [dreg:$0x1]  }
0x3: {  	s2 =	rddreg [dreg:$0x2]  }
0x4: {  	s4 =	rddreg [dreg:$0x3];
	s5 =	srdreg.scid  }
0x5: {  	s13 =	stileid.u32;
	s3 =	rddreg [dreg:$0x4]  }
0x6: {  	s28 =	simm.s32 $0x0;
	s5 =	sand.u32 $0x1, s5;
	s10 =	smul.u32 $0x1A00, s13  }
0x7: {  	s6 =	sshll.u32 s13, $0x1;
	[smem:$0x7FF] =	sst s28;
	s16 =	smul.u32 $0x3D400, s13  }
0x8: {  	s0 =	sadd.s32 $0x800, s0;
	s18 =	smul.u32 $0xF500, s13;
	s7 =	sor.u32 s5, s6  }
0x9: {  	p1 =	seq.s32 s13, $0xF;
	_ =	strace $0x80000047;
	s8 =	smul.u32 $0x1A0, s7  }
0xa: {  	s17 =	sshrl.u32 s10, $0x3;
	s6 =	sshrl.u32 s16, $0x2;
	s19 =	smul.u32 $0x1A000, s7  }
0xb: {  	s20 =	sshrl.u32 s18, $0x3;
	s6 =	sadd.s32 s6, s3;
	s8 =	sadd.s32 s0, s8  }
0xc: {  	s0 =	sadd.s32 s0, s17;
	s13 =	sadd.s32 $0x4980, s6;
	[dreg:$0x6] =	wrdreg s8  }
0xd: {  	s22 =	sshrl.u32 s19, $0x3;
	s0 =	sadd.s32 $0x1A0, s0;
	[smem:$0x7F0] =	sst s13  }
0xe: {  	[dreg:$0x7] =	wrdreg s0;
	s0 =	sadd.s32 s4, s20;
	s4 =	sadd.s32 $0x1CB60, s4  }
0xf: {  	[dreg:$0x9] =	wrdreg s4;
	s4 =	sadd.s32 s2, s22  }
0x10: {  	[dreg:$0x8] =	wrdreg s0;
	s23 =	sadd.s32 $0x400, s4  }
0x11: {  	s24 =	sadd.s32 $0x600, s4;
	[dreg:$0xa] =	wrdreg s23  }
0x12: {  	s21 =	smul.u32 $0x3400, s7;
	s25 =	sadd.s32 $0x800, s4;
	[dreg:$0xb] =	wrdreg s24  }
0x13: {  	s26 =	sadd.s32 $0xA00, s4;
	[dreg:$0xc] =	wrdreg s25  }
0x14: {  	s10 =	sadd.s32 s2, s21;
	s2 =	sadd.s32 $0xC00, s4;
	[dreg:$0xd] =	wrdreg s26  }
0x15: {  	s7 =	sadd.s32 $0xE00, s4;
	[dreg:$0xe] =	wrdreg s2  }
0x16: {  	s15 =	ssub.s32 $0x2, s5;
	s8 =	sadd.s32 $0x1000, s4;
	[dreg:$0xf] =	wrdreg s7  }
0x17: {  	s9 =	sshrl.u32 s15, $0x1;
	s14 =	sadd.s32 $0x1200, s4;
	[dreg:$0x10] =	wrdreg s8  }
0x18: {  	s9 =	ssub.s32 s15, s9;
	s15 =	sadd.s32 $0x1400, s4;
	[dreg:$0x11] =	wrdreg s14  }
0x19: {  	s16 =	sadd.s32 $0x1600, s4;
	[dreg:$0x12] =	wrdreg s15  }
0x1a: {  	s17 =	sadd.s32 $0x1800, s4;
	[dreg:$0x13] =	wrdreg s16  }
0x1b: {  	s11 =	sadd.s32 s18, s3;
	s18 =	sadd.s32 $0x1A00, s4;
	[dreg:$0x14] =	wrdreg s17  }
0x1c: {  	s19 =	sadd.s32 $0x1C00, s4;
	[dreg:$0x15] =	wrdreg s18  }
0x1d: {  	s12 =	sadd.s32 $0xE5B00, s3;
	s20 =	sadd.s32 $0x1E00, s4;
	[dreg:$0x16] =	wrdreg s19  }
0x1e: {  	s21 =	sadd.s32 $0x2000, s4;
	s22 =	sadd.s32 $0x2200, s4;
	[dreg:$0x17] =	wrdreg s20  }
0x1f: {  	s29 =	sadd.s32 $0x2600, s4;
	s30 =	sadd.s32 $0x2800, s4;
	[dreg:$0x18] =	wrdreg s21  }
0x20: {  	s31 =	sadd.s32 $0x2A00, s4;
	s0 =	sadd.s32 $0x2E00, s4;
	[dreg:$0x19] =	wrdreg s22  }
0x21: {  	s23 =	sadd.s32 $0x2400, s4;
	s2 =	sadd.s32 $0x2C00, s4;
	s7 =	sadd.s32 $0x3000, s4  }
0x22: {  	s8 =	sadd.s32 $0x3200, s4;
	s4 =	sshrl.u32 @p1 s12, $0x3;
	[dreg:$0x1a] =	wrdreg s23  }
0x23: {  	s24 =	sadd.s32 $0xC40, s6;
	[dreg:$0x1b] =	wrdreg s4  }
0x24: {  	s25 =	sadd.s32 $0x1880, s6;
	[dreg:$0x1d] =	wrdreg s24  }
0x25: {  	s26 =	sadd.s32 $0x24C0, s6;
	[dreg:$0x1e] =	wrdreg s25  }
0x26: {  	s12 =	sadd.s32 $0x3D40, s6;
	[dreg:$0x1f] =	wrdreg s26  }
0x27: {  	s14 =	sadd.s32 $0x55C0, s6;
	[smem:$0x7EF] =	sst s12  }
0x28: {  	s15 =	sadd.s32 $0x6200, s6;
	[smem:$0x7F1] =	sst s14  }
0x29: {  	s16 =	sadd.s32 $0x6E40, s6;
	[smem:$0x7F2] =	sst s15  }
0x2a: {  	s17 =	sadd.s32 $0x7A80, s6;
	[smem:$0x7F3] =	sst s16  }
0x2b: {  	s18 =	sadd.s32 $0x86C0, s6;
	[smem:$0x7F4] =	sst s17  }
0x2c: {  	p0 =	sne.s32 s5, $0x0;
	s19 =	sadd.s32 $0x9300, s6;
	[smem:$0x7F5] =	sst s18  }
0x2d: {  	s5 =	simm.s32 $0x4;
	s20 =	sadd.s32 $0x9F40, s6;
	[smem:$0x7F6] =	sst s19  }
0x2e: {  	s9 =	smax.u32 s9, $0x1;
	s21 =	sadd.s32 $0xAB80, s6;
	[smem:$0x7F7] =	sst s20  }
0x2f: {  	s13 =	simm.s32 $0xC780;
	s22 =	sadd.s32 $0xB7C0, s6;
	[smem:$0x7F8] =	sst s21  }
0x30: {  	s4 =	sshrl.u32 @!p1 s11, $0x3;
	s11 =	sadd.s32 $0x3100, s6;
	[smem:$0x7F9] =	sst s22  }
0x31: {  	s23 =	sadd.s32 $0xC400, s6;
	s24 =	sadd.s32 $0xD040, s6;
	s25 =	sadd.s32 $0xDC80, s6  }
0x32: {  	s26 =	sadd.s32 $0xE8C0, s6;
	s12 =	simm.s32 $0x2700;
	[dreg:$0x1c] =	wrdreg s4  }
0x33: {  	s14 =	simm.s32 $0xC700;
	s15 =	simm.s32 $0x6700;
	[smem:$0x7EE] =	sst s11  }
0x34: {  	s16 =	simm.s32 $0x1;
	s17 =	simm.s32 $0xA700;
	[smem:$0x7FA] =	sst s23  }
0x35: {  	s18 =	simm.s32 $0xB700;
	s19 =	simm.s32 $0x2;
	[smem:$0x7FB] =	sst s24  }
0x36: {  	s20 =	simm.s32 $0x3;
	s21 =	simm.s32 $0x0;
	[smem:$0x7FC] =	sst s25  }
0x37: {  	v0 =	vimm.s32 $0x0;
	v1 =	vimm.s32 $0x1;
	v2 =	vlaneseq.u32;
	s4 =	sadd.s32 $0x200, s10;
	[smem:$0x7FD] =	sst s26;
	s11 =	simm.s32 $0x80  }
.LBB2_1:
0x38: {  	s22 =	rddreg [dreg:$0x6]  }
0x39: {  	[tilespmem:s28], [sflag:$0x4] =	stream.linear.gather [hbm4b:s22+s28], $0xD00, $0x38;
	[tilespmem:$0x1C8C0] =	vst v63  }
0x3a: {  	_ =	swait.ge [sflag:s5], $0xD00  }
0x3b: {  	[sflag:s5] =	ssyncset.done $0x0  }
0x3c: {  	s22 =	simm.s32 $0x0;
	[sflag:s5] =	ssyncadd.s32 $0xFFFFF300  }
0x3d: {  	v3 =	vld [tilespmem:s22+$0x0];
	_ =	sdelay $0x4  }
0x3e: {  	v4 =	vshra.s32 v3, $0x1F  }
0x3f: {  	v4 =	vshrl.u32 v4, $0xE  }
0x40: {  	v4 =	vadd.s32 v4, v3  }
0x41: {  	s23 =	simm.s32 $0x10;
	v5 =	vand.u32 $0x3FFFF, v3;
	v4 =	vshrl.u32 v4, $0x12  }
0x42: {  	vm1 =	vne.s32 v5, $0x0;
	v5 =	vsub.s32 $0x0, v4;
	v4 =	vld [tilespmem:s23+$0x0]  }
0x43: {  	vm0 =	vlt.s32 v3, $0x1  }
0x44: {  	vm0 =	vmand vm0, vm1  }
0x45: {  	v6 =	vsel vm0, $0x1, v0  }
0x46: {  	s24 =	simm.s32 $0x80;
	v5 =	vadd.s32 v6, v5  }
.LBB2_2:
0x47: {  	s25 =	sshra.s32 s24, $0x2;
	p2 =	sne.s32 s24, $0x33C0;
	s24 =	sadd.s32 $0x40, s24;
	v6 =	vshra.s32 v4, $0x1F;
	v5 =	vshll.u32 v5, $0x12  }
.Ltmp0:
0x48: {  	v7 =	vand.u32 $0x3FFFF, v4;
	v6 =	vshrl.u32 v6, $0xE;
	v5 =	vadd.s32 v3, v5;
	v3 =	vmovc v4;
	v4 =	vld [tilespmem:s25+$0x0];
	(pc) =	sbr.rel @p2 .LBB2_2-.Ltmp0, $4  }
0x49: {  	vm1 =	vne.s32 v7, $0x0;
	v6 =	vadd.s32 v6, v3;
	vm0 =	vlt.s32 v3, $0x1;
	[tilespmem:s22+$0x1A00] =	vst v5;
	s22 =	smov.u32 s23;
	s23 =	smov.u32 s25  }
0x4a: {  	v5 =	vshrl.u32 v6, $0x12;
	vm0 =	vmand vm0, vm1  }
0x4b: {  	v5 =	vsub.s32 $0x0, v5;
	v6 =	vsel vm0, $0x1, v0  }
0x4c: {  	v5 =	vadd.s32 v6, v5  }
0x4d: {  	v6 =	vshra.s32 v4, $0x1F  }
0x4e: {  	v7 =	vand.u32 $0x3FFFF, v4;
	v6 =	vshrl.u32 v6, $0xE  }
0x4f: {  	vm0 =	vlt.s32 v4, $0x1;
	vm1 =	vne.s32 v7, $0x0;
	v6 =	vadd.s32 v6, v4  }
0x50: {  	vm0 =	vmand vm0, vm1;
	v6 =	vshrl.u32 v6, $0x12  }
0x51: {  	v62 =	vsel vm0, $0x1, v0;
	v6 =	vsub.s32 $0x0, v6  }
.Ltmp1:
0x52: {  	v5 =	vshll.u32 v5, $0x12;
	v6 =	vadd.s32 v62, v6;
	(pc) =	sbr.rel @p0 .LBB2_9-.Ltmp1, $4  }
0x53: {  	v3 =	vadd.s32 v3, v5;
	v63 =	vshll.u32 v6, $0x12  }
0x54: {  	[tilespmem:s22+$0x1A00] =	vst v3;
	v3 =	vadd.s32 v4, v63  }
0x55: {  	s26 =	simm.s32 $0x1A00;
	s22 =	simm.s32 $0x0;
	[tilespmem:s23+$0x1A00] =	vst v3  }
0x56: {  	[tilespmem:s12], [sflag:$0x1] =	stream.indirect.gather [hbm4b:s1+s11], $0x80, s26, s11, $0xb8;
	[tilespmem:$0x1C8C0] =	vst v63  }
0x57: {  	s23 =	simm.s32 $0x40;
	s24 =	simm.s32 $0x0  }
.LBB2_5:
0x58: {  	p2 =	sne.s32 s23, $0x30C0;
	[tilespmem:s24+$0xC780] =	vst v0;
	s24 =	smov.u32 s23;
	s23 =	sadd.s32 $0x40, s23  }
.Ltmp2:
0x59: {  	(pc) =	sbr.rel @p2 .LBB2_5-.Ltmp2, $2  }
0x5a: {  	_ =	sdelay $0x2  }
0x5b: {  	s24 =	sshra.s32 s24, $0x2  }
0x5c: {  	[tilespmem:s24+$0xC780] =	vst v0  }
0x5d: {  	[spmem:s6] =	stream.linear.scatter [tilespmem:s13], [sflag:$0x4], $0xC40, $0x38;
	[tilespmem:$0x1C8C0] =	vst v63  }
0x5e: {  	_ =	swait.ge [sflag:s5], $0xC40  }
0x5f: {  	[sflag:s5] =	ssyncset.done $0x0  }
0x60: {  	s23 =	rddreg [dreg:$0x1d];
	[sflag:s5] =	ssyncadd.s32 $0xFFFFF3C0  }
0x61: {  	[spmem:s23] =	stream.linear.scatter [tilespmem:s13], [sflag:$0x4], $0xC40, $0x38;
	[tilespmem:$0x1C8C0] =	vst v63  }
0x62: {  	_ =	swait.ge [sflag:s5], $0xC40  }
0x63: {  	[sflag:s5] =	ssyncset.done $0x0  }
0x64: {  	s24 =	rddreg [dreg:$0x1e];
	[sflag:s5] =	ssyncadd.s32 $0xFFFFF3C0  }
0x65: {  	[spmem:s24] =	stream.linear.scatter [tilespmem:s13], [sflag:$0x4], $0xC40, $0x38;
	[tilespmem:$0x1C8C0] =	vst v63  }
0x66: {  	_ =	swait.ge [sflag:s5], $0xC40  }
0x67: {  	[sflag:s5] =	ssyncset.done $0x0  }
0x68: {  	s25 =	rddreg [dreg:$0x1f];
	[sflag:s5] =	ssyncadd.s32 $0xFFFFF3C0  }
0x69: {  	[spmem:s25] =	stream.linear.scatter [tilespmem:s13], [sflag:$0x4], $0xC40, $0x38;
	[tilespmem:$0x1C8C0] =	vst v63  }
0x6a: {  	_ =	swait.ge [sflag:s5], $0xC40  }
0x6b: {  	s26 =	sld [smem:$0x7EE]  }
0x6c: {  	[sflag:s5] =	ssyncset.done $0x0  }
0x6d: {  	[sflag:s5] =	ssyncadd.s32 $0xFFFFF3C0  }
0x6e: {  	[spmem:s26] =	stream.linear.scatter [tilespmem:s13], [sflag:$0x4], $0xC40, $0x38;
	[tilespmem:$0x1C8C0] =	vst v63  }
0x6f: {  	_ =	swait.ge [sflag:s5], $0xC40  }
0x70: {  	s28 =	sld [smem:$0x7EF]  }
0x71: {  	[sflag:s5] =	ssyncset.done $0x0  }
0x72: {  	[sflag:s5] =	ssyncadd.s32 $0xFFFFF3C0  }
0x73: {  	[spmem:s28] =	stream.linear.scatter [tilespmem:s13], [sflag:$0x4], $0xC40, $0x38;
	[tilespmem:$0x1C8C0] =	vst v63  }
0x74: {  	_ =	swait.ge [sflag:s5], $0xC40  }
0x75: {  	s24 =	sld [smem:$0x7F0]  }
0x76: {  	[sflag:s5] =	ssyncset.done $0x0  }
0x77: {  	[sflag:s5] =	ssyncadd.s32 $0xFFFFF3C0  }
0x78: {  	[spmem:s24] =	stream.linear.scatter [tilespmem:s13], [sflag:$0x4], $0xC40, $0x38;
	[tilespmem:$0x1C8C0] =	vst v63  }
0x79: {  	_ =	swait.ge [sflag:s5], $0xC40  }
0x7a: {  	s25 =	sld [smem:$0x7F1]  }
0x7b: {  	[sflag:s5] =	ssyncset.done $0x0  }
0x7c: {  	[sflag:s5] =	ssyncadd.s32 $0xFFFFF3C0  }
0x7d: {  	[spmem:s25] =	stream.linear.scatter [tilespmem:s13], [sflag:$0x4], $0xC40, $0x38;
	[tilespmem:$0x1C8C0] =	vst v63  }
0x7e: {  	_ =	swait.ge [sflag:s5], $0xC40  }
0x7f: {  	s26 =	sld [smem:$0x7F2]  }
0x80: {  	[sflag:s5] =	ssyncset.done $0x0  }
0x81: {  	[sflag:s5] =	ssyncadd.s32 $0xFFFFF3C0  }
0x82: {  	[spmem:s26] =	stream.linear.scatter [tilespmem:s13], [sflag:$0x4], $0xC40, $0x38;
	[tilespmem:$0x1C8C0] =	vst v63  }
0x83: {  	_ =	swait.ge [sflag:s5], $0xC40  }
0x84: {  	s28 =	sld [smem:$0x7F3]  }
0x85: {  	[sflag:s5] =	ssyncset.done $0x0  }
0x86: {  	[sflag:s5] =	ssyncadd.s32 $0xFFFFF3C0  }
0x87: {  	[spmem:s28] =	stream.linear.scatter [tilespmem:s13], [sflag:$0x4], $0xC40, $0x38;
	[tilespmem:$0x1C8C0] =	vst v63  }
0x88: {  	_ =	swait.ge [sflag:s5], $0xC40  }
0x89: {  	s24 =	sld [smem:$0x7F4]  }
0x8a: {  	[sflag:s5] =	ssyncset.done $0x0  }
0x8b: {  	[sflag:s5] =	ssyncadd.s32 $0xFFFFF3C0  }
0x8c: {  	[spmem:s24] =	stream.linear.scatter [tilespmem:s13], [sflag:$0x4], $0xC40, $0x38;
	[tilespmem:$0x1C8C0] =	vst v63  }
0x8d: {  	_ =	swait.ge [sflag:s5], $0xC40  }
0x8e: {  	s25 =	sld [smem:$0x7F5]  }
0x8f: {  	[sflag:s5] =	ssyncset.done $0x0  }
0x90: {  	[sflag:s5] =	ssyncadd.s32 $0xFFFFF3C0  }
0x91: {  	[spmem:s25] =	stream.linear.scatter [tilespmem:s13], [sflag:$0x4], $0xC40, $0x38;
	[tilespmem:$0x1C8C0] =	vst v63  }
0x92: {  	_ =	swait.ge [sflag:s5], $0xC40  }
0x93: {  	s26 =	sld [smem:$0x7F6]  }
0x94: {  	[sflag:s5] =	ssyncset.done $0x0  }
0x95: {  	[sflag:s5] =	ssyncadd.s32 $0xFFFFF3C0  }
0x96: {  	[spmem:s26] =	stream.linear.scatter [tilespmem:s13], [sflag:$0x4], $0xC40, $0x38;
	[tilespmem:$0x1C8C0] =	vst v63  }
0x97: {  	_ =	swait.ge [sflag:s5], $0xC40  }
0x98: {  	s28 =	sld [smem:$0x7F7]  }
0x99: {  	[sflag:s5] =	ssyncset.done $0x0  }
0x9a: {  	[sflag:s5] =	ssyncadd.s32 $0xFFFFF3C0  }
0x9b: {  	[spmem:s28] =	stream.linear.scatter [tilespmem:s13], [sflag:$0x4], $0xC40, $0x38;
	[tilespmem:$0x1C8C0] =	vst v63  }
0x9c: {  	_ =	swait.ge [sflag:s5], $0xC40  }
0x9d: {  	s24 =	sld [smem:$0x7F8]  }
0x9e: {  	[sflag:s5] =	ssyncset.done $0x0  }
0x9f: {  	[sflag:s5] =	ssyncadd.s32 $0xFFFFF3C0  }
0xa0: {  	[spmem:s24] =	stream.linear.scatter [tilespmem:s13], [sflag:$0x4], $0xC40, $0x38;
	[tilespmem:$0x1C8C0] =	vst v63  }
0xa1: {  	_ =	swait.ge [sflag:s5], $0xC40  }
0xa2: {  	s25 =	sld [smem:$0x7F9]  }
0xa3: {  	[sflag:s5] =	ssyncset.done $0x0  }
0xa4: {  	[sflag:s5] =	ssyncadd.s32 $0xFFFFF3C0  }
0xa5: {  	[spmem:s25] =	stream.linear.scatter [tilespmem:s13], [sflag:$0x4], $0xC40, $0x38;
	[tilespmem:$0x1C8C0] =	vst v63  }
0xa6: {  	_ =	swait.ge [sflag:s5], $0xC40  }
0xa7: {  	s26 =	sld [smem:$0x7FA]  }
0xa8: {  	[sflag:s5] =	ssyncset.done $0x0  }
0xa9: {  	[sflag:s5] =	ssyncadd.s32 $0xFFFFF3C0  }
0xaa: {  	[spmem:s26] =	stream.linear.scatter [tilespmem:s13], [sflag:$0x4], $0xC40, $0x38;
	[tilespmem:$0x1C8C0] =	vst v63  }
0xab: {  	_ =	swait.ge [sflag:s5], $0xC40  }
0xac: {  	s28 =	sld [smem:$0x7FB]  }
0xad: {  	[sflag:s5] =	ssyncset.done $0x0  }
0xae: {  	[sflag:s5] =	ssyncadd.s32 $0xFFFFF3C0  }
0xaf: {  	[spmem:s28] =	stream.linear.scatter [tilespmem:s13], [sflag:$0x4], $0xC40, $0x38;
	[tilespmem:$0x1C8C0] =	vst v63  }
0xb0: {  	_ =	swait.ge [sflag:s5], $0xC40  }
0xb1: {  	s24 =	sld [smem:$0x7FC]  }
0xb2: {  	[sflag:s5] =	ssyncset.done $0x0  }
0xb3: {  	[sflag:s5] =	ssyncadd.s32 $0xFFFFF3C0  }
0xb4: {  	[spmem:s24] =	stream.linear.scatter [tilespmem:s13], [sflag:$0x4], $0xC40, $0x38;
	[tilespmem:$0x1C8C0] =	vst v63  }
0xb5: {  	_ =	swait.ge [sflag:s5], $0xC40  }
0xb6: {  	s25 =	sld [smem:$0x7FD]  }
0xb7: {  	[sflag:s5] =	ssyncset.done $0x0  }
0xb8: {  	[sflag:s5] =	ssyncadd.s32 $0xFFFFF3C0  }
0xb9: {  	[spmem:s25] =	stream.linear.scatter [tilespmem:s13], [sflag:$0x4], $0xC40, $0x38;
	[tilespmem:$0x1C8C0] =	vst v63  }
0xba: {  	_ =	swait.ge [sflag:s5], $0xC40  }
0xbb: {  	[sflag:s5] =	ssyncset.done $0x0  }
0xbc: {  	[sflag:s5] =	ssyncadd.s32 $0xFFFFF3C0  }
0xbd: {  	[tilespmem:$0xC700] =	vst v1  }
0xbe: {  	[tilespmem:$0xC710] =	vst v1  }
0xbf: {  	[tilespmem:$0xC720] =	vst v1  }
0xc0: {  	[tilespmem:$0xC730] =	vst v1  }
0xc1: {  	p2 =	por $0x0, $0x0;
	s23 =	simm.s32 $0x7FFFE6;
	[tilespmem:$0xC740] =	vst v1  }
0xc2: {  	s23 =	simm.s32 @!p2 $0x0;
	[tilespmem:$0xC750] =	vst v1  }
0xc3: {  	s23 =	sadd.s32 $0x0, s23;
	[tilespmem:$0xC760] =	vst v1  }
0xc4: {  	s26 =	simm.s32 $0x0;
	s25 =	simm.s32 $0xD00;
	s28 =	rddreg [dreg:$0x7];
	[tilespmem:$0xC770] =	vst v1  }
0xc5: {  	[tilespmem:s25], [sflag:$0x4] =	stream.linear.gather [hbm4b:s28+s26], $0xD00, $0x38;
	[tilespmem:$0x1C8C0] =	vst v63  }
0xc6: {  	s23 =	sshll.u32 s23, $0x9;
	_ =	swait.ge [sflag:s5], $0xD00  }
0xc7: {  	s23 =	sshra.s32 s23, $0x2;
	s24 =	simm.s32 $0xD00;
	[sflag:s5] =	ssyncset.done $0x0  }
0xc8: {  	s24 =	simm.s32 @!p2 $0x0;
	p2 =	por $0x0, $0x0;
	[sflag:s5] =	ssyncadd.s32 $0xFFFFF300  }
0xc9: {  	s23 =	sadd.s32 s23, s24;
	s24 =	simm.s32 $0x7FFFE6;
	[bflag:$0x0] =	sbarrier.arrive $0xFFFF  }
0xca: {  	[spmem:s3] =	stream.indirect.scatter.add.s32 [tilespmem:s14], [sflag:$0x4], $0x1, s23, s11, $0xb8;
	[tilespmem:$0x1C8C0] =	vst v63  }
0xcb: {  	s24 =	simm.s32 @!p2 $0x0;
	_ =	swait.ge [sflag:s5], $0x80  }
0xcc: {  	s24 =	sadd.s32 $0x1, s24;
	s23 =	simm.s32 $0x2;
	[sflag:s5] =	ssyncset.done $0x0  }
.LBB2_7:
0xcd: {  	s24 =	sshll.u32 s24, $0x9;
	[sflag:s5] =	ssyncadd.s32 $0xFFFFFF80  }
0xce: {  	s25 =	smov.u32 s23;
	s26 =	sadd.s32 $0x1, s23;
	s28 =	simm.s32 $0xD00  }
0xcf: {  	p3 =	sne.s32 s23, $0x33;
	s28 =	simm.s32 @!p2 $0x0;
	s24 =	sshra.s32 s24, $0x2  }
.Ltmp3:
0xd0: {  	p2 =	sgt.u32 s25, $0x19;
	s23 =	sadd.s32 s24, s28;
	(pc) =	sbr.rel @p3 .LBB2_7-.Ltmp3, $4  }
0xd1: {  	[spmem:s3] =	stream.indirect.scatter.add.s32 [tilespmem:s14], [sflag:$0x4], $0x1, s23, s11, $0xb8;
	[tilespmem:$0x1C8C0] =	vst v63  }
0xd2: {  	s23 =	simm.s32 $0x7FFFE6  }
0xd3: {  	s23 =	simm.s32 @!p2 $0x0;
	_ =	swait.ge [sflag:s5], $0x80  }
0xd4: {  	s24 =	sadd.s32 s25, s23;
	[sflag:s5] =	ssyncset.done $0x0;
	s23 =	smov.u32 s26  }
0xd5: {  	s23 =	sshll.u32 s24, $0x9;
	s24 =	simm.s32 $0xD00  }
0xd6: {  	s24 =	simm.s32 @!p2 $0x0;
	s23 =	sshra.s32 s23, $0x2  }
0xd7: {  	[sflag:s5] =	ssyncadd.s32 $0xFFFFFF80;
	s23 =	sadd.s32 s23, s24  }
0xd8: {  	[spmem:s3] =	stream.indirect.scatter.add.s32 [tilespmem:s14], [sflag:$0x4], $0x1, s23, s11, $0xb8;
	[tilespmem:$0x1C8C0] =	vst v63  }
0xd9: {  	_ =	swait.ge [sflag:s5], $0x80  }
0xda: {  	[sflag:s5] =	ssyncset.done $0x0  }
0xdb: {  	[sflag:s5] =	ssyncadd.s32 $0xFFFFFF80  }
0xdc: {  	[bflag:$0x0] =	sbarrier.arrive $0xFFFF  }
0xdd: {  	s24 =	rddreg [dreg:$0x9]  }
0xde: {  	s23 =	simm.s32 @p1 $0x1FC4;
	s25 =	rddreg [dreg:$0x1b]  }
0xdf: {  	[hbm:s24], [sflag:s23] =	dma.local @p1 [spmem:s25], $0x1CE8  }
0xe0: {  	s23 =	simm.s32 @p1 $0x4  }
0xe1: {  	s24 =	stileid.u32;
	_ =	swait.ge @p1 [sflag:s23], $0x1CE8  }
0xe2: {  	s24 =	sshll.u32 @!p1 s24, $0x6;
	[sflag:s23] =	ssyncset.done @p1 $0x0;
	s25 =	rddreg [dreg:$0x1c]  }
0xe3: {  	[sflag:s23] =	ssyncadd.s32 @p1 $0xFFFFE318;
	s23 =	sor.u32 @!p1 $0x1C04, s24;
	s24 =	rddreg [dreg:$0x8]  }
0xe4: {  	[hbm:s24], [sflag:s23] =	dma.local @!p1 [spmem:s25], $0x1EA0  }
0xe5: {  	s23 =	simm.s32 @!p1 $0x4  }
0xe6: {  	_ =	swait.ge @!p1 [sflag:s23], $0x1EA0  }
0xe7: {  	[sflag:s23] =	ssyncset.done @!p1 $0x0  }
0xe8: {  	s28 =	simm.s32 $0x0;
	[sflag:s23] =	ssyncadd.s32 @!p1 $0xFFFFE160  }
.LBB2_9:
0xe9: {  	s23 =	simm.s32 $0x1A80  }
0xea: {  	[tilespmem:s15], [sflag:$0x1] =	stream.indirect.gather [hbm4b:s1+s11], $0x80, s23, s11, $0xb8;
	[tilespmem:$0x1C8C0] =	vst v63  }
0xeb: {  	_ =	swait.ge [sflag:s16], $0x4000  }
0xec: {  	[sflag:s16] =	ssyncset.done $0x0  }
0xed: {  	s23 =	simm.s32 $0x0;
	[sflag:s16] =	ssyncadd.s32 $0xFFFFC000  }
.LBB2_10:
0xee: {  	s24 =	sshll.u32 s23, $0x4  }
0xef: {  	v3 =	vld [tilespmem:s24+$0x0];
	_ =	sdelay $0x4  }
0xf0: {  	v4 =	vshra.s32 v3, $0x1F;
	v5 =	vand.u32 $0x3FFFF, v3  }
0xf1: {  	vm0 =	vlt.s32 v3, $0x1;
	v4 =	vshrl.u32 v4, $0xE;
	vm1 =	vne.s32 v5, $0x0  }
0xf2: {  	v3 =	vadd.s32 v4, v3;
	vm0 =	vmand vm0, vm1  }
0xf3: {  	v3 =	vshra.s32 v3, $0x12;
	v4 =	vsel vm0, $0xFFFFFFFF, v0  }
0xf4: {  	v3 =	vadd.s32 v4, v3;
	v4 =	vor.u32 s24, v2  }
0xf5: {  	v6 =	vmov s22;
	v3 =	vshll.u32 v3, $0x5;
	v5 =	vshll.u32 v4, $0x7  }
0xf6: {  	v3 =	vadd.s32 v5, v3;
	v5 =	vand.u32 $0x1F, v6  }
0xf7: {  	v5 =	vor.u32 v5, v3;
	_ =	sdelay $0x3  }
0xf8: {  	s24 =	simm.s32 $0x1  }
0xf9: {  	s25 =	simm.s32 $0x2;
	s26 =	simm.s32 $0x0;
	v4 =	vshll.u32 v4, $0x5;
	v6 =	vmov s24;
	v5 =	vld.idx.msk [tilespmem:v5+s12+$0x0], $0xffff  }
.LBB2_11:
0xfa: {  	p2 =	sne.s32 s25, $0x1F;
	v6 =	vand.u32 $0x1F, v6;
	v7 =	vadd.s32 s26, v4;
	s26 =	smov.u32 s24;
	s24 =	smov.u32 s25  }
0xfb: {  	v8 =	vor.u32 v6, v3  }
.Ltmp4:
0xfc: {  	(pc) =	sbr.rel @p2 .LBB2_11-.Ltmp4, $3  }
0xfd: {  	_ =	sdelay $0x1  }
0xfe: {  	[tilespmem:v7+s17+$0x0] =	vst.idx.msk $0xffff, v5  }
0xff: {  	s25 =	sadd.s32 $0x1, s25;
	v6 =	vmov s24;
	v5 =	vld.idx.msk [tilespmem:v8+s12+$0x0], $0xffff  }
0x100: {  	v6 =	vand.u32 $0x1F, v6;
	v7 =	vadd.s32 s26, v4  }
0x101: {  	v3 =	vor.u32 v6, v3;
	_ =	sdelay $0x3  }
0x102: {  	s23 =	sadd.s32 $0x1, s23;
	[tilespmem:v7+s17+$0x0] =	vst.idx.msk $0xffff, v5  }
0x103: {  	v63 =	vadd.s32 s24, v4;
	p2 =	sne.s32 s23, $0x8;
	v3 =	vld.idx.msk [tilespmem:v3+s12+$0x0], $0xffff  }
.Ltmp5:
0x104: {  	_ = 	snop;
	(pc) =	sbr.rel @p2 .LBB2_10-.Ltmp5, $2  }
0x105: {  	_ =	sdelay $0x2  }
0x106: {  	[tilespmem:v63+s17+$0x0] =	vst.idx.msk $0xffff, v3  }
0x107: {  	s22 =	simm.s32 $0x0  }
0x108: {  	[hbm4b:s10+s22] =	stream.linear.scatter [tilespmem:s17], [sflag:$0x2], $0x1000, $0x38;
	[tilespmem:$0x1C8C0] =	vst v63  }
0x109: {  	s23 =	simm.s32 $0x1B00  }
0x10a: {  	[tilespmem:s12], [sflag:$0x1] =	stream.indirect.gather [hbm4b:s1+s11], $0x80, s23, s11, $0xb8;
	[tilespmem:$0x1C8C0] =	vst v63  }
0x10b: {  	_ =	swait.ge [sflag:s16], $0x4000  }
0x10c: {  	[sflag:s16] =	ssyncset.done $0x0  }
0x10d: {  	s23 =	simm.s32 $0x0;
	[sflag:s16] =	ssyncadd.s32 $0xFFFFC000  }
.LBB2_14:
0x10e: {  	s24 =	sshll.u32 s23, $0x4  }
0x10f: {  	v3 =	vld [tilespmem:s24+$0x80];
	_ =	sdelay $0x4  }
0x110: {  	v4 =	vshra.s32 v3, $0x1F;
	v5 =	vand.u32 $0x3FFFF, v3  }
0x111: {  	vm0 =	vlt.s32 v3, $0x1;
	v4 =	vshrl.u32 v4, $0xE;
	vm1 =	vne.s32 v5, $0x0  }
0x112: {  	v3 =	vadd.s32 v4, v3;
	vm0 =	vmand vm0, vm1  }
0x113: {  	v3 =	vshra.s32 v3, $0x12;
	v4 =	vsel vm0, $0xFFFFFFFF, v0  }
0x114: {  	v3 =	vadd.s32 v4, v3;
	v4 =	vor.u32 s24, v2  }
0x115: {  	v3 =	vshll.u32 v3, $0x5;
	v5 =	vshll.u32 v4, $0x7  }
0x116: {  	v3 =	vadd.s32 v3, v5;
	v5 =	vmov s22  }
0x117: {  	v3 =	vadd.s32 $0x4000, v3;
	v5 =	vand.u32 $0x1F, v5  }
0x118: {  	v5 =	vor.u32 v5, v3;
	_ =	sdelay $0x3  }
0x119: {  	s24 =	simm.s32 $0x1;
	v4 =	vshll.u32 v4, $0x5  }
0x11a: {  	s25 =	simm.s32 $0x2;
	s26 =	simm.s32 $0x0;
	v6 =	vmov s24;
	v4 =	vadd.s32 $0x1000, v4;
	v5 =	vld.idx.msk [tilespmem:v5+s12+$0x0], $0xffff  }
.LBB2_15:
0x11b: {  	p2 =	sne.s32 s25, $0x1F;
	v6 =	vand.u32 $0x1F, v6;
	v7 =	vadd.s32 s26, v4;
	s26 =	smov.u32 s24;
	s24 =	smov.u32 s25  }
0x11c: {  	v8 =	vor.u32 v6, v3  }
.Ltmp6:
0x11d: {  	(pc) =	sbr.rel @p2 .LBB2_15-.Ltmp6, $3  }
0x11e: {  	_ =	sdelay $0x1  }
0x11f: {  	[tilespmem:v7+s17+$0x0] =	vst.idx.msk $0xffff, v5  }
0x120: {  	s25 =	sadd.s32 $0x1, s25;
	v6 =	vmov s24;
	v5 =	vld.idx.msk [tilespmem:v8+s12+$0x0], $0xffff  }
0x121: {  	v6 =	vand.u32 $0x1F, v6;
	v7 =	vadd.s32 s26, v4  }
0x122: {  	v3 =	vor.u32 v6, v3;
	_ =	sdelay $0x3  }
0x123: {  	s23 =	sadd.s32 $0x1, s23;
	[tilespmem:v7+s17+$0x0] =	vst.idx.msk $0xffff, v5  }
0x124: {  	v63 =	vadd.s32 s24, v4;
	p2 =	sne.s32 s23, $0x8;
	v3 =	vld.idx.msk [tilespmem:v3+s12+$0x0], $0xffff  }
.Ltmp7:
0x125: {  	_ = 	snop;
	(pc) =	sbr.rel @p2 .LBB2_14-.Ltmp7, $2  }
0x126: {  	_ =	sdelay $0x2  }
0x127: {  	[tilespmem:v63+s17+$0x0] =	vst.idx.msk $0xffff, v3  }
0x128: {  	s22 =	simm.s32 $0x0  }
0x129: {  	[hbm4b:s4+s22] =	stream.linear.scatter [tilespmem:s18], [sflag:$0x3], $0x1000, $0x38;
	[tilespmem:$0x1C8C0] =	vst v63  }
0x12a: {  	s23 =	simm.s32 $0x1B80  }
0x12b: {  	[tilespmem:s15], [sflag:$0x1] =	stream.indirect.gather [hbm4b:s1+s11], $0x80, s23, s11, $0xb8;
	[tilespmem:$0x1C8C0] =	vst v63  }
0x12c: {  	_ =	swait.ge [sflag:s16], $0x4000  }
0x12d: {  	[sflag:s16] =	ssyncset.done $0x0  }
0x12e: {  	[sflag:s16] =	ssyncadd.s32 $0xFFFFC000  }
0x12f: {  	_ =	swait.ge [sflag:s19], $0x1000  }
0x130: {  	[sflag:s19] =	ssyncset.done $0x0  }
0x131: {  	s23 =	simm.s32 $0x0;
	[sflag:s19] =	ssyncadd.s32 $0xFFFFF000  }
.LBB2_18:
0x132: {  	s24 =	sshll.u32 s23, $0x4  }
0x133: {  	v3 =	vld [tilespmem:s24+$0x100];
	_ =	sdelay $0x4  }
0x134: {  	v4 =	vshra.s32 v3, $0x1F;
	v5 =	vand.u32 $0x3FFFF, v3  }
0x135: {  	vm0 =	vlt.s32 v3, $0x1;
	v4 =	vshrl.u32 v4, $0xE;
	vm1 =	vne.s32 v5, $0x0  }
0x136: {  	v3 =	vadd.s32 v4, v3;
	vm0 =	vmand vm0, vm1  }
0x137: {  	v3 =	vshra.s32 v3, $0x12;
	v4 =	vsel vm0, $0xFFFFFFFF, v0  }
0x138: {  	v3 =	vadd.s32 v4, v3;
	v4 =	vor.u32 s24, v2  }
0x139: {  	v6 =	vmov s22;
	v3 =	vshll.u32 v3, $0x5;
	v5 =	vshll.u32 v4, $0x7  }
0x13a: {  	v3 =	vadd.s32 v5, v3;
	v5 =	vand.u32 $0x1F, v6  }
0x13b: {  	v5 =	vor.u32 v5, v3;
	_ =	sdelay $0x3  }
0x13c: {  	s24 =	simm.s32 $0x1  }
0x13d: {  	s25 =	simm.s32 $0x2;
	s26 =	simm.s32 $0x0;
	v4 =	vshll.u32 v4, $0x5;
	v6 =	vmov s24;
	v5 =	vld.idx.msk [tilespmem:v5+s12+$0x0], $0xffff  }
.LBB2_19:
0x13e: {  	p2 =	sne.s32 s25, $0x1F;
	v6 =	vand.u32 $0x1F, v6;
	v7 =	vadd.s32 s26, v4;
	s26 =	smov.u32 s24;
	s24 =	smov.u32 s25  }
0x13f: {  	v8 =	vor.u32 v6, v3  }
.Ltmp8:
0x140: {  	(pc) =	sbr.rel @p2 .LBB2_19-.Ltmp8, $3  }
0x141: {  	_ =	sdelay $0x1  }
0x142: {  	[tilespmem:v7+s17+$0x0] =	vst.idx.msk $0xffff, v5  }
0x143: {  	s25 =	sadd.s32 $0x1, s25;
	v6 =	vmov s24;
	v5 =	vld.idx.msk [tilespmem:v8+s12+$0x0], $0xffff  }
0x144: {  	v6 =	vand.u32 $0x1F, v6;
	v7 =	vadd.s32 s26, v4  }
0x145: {  	v3 =	vor.u32 v6, v3;
	_ =	sdelay $0x3  }
0x146: {  	s23 =	sadd.s32 $0x1, s23;
	[tilespmem:v7+s17+$0x0] =	vst.idx.msk $0xffff, v5  }
0x147: {  	v63 =	vadd.s32 s24, v4;
	p2 =	sne.s32 s23, $0x8;
	v3 =	vld.idx.msk [tilespmem:v3+s12+$0x0], $0xffff  }
.Ltmp9:
0x148: {  	_ = 	snop;
	(pc) =	sbr.rel @p2 .LBB2_18-.Ltmp9, $2  }
0x149: {  	_ =	sdelay $0x2  }
0x14a: {  	[tilespmem:v63+s17+$0x0] =	vst.idx.msk $0xffff, v3  }
0x14b: {  	s22 =	simm.s32 $0x0;
	s23 =	rddreg [dreg:$0xa]  }
0x14c: {  	[hbm4b:s23+s22] =	stream.linear.scatter [tilespmem:s17], [sflag:$0x2], $0x1000, $0x38;
	[tilespmem:$0x1C8C0] =	vst v63  }
0x14d: {  	s26 =	simm.s32 $0x1C00  }
0x14e: {  	[tilespmem:s12], [sflag:$0x1] =	stream.indirect.gather [hbm4b:s1+s11], $0x80, s26, s11, $0xb8;
	[tilespmem:$0x1C8C0] =	vst v63  }
0x14f: {  	_ =	swait.ge [sflag:s16], $0x4000  }
0x150: {  	[sflag:s16] =	ssyncset.done $0x0  }
0x151: {  	[sflag:s16] =	ssyncadd.s32 $0xFFFFC000  }
0x152: {  	_ =	swait.ge [sflag:s20], $0x1000  }
0x153: {  	[sflag:s20] =	ssyncset.done $0x0  }
0x154: {  	s23 =	simm.s32 $0x0;
	[sflag:s20] =	ssyncadd.s32 $0xFFFFF000  }
.LBB2_22:
0x155: {  	s24 =	sshll.u32 s23, $0x4  }
0x156: {  	v3 =	vld [tilespmem:s24+$0x180];
	_ =	sdelay $0x4  }
0x157: {  	v4 =	vshra.s32 v3, $0x1F;
	v5 =	vand.u32 $0x3FFFF, v3  }
0x158: {  	vm0 =	vlt.s32 v3, $0x1;
	v4 =	vshrl.u32 v4, $0xE;
	vm1 =	vne.s32 v5, $0x0  }
0x159: {  	v3 =	vadd.s32 v4, v3;
	vm0 =	vmand vm0, vm1  }
0x15a: {  	v3 =	vshra.s32 v3, $0x12;
	v4 =	vsel vm0, $0xFFFFFFFF, v0  }
0x15b: {  	v3 =	vadd.s32 v4, v3;
	v4 =	vor.u32 s24, v2  }
0x15c: {  	v3 =	vshll.u32 v3, $0x5;
	v5 =	vshll.u32 v4, $0x7  }
0x15d: {  	v3 =	vadd.s32 v3, v5;
	v5 =	vmov s22  }
0x15e: {  	v3 =	vadd.s32 $0x4000, v3;
	v5 =	vand.u32 $0x1F, v5  }
0x15f: {  	v5 =	vor.u32 v5, v3;
	_ =	sdelay $0x3  }
0x160: {  	s24 =	simm.s32 $0x1;
	v4 =	vshll.u32 v4, $0x5  }
0x161: {  	s25 =	simm.s32 $0x2;
	s26 =	simm.s32 $0x0;
	v6 =	vmov s24;
	v4 =	vadd.s32 $0x1000, v4;
	v5 =	vld.idx.msk [tilespmem:v5+s12+$0x0], $0xffff  }
.LBB2_23:
0x162: {  	p2 =	sne.s32 s25, $0x1F;
	v6 =	vand.u32 $0x1F, v6;
	v7 =	vadd.s32 s26, v4;
	s26 =	smov.u32 s24;
	s24 =	smov.u32 s25  }
0x163: {  	v8 =	vor.u32 v6, v3  }
.Ltmp10:
0x164: {  	(pc) =	sbr.rel @p2 .LBB2_23-.Ltmp10, $3  }
0x165: {  	_ =	sdelay $0x1  }
0x166: {  	[tilespmem:v7+s17+$0x0] =	vst.idx.msk $0xffff, v5  }
0x167: {  	s25 =	sadd.s32 $0x1, s25;
	v6 =	vmov s24;
	v5 =	vld.idx.msk [tilespmem:v8+s12+$0x0], $0xffff  }
0x168: {  	v6 =	vand.u32 $0x1F, v6;
	v7 =	vadd.s32 s26, v4  }
0x169: {  	v3 =	vor.u32 v6, v3;
	_ =	sdelay $0x3  }
0x16a: {  	s23 =	sadd.s32 $0x1, s23;
	[tilespmem:v7+s17+$0x0] =	vst.idx.msk $0xffff, v5  }
0x16b: {  	v63 =	vadd.s32 s24, v4;
	p2 =	sne.s32 s23, $0x8;
	v3 =	vld.idx.msk [tilespmem:v3+s12+$0x0], $0xffff  }
.Ltmp11:
0x16c: {  	_ = 	snop;
	(pc) =	sbr.rel @p2 .LBB2_22-.Ltmp11, $2  }
0x16d: {  	_ =	sdelay $0x2  }
0x16e: {  	[tilespmem:v63+s17+$0x0] =	vst.idx.msk $0xffff, v3  }
0x16f: {  	s22 =	simm.s32 $0x0;
	s23 =	rddreg [dreg:$0xb]  }
0x170: {  	[hbm4b:s23+s22] =	stream.linear.scatter [tilespmem:s18], [sflag:$0x3], $0x1000, $0x38;
	[tilespmem:$0x1C8C0] =	vst v63  }
0x171: {  	s26 =	simm.s32 $0x1C80  }
0x172: {  	[tilespmem:s15], [sflag:$0x1] =	stream.indirect.gather [hbm4b:s1+s11], $0x80, s26, s11, $0xb8;
	[tilespmem:$0x1C8C0] =	vst v63  }
0x173: {  	_ =	swait.ge [sflag:s16], $0x4000  }
0x174: {  	[sflag:s16] =	ssyncset.done $0x0  }
0x175: {  	[sflag:s16] =	ssyncadd.s32 $0xFFFFC000  }
0x176: {  	_ =	swait.ge [sflag:s19], $0x1000  }
0x177: {  	[sflag:s19] =	ssyncset.done $0x0  }
0x178: {  	s23 =	simm.s32 $0x0;
	[sflag:s19] =	ssyncadd.s32 $0xFFFFF000  }
.LBB2_26:
0x179: {  	s24 =	sshll.u32 s23, $0x4  }
0x17a: {  	v3 =	vld [tilespmem:s24+$0x200];
	_ =	sdelay $0x4  }
0x17b: {  	v4 =	vshra.s32 v3, $0x1F;
	v5 =	vand.u32 $0x3FFFF, v3  }
0x17c: {  	vm0 =	vlt.s32 v3, $0x1;
	v4 =	vshrl.u32 v4, $0xE;
	vm1 =	vne.s32 v5, $0x0  }
0x17d: {  	v3 =	vadd.s32 v4, v3;
	vm0 =	vmand vm0, vm1  }
0x17e: {  	v3 =	vshra.s32 v3, $0x12;
	v4 =	vsel vm0, $0xFFFFFFFF, v0  }
0x17f: {  	v3 =	vadd.s32 v4, v3;
	v4 =	vor.u32 s24, v2  }
0x180: {  	v6 =	vmov s22;
	v3 =	vshll.u32 v3, $0x5;
	v5 =	vshll.u32 v4, $0x7  }
0x181: {  	v3 =	vadd.s32 v5, v3;
	v5 =	vand.u32 $0x1F, v6  }
0x182: {  	v5 =	vor.u32 v5, v3;
	_ =	sdelay $0x3  }
0x183: {  	s24 =	simm.s32 $0x1  }
0x184: {  	s25 =	simm.s32 $0x2;
	s26 =	simm.s32 $0x0;
	v4 =	vshll.u32 v4, $0x5;
	v6 =	vmov s24;
	v5 =	vld.idx.msk [tilespmem:v5+s12+$0x0], $0xffff  }
.LBB2_27:
0x185: {  	p2 =	sne.s32 s25, $0x1F;
	v6 =	vand.u32 $0x1F, v6;
	v7 =	vadd.s32 s26, v4;
	s26 =	smov.u32 s24;
	s24 =	smov.u32 s25  }
0x186: {  	v8 =	vor.u32 v6, v3  }
.Ltmp12:
0x187: {  	(pc) =	sbr.rel @p2 .LBB2_27-.Ltmp12, $3  }
0x188: {  	_ =	sdelay $0x1  }
0x189: {  	[tilespmem:v7+s17+$0x0] =	vst.idx.msk $0xffff, v5  }
0x18a: {  	s25 =	sadd.s32 $0x1, s25;
	v6 =	vmov s24;
	v5 =	vld.idx.msk [tilespmem:v8+s12+$0x0], $0xffff  }
0x18b: {  	v6 =	vand.u32 $0x1F, v6;
	v7 =	vadd.s32 s26, v4  }
0x18c: {  	v3 =	vor.u32 v6, v3;
	_ =	sdelay $0x3  }
0x18d: {  	s23 =	sadd.s32 $0x1, s23;
	[tilespmem:v7+s17+$0x0] =	vst.idx.msk $0xffff, v5  }
0x18e: {  	v63 =	vadd.s32 s24, v4;
	p2 =	sne.s32 s23, $0x8;
	v3 =	vld.idx.msk [tilespmem:v3+s12+$0x0], $0xffff  }
.Ltmp13:
0x18f: {  	_ = 	snop;
	(pc) =	sbr.rel @p2 .LBB2_26-.Ltmp13, $2  }
0x190: {  	_ =	sdelay $0x2  }
0x191: {  	[tilespmem:v63+s17+$0x0] =	vst.idx.msk $0xffff, v3  }
0x192: {  	s22 =	simm.s32 $0x0;
	s23 =	rddreg [dreg:$0xc]  }
0x193: {  	[hbm4b:s23+s22] =	stream.linear.scatter [tilespmem:s17], [sflag:$0x2], $0x1000, $0x38;
	[tilespmem:$0x1C8C0] =	vst v63  }
0x194: {  	s26 =	simm.s32 $0x1D00  }
0x195: {  	[tilespmem:s12], [sflag:$0x1] =	stream.indirect.gather [hbm4b:s1+s11], $0x80, s26, s11, $0xb8;
	[tilespmem:$0x1C8C0] =	vst v63  }
0x196: {  	_ =	swait.ge [sflag:s16], $0x4000  }
0x197: {  	[sflag:s16] =	ssyncset.done $0x0  }
0x198: {  	[sflag:s16] =	ssyncadd.s32 $0xFFFFC000  }
0x199: {  	_ =	swait.ge [sflag:s20], $0x1000  }
0x19a: {  	[sflag:s20] =	ssyncset.done $0x0  }
0x19b: {  	s23 =	simm.s32 $0x0;
	[sflag:s20] =	ssyncadd.s32 $0xFFFFF000  }
.LBB2_30:
0x19c: {  	s24 =	sshll.u32 s23, $0x4  }
0x19d: {  	v3 =	vld [tilespmem:s24+$0x280];
	_ =	sdelay $0x4  }
0x19e: {  	v4 =	vshra.s32 v3, $0x1F;
	v5 =	vand.u32 $0x3FFFF, v3  }
0x19f: {  	vm0 =	vlt.s32 v3, $0x1;
	v4 =	vshrl.u32 v4, $0xE;
	vm1 =	vne.s32 v5, $0x0  }
0x1a0: {  	v3 =	vadd.s32 v4, v3;
	vm0 =	vmand vm0, vm1  }
0x1a1: {  	v3 =	vshra.s32 v3, $0x12;
	v4 =	vsel vm0, $0xFFFFFFFF, v0  }
0x1a2: {  	v3 =	vadd.s32 v4, v3;
	v4 =	vor.u32 s24, v2  }
0x1a3: {  	v3 =	vshll.u32 v3, $0x5;
	v5 =	vshll.u32 v4, $0x7  }
0x1a4: {  	v3 =	vadd.s32 v3, v5;
	v5 =	vmov s22  }
0x1a5: {  	v3 =	vadd.s32 $0x4000, v3;
	v5 =	vand.u32 $0x1F, v5  }
0x1a6: {  	v5 =	vor.u32 v5, v3;
	_ =	sdelay $0x3  }
0x1a7: {  	s24 =	simm.s32 $0x1;
	v4 =	vshll.u32 v4, $0x5  }
0x1a8: {  	s25 =	simm.s32 $0x2;
	s26 =	simm.s32 $0x0;
	v6 =	vmov s24;
	v4 =	vadd.s32 $0x1000, v4;
	v5 =	vld.idx.msk [tilespmem:v5+s12+$0x0], $0xffff  }
.LBB2_31:
0x1a9: {  	p2 =	sne.s32 s25, $0x1F;
	v6 =	vand.u32 $0x1F, v6;
	v7 =	vadd.s32 s26, v4;
	s26 =	smov.u32 s24;
	s24 =	smov.u32 s25  }
0x1aa: {  	v8 =	vor.u32 v6, v3  }
.Ltmp14:
0x1ab: {  	(pc) =	sbr.rel @p2 .LBB2_31-.Ltmp14, $3  }
0x1ac: {  	_ =	sdelay $0x1  }
0x1ad: {  	[tilespmem:v7+s17+$0x0] =	vst.idx.msk $0xffff, v5  }
0x1ae: {  	s25 =	sadd.s32 $0x1, s25;
	v6 =	vmov s24;
	v5 =	vld.idx.msk [tilespmem:v8+s12+$0x0], $0xffff  }
0x1af: {  	v6 =	vand.u32 $0x1F, v6;
	v7 =	vadd.s32 s26, v4  }
0x1b0: {  	v3 =	vor.u32 v6, v3;
	_ =	sdelay $0x3  }
0x1b1: {  	s23 =	sadd.s32 $0x1, s23;
	[tilespmem:v7+s17+$0x0] =	vst.idx.msk $0xffff, v5  }
0x1b2: {  	v63 =	vadd.s32 s24, v4;
	p2 =	sne.s32 s23, $0x8;
	v3 =	vld.idx.msk [tilespmem:v3+s12+$0x0], $0xffff  }
.Ltmp15:
0x1b3: {  	_ = 	snop;
	(pc) =	sbr.rel @p2 .LBB2_30-.Ltmp15, $2  }
0x1b4: {  	_ =	sdelay $0x2  }
0x1b5: {  	[tilespmem:v63+s17+$0x0] =	vst.idx.msk $0xffff, v3  }
0x1b6: {  	s22 =	simm.s32 $0x0;
	s23 =	rddreg [dreg:$0xd]  }
0x1b7: {  	[hbm4b:s23+s22] =	stream.linear.scatter [tilespmem:s18], [sflag:$0x3], $0x1000, $0x38;
	[tilespmem:$0x1C8C0] =	vst v63  }
0x1b8: {  	s26 =	simm.s32 $0x1D80  }
0x1b9: {  	[tilespmem:s15], [sflag:$0x1] =	stream.indirect.gather [hbm4b:s1+s11], $0x80, s26, s11, $0xb8;
	[tilespmem:$0x1C8C0] =	vst v63  }
0x1ba: {  	_ =	swait.ge [sflag:s16], $0x4000  }
0x1bb: {  	[sflag:s16] =	ssyncset.done $0x0  }
0x1bc: {  	[sflag:s16] =	ssyncadd.s32 $0xFFFFC000  }
0x1bd: {  	_ =	swait.ge [sflag:s19], $0x1000  }
0x1be: {  	[sflag:s19] =	ssyncset.done $0x0  }
0x1bf: {  	s23 =	simm.s32 $0x0;
	[sflag:s19] =	ssyncadd.s32 $0xFFFFF000  }
.LBB2_34:
0x1c0: {  	s24 =	sshll.u32 s23, $0x4  }
0x1c1: {  	v3 =	vld [tilespmem:s24+$0x300];
	_ =	sdelay $0x4  }
0x1c2: {  	v4 =	vshra.s32 v3, $0x1F;
	v5 =	vand.u32 $0x3FFFF, v3  }
0x1c3: {  	vm0 =	vlt.s32 v3, $0x1;
	v4 =	vshrl.u32 v4, $0xE;
	vm1 =	vne.s32 v5, $0x0  }
0x1c4: {  	v3 =	vadd.s32 v4, v3;
	vm0 =	vmand vm0, vm1  }
0x1c5: {  	v3 =	vshra.s32 v3, $0x12;
	v4 =	vsel vm0, $0xFFFFFFFF, v0  }
0x1c6: {  	v3 =	vadd.s32 v4, v3;
	v4 =	vor.u32 s24, v2  }
0x1c7: {  	v6 =	vmov s22;
	v3 =	vshll.u32 v3, $0x5;
	v5 =	vshll.u32 v4, $0x7  }
0x1c8: {  	v3 =	vadd.s32 v5, v3;
	v5 =	vand.u32 $0x1F, v6  }
0x1c9: {  	v5 =	vor.u32 v5, v3;
	_ =	sdelay $0x3  }
0x1ca: {  	s24 =	simm.s32 $0x1  }
0x1cb: {  	s25 =	simm.s32 $0x2;
	s26 =	simm.s32 $0x0;
	v4 =	vshll.u32 v4, $0x5;
	v6 =	vmov s24;
	v5 =	vld.idx.msk [tilespmem:v5+s12+$0x0], $0xffff  }
.LBB2_35:
0x1cc: {  	p2 =	sne.s32 s25, $0x1F;
	v6 =	vand.u32 $0x1F, v6;
	v7 =	vadd.s32 s26, v4;
	s26 =	smov.u32 s24;
	s24 =	smov.u32 s25  }
0x1cd: {  	v8 =	vor.u32 v6, v3  }
.Ltmp16:
0x1ce: {  	(pc) =	sbr.rel @p2 .LBB2_35-.Ltmp16, $3  }
0x1cf: {  	_ =	sdelay $0x1  }
0x1d0: {  	[tilespmem:v7+s17+$0x0] =	vst.idx.msk $0xffff, v5  }
0x1d1: {  	s25 =	sadd.s32 $0x1, s25;
	v6 =	vmov s24;
	v5 =	vld.idx.msk [tilespmem:v8+s12+$0x0], $0xffff  }
0x1d2: {  	v6 =	vand.u32 $0x1F, v6;
	v7 =	vadd.s32 s26, v4  }
0x1d3: {  	v3 =	vor.u32 v6, v3;
	_ =	sdelay $0x3  }
0x1d4: {  	s23 =	sadd.s32 $0x1, s23;
	[tilespmem:v7+s17+$0x0] =	vst.idx.msk $0xffff, v5  }
0x1d5: {  	v63 =	vadd.s32 s24, v4;
	p2 =	sne.s32 s23, $0x8;
	v3 =	vld.idx.msk [tilespmem:v3+s12+$0x0], $0xffff  }
.Ltmp17:
0x1d6: {  	_ = 	snop;
	(pc) =	sbr.rel @p2 .LBB2_34-.Ltmp17, $2  }
0x1d7: {  	_ =	sdelay $0x2  }
0x1d8: {  	[tilespmem:v63+s17+$0x0] =	vst.idx.msk $0xffff, v3  }
0x1d9: {  	s22 =	simm.s32 $0x0;
	s23 =	rddreg [dreg:$0xe]  }
0x1da: {  	[hbm4b:s23+s22] =	stream.linear.scatter [tilespmem:s17], [sflag:$0x2], $0x1000, $0x38;
	[tilespmem:$0x1C8C0] =	vst v63  }
0x1db: {  	s26 =	simm.s32 $0x1E00  }
0x1dc: {  	[tilespmem:s12], [sflag:$0x1] =	stream.indirect.gather [hbm4b:s1+s11], $0x80, s26, s11, $0xb8;
	[tilespmem:$0x1C8C0] =	vst v63  }
0x1dd: {  	_ =	swait.ge [sflag:s16], $0x4000  }
0x1de: {  	[sflag:s16] =	ssyncset.done $0x0  }
0x1df: {  	[sflag:s16] =	ssyncadd.s32 $0xFFFFC000  }
0x1e0: {  	_ =	swait.ge [sflag:s20], $0x1000  }
0x1e1: {  	[sflag:s20] =	ssyncset.done $0x0  }
0x1e2: {  	s23 =	simm.s32 $0x0;
	[sflag:s20] =	ssyncadd.s32 $0xFFFFF000  }
.LBB2_38:
0x1e3: {  	s24 =	sshll.u32 s23, $0x4  }
0x1e4: {  	v3 =	vld [tilespmem:s24+$0x380];
	_ =	sdelay $0x4  }
0x1e5: {  	v4 =	vshra.s32 v3, $0x1F;
	v5 =	vand.u32 $0x3FFFF, v3  }
0x1e6: {  	vm0 =	vlt.s32 v3, $0x1;
	v4 =	vshrl.u32 v4, $0xE;
	vm1 =	vne.s32 v5, $0x0  }
0x1e7: {  	v3 =	vadd.s32 v4, v3;
	vm0 =	vmand vm0, vm1  }
0x1e8: {  	v3 =	vshra.s32 v3, $0x12;
	v4 =	vsel vm0, $0xFFFFFFFF, v0  }
0x1e9: {  	v3 =	vadd.s32 v4, v3;
	v4 =	vor.u32 s24, v2  }
0x1ea: {  	v3 =	vshll.u32 v3, $0x5;
	v5 =	vshll.u32 v4, $0x7  }
0x1eb: {  	v3 =	vadd.s32 v3, v5;
	v5 =	vmov s22  }
0x1ec: {  	v3 =	vadd.s32 $0x4000, v3;
	v5 =	vand.u32 $0x1F, v5  }
0x1ed: {  	v5 =	vor.u32 v5, v3;
	_ =	sdelay $0x3  }
0x1ee: {  	s24 =	simm.s32 $0x1;
	v4 =	vshll.u32 v4, $0x5  }
0x1ef: {  	s25 =	simm.s32 $0x2;
	s26 =	simm.s32 $0x0;
	v6 =	vmov s24;
	v4 =	vadd.s32 $0x1000, v4;
	v5 =	vld.idx.msk [tilespmem:v5+s12+$0x0], $0xffff  }
.LBB2_39:
0x1f0: {  	p2 =	sne.s32 s25, $0x1F;
	v6 =	vand.u32 $0x1F, v6;
	v7 =	vadd.s32 s26, v4;
	s26 =	smov.u32 s24;
	s24 =	smov.u32 s25  }
0x1f1: {  	v8 =	vor.u32 v6, v3  }
.Ltmp18:
0x1f2: {  	(pc) =	sbr.rel @p2 .LBB2_39-.Ltmp18, $3  }
0x1f3: {  	_ =	sdelay $0x1  }
0x1f4: {  	[tilespmem:v7+s17+$0x0] =	vst.idx.msk $0xffff, v5  }
0x1f5: {  	s25 =	sadd.s32 $0x1, s25;
	v6 =	vmov s24;
	v5 =	vld.idx.msk [tilespmem:v8+s12+$0x0], $0xffff  }
0x1f6: {  	v6 =	vand.u32 $0x1F, v6;
	v7 =	vadd.s32 s26, v4  }
0x1f7: {  	v3 =	vor.u32 v6, v3;
	_ =	sdelay $0x3  }
0x1f8: {  	s23 =	sadd.s32 $0x1, s23;
	[tilespmem:v7+s17+$0x0] =	vst.idx.msk $0xffff, v5  }
0x1f9: {  	v63 =	vadd.s32 s24, v4;
	p2 =	sne.s32 s23, $0x8;
	v3 =	vld.idx.msk [tilespmem:v3+s12+$0x0], $0xffff  }
.Ltmp19:
0x1fa: {  	_ = 	snop;
	(pc) =	sbr.rel @p2 .LBB2_38-.Ltmp19, $2  }
0x1fb: {  	_ =	sdelay $0x2  }
0x1fc: {  	[tilespmem:v63+s17+$0x0] =	vst.idx.msk $0xffff, v3  }
0x1fd: {  	s22 =	simm.s32 $0x0;
	s23 =	rddreg [dreg:$0xf]  }
0x1fe: {  	[hbm4b:s23+s22] =	stream.linear.scatter [tilespmem:s18], [sflag:$0x3], $0x1000, $0x38;
	[tilespmem:$0x1C8C0] =	vst v63  }
0x1ff: {  	s26 =	simm.s32 $0x1E80  }
0x200: {  	[tilespmem:s15], [sflag:$0x1] =	stream.indirect.gather [hbm4b:s1+s11], $0x80, s26, s11, $0xb8;
	[tilespmem:$0x1C8C0] =	vst v63  }
0x201: {  	_ =	swait.ge [sflag:s16], $0x4000  }
0x202: {  	[sflag:s16] =	ssyncset.done $0x0  }
0x203: {  	[sflag:s16] =	ssyncadd.s32 $0xFFFFC000  }
0x204: {  	_ =	swait.ge [sflag:s19], $0x1000  }
0x205: {  	[sflag:s19] =	ssyncset.done $0x0  }
0x206: {  	s23 =	simm.s32 $0x0;
	[sflag:s19] =	ssyncadd.s32 $0xFFFFF000  }
.LBB2_42:
0x207: {  	s24 =	sshll.u32 s23, $0x4  }
0x208: {  	v3 =	vld [tilespmem:s24+$0x400];
	_ =	sdelay $0x4  }
0x209: {  	v4 =	vshra.s32 v3, $0x1F;
	v5 =	vand.u32 $0x3FFFF, v3  }
0x20a: {  	vm0 =	vlt.s32 v3, $0x1;
	v4 =	vshrl.u32 v4, $0xE;
	vm1 =	vne.s32 v5, $0x0  }
0x20b: {  	v3 =	vadd.s32 v4, v3;
	vm0 =	vmand vm0, vm1  }
0x20c: {  	v3 =	vshra.s32 v3, $0x12;
	v4 =	vsel vm0, $0xFFFFFFFF, v0  }
0x20d: {  	v3 =	vadd.s32 v4, v3;
	v4 =	vor.u32 s24, v2  }
0x20e: {  	v6 =	vmov s22;
	v3 =	vshll.u32 v3, $0x5;
	v5 =	vshll.u32 v4, $0x7  }
0x20f: {  	v3 =	vadd.s32 v5, v3;
	v5 =	vand.u32 $0x1F, v6  }
0x210: {  	v5 =	vor.u32 v5, v3;
	_ =	sdelay $0x3  }
0x211: {  	s24 =	simm.s32 $0x1  }
0x212: {  	s25 =	simm.s32 $0x2;
	s26 =	simm.s32 $0x0;
	v4 =	vshll.u32 v4, $0x5;
	v6 =	vmov s24;
	v5 =	vld.idx.msk [tilespmem:v5+s12+$0x0], $0xffff  }
.LBB2_43:
0x213: {  	p2 =	sne.s32 s25, $0x1F;
	v6 =	vand.u32 $0x1F, v6;
	v7 =	vadd.s32 s26, v4;
	s26 =	smov.u32 s24;
	s24 =	smov.u32 s25  }
0x214: {  	v8 =	vor.u32 v6, v3  }
.Ltmp20:
0x215: {  	(pc) =	sbr.rel @p2 .LBB2_43-.Ltmp20, $3  }
0x216: {  	_ =	sdelay $0x1  }
0x217: {  	[tilespmem:v7+s17+$0x0] =	vst.idx.msk $0xffff, v5  }
0x218: {  	s25 =	sadd.s32 $0x1, s25;
	v6 =	vmov s24;
	v5 =	vld.idx.msk [tilespmem:v8+s12+$0x0], $0xffff  }
0x219: {  	v6 =	vand.u32 $0x1F, v6;
	v7 =	vadd.s32 s26, v4  }
0x21a: {  	v3 =	vor.u32 v6, v3;
	_ =	sdelay $0x3  }
0x21b: {  	s23 =	sadd.s32 $0x1, s23;
	[tilespmem:v7+s17+$0x0] =	vst.idx.msk $0xffff, v5  }
0x21c: {  	v63 =	vadd.s32 s24, v4;
	p2 =	sne.s32 s23, $0x8;
	v3 =	vld.idx.msk [tilespmem:v3+s12+$0x0], $0xffff  }
.Ltmp21:
0x21d: {  	_ = 	snop;
	(pc) =	sbr.rel @p2 .LBB2_42-.Ltmp21, $2  }
0x21e: {  	_ =	sdelay $0x2  }
0x21f: {  	[tilespmem:v63+s17+$0x0] =	vst.idx.msk $0xffff, v3  }
0x220: {  	s22 =	simm.s32 $0x0;
	s23 =	rddreg [dreg:$0x10]  }
0x221: {  	[hbm4b:s23+s22] =	stream.linear.scatter [tilespmem:s17], [sflag:$0x2], $0x1000, $0x38;
	[tilespmem:$0x1C8C0] =	vst v63  }
0x222: {  	s26 =	simm.s32 $0x1F00  }
0x223: {  	[tilespmem:s12], [sflag:$0x1] =	stream.indirect.gather [hbm4b:s1+s11], $0x80, s26, s11, $0xb8;
	[tilespmem:$0x1C8C0] =	vst v63  }
0x224: {  	_ =	swait.ge [sflag:s16], $0x4000  }
0x225: {  	[sflag:s16] =	ssyncset.done $0x0  }
0x226: {  	[sflag:s16] =	ssyncadd.s32 $0xFFFFC000  }
0x227: {  	_ =	swait.ge [sflag:s20], $0x1000  }
0x228: {  	[sflag:s20] =	ssyncset.done $0x0  }
0x229: {  	s23 =	simm.s32 $0x0;
	[sflag:s20] =	ssyncadd.s32 $0xFFFFF000  }
.LBB2_46:
0x22a: {  	s24 =	sshll.u32 s23, $0x4  }
0x22b: {  	v3 =	vld [tilespmem:s24+$0x480];
	_ =	sdelay $0x4  }
0x22c: {  	v4 =	vshra.s32 v3, $0x1F;
	v5 =	vand.u32 $0x3FFFF, v3  }
0x22d: {  	vm0 =	vlt.s32 v3, $0x1;
	v4 =	vshrl.u32 v4, $0xE;
	vm1 =	vne.s32 v5, $0x0  }
0x22e: {  	v3 =	vadd.s32 v4, v3;
	vm0 =	vmand vm0, vm1  }
0x22f: {  	v3 =	vshra.s32 v3, $0x12;
	v4 =	vsel vm0, $0xFFFFFFFF, v0  }
0x230: {  	v3 =	vadd.s32 v4, v3;
	v4 =	vor.u32 s24, v2  }
0x231: {  	v3 =	vshll.u32 v3, $0x5;
	v5 =	vshll.u32 v4, $0x7  }
0x232: {  	v3 =	vadd.s32 v3, v5;
	v5 =	vmov s22  }
0x233: {  	v3 =	vadd.s32 $0x4000, v3;
	v5 =	vand.u32 $0x1F, v5  }
0x234: {  	v5 =	vor.u32 v5, v3;
	_ =	sdelay $0x3  }
0x235: {  	s24 =	simm.s32 $0x1;
	v4 =	vshll.u32 v4, $0x5  }
0x236: {  	s25 =	simm.s32 $0x2;
	s26 =	simm.s32 $0x0;
	v6 =	vmov s24;
	v4 =	vadd.s32 $0x1000, v4;
	v5 =	vld.idx.msk [tilespmem:v5+s12+$0x0], $0xffff  }
.LBB2_47:
0x237: {  	p2 =	sne.s32 s25, $0x1F;
	v6 =	vand.u32 $0x1F, v6;
	v7 =	vadd.s32 s26, v4;
	s26 =	smov.u32 s24;
	s24 =	smov.u32 s25  }
0x238: {  	v8 =	vor.u32 v6, v3  }
.Ltmp22:
0x239: {  	(pc) =	sbr.rel @p2 .LBB2_47-.Ltmp22, $3  }
0x23a: {  	_ =	sdelay $0x1  }
0x23b: {  	[tilespmem:v7+s17+$0x0] =	vst.idx.msk $0xffff, v5  }
0x23c: {  	s25 =	sadd.s32 $0x1, s25;
	v6 =	vmov s24;
	v5 =	vld.idx.msk [tilespmem:v8+s12+$0x0], $0xffff  }
0x23d: {  	v6 =	vand.u32 $0x1F, v6;
	v7 =	vadd.s32 s26, v4  }
0x23e: {  	v3 =	vor.u32 v6, v3;
	_ =	sdelay $0x3  }
0x23f: {  	s23 =	sadd.s32 $0x1, s23;
	[tilespmem:v7+s17+$0x0] =	vst.idx.msk $0xffff, v5  }
0x240: {  	v63 =	vadd.s32 s24, v4;
	p2 =	sne.s32 s23, $0x8;
	v3 =	vld.idx.msk [tilespmem:v3+s12+$0x0], $0xffff  }
.Ltmp23:
0x241: {  	_ = 	snop;
	(pc) =	sbr.rel @p2 .LBB2_46-.Ltmp23, $2  }
0x242: {  	_ =	sdelay $0x2  }
0x243: {  	[tilespmem:v63+s17+$0x0] =	vst.idx.msk $0xffff, v3  }
0x244: {  	s22 =	simm.s32 $0x0;
	s23 =	rddreg [dreg:$0x11]  }
0x245: {  	[hbm4b:s23+s22] =	stream.linear.scatter [tilespmem:s18], [sflag:$0x3], $0x1000, $0x38;
	[tilespmem:$0x1C8C0] =	vst v63  }
0x246: {  	s26 =	simm.s32 $0x1F80  }
0x247: {  	[tilespmem:s15], [sflag:$0x1] =	stream.indirect.gather [hbm4b:s1+s11], $0x80, s26, s11, $0xb8;
	[tilespmem:$0x1C8C0] =	vst v63  }
0x248: {  	_ =	swait.ge [sflag:s16], $0x4000  }
0x249: {  	[sflag:s16] =	ssyncset.done $0x0  }
0x24a: {  	[sflag:s16] =	ssyncadd.s32 $0xFFFFC000  }
0x24b: {  	_ =	swait.ge [sflag:s19], $0x1000  }
0x24c: {  	[sflag:s19] =	ssyncset.done $0x0  }
0x24d: {  	s23 =	simm.s32 $0x0;
	[sflag:s19] =	ssyncadd.s32 $0xFFFFF000  }
.LBB2_50:
0x24e: {  	s24 =	sshll.u32 s23, $0x4  }
0x24f: {  	v3 =	vld [tilespmem:s24+$0x500];
	_ =	sdelay $0x4  }
0x250: {  	v4 =	vshra.s32 v3, $0x1F;
	v5 =	vand.u32 $0x3FFFF, v3  }
0x251: {  	vm0 =	vlt.s32 v3, $0x1;
	v4 =	vshrl.u32 v4, $0xE;
	vm1 =	vne.s32 v5, $0x0  }
0x252: {  	v3 =	vadd.s32 v4, v3;
	vm0 =	vmand vm0, vm1  }
0x253: {  	v3 =	vshra.s32 v3, $0x12;
	v4 =	vsel vm0, $0xFFFFFFFF, v0  }
0x254: {  	v3 =	vadd.s32 v4, v3;
	v4 =	vor.u32 s24, v2  }
0x255: {  	v6 =	vmov s22;
	v3 =	vshll.u32 v3, $0x5;
	v5 =	vshll.u32 v4, $0x7  }
0x256: {  	v3 =	vadd.s32 v5, v3;
	v5 =	vand.u32 $0x1F, v6  }
0x257: {  	v5 =	vor.u32 v5, v3;
	_ =	sdelay $0x3  }
0x258: {  	s24 =	simm.s32 $0x1  }
0x259: {  	s25 =	simm.s32 $0x2;
	s26 =	simm.s32 $0x0;
	v4 =	vshll.u32 v4, $0x5;
	v6 =	vmov s24;
	v5 =	vld.idx.msk [tilespmem:v5+s12+$0x0], $0xffff  }
.LBB2_51:
0x25a: {  	p2 =	sne.s32 s25, $0x1F;
	v6 =	vand.u32 $0x1F, v6;
	v7 =	vadd.s32 s26, v4;
	s26 =	smov.u32 s24;
	s24 =	smov.u32 s25  }
0x25b: {  	v8 =	vor.u32 v6, v3  }
.Ltmp24:
0x25c: {  	(pc) =	sbr.rel @p2 .LBB2_51-.Ltmp24, $3  }
0x25d: {  	_ =	sdelay $0x1  }
0x25e: {  	[tilespmem:v7+s17+$0x0] =	vst.idx.msk $0xffff, v5  }
0x25f: {  	s25 =	sadd.s32 $0x1, s25;
	v6 =	vmov s24;
	v5 =	vld.idx.msk [tilespmem:v8+s12+$0x0], $0xffff  }
0x260: {  	v6 =	vand.u32 $0x1F, v6;
	v7 =	vadd.s32 s26, v4  }
0x261: {  	v3 =	vor.u32 v6, v3;
	_ =	sdelay $0x3  }
0x262: {  	s23 =	sadd.s32 $0x1, s23;
	[tilespmem:v7+s17+$0x0] =	vst.idx.msk $0xffff, v5  }
0x263: {  	v63 =	vadd.s32 s24, v4;
	p2 =	sne.s32 s23, $0x8;
	v3 =	vld.idx.msk [tilespmem:v3+s12+$0x0], $0xffff  }
.Ltmp25:
0x264: {  	_ = 	snop;
	(pc) =	sbr.rel @p2 .LBB2_50-.Ltmp25, $2  }
0x265: {  	_ =	sdelay $0x2  }
0x266: {  	[tilespmem:v63+s17+$0x0] =	vst.idx.msk $0xffff, v3  }
0x267: {  	s22 =	simm.s32 $0x0;
	s23 =	rddreg [dreg:$0x12]  }
0x268: {  	[hbm4b:s23+s22] =	stream.linear.scatter [tilespmem:s17], [sflag:$0x2], $0x1000, $0x38;
	[tilespmem:$0x1C8C0] =	vst v63  }
0x269: {  	s26 =	simm.s32 $0x2000  }
0x26a: {  	[tilespmem:s12], [sflag:$0x1] =	stream.indirect.gather [hbm4b:s1+s11], $0x80, s26, s11, $0xb8;
	[tilespmem:$0x1C8C0] =	vst v63  }
0x26b: {  	_ =	swait.ge [sflag:s16], $0x4000  }
0x26c: {  	[sflag:s16] =	ssyncset.done $0x0  }
0x26d: {  	[sflag:s16] =	ssyncadd.s32 $0xFFFFC000  }
0x26e: {  	_ =	swait.ge [sflag:s20], $0x1000  }
0x26f: {  	[sflag:s20] =	ssyncset.done $0x0  }
0x270: {  	s23 =	simm.s32 $0x0;
	[sflag:s20] =	ssyncadd.s32 $0xFFFFF000  }
.LBB2_54:
0x271: {  	s24 =	sshll.u32 s23, $0x4  }
0x272: {  	v3 =	vld [tilespmem:s24+$0x580];
	_ =	sdelay $0x4  }
0x273: {  	v4 =	vshra.s32 v3, $0x1F;
	v5 =	vand.u32 $0x3FFFF, v3  }
0x274: {  	vm0 =	vlt.s32 v3, $0x1;
	v4 =	vshrl.u32 v4, $0xE;
	vm1 =	vne.s32 v5, $0x0  }
0x275: {  	v3 =	vadd.s32 v4, v3;
	vm0 =	vmand vm0, vm1  }
0x276: {  	v3 =	vshra.s32 v3, $0x12;
	v4 =	vsel vm0, $0xFFFFFFFF, v0  }
0x277: {  	v3 =	vadd.s32 v4, v3;
	v4 =	vor.u32 s24, v2  }
0x278: {  	v3 =	vshll.u32 v3, $0x5;
	v5 =	vshll.u32 v4, $0x7  }
0x279: {  	v3 =	vadd.s32 v3, v5;
	v5 =	vmov s22  }
0x27a: {  	v3 =	vadd.s32 $0x4000, v3;
	v5 =	vand.u32 $0x1F, v5  }
0x27b: {  	v5 =	vor.u32 v5, v3;
	_ =	sdelay $0x3  }
0x27c: {  	s24 =	simm.s32 $0x1;
	v4 =	vshll.u32 v4, $0x5  }
0x27d: {  	s25 =	simm.s32 $0x2;
	s26 =	simm.s32 $0x0;
	v6 =	vmov s24;
	v4 =	vadd.s32 $0x1000, v4;
	v5 =	vld.idx.msk [tilespmem:v5+s12+$0x0], $0xffff  }
.LBB2_55:
0x27e: {  	p2 =	sne.s32 s25, $0x1F;
	v6 =	vand.u32 $0x1F, v6;
	v7 =	vadd.s32 s26, v4;
	s26 =	smov.u32 s24;
	s24 =	smov.u32 s25  }
0x27f: {  	v8 =	vor.u32 v6, v3  }
.Ltmp26:
0x280: {  	(pc) =	sbr.rel @p2 .LBB2_55-.Ltmp26, $3  }
0x281: {  	_ =	sdelay $0x1  }
0x282: {  	[tilespmem:v7+s17+$0x0] =	vst.idx.msk $0xffff, v5  }
0x283: {  	s25 =	sadd.s32 $0x1, s25;
	v6 =	vmov s24;
	v5 =	vld.idx.msk [tilespmem:v8+s12+$0x0], $0xffff  }
0x284: {  	v6 =	vand.u32 $0x1F, v6;
	v7 =	vadd.s32 s26, v4  }
0x285: {  	v3 =	vor.u32 v6, v3;
	_ =	sdelay $0x3  }
0x286: {  	s23 =	sadd.s32 $0x1, s23;
	[tilespmem:v7+s17+$0x0] =	vst.idx.msk $0xffff, v5  }
0x287: {  	v63 =	vadd.s32 s24, v4;
	p2 =	sne.s32 s23, $0x8;
	v3 =	vld.idx.msk [tilespmem:v3+s12+$0x0], $0xffff  }
.Ltmp27:
0x288: {  	_ = 	snop;
	(pc) =	sbr.rel @p2 .LBB2_54-.Ltmp27, $2  }
0x289: {  	_ =	sdelay $0x2  }
0x28a: {  	[tilespmem:v63+s17+$0x0] =	vst.idx.msk $0xffff, v3  }
0x28b: {  	s22 =	simm.s32 $0x0;
	s23 =	rddreg [dreg:$0x13]  }
0x28c: {  	[hbm4b:s23+s22] =	stream.linear.scatter [tilespmem:s18], [sflag:$0x3], $0x1000, $0x38;
	[tilespmem:$0x1C8C0] =	vst v63  }
0x28d: {  	s26 =	simm.s32 $0x2080  }
0x28e: {  	[tilespmem:s15], [sflag:$0x1] =	stream.indirect.gather [hbm4b:s1+s11], $0x80, s26, s11, $0xb8;
	[tilespmem:$0x1C8C0] =	vst v63  }
0x28f: {  	_ =	swait.ge [sflag:s16], $0x4000  }
0x290: {  	[sflag:s16] =	ssyncset.done $0x0  }
0x291: {  	[sflag:s16] =	ssyncadd.s32 $0xFFFFC000  }
0x292: {  	_ =	swait.ge [sflag:s19], $0x1000  }
0x293: {  	[sflag:s19] =	ssyncset.done $0x0  }
0x294: {  	s23 =	simm.s32 $0x0;
	[sflag:s19] =	ssyncadd.s32 $0xFFFFF000  }
.LBB2_58:
0x295: {  	s24 =	sshll.u32 s23, $0x4  }
0x296: {  	v3 =	vld [tilespmem:s24+$0x600];
	_ =	sdelay $0x4  }
0x297: {  	v4 =	vshra.s32 v3, $0x1F;
	v5 =	vand.u32 $0x3FFFF, v3  }
0x298: {  	vm0 =	vlt.s32 v3, $0x1;
	v4 =	vshrl.u32 v4, $0xE;
	vm1 =	vne.s32 v5, $0x0  }
0x299: {  	v3 =	vadd.s32 v4, v3;
	vm0 =	vmand vm0, vm1  }
0x29a: {  	v3 =	vshra.s32 v3, $0x12;
	v4 =	vsel vm0, $0xFFFFFFFF, v0  }
0x29b: {  	v3 =	vadd.s32 v4, v3;
	v4 =	vor.u32 s24, v2  }
0x29c: {  	v6 =	vmov s22;
	v3 =	vshll.u32 v3, $0x5;
	v5 =	vshll.u32 v4, $0x7  }
0x29d: {  	v3 =	vadd.s32 v5, v3;
	v5 =	vand.u32 $0x1F, v6  }
0x29e: {  	v5 =	vor.u32 v5, v3;
	_ =	sdelay $0x3  }
0x29f: {  	s24 =	simm.s32 $0x1  }
0x2a0: {  	s25 =	simm.s32 $0x2;
	s26 =	simm.s32 $0x0;
	v4 =	vshll.u32 v4, $0x5;
	v6 =	vmov s24;
	v5 =	vld.idx.msk [tilespmem:v5+s12+$0x0], $0xffff  }
.LBB2_59:
0x2a1: {  	p2 =	sne.s32 s25, $0x1F;
	v6 =	vand.u32 $0x1F, v6;
	v7 =	vadd.s32 s26, v4;
	s26 =	smov.u32 s24;
	s24 =	smov.u32 s25  }
0x2a2: {  	v8 =	vor.u32 v6, v3  }
.Ltmp28:
0x2a3: {  	(pc) =	sbr.rel @p2 .LBB2_59-.Ltmp28, $3  }
0x2a4: {  	_ =	sdelay $0x1  }
0x2a5: {  	[tilespmem:v7+s17+$0x0] =	vst.idx.msk $0xffff, v5  }
0x2a6: {  	s25 =	sadd.s32 $0x1, s25;
	v6 =	vmov s24;
	v5 =	vld.idx.msk [tilespmem:v8+s12+$0x0], $0xffff  }
0x2a7: {  	v6 =	vand.u32 $0x1F, v6;
	v7 =	vadd.s32 s26, v4  }
0x2a8: {  	v3 =	vor.u32 v6, v3;
	_ =	sdelay $0x3  }
0x2a9: {  	s23 =	sadd.s32 $0x1, s23;
	[tilespmem:v7+s17+$0x0] =	vst.idx.msk $0xffff, v5  }
0x2aa: {  	v63 =	vadd.s32 s24, v4;
	p2 =	sne.s32 s23, $0x8;
	v3 =	vld.idx.msk [tilespmem:v3+s12+$0x0], $0xffff  }
.Ltmp29:
0x2ab: {  	_ = 	snop;
	(pc) =	sbr.rel @p2 .LBB2_58-.Ltmp29, $2  }
0x2ac: {  	_ =	sdelay $0x2  }
0x2ad: {  	[tilespmem:v63+s17+$0x0] =	vst.idx.msk $0xffff, v3  }
0x2ae: {  	s22 =	simm.s32 $0x0;
	s23 =	rddreg [dreg:$0x14]  }
0x2af: {  	[hbm4b:s23+s22] =	stream.linear.scatter [tilespmem:s17], [sflag:$0x2], $0x1000, $0x38;
	[tilespmem:$0x1C8C0] =	vst v63  }
0x2b0: {  	s26 =	simm.s32 $0x2100  }
0x2b1: {  	[tilespmem:s12], [sflag:$0x1] =	stream.indirect.gather [hbm4b:s1+s11], $0x80, s26, s11, $0xb8;
	[tilespmem:$0x1C8C0] =	vst v63  }
0x2b2: {  	_ =	swait.ge [sflag:s16], $0x4000  }
0x2b3: {  	[sflag:s16] =	ssyncset.done $0x0  }
0x2b4: {  	[sflag:s16] =	ssyncadd.s32 $0xFFFFC000  }
0x2b5: {  	_ =	swait.ge [sflag:s20], $0x1000  }
0x2b6: {  	[sflag:s20] =	ssyncset.done $0x0  }
0x2b7: {  	s23 =	simm.s32 $0x0;
	[sflag:s20] =	ssyncadd.s32 $0xFFFFF000  }
.LBB2_62:
0x2b8: {  	s24 =	sshll.u32 s23, $0x4  }
0x2b9: {  	v3 =	vld [tilespmem:s24+$0x680];
	_ =	sdelay $0x4  }
0x2ba: {  	v4 =	vshra.s32 v3, $0x1F;
	v5 =	vand.u32 $0x3FFFF, v3  }
0x2bb: {  	vm0 =	vlt.s32 v3, $0x1;
	v4 =	vshrl.u32 v4, $0xE;
	vm1 =	vne.s32 v5, $0x0  }
0x2bc: {  	v3 =	vadd.s32 v4, v3;
	vm0 =	vmand vm0, vm1  }
0x2bd: {  	v3 =	vshra.s32 v3, $0x12;
	v4 =	vsel vm0, $0xFFFFFFFF, v0  }
0x2be: {  	v3 =	vadd.s32 v4, v3;
	v4 =	vor.u32 s24, v2  }
0x2bf: {  	v3 =	vshll.u32 v3, $0x5;
	v5 =	vshll.u32 v4, $0x7  }
0x2c0: {  	v3 =	vadd.s32 v3, v5;
	v5 =	vmov s22  }
0x2c1: {  	v3 =	vadd.s32 $0x4000, v3;
	v5 =	vand.u32 $0x1F, v5  }
0x2c2: {  	v5 =	vor.u32 v5, v3;
	_ =	sdelay $0x3  }
0x2c3: {  	s24 =	simm.s32 $0x1;
	v4 =	vshll.u32 v4, $0x5  }
0x2c4: {  	s25 =	simm.s32 $0x2;
	s26 =	simm.s32 $0x0;
	v6 =	vmov s24;
	v4 =	vadd.s32 $0x1000, v4;
	v5 =	vld.idx.msk [tilespmem:v5+s12+$0x0], $0xffff  }
.LBB2_63:
0x2c5: {  	p2 =	sne.s32 s25, $0x1F;
	v6 =	vand.u32 $0x1F, v6;
	v7 =	vadd.s32 s26, v4;
	s26 =	smov.u32 s24;
	s24 =	smov.u32 s25  }
0x2c6: {  	v8 =	vor.u32 v6, v3  }
.Ltmp30:
0x2c7: {  	(pc) =	sbr.rel @p2 .LBB2_63-.Ltmp30, $3  }
0x2c8: {  	_ =	sdelay $0x1  }
0x2c9: {  	[tilespmem:v7+s17+$0x0] =	vst.idx.msk $0xffff, v5  }
0x2ca: {  	s25 =	sadd.s32 $0x1, s25;
	v6 =	vmov s24;
	v5 =	vld.idx.msk [tilespmem:v8+s12+$0x0], $0xffff  }
0x2cb: {  	v6 =	vand.u32 $0x1F, v6;
	v7 =	vadd.s32 s26, v4  }
0x2cc: {  	v3 =	vor.u32 v6, v3;
	_ =	sdelay $0x3  }
0x2cd: {  	s23 =	sadd.s32 $0x1, s23;
	[tilespmem:v7+s17+$0x0] =	vst.idx.msk $0xffff, v5  }
0x2ce: {  	v63 =	vadd.s32 s24, v4;
	p2 =	sne.s32 s23, $0x8;
	v3 =	vld.idx.msk [tilespmem:v3+s12+$0x0], $0xffff  }
.Ltmp31:
0x2cf: {  	_ = 	snop;
	(pc) =	sbr.rel @p2 .LBB2_62-.Ltmp31, $2  }
0x2d0: {  	_ =	sdelay $0x2  }
0x2d1: {  	[tilespmem:v63+s17+$0x0] =	vst.idx.msk $0xffff, v3  }
0x2d2: {  	s22 =	simm.s32 $0x0;
	s23 =	rddreg [dreg:$0x15]  }
0x2d3: {  	[hbm4b:s23+s22] =	stream.linear.scatter [tilespmem:s18], [sflag:$0x3], $0x1000, $0x38;
	[tilespmem:$0x1C8C0] =	vst v63  }
0x2d4: {  	s26 =	simm.s32 $0x2180  }
0x2d5: {  	[tilespmem:s15], [sflag:$0x1] =	stream.indirect.gather [hbm4b:s1+s11], $0x80, s26, s11, $0xb8;
	[tilespmem:$0x1C8C0] =	vst v63  }
0x2d6: {  	_ =	swait.ge [sflag:s16], $0x4000  }
0x2d7: {  	[sflag:s16] =	ssyncset.done $0x0  }
0x2d8: {  	[sflag:s16] =	ssyncadd.s32 $0xFFFFC000  }
0x2d9: {  	_ =	swait.ge [sflag:s19], $0x1000  }
0x2da: {  	[sflag:s19] =	ssyncset.done $0x0  }
0x2db: {  	s23 =	simm.s32 $0x0;
	[sflag:s19] =	ssyncadd.s32 $0xFFFFF000  }
.LBB2_66:
0x2dc: {  	s24 =	sshll.u32 s23, $0x4  }
0x2dd: {  	v3 =	vld [tilespmem:s24+$0x700];
	_ =	sdelay $0x4  }
0x2de: {  	v4 =	vshra.s32 v3, $0x1F;
	v5 =	vand.u32 $0x3FFFF, v3  }
0x2df: {  	vm0 =	vlt.s32 v3, $0x1;
	v4 =	vshrl.u32 v4, $0xE;
	vm1 =	vne.s32 v5, $0x0  }
0x2e0: {  	v3 =	vadd.s32 v4, v3;
	vm0 =	vmand vm0, vm1  }
0x2e1: {  	v3 =	vshra.s32 v3, $0x12;
	v4 =	vsel vm0, $0xFFFFFFFF, v0  }
0x2e2: {  	v3 =	vadd.s32 v4, v3;
	v4 =	vor.u32 s24, v2  }
0x2e3: {  	v6 =	vmov s22;
	v3 =	vshll.u32 v3, $0x5;
	v5 =	vshll.u32 v4, $0x7  }
0x2e4: {  	v3 =	vadd.s32 v5, v3;
	v5 =	vand.u32 $0x1F, v6  }
0x2e5: {  	v5 =	vor.u32 v5, v3;
	_ =	sdelay $0x3  }
0x2e6: {  	s24 =	simm.s32 $0x1  }
0x2e7: {  	s25 =	simm.s32 $0x2;
	s26 =	simm.s32 $0x0;
	v4 =	vshll.u32 v4, $0x5;
	v6 =	vmov s24;
	v5 =	vld.idx.msk [tilespmem:v5+s12+$0x0], $0xffff  }
.LBB2_67:
0x2e8: {  	p2 =	sne.s32 s25, $0x1F;
	v6 =	vand.u32 $0x1F, v6;
	v7 =	vadd.s32 s26, v4;
	s26 =	smov.u32 s24;
	s24 =	smov.u32 s25  }
0x2e9: {  	v8 =	vor.u32 v6, v3  }
.Ltmp32:
0x2ea: {  	(pc) =	sbr.rel @p2 .LBB2_67-.Ltmp32, $3  }
0x2eb: {  	_ =	sdelay $0x1  }
0x2ec: {  	[tilespmem:v7+s17+$0x0] =	vst.idx.msk $0xffff, v5  }
0x2ed: {  	s25 =	sadd.s32 $0x1, s25;
	v6 =	vmov s24;
	v5 =	vld.idx.msk [tilespmem:v8+s12+$0x0], $0xffff  }
0x2ee: {  	v6 =	vand.u32 $0x1F, v6;
	v7 =	vadd.s32 s26, v4  }
0x2ef: {  	v3 =	vor.u32 v6, v3;
	_ =	sdelay $0x3  }
0x2f0: {  	s23 =	sadd.s32 $0x1, s23;
	[tilespmem:v7+s17+$0x0] =	vst.idx.msk $0xffff, v5  }
0x2f1: {  	v63 =	vadd.s32 s24, v4;
	p2 =	sne.s32 s23, $0x8;
	v3 =	vld.idx.msk [tilespmem:v3+s12+$0x0], $0xffff  }
.Ltmp33:
0x2f2: {  	_ = 	snop;
	(pc) =	sbr.rel @p2 .LBB2_66-.Ltmp33, $2  }
0x2f3: {  	_ =	sdelay $0x2  }
0x2f4: {  	[tilespmem:v63+s17+$0x0] =	vst.idx.msk $0xffff, v3  }
0x2f5: {  	s22 =	simm.s32 $0x0;
	s23 =	rddreg [dreg:$0x16]  }
0x2f6: {  	[hbm4b:s23+s22] =	stream.linear.scatter [tilespmem:s17], [sflag:$0x2], $0x1000, $0x38;
	[tilespmem:$0x1C8C0] =	vst v63  }
0x2f7: {  	s26 =	simm.s32 $0x2200  }
0x2f8: {  	[tilespmem:s12], [sflag:$0x1] =	stream.indirect.gather [hbm4b:s1+s11], $0x80, s26, s11, $0xb8;
	[tilespmem:$0x1C8C0] =	vst v63  }
0x2f9: {  	_ =	swait.ge [sflag:s16], $0x4000  }
0x2fa: {  	[sflag:s16] =	ssyncset.done $0x0  }
0x2fb: {  	[sflag:s16] =	ssyncadd.s32 $0xFFFFC000  }
0x2fc: {  	_ =	swait.ge [sflag:s20], $0x1000  }
0x2fd: {  	[sflag:s20] =	ssyncset.done $0x0  }
0x2fe: {  	s23 =	simm.s32 $0x0;
	[sflag:s20] =	ssyncadd.s32 $0xFFFFF000  }
.LBB2_70:
0x2ff: {  	s24 =	sshll.u32 s23, $0x4  }
0x300: {  	v3 =	vld [tilespmem:s24+$0x780];
	_ =	sdelay $0x4  }
0x301: {  	v4 =	vshra.s32 v3, $0x1F;
	v5 =	vand.u32 $0x3FFFF, v3  }
0x302: {  	vm0 =	vlt.s32 v3, $0x1;
	v4 =	vshrl.u32 v4, $0xE;
	vm1 =	vne.s32 v5, $0x0  }
0x303: {  	v3 =	vadd.s32 v4, v3;
	vm0 =	vmand vm0, vm1  }
0x304: {  	v3 =	vshra.s32 v3, $0x12;
	v4 =	vsel vm0, $0xFFFFFFFF, v0  }
0x305: {  	v3 =	vadd.s32 v4, v3;
	v4 =	vor.u32 s24, v2  }
0x306: {  	v3 =	vshll.u32 v3, $0x5;
	v5 =	vshll.u32 v4, $0x7  }
0x307: {  	v3 =	vadd.s32 v3, v5;
	v5 =	vmov s22  }
0x308: {  	v3 =	vadd.s32 $0x4000, v3;
	v5 =	vand.u32 $0x1F, v5  }
0x309: {  	v5 =	vor.u32 v5, v3;
	_ =	sdelay $0x3  }
0x30a: {  	s24 =	simm.s32 $0x1;
	v4 =	vshll.u32 v4, $0x5  }
0x30b: {  	s25 =	simm.s32 $0x2;
	s26 =	simm.s32 $0x0;
	v6 =	vmov s24;
	v4 =	vadd.s32 $0x1000, v4;
	v5 =	vld.idx.msk [tilespmem:v5+s12+$0x0], $0xffff  }
.LBB2_71:
0x30c: {  	p2 =	sne.s32 s25, $0x1F;
	v6 =	vand.u32 $0x1F, v6;
	v7 =	vadd.s32 s26, v4;
	s26 =	smov.u32 s24;
	s24 =	smov.u32 s25  }
0x30d: {  	v8 =	vor.u32 v6, v3  }
.Ltmp34:
0x30e: {  	(pc) =	sbr.rel @p2 .LBB2_71-.Ltmp34, $3  }
0x30f: {  	_ =	sdelay $0x1  }
0x310: {  	[tilespmem:v7+s17+$0x0] =	vst.idx.msk $0xffff, v5  }
0x311: {  	s25 =	sadd.s32 $0x1, s25;
	v6 =	vmov s24;
	v5 =	vld.idx.msk [tilespmem:v8+s12+$0x0], $0xffff  }
0x312: {  	v6 =	vand.u32 $0x1F, v6;
	v7 =	vadd.s32 s26, v4  }
0x313: {  	v3 =	vor.u32 v6, v3;
	_ =	sdelay $0x3  }
0x314: {  	s23 =	sadd.s32 $0x1, s23;
	[tilespmem:v7+s17+$0x0] =	vst.idx.msk $0xffff, v5  }
0x315: {  	v63 =	vadd.s32 s24, v4;
	p2 =	sne.s32 s23, $0x8;
	v3 =	vld.idx.msk [tilespmem:v3+s12+$0x0], $0xffff  }
.Ltmp35:
0x316: {  	_ = 	snop;
	(pc) =	sbr.rel @p2 .LBB2_70-.Ltmp35, $2  }
0x317: {  	_ =	sdelay $0x2  }
0x318: {  	[tilespmem:v63+s17+$0x0] =	vst.idx.msk $0xffff, v3  }
0x319: {  	s22 =	simm.s32 $0x0;
	s23 =	rddreg [dreg:$0x17]  }
0x31a: {  	[hbm4b:s23+s22] =	stream.linear.scatter [tilespmem:s18], [sflag:$0x3], $0x1000, $0x38;
	[tilespmem:$0x1C8C0] =	vst v63  }
0x31b: {  	s26 =	simm.s32 $0x2280  }
0x31c: {  	[tilespmem:s15], [sflag:$0x1] =	stream.indirect.gather [hbm4b:s1+s11], $0x80, s26, s11, $0xb8;
	[tilespmem:$0x1C8C0] =	vst v63  }
0x31d: {  	_ =	swait.ge [sflag:s16], $0x4000  }
0x31e: {  	[sflag:s16] =	ssyncset.done $0x0  }
0x31f: {  	[sflag:s16] =	ssyncadd.s32 $0xFFFFC000  }
0x320: {  	_ =	swait.ge [sflag:s19], $0x1000  }
0x321: {  	[sflag:s19] =	ssyncset.done $0x0  }
0x322: {  	s23 =	simm.s32 $0x0;
	[sflag:s19] =	ssyncadd.s32 $0xFFFFF000  }
.LBB2_74:
0x323: {  	s24 =	sshll.u32 s23, $0x4  }
0x324: {  	v3 =	vld [tilespmem:s24+$0x800];
	_ =	sdelay $0x4  }
0x325: {  	v4 =	vshra.s32 v3, $0x1F;
	v5 =	vand.u32 $0x3FFFF, v3  }
0x326: {  	vm0 =	vlt.s32 v3, $0x1;
	v4 =	vshrl.u32 v4, $0xE;
	vm1 =	vne.s32 v5, $0x0  }
0x327: {  	v3 =	vadd.s32 v4, v3;
	vm0 =	vmand vm0, vm1  }
0x328: {  	v3 =	vshra.s32 v3, $0x12;
	v4 =	vsel vm0, $0xFFFFFFFF, v0  }
0x329: {  	v3 =	vadd.s32 v4, v3;
	v4 =	vor.u32 s24, v2  }
0x32a: {  	v6 =	vmov s22;
	v3 =	vshll.u32 v3, $0x5;
	v5 =	vshll.u32 v4, $0x7  }
0x32b: {  	v3 =	vadd.s32 v5, v3;
	v5 =	vand.u32 $0x1F, v6  }
0x32c: {  	v5 =	vor.u32 v5, v3;
	_ =	sdelay $0x3  }
0x32d: {  	s24 =	simm.s32 $0x1  }
0x32e: {  	s25 =	simm.s32 $0x2;
	s26 =	simm.s32 $0x0;
	v4 =	vshll.u32 v4, $0x5;
	v6 =	vmov s24;
	v5 =	vld.idx.msk [tilespmem:v5+s12+$0x0], $0xffff  }
.LBB2_75:
0x32f: {  	p2 =	sne.s32 s25, $0x1F;
	v6 =	vand.u32 $0x1F, v6;
	v7 =	vadd.s32 s26, v4;
	s26 =	smov.u32 s24;
	s24 =	smov.u32 s25  }
0x330: {  	v8 =	vor.u32 v6, v3  }
.Ltmp36:
0x331: {  	(pc) =	sbr.rel @p2 .LBB2_75-.Ltmp36, $3  }
0x332: {  	_ =	sdelay $0x1  }
0x333: {  	[tilespmem:v7+s17+$0x0] =	vst.idx.msk $0xffff, v5  }
0x334: {  	s25 =	sadd.s32 $0x1, s25;
	v6 =	vmov s24;
	v5 =	vld.idx.msk [tilespmem:v8+s12+$0x0], $0xffff  }
0x335: {  	v6 =	vand.u32 $0x1F, v6;
	v7 =	vadd.s32 s26, v4  }
0x336: {  	v3 =	vor.u32 v6, v3;
	_ =	sdelay $0x3  }
0x337: {  	s23 =	sadd.s32 $0x1, s23;
	[tilespmem:v7+s17+$0x0] =	vst.idx.msk $0xffff, v5  }
0x338: {  	v63 =	vadd.s32 s24, v4;
	p2 =	sne.s32 s23, $0x8;
	v3 =	vld.idx.msk [tilespmem:v3+s12+$0x0], $0xffff  }
.Ltmp37:
0x339: {  	_ = 	snop;
	(pc) =	sbr.rel @p2 .LBB2_74-.Ltmp37, $2  }
0x33a: {  	_ =	sdelay $0x2  }
0x33b: {  	[tilespmem:v63+s17+$0x0] =	vst.idx.msk $0xffff, v3  }
0x33c: {  	s22 =	simm.s32 $0x0;
	s23 =	rddreg [dreg:$0x18]  }
0x33d: {  	[hbm4b:s23+s22] =	stream.linear.scatter [tilespmem:s17], [sflag:$0x2], $0x1000, $0x38;
	[tilespmem:$0x1C8C0] =	vst v63  }
0x33e: {  	s26 =	simm.s32 $0x2300  }
0x33f: {  	[tilespmem:s12], [sflag:$0x1] =	stream.indirect.gather [hbm4b:s1+s11], $0x80, s26, s11, $0xb8;
	[tilespmem:$0x1C8C0] =	vst v63  }
0x340: {  	_ =	swait.ge [sflag:s16], $0x4000  }
0x341: {  	[sflag:s16] =	ssyncset.done $0x0  }
0x342: {  	[sflag:s16] =	ssyncadd.s32 $0xFFFFC000  }
0x343: {  	_ =	swait.ge [sflag:s20], $0x1000  }
0x344: {  	[sflag:s20] =	ssyncset.done $0x0  }
0x345: {  	s23 =	simm.s32 $0x0;
	[sflag:s20] =	ssyncadd.s32 $0xFFFFF000  }
.LBB2_78:
0x346: {  	s24 =	sshll.u32 s23, $0x4  }
0x347: {  	v3 =	vld [tilespmem:s24+$0x880];
	_ =	sdelay $0x4  }
0x348: {  	v4 =	vshra.s32 v3, $0x1F;
	v5 =	vand.u32 $0x3FFFF, v3  }
0x349: {  	vm0 =	vlt.s32 v3, $0x1;
	v4 =	vshrl.u32 v4, $0xE;
	vm1 =	vne.s32 v5, $0x0  }
0x34a: {  	v3 =	vadd.s32 v4, v3;
	vm0 =	vmand vm0, vm1  }
0x34b: {  	v3 =	vshra.s32 v3, $0x12;
	v4 =	vsel vm0, $0xFFFFFFFF, v0  }
0x34c: {  	v3 =	vadd.s32 v4, v3;
	v4 =	vor.u32 s24, v2  }
0x34d: {  	v3 =	vshll.u32 v3, $0x5;
	v5 =	vshll.u32 v4, $0x7  }
0x34e: {  	v3 =	vadd.s32 v3, v5;
	v5 =	vmov s22  }
0x34f: {  	v3 =	vadd.s32 $0x4000, v3;
	v5 =	vand.u32 $0x1F, v5  }
0x350: {  	v5 =	vor.u32 v5, v3;
	_ =	sdelay $0x3  }
0x351: {  	s24 =	simm.s32 $0x1;
	v4 =	vshll.u32 v4, $0x5  }
0x352: {  	s25 =	simm.s32 $0x2;
	s26 =	simm.s32 $0x0;
	v6 =	vmov s24;
	v4 =	vadd.s32 $0x1000, v4;
	v5 =	vld.idx.msk [tilespmem:v5+s12+$0x0], $0xffff  }
.LBB2_79:
0x353: {  	p2 =	sne.s32 s25, $0x1F;
	v6 =	vand.u32 $0x1F, v6;
	v7 =	vadd.s32 s26, v4;
	s26 =	smov.u32 s24;
	s24 =	smov.u32 s25  }
0x354: {  	v8 =	vor.u32 v6, v3  }
.Ltmp38:
0x355: {  	(pc) =	sbr.rel @p2 .LBB2_79-.Ltmp38, $3  }
0x356: {  	_ =	sdelay $0x1  }
0x357: {  	[tilespmem:v7+s17+$0x0] =	vst.idx.msk $0xffff, v5  }
0x358: {  	s25 =	sadd.s32 $0x1, s25;
	v6 =	vmov s24;
	v5 =	vld.idx.msk [tilespmem:v8+s12+$0x0], $0xffff  }
0x359: {  	v6 =	vand.u32 $0x1F, v6;
	v7 =	vadd.s32 s26, v4  }
0x35a: {  	v3 =	vor.u32 v6, v3;
	_ =	sdelay $0x3  }
0x35b: {  	s23 =	sadd.s32 $0x1, s23;
	[tilespmem:v7+s17+$0x0] =	vst.idx.msk $0xffff, v5  }
0x35c: {  	v63 =	vadd.s32 s24, v4;
	p2 =	sne.s32 s23, $0x8;
	v3 =	vld.idx.msk [tilespmem:v3+s12+$0x0], $0xffff  }
.Ltmp39:
0x35d: {  	_ = 	snop;
	(pc) =	sbr.rel @p2 .LBB2_78-.Ltmp39, $2  }
0x35e: {  	_ =	sdelay $0x2  }
0x35f: {  	[tilespmem:v63+s17+$0x0] =	vst.idx.msk $0xffff, v3  }
0x360: {  	s22 =	simm.s32 $0x0;
	s23 =	rddreg [dreg:$0x19]  }
0x361: {  	[hbm4b:s23+s22] =	stream.linear.scatter [tilespmem:s18], [sflag:$0x3], $0x1000, $0x38;
	[tilespmem:$0x1C8C0] =	vst v63  }
0x362: {  	s26 =	simm.s32 $0x2380  }
0x363: {  	[tilespmem:s15], [sflag:$0x1] =	stream.indirect.gather [hbm4b:s1+s11], $0x80, s26, s11, $0xb8;
	[tilespmem:$0x1C8C0] =	vst v63  }
0x364: {  	_ =	swait.ge [sflag:s16], $0x4000  }
0x365: {  	[sflag:s16] =	ssyncset.done $0x0  }
0x366: {  	[sflag:s16] =	ssyncadd.s32 $0xFFFFC000  }
0x367: {  	_ =	swait.ge [sflag:s19], $0x1000  }
0x368: {  	[sflag:s19] =	ssyncset.done $0x0  }
0x369: {  	s23 =	simm.s32 $0x0;
	[sflag:s19] =	ssyncadd.s32 $0xFFFFF000  }
.LBB2_82:
0x36a: {  	s24 =	sshll.u32 s23, $0x4  }
0x36b: {  	v3 =	vld [tilespmem:s24+$0x900];
	_ =	sdelay $0x4  }
0x36c: {  	v4 =	vshra.s32 v3, $0x1F;
	v5 =	vand.u32 $0x3FFFF, v3  }
0x36d: {  	vm0 =	vlt.s32 v3, $0x1;
	v4 =	vshrl.u32 v4, $0xE;
	vm1 =	vne.s32 v5, $0x0  }
0x36e: {  	v3 =	vadd.s32 v4, v3;
	vm0 =	vmand vm0, vm1  }
0x36f: {  	v3 =	vshra.s32 v3, $0x12;
	v4 =	vsel vm0, $0xFFFFFFFF, v0  }
0x370: {  	v3 =	vadd.s32 v4, v3;
	v4 =	vor.u32 s24, v2  }
0x371: {  	v6 =	vmov s22;
	v3 =	vshll.u32 v3, $0x5;
	v5 =	vshll.u32 v4, $0x7  }
0x372: {  	v3 =	vadd.s32 v5, v3;
	v5 =	vand.u32 $0x1F, v6  }
0x373: {  	v5 =	vor.u32 v5, v3;
	_ =	sdelay $0x3  }
0x374: {  	s24 =	simm.s32 $0x1  }
0x375: {  	s25 =	simm.s32 $0x2;
	s26 =	simm.s32 $0x0;
	v4 =	vshll.u32 v4, $0x5;
	v6 =	vmov s24;
	v5 =	vld.idx.msk [tilespmem:v5+s12+$0x0], $0xffff  }
.LBB2_83:
0x376: {  	p2 =	sne.s32 s25, $0x1F;
	v6 =	vand.u32 $0x1F, v6;
	v7 =	vadd.s32 s26, v4;
	s26 =	smov.u32 s24;
	s24 =	smov.u32 s25  }
0x377: {  	v8 =	vor.u32 v6, v3  }
.Ltmp40:
0x378: {  	(pc) =	sbr.rel @p2 .LBB2_83-.Ltmp40, $3  }
0x379: {  	_ =	sdelay $0x1  }
0x37a: {  	[tilespmem:v7+s17+$0x0] =	vst.idx.msk $0xffff, v5  }
0x37b: {  	s25 =	sadd.s32 $0x1, s25;
	v6 =	vmov s24;
	v5 =	vld.idx.msk [tilespmem:v8+s12+$0x0], $0xffff  }
0x37c: {  	v6 =	vand.u32 $0x1F, v6;
	v7 =	vadd.s32 s26, v4  }
0x37d: {  	v3 =	vor.u32 v6, v3;
	_ =	sdelay $0x3  }
0x37e: {  	s23 =	sadd.s32 $0x1, s23;
	[tilespmem:v7+s17+$0x0] =	vst.idx.msk $0xffff, v5  }
0x37f: {  	v63 =	vadd.s32 s24, v4;
	p2 =	sne.s32 s23, $0x8;
	v3 =	vld.idx.msk [tilespmem:v3+s12+$0x0], $0xffff  }
.Ltmp41:
0x380: {  	_ = 	snop;
	(pc) =	sbr.rel @p2 .LBB2_82-.Ltmp41, $2  }
0x381: {  	_ =	sdelay $0x2  }
0x382: {  	[tilespmem:v63+s17+$0x0] =	vst.idx.msk $0xffff, v3  }
0x383: {  	s22 =	simm.s32 $0x0;
	s23 =	rddreg [dreg:$0x1a]  }
0x384: {  	[hbm4b:s23+s22] =	stream.linear.scatter [tilespmem:s17], [sflag:$0x2], $0x1000, $0x38;
	[tilespmem:$0x1C8C0] =	vst v63  }
0x385: {  	s26 =	simm.s32 $0x2400  }
0x386: {  	[tilespmem:s12], [sflag:$0x1] =	stream.indirect.gather [hbm4b:s1+s11], $0x80, s26, s11, $0xb8;
	[tilespmem:$0x1C8C0] =	vst v63  }
0x387: {  	_ =	swait.ge [sflag:s16], $0x4000  }
0x388: {  	[sflag:s16] =	ssyncset.done $0x0  }
0x389: {  	[sflag:s16] =	ssyncadd.s32 $0xFFFFC000  }
0x38a: {  	_ =	swait.ge [sflag:s20], $0x1000  }
0x38b: {  	[sflag:s20] =	ssyncset.done $0x0  }
0x38c: {  	s23 =	simm.s32 $0x0;
	[sflag:s20] =	ssyncadd.s32 $0xFFFFF000  }
.LBB2_86:
0x38d: {  	s24 =	sshll.u32 s23, $0x4  }
0x38e: {  	v3 =	vld [tilespmem:s24+$0x980];
	_ =	sdelay $0x4  }
0x38f: {  	v4 =	vshra.s32 v3, $0x1F;
	v5 =	vand.u32 $0x3FFFF, v3  }
0x390: {  	vm0 =	vlt.s32 v3, $0x1;
	v4 =	vshrl.u32 v4, $0xE;
	vm1 =	vne.s32 v5, $0x0  }
0x391: {  	v3 =	vadd.s32 v4, v3;
	vm0 =	vmand vm0, vm1  }
0x392: {  	v3 =	vshra.s32 v3, $0x12;
	v4 =	vsel vm0, $0xFFFFFFFF, v0  }
0x393: {  	v3 =	vadd.s32 v4, v3;
	v4 =	vor.u32 s24, v2  }
0x394: {  	v3 =	vshll.u32 v3, $0x5;
	v5 =	vshll.u32 v4, $0x7  }
0x395: {  	v3 =	vadd.s32 v3, v5;
	v5 =	vmov s22  }
0x396: {  	v3 =	vadd.s32 $0x4000, v3;
	v5 =	vand.u32 $0x1F, v5  }
0x397: {  	v5 =	vor.u32 v5, v3;
	_ =	sdelay $0x3  }
0x398: {  	s24 =	simm.s32 $0x1;
	v4 =	vshll.u32 v4, $0x5  }
0x399: {  	s25 =	simm.s32 $0x2;
	s26 =	simm.s32 $0x0;
	v6 =	vmov s24;
	v4 =	vadd.s32 $0x1000, v4;
	v5 =	vld.idx.msk [tilespmem:v5+s12+$0x0], $0xffff  }
.LBB2_87:
0x39a: {  	p2 =	sne.s32 s25, $0x1F;
	v6 =	vand.u32 $0x1F, v6;
	v7 =	vadd.s32 s26, v4;
	s26 =	smov.u32 s24;
	s24 =	smov.u32 s25  }
0x39b: {  	v8 =	vor.u32 v6, v3  }
.Ltmp42:
0x39c: {  	(pc) =	sbr.rel @p2 .LBB2_87-.Ltmp42, $3  }
0x39d: {  	_ =	sdelay $0x1  }
0x39e: {  	[tilespmem:v7+s17+$0x0] =	vst.idx.msk $0xffff, v5  }
0x39f: {  	s25 =	sadd.s32 $0x1, s25;
	v6 =	vmov s24;
	v5 =	vld.idx.msk [tilespmem:v8+s12+$0x0], $0xffff  }
0x3a0: {  	v6 =	vand.u32 $0x1F, v6;
	v7 =	vadd.s32 s26, v4  }
0x3a1: {  	v3 =	vor.u32 v6, v3;
	_ =	sdelay $0x3  }
0x3a2: {  	s23 =	sadd.s32 $0x1, s23;
	[tilespmem:v7+s17+$0x0] =	vst.idx.msk $0xffff, v5  }
0x3a3: {  	v63 =	vadd.s32 s24, v4;
	p2 =	sne.s32 s23, $0x8;
	v3 =	vld.idx.msk [tilespmem:v3+s12+$0x0], $0xffff  }
.Ltmp43:
0x3a4: {  	_ = 	snop;
	(pc) =	sbr.rel @p2 .LBB2_86-.Ltmp43, $2  }
0x3a5: {  	_ =	sdelay $0x2  }
0x3a6: {  	[tilespmem:v63+s17+$0x0] =	vst.idx.msk $0xffff, v3  }
0x3a7: {  	s22 =	simm.s32 $0x0  }
0x3a8: {  	[hbm4b:s29+s22] =	stream.linear.scatter [tilespmem:s18], [sflag:$0x3], $0x1000, $0x38;
	[tilespmem:$0x1C8C0] =	vst v63  }
0x3a9: {  	s23 =	simm.s32 $0x2480  }
0x3aa: {  	[tilespmem:s15], [sflag:$0x1] =	stream.indirect.gather [hbm4b:s1+s11], $0x80, s23, s11, $0xb8;
	[tilespmem:$0x1C8C0] =	vst v63  }
0x3ab: {  	_ =	swait.ge [sflag:s16], $0x4000  }
0x3ac: {  	[sflag:s16] =	ssyncset.done $0x0  }
0x3ad: {  	[sflag:s16] =	ssyncadd.s32 $0xFFFFC000  }
0x3ae: {  	_ =	swait.ge [sflag:s19], $0x1000  }
0x3af: {  	[sflag:s19] =	ssyncset.done $0x0  }
0x3b0: {  	s23 =	simm.s32 $0x0;
	[sflag:s19] =	ssyncadd.s32 $0xFFFFF000  }
.LBB2_90:
0x3b1: {  	s24 =	sshll.u32 s23, $0x4  }
0x3b2: {  	v3 =	vld [tilespmem:s24+$0xA00];
	_ =	sdelay $0x4  }
0x3b3: {  	v4 =	vshra.s32 v3, $0x1F;
	v5 =	vand.u32 $0x3FFFF, v3  }
0x3b4: {  	vm0 =	vlt.s32 v3, $0x1;
	v4 =	vshrl.u32 v4, $0xE;
	vm1 =	vne.s32 v5, $0x0  }
0x3b5: {  	v3 =	vadd.s32 v4, v3;
	vm0 =	vmand vm0, vm1  }
0x3b6: {  	v3 =	vshra.s32 v3, $0x12;
	v4 =	vsel vm0, $0xFFFFFFFF, v0  }
0x3b7: {  	v3 =	vadd.s32 v4, v3;
	v4 =	vor.u32 s24, v2  }
0x3b8: {  	v6 =	vmov s22;
	v3 =	vshll.u32 v3, $0x5;
	v5 =	vshll.u32 v4, $0x7  }
0x3b9: {  	v3 =	vadd.s32 v5, v3;
	v5 =	vand.u32 $0x1F, v6  }
0x3ba: {  	v5 =	vor.u32 v5, v3;
	_ =	sdelay $0x3  }
0x3bb: {  	s24 =	simm.s32 $0x1  }
0x3bc: {  	s25 =	simm.s32 $0x2;
	s26 =	simm.s32 $0x0;
	v4 =	vshll.u32 v4, $0x5;
	v6 =	vmov s24;
	v5 =	vld.idx.msk [tilespmem:v5+s12+$0x0], $0xffff  }
.LBB2_91:
0x3bd: {  	p2 =	sne.s32 s25, $0x1F;
	v6 =	vand.u32 $0x1F, v6;
	v7 =	vadd.s32 s26, v4;
	s26 =	smov.u32 s24;
	s24 =	smov.u32 s25  }
0x3be: {  	v8 =	vor.u32 v6, v3  }
.Ltmp44:
0x3bf: {  	(pc) =	sbr.rel @p2 .LBB2_91-.Ltmp44, $3  }
0x3c0: {  	_ =	sdelay $0x1  }
0x3c1: {  	[tilespmem:v7+s17+$0x0] =	vst.idx.msk $0xffff, v5  }
0x3c2: {  	s25 =	sadd.s32 $0x1, s25;
	v6 =	vmov s24;
	v5 =	vld.idx.msk [tilespmem:v8+s12+$0x0], $0xffff  }
0x3c3: {  	v6 =	vand.u32 $0x1F, v6;
	v7 =	vadd.s32 s26, v4  }
0x3c4: {  	v3 =	vor.u32 v6, v3;
	_ =	sdelay $0x3  }
0x3c5: {  	s23 =	sadd.s32 $0x1, s23;
	[tilespmem:v7+s17+$0x0] =	vst.idx.msk $0xffff, v5  }
0x3c6: {  	v63 =	vadd.s32 s24, v4;
	p2 =	sne.s32 s23, $0x8;
	v3 =	vld.idx.msk [tilespmem:v3+s12+$0x0], $0xffff  }
.Ltmp45:
0x3c7: {  	_ = 	snop;
	(pc) =	sbr.rel @p2 .LBB2_90-.Ltmp45, $2  }
0x3c8: {  	_ =	sdelay $0x2  }
0x3c9: {  	[tilespmem:v63+s17+$0x0] =	vst.idx.msk $0xffff, v3  }
0x3ca: {  	s22 =	simm.s32 $0x0  }
0x3cb: {  	[hbm4b:s30+s22] =	stream.linear.scatter [tilespmem:s17], [sflag:$0x2], $0x1000, $0x38;
	[tilespmem:$0x1C8C0] =	vst v63  }
0x3cc: {  	s23 =	simm.s32 $0x2500  }
0x3cd: {  	[tilespmem:s12], [sflag:$0x1] =	stream.indirect.gather [hbm4b:s1+s11], $0x80, s23, s11, $0xb8;
	[tilespmem:$0x1C8C0] =	vst v63  }
0x3ce: {  	_ =	swait.ge [sflag:s16], $0x4000  }
0x3cf: {  	[sflag:s16] =	ssyncset.done $0x0  }
0x3d0: {  	[sflag:s16] =	ssyncadd.s32 $0xFFFFC000  }
0x3d1: {  	_ =	swait.ge [sflag:s20], $0x1000  }
0x3d2: {  	[sflag:s20] =	ssyncset.done $0x0  }
0x3d3: {  	s23 =	simm.s32 $0x0;
	[sflag:s20] =	ssyncadd.s32 $0xFFFFF000  }
.LBB2_94:
0x3d4: {  	s24 =	sshll.u32 s23, $0x4  }
0x3d5: {  	v3 =	vld [tilespmem:s24+$0xA80];
	_ =	sdelay $0x4  }
0x3d6: {  	v4 =	vshra.s32 v3, $0x1F;
	v5 =	vand.u32 $0x3FFFF, v3  }
0x3d7: {  	vm0 =	vlt.s32 v3, $0x1;
	v4 =	vshrl.u32 v4, $0xE;
	vm1 =	vne.s32 v5, $0x0  }
0x3d8: {  	v3 =	vadd.s32 v4, v3;
	vm0 =	vmand vm0, vm1  }
0x3d9: {  	v3 =	vshra.s32 v3, $0x12;
	v4 =	vsel vm0, $0xFFFFFFFF, v0  }
0x3da: {  	v3 =	vadd.s32 v4, v3;
	v4 =	vor.u32 s24, v2  }
0x3db: {  	v3 =	vshll.u32 v3, $0x5;
	v5 =	vshll.u32 v4, $0x7  }
0x3dc: {  	v3 =	vadd.s32 v3, v5;
	v5 =	vmov s22  }
0x3dd: {  	v3 =	vadd.s32 $0x4000, v3;
	v5 =	vand.u32 $0x1F, v5  }
0x3de: {  	v5 =	vor.u32 v5, v3;
	_ =	sdelay $0x3  }
0x3df: {  	s24 =	simm.s32 $0x1;
	v4 =	vshll.u32 v4, $0x5  }
0x3e0: {  	s25 =	simm.s32 $0x2;
	s26 =	simm.s32 $0x0;
	v6 =	vmov s24;
	v4 =	vadd.s32 $0x1000, v4;
	v5 =	vld.idx.msk [tilespmem:v5+s12+$0x0], $0xffff  }
.LBB2_95:
0x3e1: {  	p2 =	sne.s32 s25, $0x1F;
	v6 =	vand.u32 $0x1F, v6;
	v7 =	vadd.s32 s26, v4;
	s26 =	smov.u32 s24;
	s24 =	smov.u32 s25  }
0x3e2: {  	v8 =	vor.u32 v6, v3  }
.Ltmp46:
0x3e3: {  	(pc) =	sbr.rel @p2 .LBB2_95-.Ltmp46, $3  }
0x3e4: {  	_ =	sdelay $0x1  }
0x3e5: {  	[tilespmem:v7+s17+$0x0] =	vst.idx.msk $0xffff, v5  }
0x3e6: {  	s25 =	sadd.s32 $0x1, s25;
	v6 =	vmov s24;
	v5 =	vld.idx.msk [tilespmem:v8+s12+$0x0], $0xffff  }
0x3e7: {  	v6 =	vand.u32 $0x1F, v6;
	v7 =	vadd.s32 s26, v4  }
0x3e8: {  	v3 =	vor.u32 v6, v3;
	_ =	sdelay $0x3  }
0x3e9: {  	s23 =	sadd.s32 $0x1, s23;
	[tilespmem:v7+s17+$0x0] =	vst.idx.msk $0xffff, v5  }
0x3ea: {  	v63 =	vadd.s32 s24, v4;
	p2 =	sne.s32 s23, $0x8;
	v3 =	vld.idx.msk [tilespmem:v3+s12+$0x0], $0xffff  }
.Ltmp47:
0x3eb: {  	_ = 	snop;
	(pc) =	sbr.rel @p2 .LBB2_94-.Ltmp47, $2  }
0x3ec: {  	_ =	sdelay $0x2  }
0x3ed: {  	[tilespmem:v63+s17+$0x0] =	vst.idx.msk $0xffff, v3  }
0x3ee: {  	s22 =	simm.s32 $0x0  }
0x3ef: {  	[hbm4b:s31+s22] =	stream.linear.scatter [tilespmem:s18], [sflag:$0x3], $0x1000, $0x38;
	[tilespmem:$0x1C8C0] =	vst v63  }
0x3f0: {  	s23 =	simm.s32 $0x2580  }
0x3f1: {  	[tilespmem:s15], [sflag:$0x1] =	stream.indirect.gather [hbm4b:s1+s11], $0x80, s23, s11, $0xb8;
	[tilespmem:$0x1C8C0] =	vst v63  }
0x3f2: {  	_ =	swait.ge [sflag:s16], $0x4000  }
0x3f3: {  	[sflag:s16] =	ssyncset.done $0x0  }
0x3f4: {  	[sflag:s16] =	ssyncadd.s32 $0xFFFFC000  }
0x3f5: {  	_ =	swait.ge [sflag:s19], $0x1000  }
0x3f6: {  	[sflag:s19] =	ssyncset.done $0x0  }
0x3f7: {  	s23 =	simm.s32 $0x0;
	[sflag:s19] =	ssyncadd.s32 $0xFFFFF000  }
.LBB2_98:
0x3f8: {  	s24 =	sshll.u32 s23, $0x4  }
0x3f9: {  	v3 =	vld [tilespmem:s24+$0xB00];
	_ =	sdelay $0x4  }
0x3fa: {  	v4 =	vshra.s32 v3, $0x1F;
	v5 =	vand.u32 $0x3FFFF, v3  }
0x3fb: {  	vm0 =	vlt.s32 v3, $0x1;
	v4 =	vshrl.u32 v4, $0xE;
	vm1 =	vne.s32 v5, $0x0  }
0x3fc: {  	v3 =	vadd.s32 v4, v3;
	vm0 =	vmand vm0, vm1  }
0x3fd: {  	v3 =	vshra.s32 v3, $0x12;
	v4 =	vsel vm0, $0xFFFFFFFF, v0  }
0x3fe: {  	v3 =	vadd.s32 v4, v3;
	v4 =	vor.u32 s24, v2  }
0x3ff: {  	v6 =	vmov s22;
	v3 =	vshll.u32 v3, $0x5;
	v5 =	vshll.u32 v4, $0x7  }
0x400: {  	v3 =	vadd.s32 v5, v3;
	v5 =	vand.u32 $0x1F, v6  }
0x401: {  	v5 =	vor.u32 v5, v3;
	_ =	sdelay $0x3  }
0x402: {  	s24 =	simm.s32 $0x1  }
0x403: {  	s25 =	simm.s32 $0x2;
	s26 =	simm.s32 $0x0;
	v4 =	vshll.u32 v4, $0x5;
	v6 =	vmov s24;
	v5 =	vld.idx.msk [tilespmem:v5+s12+$0x0], $0xffff  }
.LBB2_99:
0x404: {  	p2 =	sne.s32 s25, $0x1F;
	v6 =	vand.u32 $0x1F, v6;
	v7 =	vadd.s32 s26, v4;
	s26 =	smov.u32 s24;
	s24 =	smov.u32 s25  }
0x405: {  	v8 =	vor.u32 v6, v3  }
.Ltmp48:
0x406: {  	(pc) =	sbr.rel @p2 .LBB2_99-.Ltmp48, $3  }
0x407: {  	_ =	sdelay $0x1  }
0x408: {  	[tilespmem:v7+s17+$0x0] =	vst.idx.msk $0xffff, v5  }
0x409: {  	s25 =	sadd.s32 $0x1, s25;
	v6 =	vmov s24;
	v5 =	vld.idx.msk [tilespmem:v8+s12+$0x0], $0xffff  }
0x40a: {  	v6 =	vand.u32 $0x1F, v6;
	v7 =	vadd.s32 s26, v4  }
0x40b: {  	v3 =	vor.u32 v6, v3;
	_ =	sdelay $0x3  }
0x40c: {  	s23 =	sadd.s32 $0x1, s23;
	[tilespmem:v7+s17+$0x0] =	vst.idx.msk $0xffff, v5  }
0x40d: {  	v63 =	vadd.s32 s24, v4;
	p2 =	sne.s32 s23, $0x8;
	v3 =	vld.idx.msk [tilespmem:v3+s12+$0x0], $0xffff  }
.Ltmp49:
0x40e: {  	_ = 	snop;
	(pc) =	sbr.rel @p2 .LBB2_98-.Ltmp49, $2  }
0x40f: {  	_ =	sdelay $0x2  }
0x410: {  	[tilespmem:v63+s17+$0x0] =	vst.idx.msk $0xffff, v3  }
0x411: {  	s22 =	simm.s32 $0x0  }
0x412: {  	[hbm4b:s2+s22] =	stream.linear.scatter [tilespmem:s17], [sflag:$0x2], $0x1000, $0x38;
	[tilespmem:$0x1C8C0] =	vst v63  }
0x413: {  	s23 =	simm.s32 $0x2600  }
0x414: {  	[tilespmem:s12], [sflag:$0x1] =	stream.indirect.gather [hbm4b:s1+s11], $0x80, s23, s11, $0xb8;
	[tilespmem:$0x1C8C0] =	vst v63  }
0x415: {  	_ =	swait.ge [sflag:s16], $0x4000  }
0x416: {  	[sflag:s16] =	ssyncset.done $0x0  }
0x417: {  	[sflag:s16] =	ssyncadd.s32 $0xFFFFC000  }
0x418: {  	_ =	swait.ge [sflag:s20], $0x1000  }
0x419: {  	[sflag:s20] =	ssyncset.done $0x0  }
0x41a: {  	s23 =	simm.s32 $0x0;
	[sflag:s20] =	ssyncadd.s32 $0xFFFFF000  }
.LBB2_102:
0x41b: {  	s24 =	sshll.u32 s23, $0x4  }
0x41c: {  	v3 =	vld [tilespmem:s24+$0xB80];
	_ =	sdelay $0x4  }
0x41d: {  	v4 =	vshra.s32 v3, $0x1F;
	v5 =	vand.u32 $0x3FFFF, v3  }
0x41e: {  	vm0 =	vlt.s32 v3, $0x1;
	v4 =	vshrl.u32 v4, $0xE;
	vm1 =	vne.s32 v5, $0x0  }
0x41f: {  	v3 =	vadd.s32 v4, v3;
	vm0 =	vmand vm0, vm1  }
0x420: {  	v3 =	vshra.s32 v3, $0x12;
	v4 =	vsel vm0, $0xFFFFFFFF, v0  }
0x421: {  	v3 =	vadd.s32 v4, v3;
	v4 =	vor.u32 s24, v2  }
0x422: {  	v3 =	vshll.u32 v3, $0x5;
	v5 =	vshll.u32 v4, $0x7  }
0x423: {  	v3 =	vadd.s32 v3, v5;
	v5 =	vmov s22  }
0x424: {  	v3 =	vadd.s32 $0x4000, v3;
	v5 =	vand.u32 $0x1F, v5  }
0x425: {  	v5 =	vor.u32 v5, v3;
	_ =	sdelay $0x3  }
0x426: {  	s24 =	simm.s32 $0x1;
	v4 =	vshll.u32 v4, $0x5  }
0x427: {  	s25 =	simm.s32 $0x2;
	s26 =	simm.s32 $0x0;
	v6 =	vmov s24;
	v4 =	vadd.s32 $0x1000, v4;
	v5 =	vld.idx.msk [tilespmem:v5+s12+$0x0], $0xffff  }
.LBB2_103:
0x428: {  	p2 =	sne.s32 s25, $0x1F;
	v6 =	vand.u32 $0x1F, v6;
	v7 =	vadd.s32 s26, v4;
	s26 =	smov.u32 s24;
	s24 =	smov.u32 s25  }
0x429: {  	v8 =	vor.u32 v6, v3  }
.Ltmp50:
0x42a: {  	(pc) =	sbr.rel @p2 .LBB2_103-.Ltmp50, $3  }
0x42b: {  	_ =	sdelay $0x1  }
0x42c: {  	[tilespmem:v7+s17+$0x0] =	vst.idx.msk $0xffff, v5  }
0x42d: {  	s25 =	sadd.s32 $0x1, s25;
	v6 =	vmov s24;
	v5 =	vld.idx.msk [tilespmem:v8+s12+$0x0], $0xffff  }
0x42e: {  	v6 =	vand.u32 $0x1F, v6;
	v7 =	vadd.s32 s26, v4  }
0x42f: {  	v3 =	vor.u32 v6, v3;
	_ =	sdelay $0x3  }
0x430: {  	s23 =	sadd.s32 $0x1, s23;
	[tilespmem:v7+s17+$0x0] =	vst.idx.msk $0xffff, v5  }
0x431: {  	v63 =	vadd.s32 s24, v4;
	p2 =	sne.s32 s23, $0x8;
	v3 =	vld.idx.msk [tilespmem:v3+s12+$0x0], $0xffff  }
.Ltmp51:
0x432: {  	_ = 	snop;
	(pc) =	sbr.rel @p2 .LBB2_102-.Ltmp51, $2  }
0x433: {  	_ =	sdelay $0x2  }
0x434: {  	[tilespmem:v63+s17+$0x0] =	vst.idx.msk $0xffff, v3  }
0x435: {  	s22 =	simm.s32 $0x0  }
0x436: {  	[hbm4b:s0+s22] =	stream.linear.scatter [tilespmem:s18], [sflag:$0x3], $0x1000, $0x38;
	[tilespmem:$0x1C8C0] =	vst v63  }
0x437: {  	s23 =	simm.s32 $0x2680  }
0x438: {  	[tilespmem:s15], [sflag:$0x1] =	stream.indirect.gather [hbm4b:s1+s11], $0x80, s23, s11, $0xb8;
	[tilespmem:$0x1C8C0] =	vst v63  }
0x439: {  	_ =	swait.ge [sflag:s16], $0x4000  }
0x43a: {  	[sflag:s16] =	ssyncset.done $0x0  }
0x43b: {  	[sflag:s16] =	ssyncadd.s32 $0xFFFFC000  }
0x43c: {  	_ =	swait.ge [sflag:s19], $0x1000  }
0x43d: {  	[sflag:s19] =	ssyncset.done $0x0  }
0x43e: {  	s23 =	simm.s32 $0x0;
	[sflag:s19] =	ssyncadd.s32 $0xFFFFF000  }
.LBB2_106:
0x43f: {  	s24 =	sshll.u32 s23, $0x4  }
0x440: {  	v3 =	vld [tilespmem:s24+$0xC00];
	_ =	sdelay $0x4  }
0x441: {  	v4 =	vshra.s32 v3, $0x1F;
	v5 =	vand.u32 $0x3FFFF, v3  }
0x442: {  	vm0 =	vlt.s32 v3, $0x1;
	v4 =	vshrl.u32 v4, $0xE;
	vm1 =	vne.s32 v5, $0x0  }
0x443: {  	v3 =	vadd.s32 v4, v3;
	vm0 =	vmand vm0, vm1  }
0x444: {  	v3 =	vshra.s32 v3, $0x12;
	v4 =	vsel vm0, $0xFFFFFFFF, v0  }
0x445: {  	v3 =	vadd.s32 v4, v3;
	v4 =	vor.u32 s24, v2  }
0x446: {  	v6 =	vmov s22;
	v3 =	vshll.u32 v3, $0x5;
	v5 =	vshll.u32 v4, $0x7  }
0x447: {  	v3 =	vadd.s32 v5, v3;
	v5 =	vand.u32 $0x1F, v6  }
0x448: {  	v5 =	vor.u32 v5, v3;
	_ =	sdelay $0x3  }
0x449: {  	s24 =	simm.s32 $0x1  }
0x44a: {  	s25 =	simm.s32 $0x2;
	s26 =	simm.s32 $0x0;
	v4 =	vshll.u32 v4, $0x5;
	v6 =	vmov s24;
	v5 =	vld.idx.msk [tilespmem:v5+s12+$0x0], $0xffff  }
.LBB2_107:
0x44b: {  	p2 =	sne.s32 s25, $0x1F;
	v6 =	vand.u32 $0x1F, v6;
	v7 =	vadd.s32 s26, v4;
	s26 =	smov.u32 s24;
	s24 =	smov.u32 s25  }
0x44c: {  	v8 =	vor.u32 v6, v3  }
.Ltmp52:
0x44d: {  	(pc) =	sbr.rel @p2 .LBB2_107-.Ltmp52, $3  }
0x44e: {  	_ =	sdelay $0x1  }
0x44f: {  	[tilespmem:v7+s17+$0x0] =	vst.idx.msk $0xffff, v5  }
0x450: {  	s25 =	sadd.s32 $0x1, s25;
	v6 =	vmov s24;
	v5 =	vld.idx.msk [tilespmem:v8+s12+$0x0], $0xffff  }
0x451: {  	v6 =	vand.u32 $0x1F, v6;
	v7 =	vadd.s32 s26, v4  }
0x452: {  	v3 =	vor.u32 v6, v3;
	_ =	sdelay $0x3  }
0x453: {  	s23 =	sadd.s32 $0x1, s23;
	[tilespmem:v7+s17+$0x0] =	vst.idx.msk $0xffff, v5  }
0x454: {  	v63 =	vadd.s32 s24, v4;
	p2 =	sne.s32 s23, $0x8;
	v3 =	vld.idx.msk [tilespmem:v3+s12+$0x0], $0xffff  }
.Ltmp53:
0x455: {  	_ = 	snop;
	(pc) =	sbr.rel @p2 .LBB2_106-.Ltmp53, $2  }
0x456: {  	_ =	sdelay $0x2  }
0x457: {  	[tilespmem:v63+s17+$0x0] =	vst.idx.msk $0xffff, v3  }
0x458: {  	s22 =	simm.s32 $0x0  }
0x459: {  	[hbm4b:s7+s22] =	stream.linear.scatter [tilespmem:s17], [sflag:$0x2], $0x1000, $0x38;
	[tilespmem:$0x1C8C0] =	vst v63  }
0x45a: {  	_ =	swait.ge [sflag:s16], $0x4000  }
0x45b: {  	[sflag:s16] =	ssyncset.done $0x0  }
0x45c: {  	[sflag:s16] =	ssyncadd.s32 $0xFFFFC000  }
0x45d: {  	_ =	swait.ge [sflag:s20], $0x1000  }
0x45e: {  	[sflag:s20] =	ssyncset.done $0x0  }
0x45f: {  	s23 =	simm.s32 $0x0;
	[sflag:s20] =	ssyncadd.s32 $0xFFFFF000  }
.LBB2_110:
0x460: {  	s24 =	sshll.u32 s23, $0x4  }
0x461: {  	v3 =	vld [tilespmem:s24+$0xC80];
	_ =	sdelay $0x4  }
0x462: {  	v4 =	vshra.s32 v3, $0x1F;
	v5 =	vand.u32 $0x3FFFF, v3  }
0x463: {  	vm0 =	vlt.s32 v3, $0x1;
	v4 =	vshrl.u32 v4, $0xE;
	vm1 =	vne.s32 v5, $0x0  }
0x464: {  	v3 =	vadd.s32 v4, v3;
	vm0 =	vmand vm0, vm1  }
0x465: {  	v3 =	vshra.s32 v3, $0x12;
	v4 =	vsel vm0, $0xFFFFFFFF, v0  }
0x466: {  	v3 =	vadd.s32 v4, v3;
	v4 =	vor.u32 s24, v2  }
0x467: {  	v3 =	vshll.u32 v3, $0x5;
	v5 =	vshll.u32 v4, $0x7  }
0x468: {  	v3 =	vadd.s32 v3, v5;
	v5 =	vmov s22  }
0x469: {  	v3 =	vadd.s32 $0x4000, v3;
	v5 =	vand.u32 $0x1F, v5  }
0x46a: {  	v5 =	vor.u32 v5, v3;
	_ =	sdelay $0x3  }
0x46b: {  	s24 =	simm.s32 $0x1;
	v4 =	vshll.u32 v4, $0x5  }
0x46c: {  	s25 =	simm.s32 $0x2;
	s26 =	simm.s32 $0x0;
	v6 =	vmov s24;
	v4 =	vadd.s32 $0x1000, v4;
	v5 =	vld.idx.msk [tilespmem:v5+s12+$0x0], $0xffff  }
.LBB2_111:
0x46d: {  	p2 =	sne.s32 s25, $0x1F;
	v6 =	vand.u32 $0x1F, v6;
	v7 =	vadd.s32 s26, v4;
	s26 =	smov.u32 s24;
	s24 =	smov.u32 s25  }
0x46e: {  	v8 =	vor.u32 v6, v3  }
.Ltmp54:
0x46f: {  	(pc) =	sbr.rel @p2 .LBB2_111-.Ltmp54, $3  }
0x470: {  	_ =	sdelay $0x1  }
0x471: {  	[tilespmem:v7+s17+$0x0] =	vst.idx.msk $0xffff, v5  }
0x472: {  	s25 =	sadd.s32 $0x1, s25;
	v6 =	vmov s24;
	v5 =	vld.idx.msk [tilespmem:v8+s12+$0x0], $0xffff  }
0x473: {  	v6 =	vand.u32 $0x1F, v6;
	v7 =	vadd.s32 s26, v4  }
0x474: {  	v3 =	vor.u32 v6, v3;
	_ =	sdelay $0x3  }
0x475: {  	s23 =	sadd.s32 $0x1, s23;
	[tilespmem:v7+s17+$0x0] =	vst.idx.msk $0xffff, v5  }
0x476: {  	v63 =	vadd.s32 s24, v4;
	p2 =	sne.s32 s23, $0x8;
	v3 =	vld.idx.msk [tilespmem:v3+s12+$0x0], $0xffff  }
.Ltmp55:
0x477: {  	_ = 	snop;
	(pc) =	sbr.rel @p2 .LBB2_110-.Ltmp55, $2  }
0x478: {  	_ =	sdelay $0x2  }
0x479: {  	[tilespmem:v63+s17+$0x0] =	vst.idx.msk $0xffff, v3  }
0x47a: {  	[hbm4b:s8+s28] =	stream.linear.scatter [tilespmem:s18], [sflag:$0x3], $0x1000, $0x38;
	[tilespmem:$0x1C8C0] =	vst v63  }
0x47b: {  	s21 =	sadd.s32 $0x1, s21  }
0x47c: {  	_ =	swait.ge [sflag:s19], $0x1000;
	p2 =	sne.s32 s21, s9  }
.Ltmp56:
0x47d: {  	[sflag:s19] =	ssyncset.done $0x0;
	(pc) =	sbr.rel @p2 .LBB2_1-.Ltmp56, $4  }
0x47e: {  	[sflag:s19] =	ssyncadd.s32 $0xFFFFF000  }
0x47f: {  	_ =	swait.ge [sflag:s20], $0x1000  }
0x480: {  	[sflag:s20] =	ssyncset.done $0x0  }
0x481: {  	[sflag:s20] =	ssyncadd.s32 $0xFFFFF000  }
0x482: {  	_ =	sfence.sel $0x180000  }
0x483: {  	[bflag:$0x0] =	sbarrier.arrive $0xFFFF  }
0x484: {  	_ =	strace $0x90000047  }
0x485: {  	s0 =	stileid.u32;
	[bflag:$0x2] =	sbarrier.arrive $0xFFFF  }
0x486: {  	p0 =	sne.s32 s0, $0x0;
	s0 =	rddreg [dreg:$0x5]  }
0x487: {  	s0 =	sadd.s32 @!p0 $0x100000, s0  }
0x488: {  	[sflag:s0] =	ssyncadd.tile.s32 @!p0 $0x1;
	_ =	shalt  }
.Lfunc_end2:
_tile_overlayer_lowered:
.L_overlay_start_2:
0x489: {  	(tag) =	ssettag $0x2  }
0x48a: {  	s0 =	rddreg [dreg:$0x0];
	s2 =	stileid.u32  }
0x48b: {  	s1 =	rddreg [dreg:$0x1];
	p0 =	sne.s32 s2, $0x0  }
0x48c: {  	s3 =	rddreg [dreg:$0x2];
	[bflag:$0x3] =	sbarrier.arrive $0xFFFF;
	s2 =	simm.s32 @!p0 $0x1C04  }
0x48d: {  	[timem:s3], [sflag:s2] =	dma.local @!p0 [hbm:s0], s1  }
0x48e: {  	s0 =	simm.s32 @!p0 $0x4  }
0x48f: {  	_ =	swait.ge @!p0 [sflag:s0], s1  }
0x490: {  	s1 =	ssub.s32 @!p0 $0x0, s1;
	[sflag:s0] =	ssyncset.done @!p0 $0x0  }
0x491: {  	[sflag:s0] =	ssyncadd.s32 @!p0 s1  }
0x492: {  	[bflag:$0x3] =	sbarrier.arrive $0xFFFF  }
0x493: {  	_ =	shalt  }

</sc_bundles>
